<compile_context>
chip_gen: v7x
topology: tpu7x:2x2x1
jax: 0.10.2.dev20260603
libtpu: 0.0.44.dev20260713+nightly
codegen_flags: <defaults>
</compile_context>

<pallas_src>
import functools
import numpy as np
import jax
import jax.numpy as jnp
from jax import lax
from jax.experimental import pallas as pl
from jax.experimental.pallas import tpu as pltpu
from jax.experimental.pallas import tpu_sc as plsc

N = 10000
E = 320000
D = 128
H = 8
DK = 16

_ROWS = 400

_W = 32
_EW = E // _W
_EC = 80
_NCH = _EW // _EC
_TROWS = 624
_TAIL = N - 16 * _TROWS


def _pre_body(x_ref, wa_ref, ba_ref, wq_ref, bq_ref, wkv_ref, bkv_ref,
              h_ref, q_ref, kv_ref):
    xb = x_ref[...]
    z = jnp.dot(xb, wa_ref[...], preferred_element_type=jnp.float32) + ba_ref[...]
    h = 0.5 * z * (1.0 + lax.erf(z * np.float32(1.0 / np.sqrt(2.0))))
    h_ref[...] = h
    q_ref[...] = jnp.dot(h, wq_ref[...], preferred_element_type=jnp.float32) + bq_ref[...]
    kv_ref[...] = jnp.dot(h, wkv_ref[...], preferred_element_type=jnp.float32) + bkv_ref[...]


def _pre(x, W_adapt, b_adapt, Wq, bq, Wkv_e, bkv_e):
    row = pl.BlockSpec((_ROWS, D), lambda i: (i, 0))
    row2 = pl.BlockSpec((_ROWS, 2 * D), lambda i: (i, 0))
    wspec = pl.BlockSpec((D, D), lambda i: (0, 0))
    w2spec = pl.BlockSpec((D, 2 * D), lambda i: (0, 0))
    bspec = pl.BlockSpec((1, D), lambda i: (0, 0))
    b2spec = pl.BlockSpec((1, 2 * D), lambda i: (0, 0))
    return pl.pallas_call(
        _pre_body,
        grid=(N // _ROWS,),
        in_specs=[row, wspec, bspec, wspec, bspec, w2spec, b2spec],
        out_specs=[row, row, row2],
        out_shape=[jax.ShapeDtypeStruct((N, D), jnp.float32),
                   jax.ShapeDtypeStruct((N, D), jnp.float32),
                   jax.ShapeDtypeStruct((N, 2 * D), jnp.float32)],
    )(x, W_adapt, b_adapt.reshape(1, D), Wq, bq.reshape(1, D),
      Wkv_e, bkv_e.reshape(1, 2 * D))


def _edge_body(q_hbm, kv_hbm, src_hbm, dst_hbm, num_out, den_out,
               idx_s, idx_d, qr, kvr, msg, exb, accn, accd, sem):
    cid = lax.axis_index("c")
    sid = lax.axis_index("s")
    wid = sid * 2 + cid

    zeros16 = jnp.zeros((16,), jnp.float32)
    lanes = lax.iota(jnp.int32, 16)
    hcols = [jnp.full((16,), hh, jnp.int32) for hh in range(H)]

    def zrow(r, carry):
        for j in range(8):
            msg[r, pl.ds(16 * j, 16)] = zeros16
        return carry
    lax.fori_loop(0, _EC, zrow, 0)
    for st in range(0, _EC, 16):
        erow = lanes + st
        for c in range(H):
            plsc.store_scatter(exb, [erow, hcols[c]], zeros16)

    r0 = sid * _TROWS
    nfull = _TROWS // _EC
    rem = _TROWS - nfull * _EC
    for t in range(nfull):
        pltpu.sync_copy(msg, accn.at[pl.ds(r0 + t * _EC, _EC)])
        pltpu.sync_copy(exb, accd.at[pl.ds(r0 + t * _EC, _EC)])
    pltpu.sync_copy(msg.at[pl.ds(0, rem)], accn.at[pl.ds(r0 + nfull * _EC, rem)])
    pltpu.sync_copy(exb.at[pl.ds(0, rem)], accd.at[pl.ds(r0 + nfull * _EC, rem)])

    @pl.when(sid == 0)
    def _zero_tail():
        pltpu.sync_copy(msg.at[pl.ds(0, _TAIL)], accn.at[pl.ds(16 * _TROWS, _TAIL)])
        pltpu.sync_copy(exb.at[pl.ds(0, _TAIL)], accd.at[pl.ds(16 * _TROWS, _TAIL)])
    plsc.subcore_barrier()

    base0 = wid * _EW

    def chunk(i, carry):
        base = base0 + i * _EC
        i1 = pltpu.async_copy(src_hbm.at[pl.ds(base, _EC)], idx_s, sem)
        i2 = pltpu.async_copy(dst_hbm.at[pl.ds(base, _EC)], idx_d, sem)
        i1.wait()
        i2.wait()
        c1 = pltpu.async_copy(q_hbm.at[idx_d], qr, sem)
        c2 = pltpu.async_copy(kv_hbm.at[idx_s], kvr, sem)
        c1.wait()
        c2.wait()

        def group(g, cg):
            erow = lanes + 16 * g
            for hh in range(H):
                sl = pl.ds(16 * hh, 16)
                acc = zeros16
                for j in range(DK):
                    colv = jnp.full((16,), 16 * hh + j, jnp.int32)
                    acc = acc + (plsc.load_gather(qr, [erow, colv]) *
                                 plsc.load_gather(kvr, [erow, colv]))
                ev = jnp.exp(acc)
                plsc.store_scatter(exb, [erow, hcols[hh]], ev)
                for l in range(16):
                    e = 16 * g + l
                    msg[e, sl] = kvr[e, pl.ds(D + 16 * hh, 16)] * ev[l]
            return cg
        lax.fori_loop(0, _EC // 16, group, 0)

        s1 = pltpu.async_copy(msg, accn.at[idx_d], sem, add=True)
        s2 = pltpu.async_copy(exb, accd.at[idx_d], sem, add=True)
        s1.wait()
        s2.wait()
        return carry
    lax.fori_loop(0, _NCH, chunk, 0)

    plsc.subcore_barrier()
    pltpu.sync_copy(accn.at[pl.ds(r0, _TROWS)],
                    num_out.at[cid, pl.ds(r0, _TROWS)])
    pltpu.sync_copy(accd.at[pl.ds(r0, _TROWS)],
                    den_out.at[cid, pl.ds(r0, _TROWS)])

    @pl.when(sid == 0)
    def _flush_tail():
        pltpu.sync_copy(accn.at[pl.ds(16 * _TROWS, _TAIL)],
                        num_out.at[cid, pl.ds(16 * _TROWS, _TAIL)])
        pltpu.sync_copy(accd.at[pl.ds(16 * _TROWS, _TAIL)],
                        den_out.at[cid, pl.ds(16 * _TROWS, _TAIL)])


def _edge_sc(q2, kv2, src, dst):
    mesh = plsc.VectorSubcoreMesh(core_axis_name="c", subcore_axis_name="s")
    f = pl.kernel(
        _edge_body,
        out_type=[jax.ShapeDtypeStruct((2, N, D), jnp.float32),
                  jax.ShapeDtypeStruct((2, N, H), jnp.float32)],
        mesh=mesh,
        compiler_params=pltpu.CompilerParams(needs_layout_passes=False, use_tc_tiling_on_sc=False),
        scratch_types=[
            pltpu.VMEM((_EC,), jnp.int32),
            pltpu.VMEM((_EC,), jnp.int32),
            pltpu.VMEM((_EC, D), jnp.float32),
            pltpu.VMEM((_EC, 2 * D), jnp.float32),
            pltpu.VMEM((_EC, D), jnp.float32),
            pltpu.VMEM((_EC, H), jnp.float32),
            pltpu.VMEM_SHARED((N, D), jnp.float32),
            pltpu.VMEM_SHARED((N, H), jnp.float32),
            pltpu.SemaphoreType.DMA,
        ],
    )
    return f(q2, kv2, src, dst)


def _post_body(num_ref, den_ref, h_ref, wa_ref, ba_ref, skip_ref,
               lng_ref, lnb_ref, wo_ref, bo_ref, exp_ref, out_ref):
    num = num_ref[0] + num_ref[1]
    den = den_ref[0] + den_ref[1]
    recip = 1.0 / (den + np.float32(1e-16))
    den_b = jnp.dot(recip, exp_ref[...], preferred_element_type=jnp.float32)
    agg = num * den_b
    out = jnp.dot(agg, wa_ref[...], preferred_element_type=jnp.float32) + ba_ref[...]
    alpha = jax.nn.sigmoid(skip_ref[0, 0])
    out = out * alpha + h_ref[...] * (1.0 - alpha)
    mu = jnp.mean(out, axis=-1, keepdims=True)
    xc = out - mu
    var = jnp.mean(xc * xc, axis=-1, keepdims=True)
    out = xc * lax.rsqrt(var + np.float32(1e-5)) * lng_ref[...] + lnb_ref[...]
    out_ref[...] = jnp.dot(out, wo_ref[...], preferred_element_type=jnp.float32) + bo_ref[...]


def _post(num, den, h, Wa, ba, skip, ln_g, ln_b, W_out, b_out):
    row = pl.BlockSpec((_ROWS, D), lambda i: (i, 0))
    nspec = pl.BlockSpec((2, _ROWS, D), lambda i: (0, i, 0))
    dspec = pl.BlockSpec((2, _ROWS, H), lambda i: (0, i, 0))
    wspec = pl.BlockSpec((D, D), lambda i: (0, 0))
    bspec = pl.BlockSpec((1, D), lambda i: (0, 0))
    sspec = pl.BlockSpec((1, 1), lambda i: (0, 0))
    espec = pl.BlockSpec((H, D), lambda i: (0, 0))
    expand = np.zeros((H, D), np.float32)
    for hh in range(H):
        expand[hh, hh * DK:(hh + 1) * DK] = 1.0
    return pl.pallas_call(
        _post_body,
        grid=(N // _ROWS,),
        in_specs=[nspec, dspec, row, wspec, bspec, sspec, bspec, bspec, wspec,
                  bspec, espec],
        out_specs=row,
        out_shape=jax.ShapeDtypeStruct((N, D), jnp.float32),
    )(num, den, h, Wa, ba.reshape(1, D), skip.reshape(1, 1),
      ln_g.reshape(1, D), ln_b.reshape(1, D), W_out, b_out.reshape(1, D),
      jnp.asarray(expand))


def kernel(x, edge_index, W_adapt, b_adapt, Wk, bk, Wv, bv, Wq, bq, Wa, ba,
           rel_pri, rel_att, rel_msg, skip, ln_g, ln_b, W_out, b_out):
    scale = (rel_pri[0] / np.sqrt(DK)).astype(jnp.float32)
    ra = rel_att[0] * scale[:, None, None]
    Wk_e = jnp.einsum('dhi,hij->dhj', Wk.reshape(D, H, DK), ra).reshape(D, D)
    bk_e = jnp.einsum('hi,hij->hj', bk.reshape(H, DK), ra).reshape(D)
    Wv_e = jnp.einsum('dhi,hij->dhj', Wv.reshape(D, H, DK),
                      rel_msg[0]).reshape(D, D)
    bv_e = jnp.einsum('hi,hij->hj', bv.reshape(H, DK), rel_msg[0]).reshape(D)
    Wkv_e = jnp.concatenate([Wk_e, Wv_e], axis=1)
    bkv_e = jnp.concatenate([bk_e, bv_e], axis=0)

    h, q2, kv2 = _pre(x, W_adapt, b_adapt, Wq, bq, Wkv_e, bkv_e)

    src = edge_index[0].astype(jnp.int32)
    dst = edge_index[1].astype(jnp.int32)

    num, den = _edge_sc(q2, kv2, src, dst)

    return _post(num, den, h, Wa, ba, skip, ln_g, ln_b, W_out, b_out)

# --- scband reference (transcript-rebuilt; emitter-appended) ---
"""Pipeline reference for scband-hgt-17592186044973 (READ-ONLY COPY).

The authoritative reference and input builder live on the scoring server;
editing this copy changes nothing except your own understanding.
"""

import jax, jax.numpy as jnp
import numpy as np

N = 10000
E = 320000
D = 128   # d_feat = n_hid = n_out
H = 8     # n_heads
DK = D // H


def _lin(k, din, dout):
    k1, k2 = jax.random.split(k)
    s = 1.0 / np.sqrt(din)
    W = jax.random.uniform(k1, (din, dout), jnp.float32, -s, s)
    b = jax.random.uniform(k2, (dout,), jnp.float32, -s, s)
    return W, b


def setup_inputs(seed: int = 0) -> dict:
    key = jax.random.key(seed)
    ks = jax.random.split(key, 12)
    x = jax.random.normal(ks[0], (N, D), jnp.float32)
    edge_index = jax.random.randint(ks[1], (2, E), 0, N, dtype=jnp.int64)
    W_adapt, b_adapt = _lin(ks[2], D, D)
    Wk, bk = _lin(ks[3], D, D)
    Wv, bv = _lin(ks[4], D, D)
    Wq, bq = _lin(ks[5], D, D)
    Wa, ba = _lin(ks[6], D, D)
    # xavier uniform over last two dims (d_k, d_k)
    bound = np.sqrt(6.0 / (DK + DK))
    rel_att = jax.random.uniform(ks[7], (1, H, DK, DK), jnp.float32, -bound, bound)
    rel_msg = jax.random.uniform(ks[8], (1, H, DK, DK), jnp.float32, -bound, bound)
    rel_pri = jnp.ones((1, H), jnp.float32)
    skip = jnp.ones((1,), jnp.float32)
    ln_g = jnp.ones((D,), jnp.float32)
    ln_b = jnp.zeros((D,), jnp.float32)
    W_out, b_out = _lin(ks[9], D, D)
    return {
        'x': x, 'edge_index': edge_index,
        'W_adapt': W_adapt, 'b_adapt': b_adapt,
        'Wk': Wk, 'bk': bk, 'Wv': Wv, 'bv': bv, 'Wq': Wq, 'bq': bq,
        'Wa': Wa, 'ba': ba,
        'rel_pri': rel_pri, 'rel_att': rel_att, 'rel_msg': rel_msg,
        'skip': skip, 'ln_g': ln_g, 'ln_b': ln_b,
        'W_out': W_out, 'b_out': b_out,
    }


def reference(x, edge_index, W_adapt, b_adapt, Wk, bk, Wv, bv, Wq, bq,
              Wa, ba, rel_pri, rel_att, rel_msg, skip, ln_g, ln_b,
              W_out, b_out):
    # adapt_ws + gelu (torch F.gelu default = exact erf)
    h = jax.nn.gelu(x @ W_adapt + b_adapt, approximate=False)

    # HGTLayer (single node type / single edge type, dropout in eval mode)
    k = (h @ Wk + bk).reshape(N, H, DK)
    v = (h @ Wv + bv).reshape(N, H, DK)
    q = (h @ Wq + bq).reshape(N, H, DK)
    k = jnp.einsum('bij,ijk->bik', k, rel_att[0])
    v = jnp.einsum('bij,ijk->bik', v, rel_msg[0])

    src = edge_index[0]
    dst = edge_index[1]
    # per-edge attention logits
    t = jnp.sum(q[dst] * k[src], axis=-1)            # [E, H]
    attn = t * rel_pri[0] / np.sqrt(DK)
    # edge_softmax normalized by dst
    m = jax.ops.segment_max(attn, dst, num_segments=N)
    m = jnp.where(jnp.isfinite(m), m, 0.0)
    ex = jnp.exp(attn - m[dst])
    denom = jax.ops.segment_sum(ex, dst, num_segments=N)
    a = ex / (denom[dst] + 1e-16)                     # [E, H]

    # message = v[src] * attn ; sum aggregate per dst
    msg = v[src] * a[:, :, None]                      # [E, H, DK]
    agg = jax.ops.segment_sum(msg, dst, num_segments=N)
    tt = agg.reshape(N, D)

    alpha = jax.nn.sigmoid(skip[0])
    out = tt @ Wa + ba
    out = out * alpha + h * (1.0 - alpha)

    # LayerNorm (use_norm=True)
    mu = out.mean(axis=-1, keepdims=True)
    var = ((out - mu) ** 2).mean(axis=-1, keepdims=True)
    out = (out - mu) / jnp.sqrt(var + 1e-5) * ln_g + ln_b

    # output projection
    return out @ W_out + b_out

if __name__ == "__main__":
    import jax
    _d = setup_inputs()
    print(jax.jit(kernel)(*tuple(_d.values())))

</pallas_src>

<mosaic_0001>
#map = affine_map<(d0, d1) -> (0, 0)>
#map1 = affine_map<(d0, d1) -> (0)>
#map2 = affine_map<(d0, d1) -> (0, 0, 0)>
module attributes {stable_mosaic.version = 14 : i64} {
  func.func @_edge_body(%arg0: i32, %arg1: i32, %arg2: memref<10000x128xf32, #tpu.memory_space<hbm>>, %arg3: memref<10000x256xf32, #tpu.memory_space<hbm>>, %arg4: memref<320000xi32, #tpu.memory_space<hbm>>, %arg5: memref<320000xi32, #tpu.memory_space<hbm>>, %arg6: memref<2x10000x128xf32, #tpu.memory_space<hbm>>, %arg7: memref<2x10000x8xf32, #tpu.memory_space<hbm>>, %arg8: memref<80xi32, #tpu.memory_space<vmem>>, %arg9: memref<80xi32, #tpu.memory_space<vmem>>, %arg10: memref<80x128xf32, #tpu.memory_space<vmem>>, %arg11: memref<80x256xf32, #tpu.memory_space<vmem>>, %arg12: memref<80x128xf32, #tpu.memory_space<vmem>>, %arg13: memref<80x8xf32, #tpu.memory_space<vmem>>, %arg14: memref<10000x128xf32, #tpu.memory_space<vmem_shared>>, %arg15: memref<10000x8xf32, #tpu.memory_space<vmem_shared>>, %arg16: memref<!tpu.dma_semaphore, #tpu.memory_space<semaphore_mem>>) attributes {dimension_semantics = [#tpu.dimension_semantics<core_parallel>, #tpu.dimension_semantics<subcore_parallel>], iteration_bounds = array<i64: 2, 16>, scalar_prefetch = 0 : i64, scratch_operands = 9 : i64, tpu.core_type = #tpu.core_type<sc_vector_subcore>, window_params = [{transform_indices = #map}, {transform_indices = #map}, {transform_indices = #map1}, {transform_indices = #map1}, {transform_indices = #map2}, {transform_indices = #map2}]} {
    %mul3A = arith.constant 2 : i32
    %mul3A_0 = arith.muli %arg1, %mul3A : i32
    %add3A = arith.addi %mul3A_0, %arg0 : i32
    %broadcast_in_dim3A = arith.constant 0.000000e+00 : f32
    %broadcast_in_dim3A_1 = vector.broadcast %broadcast_in_dim3A : f32 to vector<16xf32>
    %iota3A = tpu.iota {dimensions = array<i32: 0>} : vector<16xi32>
    %broadcast_in_dim3A_2 = arith.constant 0 : i32
    %broadcast_in_dim3A_3 = vector.broadcast %broadcast_in_dim3A_2 : i32 to vector<16xi32>
    %broadcast_in_dim3A_4 = arith.constant 1 : i32
    %broadcast_in_dim3A_5 = vector.broadcast %broadcast_in_dim3A_4 : i32 to vector<16xi32>
    %broadcast_in_dim3A_6 = arith.constant 2 : i32
    %broadcast_in_dim3A_7 = vector.broadcast %broadcast_in_dim3A_6 : i32 to vector<16xi32>
    %broadcast_in_dim3A_8 = arith.constant 3 : i32
    %broadcast_in_dim3A_9 = vector.broadcast %broadcast_in_dim3A_8 : i32 to vector<16xi32>
    %broadcast_in_dim3A_10 = arith.constant 4 : i32
    %broadcast_in_dim3A_11 = vector.broadcast %broadcast_in_dim3A_10 : i32 to vector<16xi32>
    %broadcast_in_dim3A_12 = arith.constant 5 : i32
    %broadcast_in_dim3A_13 = vector.broadcast %broadcast_in_dim3A_12 : i32 to vector<16xi32>
    %broadcast_in_dim3A_14 = arith.constant 6 : i32
    %broadcast_in_dim3A_15 = vector.broadcast %broadcast_in_dim3A_14 : i32 to vector<16xi32>
    %broadcast_in_dim3A_16 = arith.constant 7 : i32
    %broadcast_in_dim3A_17 = vector.broadcast %broadcast_in_dim3A_16 : i32 to vector<16xi32>
    %scan3A = arith.constant 0 : i32
    %scan3A_18 = arith.constant 0 : i32
    %scan3A_19 = arith.constant 80 : i32
    %scan3A_20 = arith.addi %scan3A_18, %scan3A_19 : i32
    %scan3A_21 = arith.constant 1 : i32
    scf.for %scan3A_88 = %scan3A_18 to %scan3A_20 step %scan3A_21  : i32 {
      %swap3A = arith.index_cast %scan3A_88 : i32 to index
      %swap3A_89 = arith.constant 0 : index
      %swap3A_90 = tpu.vector_load %arg12[%swap3A, %swap3A_89] {strides = array<i32>} : memref<80x128xf32, #tpu.memory_space<vmem>>, vector<16xf32>,
      tpu.vector_store %arg12[%swap3A, %swap3A_89], %broadcast_in_dim3A_1 {strides = array<i32>} : memref<80x128xf32, #tpu.memory_space<vmem>>, vector<16xf32>,
      %swap3A_91 = arith.index_cast %scan3A_88 : i32 to index
      %swap3A_92 = arith.constant 16 : index
      %swap3A_93 = tpu.vector_load %arg12[%swap3A_91, %swap3A_92] {strides = array<i32>} : memref<80x128xf32, #tpu.memory_space<vmem>>, vector<16xf32>,
      tpu.vector_store %arg12[%swap3A_91, %swap3A_92], %broadcast_in_dim3A_1 {strides = array<i32>} : memref<80x128xf32, #tpu.memory_space<vmem>>, vector<16xf32>,
      %swap3A_94 = arith.index_cast %scan3A_88 : i32 to index
      %swap3A_95 = arith.constant 32 : index
      %swap3A_96 = tpu.vector_load %arg12[%swap3A_94, %swap3A_95] {strides = array<i32>} : memref<80x128xf32, #tpu.memory_space<vmem>>, vector<16xf32>,
      tpu.vector_store %arg12[%swap3A_94, %swap3A_95], %broadcast_in_dim3A_1 {strides = array<i32>} : memref<80x128xf32, #tpu.memory_space<vmem>>, vector<16xf32>,
      %swap3A_97 = arith.index_cast %scan3A_88 : i32 to index
      %swap3A_98 = arith.constant 48 : index
      %swap3A_99 = tpu.vector_load %arg12[%swap3A_97, %swap3A_98] {strides = array<i32>} : memref<80x128xf32, #tpu.memory_space<vmem>>, vector<16xf32>,
      tpu.vector_store %arg12[%swap3A_97, %swap3A_98], %broadcast_in_dim3A_1 {strides = array<i32>} : memref<80x128xf32, #tpu.memory_space<vmem>>, vector<16xf32>,
      %swap3A_100 = arith.index_cast %scan3A_88 : i32 to index
      %swap3A_101 = arith.constant 64 : index
      %swap3A_102 = tpu.vector_load %arg12[%swap3A_100, %swap3A_101] {strides = array<i32>} : memref<80x128xf32, #tpu.memory_space<vmem>>, vector<16xf32>,
      tpu.vector_store %arg12[%swap3A_100, %swap3A_101], %broadcast_in_dim3A_1 {strides = array<i32>} : memref<80x128xf32, #tpu.memory_space<vmem>>, vector<16xf32>,
      %swap3A_103 = arith.index_cast %scan3A_88 : i32 to index
      %swap3A_104 = arith.constant 80 : index
      %swap3A_105 = tpu.vector_load %arg12[%swap3A_103, %swap3A_104] {strides = array<i32>} : memref<80x128xf32, #tpu.memory_space<vmem>>, vector<16xf32>,
      tpu.vector_store %arg12[%swap3A_103, %swap3A_104], %broadcast_in_dim3A_1 {strides = array<i32>} : memref<80x128xf32, #tpu.memory_space<vmem>>, vector<16xf32>,
      %swap3A_106 = arith.index_cast %scan3A_88 : i32 to index
      %swap3A_107 = arith.constant 96 : index
      %swap3A_108 = tpu.vector_load %arg12[%swap3A_106, %swap3A_107] {strides = array<i32>} : memref<80x128xf32, #tpu.memory_space<vmem>>, vector<16xf32>,
      tpu.vector_store %arg12[%swap3A_106, %swap3A_107], %broadcast_in_dim3A_1 {strides = array<i32>} : memref<80x128xf32, #tpu.memory_space<vmem>>, vector<16xf32>,
      %swap3A_109 = arith.index_cast %scan3A_88 : i32 to index
      %swap3A_110 = arith.constant 112 : index
      %swap3A_111 = tpu.vector_load %arg12[%swap3A_109, %swap3A_110] {strides = array<i32>} : memref<80x128xf32, #tpu.memory_space<vmem>>, vector<16xf32>,
      tpu.vector_store %arg12[%swap3A_109, %swap3A_110], %broadcast_in_dim3A_1 {strides = array<i32>} : memref<80x128xf32, #tpu.memory_space<vmem>>, vector<16xf32>,
    }
    %scan3A_22 = arith.constant 80 : i32
    %add3A_23 = arith.constant 0 : i32
    %add3A_24 = vector.broadcast %add3A_23 : i32 to vector<16xi32>
    %add3A_25 = arith.addi %iota3A, %add3A_24 : vector<16xi32>
    tpu.vector_store_idx %arg13[%add3A_25, %broadcast_in_dim3A_3], %broadcast_in_dim3A_1 : memref<80x8xf32, #tpu.memory_space<vmem>>[vector<16xi32>, vector<16xi32>], vector<16xf32>,
    tpu.vector_store_idx %arg13[%add3A_25, %broadcast_in_dim3A_5], %broadcast_in_dim3A_1 : memref<80x8xf32, #tpu.memory_space<vmem>>[vector<16xi32>, vector<16xi32>], vector<16xf32>,
    tpu.vector_store_idx %arg13[%add3A_25, %broadcast_in_dim3A_7], %broadcast_in_dim3A_1 : memref<80x8xf32, #tpu.memory_space<vmem>>[vector<16xi32>, vector<16xi32>], vector<16xf32>,
    tpu.vector_store_idx %arg13[%add3A_25, %broadcast_in_dim3A_9], %broadcast_in_dim3A_1 : memref<80x8xf32, #tpu.memory_space<vmem>>[vector<16xi32>, vector<16xi32>], vector<16xf32>,
    tpu.vector_store_idx %arg13[%add3A_25, %broadcast_in_dim3A_11], %broadcast_in_dim3A_1 : memref<80x8xf32, #tpu.memory_space<vmem>>[vector<16xi32>, vector<16xi32>], vector<16xf32>,
    tpu.vector_store_idx %arg13[%add3A_25, %broadcast_in_dim3A_13], %broadcast_in_dim3A_1 : memref<80x8xf32, #tpu.memory_space<vmem>>[vector<16xi32>, vector<16xi32>], vector<16xf32>,
    tpu.vector_store_idx %arg13[%add3A_25, %broadcast_in_dim3A_15], %broadcast_in_dim3A_1 : memref<80x8xf32, #tpu.memory_space<vmem>>[vector<16xi32>, vector<16xi32>], vector<16xf32>,
    tpu.vector_store_idx %arg13[%add3A_25, %broadcast_in_dim3A_17], %broadcast_in_dim3A_1 : memref<80x8xf32, #tpu.memory_space<vmem>>[vector<16xi32>, vector<16xi32>], vector<16xf32>,
    %add3A_26 = arith.constant 16 : i32
    %add3A_27 = vector.broadcast %add3A_26 : i32 to vector<16xi32>
    %add3A_28 = arith.addi %iota3A, %add3A_27 : vector<16xi32>
    tpu.vector_store_idx %arg13[%add3A_28, %broadcast_in_dim3A_3], %broadcast_in_dim3A_1 : memref<80x8xf32, #tpu.memory_space<vmem>>[vector<16xi32>, vector<16xi32>], vector<16xf32>,
    tpu.vector_store_idx %arg13[%add3A_28, %broadcast_in_dim3A_5], %broadcast_in_dim3A_1 : memref<80x8xf32, #tpu.memory_space<vmem>>[vector<16xi32>, vector<16xi32>], vector<16xf32>,
    tpu.vector_store_idx %arg13[%add3A_28, %broadcast_in_dim3A_7], %broadcast_in_dim3A_1 : memref<80x8xf32, #tpu.memory_space<vmem>>[vector<16xi32>, vector<16xi32>], vector<16xf32>,
    tpu.vector_store_idx %arg13[%add3A_28, %broadcast_in_dim3A_9], %broadcast_in_dim3A_1 : memref<80x8xf32, #tpu.memory_space<vmem>>[vector<16xi32>, vector<16xi32>], vector<16xf32>,
    tpu.vector_store_idx %arg13[%add3A_28, %broadcast_in_dim3A_11], %broadcast_in_dim3A_1 : memref<80x8xf32, #tpu.memory_space<vmem>>[vector<16xi32>, vector<16xi32>], vector<16xf32>,
    tpu.vector_store_idx %arg13[%add3A_28, %broadcast_in_dim3A_13], %broadcast_in_dim3A_1 : memref<80x8xf32, #tpu.memory_space<vmem>>[vector<16xi32>, vector<16xi32>], vector<16xf32>,
    tpu.vector_store_idx %arg13[%add3A_28, %broadcast_in_dim3A_15], %broadcast_in_dim3A_1 : memref<80x8xf32, #tpu.memory_space<vmem>>[vector<16xi32>, vector<16xi32>], vector<16xf32>,
    tpu.vector_store_idx %arg13[%add3A_28, %broadcast_in_dim3A_17], %broadcast_in_dim3A_1 : memref<80x8xf32, #tpu.memory_space<vmem>>[vector<16xi32>, vector<16xi32>], vector<16xf32>,
    %add3A_29 = arith.constant 32 : i32
    %add3A_30 = vector.broadcast %add3A_29 : i32 to vector<16xi32>
    %add3A_31 = arith.addi %iota3A, %add3A_30 : vector<16xi32>
    tpu.vector_store_idx %arg13[%add3A_31, %broadcast_in_dim3A_3], %broadcast_in_dim3A_1 : memref<80x8xf32, #tpu.memory_space<vmem>>[vector<16xi32>, vector<16xi32>], vector<16xf32>,
    tpu.vector_store_idx %arg13[%add3A_31, %broadcast_in_dim3A_5], %broadcast_in_dim3A_1 : memref<80x8xf32, #tpu.memory_space<vmem>>[vector<16xi32>, vector<16xi32>], vector<16xf32>,
    tpu.vector_store_idx %arg13[%add3A_31, %broadcast_in_dim3A_7], %broadcast_in_dim3A_1 : memref<80x8xf32, #tpu.memory_space<vmem>>[vector<16xi32>, vector<16xi32>], vector<16xf32>,
    tpu.vector_store_idx %arg13[%add3A_31, %broadcast_in_dim3A_9], %broadcast_in_dim3A_1 : memref<80x8xf32, #tpu.memory_space<vmem>>[vector<16xi32>, vector<16xi32>], vector<16xf32>,
    tpu.vector_store_idx %arg13[%add3A_31, %broadcast_in_dim3A_11], %broadcast_in_dim3A_1 : memref<80x8xf32, #tpu.memory_space<vmem>>[vector<16xi32>, vector<16xi32>], vector<16xf32>,
    tpu.vector_store_idx %arg13[%add3A_31, %broadcast_in_dim3A_13], %broadcast_in_dim3A_1 : memref<80x8xf32, #tpu.memory_space<vmem>>[vector<16xi32>, vector<16xi32>], vector<16xf32>,
    tpu.vector_store_idx %arg13[%add3A_31, %broadcast_in_dim3A_15], %broadcast_in_dim3A_1 : memref<80x8xf32, #tpu.memory_space<vmem>>[vector<16xi32>, vector<16xi32>], vector<16xf32>,
    tpu.vector_store_idx %arg13[%add3A_31, %broadcast_in_dim3A_17], %broadcast_in_dim3A_1 : memref<80x8xf32, #tpu.memory_space<vmem>>[vector<16xi32>, vector<16xi32>], vector<16xf32>,
    %add3A_32 = arith.constant 48 : i32
    %add3A_33 = vector.broadcast %add3A_32 : i32 to vector<16xi32>
    %add3A_34 = arith.addi %iota3A, %add3A_33 : vector<16xi32>
    tpu.vector_store_idx %arg13[%add3A_34, %broadcast_in_dim3A_3], %broadcast_in_dim3A_1 : memref<80x8xf32, #tpu.memory_space<vmem>>[vector<16xi32>, vector<16xi32>], vector<16xf32>,
    tpu.vector_store_idx %arg13[%add3A_34, %broadcast_in_dim3A_5], %broadcast_in_dim3A_1 : memref<80x8xf32, #tpu.memory_space<vmem>>[vector<16xi32>, vector<16xi32>], vector<16xf32>,
    tpu.vector_store_idx %arg13[%add3A_34, %broadcast_in_dim3A_7], %broadcast_in_dim3A_1 : memref<80x8xf32, #tpu.memory_space<vmem>>[vector<16xi32>, vector<16xi32>], vector<16xf32>,
    tpu.vector_store_idx %arg13[%add3A_34, %broadcast_in_dim3A_9], %broadcast_in_dim3A_1 : memref<80x8xf32, #tpu.memory_space<vmem>>[vector<16xi32>, vector<16xi32>], vector<16xf32>,
    tpu.vector_store_idx %arg13[%add3A_34, %broadcast_in_dim3A_11], %broadcast_in_dim3A_1 : memref<80x8xf32, #tpu.memory_space<vmem>>[vector<16xi32>, vector<16xi32>], vector<16xf32>,
    tpu.vector_store_idx %arg13[%add3A_34, %broadcast_in_dim3A_13], %broadcast_in_dim3A_1 : memref<80x8xf32, #tpu.memory_space<vmem>>[vector<16xi32>, vector<16xi32>], vector<16xf32>,
    tpu.vector_store_idx %arg13[%add3A_34, %broadcast_in_dim3A_15], %broadcast_in_dim3A_1 : memref<80x8xf32, #tpu.memory_space<vmem>>[vector<16xi32>, vector<16xi32>], vector<16xf32>,
    tpu.vector_store_idx %arg13[%add3A_34, %broadcast_in_dim3A_17], %broadcast_in_dim3A_1 : memref<80x8xf32, #tpu.memory_space<vmem>>[vector<16xi32>, vector<16xi32>], vector<16xf32>,
    %add3A_35 = arith.constant 64 : i32
    %add3A_36 = vector.broadcast %add3A_35 : i32 to vector<16xi32>
    %add3A_37 = arith.addi %iota3A, %add3A_36 : vector<16xi32>
    tpu.vector_store_idx %arg13[%add3A_37, %broadcast_in_dim3A_3], %broadcast_in_dim3A_1 : memref<80x8xf32, #tpu.memory_space<vmem>>[vector<16xi32>, vector<16xi32>], vector<16xf32>,
    tpu.vector_store_idx %arg13[%add3A_37, %broadcast_in_dim3A_5], %broadcast_in_dim3A_1 : memref<80x8xf32, #tpu.memory_space<vmem>>[vector<16xi32>, vector<16xi32>], vector<16xf32>,
    tpu.vector_store_idx %arg13[%add3A_37, %broadcast_in_dim3A_7], %broadcast_in_dim3A_1 : memref<80x8xf32, #tpu.memory_space<vmem>>[vector<16xi32>, vector<16xi32>], vector<16xf32>,
    tpu.vector_store_idx %arg13[%add3A_37, %broadcast_in_dim3A_9], %broadcast_in_dim3A_1 : memref<80x8xf32, #tpu.memory_space<vmem>>[vector<16xi32>, vector<16xi32>], vector<16xf32>,
    tpu.vector_store_idx %arg13[%add3A_37, %broadcast_in_dim3A_11], %broadcast_in_dim3A_1 : memref<80x8xf32, #tpu.memory_space<vmem>>[vector<16xi32>, vector<16xi32>], vector<16xf32>,
    tpu.vector_store_idx %arg13[%add3A_37, %broadcast_in_dim3A_13], %broadcast_in_dim3A_1 : memref<80x8xf32, #tpu.memory_space<vmem>>[vector<16xi32>, vector<16xi32>], vector<16xf32>,
    tpu.vector_store_idx %arg13[%add3A_37, %broadcast_in_dim3A_15], %broadcast_in_dim3A_1 : memref<80x8xf32, #tpu.memory_space<vmem>>[vector<16xi32>, vector<16xi32>], vector<16xf32>,
    tpu.vector_store_idx %arg13[%add3A_37, %broadcast_in_dim3A_17], %broadcast_in_dim3A_1 : memref<80x8xf32, #tpu.memory_space<vmem>>[vector<16xi32>, vector<16xi32>], vector<16xf32>,
    %mul3A_38 = arith.constant 624 : i32
    %mul3A_39 = arith.muli %arg1, %mul3A_38 : i32
    %add3A_40 = arith.constant 0 : i32
    %add3A_41 = arith.addi %mul3A_39, %add3A_40 : i32
    "tpu.region"() ({
      %run_scoped3A = tpu.sem_alloc : memref<!tpu.dma_semaphore, #tpu.memory_space<semaphore_mem>>
      %dma_start3A = arith.constant 0 : i32
      %dma_start3A_88 = tpu.memref_slice %arg14[%add3A_41, %dma_start3A] : memref<10000x128xf32, #tpu.memory_space<vmem_shared>> -> memref<80x128xf32, #tpu.memory_space<vmem_shared>>
      %dma_start3A_89 = arith.constant 0 : i32
      %dma_start3A_90 = tpu.memref_slice %arg14[%add3A_41, %dma_start3A_89] : memref<10000x128xf32, #tpu.memory_space<vmem_shared>> -> memref<80x128xf32, #tpu.memory_space<vmem_shared>>
      tpu.enqueue_dma source(%arg12 : memref<80x128xf32, #tpu.memory_space<vmem>>) target(%dma_start3A_90 : memref<80x128xf32, #tpu.memory_space<vmem_shared>>) target_semaphore(%run_scoped3A : memref<!tpu.dma_semaphore, #tpu.memory_space<semaphore_mem>>)
      %dma_wait3A = arith.constant 0 : i32
      %dma_wait3A_91 = tpu.memref_slice %arg14[%add3A_41, %dma_wait3A] : memref<10000x128xf32, #tpu.memory_space<vmem_shared>> -> memref<80x128xf32, #tpu.memory_space<vmem_shared>>
      %dma_wait3A_92 = arith.constant 0 : i32
      %dma_wait3A_93 = tpu.memref_slice %arg14[%add3A_41, %dma_wait3A_92] : memref<10000x128xf32, #tpu.memory_space<vmem_shared>> -> memref<80x128xf32, #tpu.memory_space<vmem_shared>>
      tpu.wait_dma2 semaphore(%run_scoped3A : memref<!tpu.dma_semaphore, #tpu.memory_space<semaphore_mem>>) src(%arg12 : memref<80x128xf32, #tpu.memory_space<vmem>>) dst(%dma_wait3A_93 : memref<80x128xf32, #tpu.memory_space<vmem_shared>>)
      tpu.yield
    }) : () -> ()
    %add3A_42 = arith.constant 0 : i32
    %add3A_43 = arith.addi %mul3A_39, %add3A_42 : i32
    "tpu.region"() ({
      %run_scoped3A = tpu.sem_alloc : memref<!tpu.dma_semaphore, #tpu.memory_space<semaphore_mem>>
      %dma_start3A = arith.constant 0 : i32
      %dma_start3A_88 = tpu.memref_slice %arg15[%add3A_43, %dma_start3A] : memref<10000x8xf32, #tpu.memory_space<vmem_shared>> -> memref<80x8xf32, #tpu.memory_space<vmem_shared>>
      %dma_start3A_89 = arith.constant 0 : i32
      %dma_start3A_90 = tpu.memref_slice %arg15[%add3A_43, %dma_start3A_89] : memref<10000x8xf32, #tpu.memory_space<vmem_shared>> -> memref<80x8xf32, #tpu.memory_space<vmem_shared>>
      tpu.enqueue_dma source(%arg13 : memref<80x8xf32, #tpu.memory_space<vmem>>) target(%dma_start3A_90 : memref<80x8xf32, #tpu.memory_space<vmem_shared>>) target_semaphore(%run_scoped3A : memref<!tpu.dma_semaphore, #tpu.memory_space<semaphore_mem>>)
      %dma_wait3A = arith.constant 0 : i32
      %dma_wait3A_91 = tpu.memref_slice %arg15[%add3A_43, %dma_wait3A] : memref<10000x8xf32, #tpu.memory_space<vmem_shared>> -> memref<80x8xf32, #tpu.memory_space<vmem_shared>>
      %dma_wait3A_92 = arith.constant 0 : i32
      %dma_wait3A_93 = tpu.memref_slice %arg15[%add3A_43, %dma_wait3A_92] : memref<10000x8xf32, #tpu.memory_space<vmem_shared>> -> memref<80x8xf32, #tpu.memory_space<vmem_shared>>
      tpu.wait_dma2 semaphore(%run_scoped3A : memref<!tpu.dma_semaphore, #tpu.memory_space<semaphore_mem>>) src(%arg13 : memref<80x8xf32, #tpu.memory_space<vmem>>) dst(%dma_wait3A_93 : memref<80x8xf32, #tpu.memory_space<vmem_shared>>)
      tpu.yield
    }) : () -> ()
    %add3A_44 = arith.constant 80 : i32
    %add3A_45 = arith.addi %mul3A_39, %add3A_44 : i32
    "tpu.region"() ({
      %run_scoped3A = tpu.sem_alloc : memref<!tpu.dma_semaphore, #tpu.memory_space<semaphore_mem>>
      %dma_start3A = arith.constant 0 : i32
      %dma_start3A_88 = tpu.memref_slice %arg14[%add3A_45, %dma_start3A] : memref<10000x128xf32, #tpu.memory_space<vmem_shared>> -> memref<80x128xf32, #tpu.memory_space<vmem_shared>>
      %dma_start3A_89 = arith.constant 0 : i32
      %dma_start3A_90 = tpu.memref_slice %arg14[%add3A_45, %dma_start3A_89] : memref<10000x128xf32, #tpu.memory_space<vmem_shared>> -> memref<80x128xf32, #tpu.memory_space<vmem_shared>>
      tpu.enqueue_dma source(%arg12 : memref<80x128xf32, #tpu.memory_space<vmem>>) target(%dma_start3A_90 : memref<80x128xf32, #tpu.memory_space<vmem_shared>>) target_semaphore(%run_scoped3A : memref<!tpu.dma_semaphore, #tpu.memory_space<semaphore_mem>>)
      %dma_wait3A = arith.constant 0 : i32
      %dma_wait3A_91 = tpu.memref_slice %arg14[%add3A_45, %dma_wait3A] : memref<10000x128xf32, #tpu.memory_space<vmem_shared>> -> memref<80x128xf32, #tpu.memory_space<vmem_shared>>
      %dma_wait3A_92 = arith.constant 0 : i32
      %dma_wait3A_93 = tpu.memref_slice %arg14[%add3A_45, %dma_wait3A_92] : memref<10000x128xf32, #tpu.memory_space<vmem_shared>> -> memref<80x128xf32, #tpu.memory_space<vmem_shared>>
      tpu.wait_dma2 semaphore(%run_scoped3A : memref<!tpu.dma_semaphore, #tpu.memory_space<semaphore_mem>>) src(%arg12 : memref<80x128xf32, #tpu.memory_space<vmem>>) dst(%dma_wait3A_93 : memref<80x128xf32, #tpu.memory_space<vmem_shared>>)
      tpu.yield
    }) : () -> ()
    %add3A_46 = arith.constant 80 : i32
    %add3A_47 = arith.addi %mul3A_39, %add3A_46 : i32
    "tpu.region"() ({
      %run_scoped3A = tpu.sem_alloc : memref<!tpu.dma_semaphore, #tpu.memory_space<semaphore_mem>>
      %dma_start3A = arith.constant 0 : i32
      %dma_start3A_88 = tpu.memref_slice %arg15[%add3A_47, %dma_start3A] : memref<10000x8xf32, #tpu.memory_space<vmem_shared>> -> memref<80x8xf32, #tpu.memory_space<vmem_shared>>
      %dma_start3A_89 = arith.constant 0 : i32
      %dma_start3A_90 = tpu.memref_slice %arg15[%add3A_47, %dma_start3A_89] : memref<10000x8xf32, #tpu.memory_space<vmem_shared>> -> memref<80x8xf32, #tpu.memory_space<vmem_shared>>
      tpu.enqueue_dma source(%arg13 : memref<80x8xf32, #tpu.memory_space<vmem>>) target(%dma_start3A_90 : memref<80x8xf32, #tpu.memory_space<vmem_shared>>) target_semaphore(%run_scoped3A : memref<!tpu.dma_semaphore, #tpu.memory_space<semaphore_mem>>)
      %dma_wait3A = arith.constant 0 : i32
      %dma_wait3A_91 = tpu.memref_slice %arg15[%add3A_47, %dma_wait3A] : memref<10000x8xf32, #tpu.memory_space<vmem_shared>> -> memref<80x8xf32, #tpu.memory_space<vmem_shared>>
      %dma_wait3A_92 = arith.constant 0 : i32
      %dma_wait3A_93 = tpu.memref_slice %arg15[%add3A_47, %dma_wait3A_92] : memref<10000x8xf32, #tpu.memory_space<vmem_shared>> -> memref<80x8xf32, #tpu.memory_space<vmem_shared>>
      tpu.wait_dma2 semaphore(%run_scoped3A : memref<!tpu.dma_semaphore, #tpu.memory_space<semaphore_mem>>) src(%arg13 : memref<80x8xf32, #tpu.memory_space<vmem>>) dst(%dma_wait3A_93 : memref<80x8xf32, #tpu.memory_space<vmem_shared>>)
      tpu.yield
    }) : () -> ()
    %add3A_48 = arith.constant 160 : i32
    %add3A_49 = arith.addi %mul3A_39, %add3A_48 : i32
    "tpu.region"() ({
      %run_scoped3A = tpu.sem_alloc : memref<!tpu.dma_semaphore, #tpu.memory_space<semaphore_mem>>
      %dma_start3A = arith.constant 0 : i32
      %dma_start3A_88 = tpu.memref_slice %arg14[%add3A_49, %dma_start3A] : memref<10000x128xf32, #tpu.memory_space<vmem_shared>> -> memref<80x128xf32, #tpu.memory_space<vmem_shared>>
      %dma_start3A_89 = arith.constant 0 : i32
      %dma_start3A_90 = tpu.memref_slice %arg14[%add3A_49, %dma_start3A_89] : memref<10000x128xf32, #tpu.memory_space<vmem_shared>> -> memref<80x128xf32, #tpu.memory_space<vmem_shared>>
      tpu.enqueue_dma source(%arg12 : memref<80x128xf32, #tpu.memory_space<vmem>>) target(%dma_start3A_90 : memref<80x128xf32, #tpu.memory_space<vmem_shared>>) target_semaphore(%run_scoped3A : memref<!tpu.dma_semaphore, #tpu.memory_space<semaphore_mem>>)
      %dma_wait3A = arith.constant 0 : i32
      %dma_wait3A_91 = tpu.memref_slice %arg14[%add3A_49, %dma_wait3A] : memref<10000x128xf32, #tpu.memory_space<vmem_shared>> -> memref<80x128xf32, #tpu.memory_space<vmem_shared>>
      %dma_wait3A_92 = arith.constant 0 : i32
      %dma_wait3A_93 = tpu.memref_slice %arg14[%add3A_49, %dma_wait3A_92] : memref<10000x128xf32, #tpu.memory_space<vmem_shared>> -> memref<80x128xf32, #tpu.memory_space<vmem_shared>>
      tpu.wait_dma2 semaphore(%run_scoped3A : memref<!tpu.dma_semaphore, #tpu.memory_space<semaphore_mem>>) src(%arg12 : memref<80x128xf32, #tpu.memory_space<vmem>>) dst(%dma_wait3A_93 : memref<80x128xf32, #tpu.memory_space<vmem_shared>>)
      tpu.yield
    }) : () -> ()
    %add3A_50 = arith.constant 160 : i32
    %add3A_51 = arith.addi %mul3A_39, %add3A_50 : i32
    "tpu.region"() ({
      %run_scoped3A = tpu.sem_alloc : memref<!tpu.dma_semaphore, #tpu.memory_space<semaphore_mem>>
      %dma_start3A = arith.constant 0 : i32
      %dma_start3A_88 = tpu.memref_slice %arg15[%add3A_51, %dma_start3A] : memref<10000x8xf32, #tpu.memory_space<vmem_shared>> -> memref<80x8xf32, #tpu.memory_space<vmem_shared>>
      %dma_start3A_89 = arith.constant 0 : i32
      %dma_start3A_90 = tpu.memref_slice %arg15[%add3A_51, %dma_start3A_89] : memref<10000x8xf32, #tpu.memory_space<vmem_shared>> -> memref<80x8xf32, #tpu.memory_space<vmem_shared>>
      tpu.enqueue_dma source(%arg13 : memref<80x8xf32, #tpu.memory_space<vmem>>) target(%dma_start3A_90 : memref<80x8xf32, #tpu.memory_space<vmem_shared>>) target_semaphore(%run_scoped3A : memref<!tpu.dma_semaphore, #tpu.memory_space<semaphore_mem>>)
      %dma_wait3A = arith.constant 0 : i32
      %dma_wait3A_91 = tpu.memref_slice %arg15[%add3A_51, %dma_wait3A] : memref<10000x8xf32, #tpu.memory_space<vmem_shared>> -> memref<80x8xf32, #tpu.memory_space<vmem_shared>>
      %dma_wait3A_92 = arith.constant 0 : i32
      %dma_wait3A_93 = tpu.memref_slice %arg15[%add3A_51, %dma_wait3A_92] : memref<10000x8xf32, #tpu.memory_space<vmem_shared>> -> memref<80x8xf32, #tpu.memory_space<vmem_shared>>
      tpu.wait_dma2 semaphore(%run_scoped3A : memref<!tpu.dma_semaphore, #tpu.memory_space<semaphore_mem>>) src(%arg13 : memref<80x8xf32, #tpu.memory_space<vmem>>) dst(%dma_wait3A_93 : memref<80x8xf32, #tpu.memory_space<vmem_shared>>)
      tpu.yield
    }) : () -> ()
    %add3A_52 = arith.constant 240 : i32
    %add3A_53 = arith.addi %mul3A_39, %add3A_52 : i32
    "tpu.region"() ({
      %run_scoped3A = tpu.sem_alloc : memref<!tpu.dma_semaphore, #tpu.memory_space<semaphore_mem>>
      %dma_start3A = arith.constant 0 : i32
      %dma_start3A_88 = tpu.memref_slice %arg14[%add3A_53, %dma_start3A] : memref<10000x128xf32, #tpu.memory_space<vmem_shared>> -> memref<80x128xf32, #tpu.memory_space<vmem_shared>>
      %dma_start3A_89 = arith.constant 0 : i32
      %dma_start3A_90 = tpu.memref_slice %arg14[%add3A_53, %dma_start3A_89] : memref<10000x128xf32, #tpu.memory_space<vmem_shared>> -> memref<80x128xf32, #tpu.memory_space<vmem_shared>>
      tpu.enqueue_dma source(%arg12 : memref<80x128xf32, #tpu.memory_space<vmem>>) target(%dma_start3A_90 : memref<80x128xf32, #tpu.memory_space<vmem_shared>>) target_semaphore(%run_scoped3A : memref<!tpu.dma_semaphore, #tpu.memory_space<semaphore_mem>>)
      %dma_wait3A = arith.constant 0 : i32
      %dma_wait3A_91 = tpu.memref_slice %arg14[%add3A_53, %dma_wait3A] : memref<10000x128xf32, #tpu.memory_space<vmem_shared>> -> memref<80x128xf32, #tpu.memory_space<vmem_shared>>
      %dma_wait3A_92 = arith.constant 0 : i32
      %dma_wait3A_93 = tpu.memref_slice %arg14[%add3A_53, %dma_wait3A_92] : memref<10000x128xf32, #tpu.memory_space<vmem_shared>> -> memref<80x128xf32, #tpu.memory_space<vmem_shared>>
      tpu.wait_dma2 semaphore(%run_scoped3A : memref<!tpu.dma_semaphore, #tpu.memory_space<semaphore_mem>>) src(%arg12 : memref<80x128xf32, #tpu.memory_space<vmem>>) dst(%dma_wait3A_93 : memref<80x128xf32, #tpu.memory_space<vmem_shared>>)
      tpu.yield
    }) : () -> ()
    %add3A_54 = arith.constant 240 : i32
    %add3A_55 = arith.addi %mul3A_39, %add3A_54 : i32
    "tpu.region"() ({
      %run_scoped3A = tpu.sem_alloc : memref<!tpu.dma_semaphore, #tpu.memory_space<semaphore_mem>>
      %dma_start3A = arith.constant 0 : i32
      %dma_start3A_88 = tpu.memref_slice %arg15[%add3A_55, %dma_start3A] : memref<10000x8xf32, #tpu.memory_space<vmem_shared>> -> memref<80x8xf32, #tpu.memory_space<vmem_shared>>
      %dma_start3A_89 = arith.constant 0 : i32
      %dma_start3A_90 = tpu.memref_slice %arg15[%add3A_55, %dma_start3A_89] : memref<10000x8xf32, #tpu.memory_space<vmem_shared>> -> memref<80x8xf32, #tpu.memory_space<vmem_shared>>
      tpu.enqueue_dma source(%arg13 : memref<80x8xf32, #tpu.memory_space<vmem>>) target(%dma_start3A_90 : memref<80x8xf32, #tpu.memory_space<vmem_shared>>) target_semaphore(%run_scoped3A : memref<!tpu.dma_semaphore, #tpu.memory_space<semaphore_mem>>)
      %dma_wait3A = arith.constant 0 : i32
      %dma_wait3A_91 = tpu.memref_slice %arg15[%add3A_55, %dma_wait3A] : memref<10000x8xf32, #tpu.memory_space<vmem_shared>> -> memref<80x8xf32, #tpu.memory_space<vmem_shared>>
      %dma_wait3A_92 = arith.constant 0 : i32
      %dma_wait3A_93 = tpu.memref_slice %arg15[%add3A_55, %dma_wait3A_92] : memref<10000x8xf32, #tpu.memory_space<vmem_shared>> -> memref<80x8xf32, #tpu.memory_space<vmem_shared>>
      tpu.wait_dma2 semaphore(%run_scoped3A : memref<!tpu.dma_semaphore, #tpu.memory_space<semaphore_mem>>) src(%arg13 : memref<80x8xf32, #tpu.memory_space<vmem>>) dst(%dma_wait3A_93 : memref<80x8xf32, #tpu.memory_space<vmem_shared>>)
      tpu.yield
    }) : () -> ()
    %add3A_56 = arith.constant 320 : i32
    %add3A_57 = arith.addi %mul3A_39, %add3A_56 : i32
    "tpu.region"() ({
      %run_scoped3A = tpu.sem_alloc : memref<!tpu.dma_semaphore, #tpu.memory_space<semaphore_mem>>
      %dma_start3A = arith.constant 0 : i32
      %dma_start3A_88 = tpu.memref_slice %arg14[%add3A_57, %dma_start3A] : memref<10000x128xf32, #tpu.memory_space<vmem_shared>> -> memref<80x128xf32, #tpu.memory_space<vmem_shared>>
      %dma_start3A_89 = arith.constant 0 : i32
      %dma_start3A_90 = tpu.memref_slice %arg14[%add3A_57, %dma_start3A_89] : memref<10000x128xf32, #tpu.memory_space<vmem_shared>> -> memref<80x128xf32, #tpu.memory_space<vmem_shared>>
      tpu.enqueue_dma source(%arg12 : memref<80x128xf32, #tpu.memory_space<vmem>>) target(%dma_start3A_90 : memref<80x128xf32, #tpu.memory_space<vmem_shared>>) target_semaphore(%run_scoped3A : memref<!tpu.dma_semaphore, #tpu.memory_space<semaphore_mem>>)
      %dma_wait3A = arith.constant 0 : i32
      %dma_wait3A_91 = tpu.memref_slice %arg14[%add3A_57, %dma_wait3A] : memref<10000x128xf32, #tpu.memory_space<vmem_shared>> -> memref<80x128xf32, #tpu.memory_space<vmem_shared>>
      %dma_wait3A_92 = arith.constant 0 : i32
      %dma_wait3A_93 = tpu.memref_slice %arg14[%add3A_57, %dma_wait3A_92] : memref<10000x128xf32, #tpu.memory_space<vmem_shared>> -> memref<80x128xf32, #tpu.memory_space<vmem_shared>>
      tpu.wait_dma2 semaphore(%run_scoped3A : memref<!tpu.dma_semaphore, #tpu.memory_space<semaphore_mem>>) src(%arg12 : memref<80x128xf32, #tpu.memory_space<vmem>>) dst(%dma_wait3A_93 : memref<80x128xf32, #tpu.memory_space<vmem_shared>>)
      tpu.yield
    }) : () -> ()
    %add3A_58 = arith.constant 320 : i32
    %add3A_59 = arith.addi %mul3A_39, %add3A_58 : i32
    "tpu.region"() ({
      %run_scoped3A = tpu.sem_alloc : memref<!tpu.dma_semaphore, #tpu.memory_space<semaphore_mem>>
      %dma_start3A = arith.constant 0 : i32
      %dma_start3A_88 = tpu.memref_slice %arg15[%add3A_59, %dma_start3A] : memref<10000x8xf32, #tpu.memory_space<vmem_shared>> -> memref<80x8xf32, #tpu.memory_space<vmem_shared>>
      %dma_start3A_89 = arith.constant 0 : i32
      %dma_start3A_90 = tpu.memref_slice %arg15[%add3A_59, %dma_start3A_89] : memref<10000x8xf32, #tpu.memory_space<vmem_shared>> -> memref<80x8xf32, #tpu.memory_space<vmem_shared>>
      tpu.enqueue_dma source(%arg13 : memref<80x8xf32, #tpu.memory_space<vmem>>) target(%dma_start3A_90 : memref<80x8xf32, #tpu.memory_space<vmem_shared>>) target_semaphore(%run_scoped3A : memref<!tpu.dma_semaphore, #tpu.memory_space<semaphore_mem>>)
      %dma_wait3A = arith.constant 0 : i32
      %dma_wait3A_91 = tpu.memref_slice %arg15[%add3A_59, %dma_wait3A] : memref<10000x8xf32, #tpu.memory_space<vmem_shared>> -> memref<80x8xf32, #tpu.memory_space<vmem_shared>>
      %dma_wait3A_92 = arith.constant 0 : i32
      %dma_wait3A_93 = tpu.memref_slice %arg15[%add3A_59, %dma_wait3A_92] : memref<10000x8xf32, #tpu.memory_space<vmem_shared>> -> memref<80x8xf32, #tpu.memory_space<vmem_shared>>
      tpu.wait_dma2 semaphore(%run_scoped3A : memref<!tpu.dma_semaphore, #tpu.memory_space<semaphore_mem>>) src(%arg13 : memref<80x8xf32, #tpu.memory_space<vmem>>) dst(%dma_wait3A_93 : memref<80x8xf32, #tpu.memory_space<vmem_shared>>)
      tpu.yield
    }) : () -> ()
    %add3A_60 = arith.constant 400 : i32
    %add3A_61 = arith.addi %mul3A_39, %add3A_60 : i32
    "tpu.region"() ({
      %run_scoped3A = tpu.sem_alloc : memref<!tpu.dma_semaphore, #tpu.memory_space<semaphore_mem>>
      %dma_start3A = arith.constant 0 : i32
      %dma_start3A_88 = tpu.memref_slice %arg14[%add3A_61, %dma_start3A] : memref<10000x128xf32, #tpu.memory_space<vmem_shared>> -> memref<80x128xf32, #tpu.memory_space<vmem_shared>>
      %dma_start3A_89 = arith.constant 0 : i32
      %dma_start3A_90 = tpu.memref_slice %arg14[%add3A_61, %dma_start3A_89] : memref<10000x128xf32, #tpu.memory_space<vmem_shared>> -> memref<80x128xf32, #tpu.memory_space<vmem_shared>>
      tpu.enqueue_dma source(%arg12 : memref<80x128xf32, #tpu.memory_space<vmem>>) target(%dma_start3A_90 : memref<80x128xf32, #tpu.memory_space<vmem_shared>>) target_semaphore(%run_scoped3A : memref<!tpu.dma_semaphore, #tpu.memory_space<semaphore_mem>>)
      %dma_wait3A = arith.constant 0 : i32
      %dma_wait3A_91 = tpu.memref_slice %arg14[%add3A_61, %dma_wait3A] : memref<10000x128xf32, #tpu.memory_space<vmem_shared>> -> memref<80x128xf32, #tpu.memory_space<vmem_shared>>
      %dma_wait3A_92 = arith.constant 0 : i32
      %dma_wait3A_93 = tpu.memref_slice %arg14[%add3A_61, %dma_wait3A_92] : memref<10000x128xf32, #tpu.memory_space<vmem_shared>> -> memref<80x128xf32, #tpu.memory_space<vmem_shared>>
      tpu.wait_dma2 semaphore(%run_scoped3A : memref<!tpu.dma_semaphore, #tpu.memory_space<semaphore_mem>>) src(%arg12 : memref<80x128xf32, #tpu.memory_space<vmem>>) dst(%dma_wait3A_93 : memref<80x128xf32, #tpu.memory_space<vmem_shared>>)
      tpu.yield
    }) : () -> ()
    %add3A_62 = arith.constant 400 : i32
    %add3A_63 = arith.addi %mul3A_39, %add3A_62 : i32
    "tpu.region"() ({
      %run_scoped3A = tpu.sem_alloc : memref<!tpu.dma_semaphore, #tpu.memory_space<semaphore_mem>>
      %dma_start3A = arith.constant 0 : i32
      %dma_start3A_88 = tpu.memref_slice %arg15[%add3A_63, %dma_start3A] : memref<10000x8xf32, #tpu.memory_space<vmem_shared>> -> memref<80x8xf32, #tpu.memory_space<vmem_shared>>
      %dma_start3A_89 = arith.constant 0 : i32
      %dma_start3A_90 = tpu.memref_slice %arg15[%add3A_63, %dma_start3A_89] : memref<10000x8xf32, #tpu.memory_space<vmem_shared>> -> memref<80x8xf32, #tpu.memory_space<vmem_shared>>
      tpu.enqueue_dma source(%arg13 : memref<80x8xf32, #tpu.memory_space<vmem>>) target(%dma_start3A_90 : memref<80x8xf32, #tpu.memory_space<vmem_shared>>) target_semaphore(%run_scoped3A : memref<!tpu.dma_semaphore, #tpu.memory_space<semaphore_mem>>)
      %dma_wait3A = arith.constant 0 : i32
      %dma_wait3A_91 = tpu.memref_slice %arg15[%add3A_63, %dma_wait3A] : memref<10000x8xf32, #tpu.memory_space<vmem_shared>> -> memref<80x8xf32, #tpu.memory_space<vmem_shared>>
      %dma_wait3A_92 = arith.constant 0 : i32
      %dma_wait3A_93 = tpu.memref_slice %arg15[%add3A_63, %dma_wait3A_92] : memref<10000x8xf32, #tpu.memory_space<vmem_shared>> -> memref<80x8xf32, #tpu.memory_space<vmem_shared>>
      tpu.wait_dma2 semaphore(%run_scoped3A : memref<!tpu.dma_semaphore, #tpu.memory_space<semaphore_mem>>) src(%arg13 : memref<80x8xf32, #tpu.memory_space<vmem>>) dst(%dma_wait3A_93 : memref<80x8xf32, #tpu.memory_space<vmem_shared>>)
      tpu.yield
    }) : () -> ()
    %add3A_64 = arith.constant 480 : i32
    %add3A_65 = arith.addi %mul3A_39, %add3A_64 : i32
    "tpu.region"() ({
      %run_scoped3A = tpu.sem_alloc : memref<!tpu.dma_semaphore, #tpu.memory_space<semaphore_mem>>
      %dma_start3A = arith.constant 0 : i32
      %dma_start3A_88 = tpu.memref_slice %arg14[%add3A_65, %dma_start3A] : memref<10000x128xf32, #tpu.memory_space<vmem_shared>> -> memref<80x128xf32, #tpu.memory_space<vmem_shared>>
      %dma_start3A_89 = arith.constant 0 : i32
      %dma_start3A_90 = tpu.memref_slice %arg14[%add3A_65, %dma_start3A_89] : memref<10000x128xf32, #tpu.memory_space<vmem_shared>> -> memref<80x128xf32, #tpu.memory_space<vmem_shared>>
      tpu.enqueue_dma source(%arg12 : memref<80x128xf32, #tpu.memory_space<vmem>>) target(%dma_start3A_90 : memref<80x128xf32, #tpu.memory_space<vmem_shared>>) target_semaphore(%run_scoped3A : memref<!tpu.dma_semaphore, #tpu.memory_space<semaphore_mem>>)
      %dma_wait3A = arith.constant 0 : i32
      %dma_wait3A_91 = tpu.memref_slice %arg14[%add3A_65, %dma_wait3A] : memref<10000x128xf32, #tpu.memory_space<vmem_shared>> -> memref<80x128xf32, #tpu.memory_space<vmem_shared>>
      %dma_wait3A_92 = arith.constant 0 : i32
      %dma_wait3A_93 = tpu.memref_slice %arg14[%add3A_65, %dma_wait3A_92] : memref<10000x128xf32, #tpu.memory_space<vmem_shared>> -> memref<80x128xf32, #tpu.memory_space<vmem_shared>>
      tpu.wait_dma2 semaphore(%run_scoped3A : memref<!tpu.dma_semaphore, #tpu.memory_space<semaphore_mem>>) src(%arg12 : memref<80x128xf32, #tpu.memory_space<vmem>>) dst(%dma_wait3A_93 : memref<80x128xf32, #tpu.memory_space<vmem_shared>>)
      tpu.yield
    }) : () -> ()
    %add3A_66 = arith.constant 480 : i32
    %add3A_67 = arith.addi %mul3A_39, %add3A_66 : i32
    "tpu.region"() ({
      %run_scoped3A = tpu.sem_alloc : memref<!tpu.dma_semaphore, #tpu.memory_space<semaphore_mem>>
      %dma_start3A = arith.constant 0 : i32
      %dma_start3A_88 = tpu.memref_slice %arg15[%add3A_67, %dma_start3A] : memref<10000x8xf32, #tpu.memory_space<vmem_shared>> -> memref<80x8xf32, #tpu.memory_space<vmem_shared>>
      %dma_start3A_89 = arith.constant 0 : i32
      %dma_start3A_90 = tpu.memref_slice %arg15[%add3A_67, %dma_start3A_89] : memref<10000x8xf32, #tpu.memory_space<vmem_shared>> -> memref<80x8xf32, #tpu.memory_space<vmem_shared>>
      tpu.enqueue_dma source(%arg13 : memref<80x8xf32, #tpu.memory_space<vmem>>) target(%dma_start3A_90 : memref<80x8xf32, #tpu.memory_space<vmem_shared>>) target_semaphore(%run_scoped3A : memref<!tpu.dma_semaphore, #tpu.memory_space<semaphore_mem>>)
      %dma_wait3A = arith.constant 0 : i32
      %dma_wait3A_91 = tpu.memref_slice %arg15[%add3A_67, %dma_wait3A] : memref<10000x8xf32, #tpu.memory_space<vmem_shared>> -> memref<80x8xf32, #tpu.memory_space<vmem_shared>>
      %dma_wait3A_92 = arith.constant 0 : i32
      %dma_wait3A_93 = tpu.memref_slice %arg15[%add3A_67, %dma_wait3A_92] : memref<10000x8xf32, #tpu.memory_space<vmem_shared>> -> memref<80x8xf32, #tpu.memory_space<vmem_shared>>
      tpu.wait_dma2 semaphore(%run_scoped3A : memref<!tpu.dma_semaphore, #tpu.memory_space<semaphore_mem>>) src(%arg13 : memref<80x8xf32, #tpu.memory_space<vmem>>) dst(%dma_wait3A_93 : memref<80x8xf32, #tpu.memory_space<vmem_shared>>)
      tpu.yield
    }) : () -> ()
    %add3A_68 = arith.constant 560 : i32
    %add3A_69 = arith.addi %mul3A_39, %add3A_68 : i32
    "tpu.region"() ({
      %run_scoped3A = tpu.sem_alloc : memref<!tpu.dma_semaphore, #tpu.memory_space<semaphore_mem>>
      %dma_start3A = arith.constant 0 : i32
      %dma_start3A_88 = arith.constant 0 : i32
      %dma_start3A_89 = tpu.memref_slice %arg12[%dma_start3A, %dma_start3A_88] : memref<80x128xf32, #tpu.memory_space<vmem>> -> memref<64x128xf32, #tpu.memory_space<vmem>>
      %dma_start3A_90 = arith.constant 0 : i32
      %dma_start3A_91 = tpu.memref_slice %arg14[%add3A_69, %dma_start3A_90] : memref<10000x128xf32, #tpu.memory_space<vmem_shared>> -> memref<64x128xf32, #tpu.memory_space<vmem_shared>>
      %dma_start3A_92 = arith.constant 0 : i32
      %dma_start3A_93 = tpu.memref_slice %arg14[%add3A_69, %dma_start3A_92] : memref<10000x128xf32, #tpu.memory_space<vmem_shared>> -> memref<64x128xf32, #tpu.memory_space<vmem_shared>>
      %dma_start3A_94 = arith.constant 0 : i32
      %dma_start3A_95 = arith.constant 0 : i32
      %dma_start3A_96 = tpu.memref_slice %arg12[%dma_start3A_94, %dma_start3A_95] : memref<80x128xf32, #tpu.memory_space<vmem>> -> memref<64x128xf32, #tpu.memory_space<vmem>>
      tpu.enqueue_dma source(%dma_start3A_96 : memref<64x128xf32, #tpu.memory_space<vmem>>) target(%dma_start3A_93 : memref<64x128xf32, #tpu.memory_space<vmem_shared>>) target_semaphore(%run_scoped3A : memref<!tpu.dma_semaphore, #tpu.memory_space<semaphore_mem>>)
      %dma_wait3A = arith.constant 0 : i32
      %dma_wait3A_97 = arith.constant 0 : i32
      %dma_wait3A_98 = tpu.memref_slice %arg12[%dma_wait3A, %dma_wait3A_97] : memref<80x128xf32, #tpu.memory_space<vmem>> -> memref<64x128xf32, #tpu.memory_space<vmem>>
      %dma_wait3A_99 = arith.constant 0 : i32
      %dma_wait3A_100 = tpu.memref_slice %arg14[%add3A_69, %dma_wait3A_99] : memref<10000x128xf32, #tpu.memory_space<vmem_shared>> -> memref<64x128xf32, #tpu.memory_space<vmem_shared>>
      %dma_wait3A_101 = arith.constant 0 : i32
      %dma_wait3A_102 = tpu.memref_slice %arg14[%add3A_69, %dma_wait3A_101] : memref<10000x128xf32, #tpu.memory_space<vmem_shared>> -> memref<64x128xf32, #tpu.memory_space<vmem_shared>>
      %dma_wait3A_103 = arith.constant 0 : i32
      %dma_wait3A_104 = arith.constant 0 : i32
      %dma_wait3A_105 = tpu.memref_slice %arg12[%dma_wait3A_103, %dma_wait3A_104] : memref<80x128xf32, #tpu.memory_space<vmem>> -> memref<64x128xf32, #tpu.memory_space<vmem>>
      tpu.wait_dma2 semaphore(%run_scoped3A : memref<!tpu.dma_semaphore, #tpu.memory_space<semaphore_mem>>) src(%dma_wait3A_105 : memref<64x128xf32, #tpu.memory_space<vmem>>) dst(%dma_wait3A_102 : memref<64x128xf32, #tpu.memory_space<vmem_shared>>)
      tpu.yield
    }) : () -> ()
    %add3A_70 = arith.constant 560 : i32
    %add3A_71 = arith.addi %mul3A_39, %add3A_70 : i32
    "tpu.region"() ({
      %run_scoped3A = tpu.sem_alloc : memref<!tpu.dma_semaphore, #tpu.memory_space<semaphore_mem>>
      %dma_start3A = arith.constant 0 : i32
      %dma_start3A_88 = arith.constant 0 : i32
      %dma_start3A_89 = tpu.memref_slice %arg13[%dma_start3A, %dma_start3A_88] : memref<80x8xf32, #tpu.memory_space<vmem>> -> memref<64x8xf32, #tpu.memory_space<vmem>>
      %dma_start3A_90 = arith.constant 0 : i32
      %dma_start3A_91 = tpu.memref_slice %arg15[%add3A_71, %dma_start3A_90] : memref<10000x8xf32, #tpu.memory_space<vmem_shared>> -> memref<64x8xf32, #tpu.memory_space<vmem_shared>>
      %dma_start3A_92 = arith.constant 0 : i32
      %dma_start3A_93 = tpu.memref_slice %arg15[%add3A_71, %dma_start3A_92] : memref<10000x8xf32, #tpu.memory_space<vmem_shared>> -> memref<64x8xf32, #tpu.memory_space<vmem_shared>>
      %dma_start3A_94 = arith.constant 0 : i32
      %dma_start3A_95 = arith.constant 0 : i32
      %dma_start3A_96 = tpu.memref_slice %arg13[%dma_start3A_94, %dma_start3A_95] : memref<80x8xf32, #tpu.memory_space<vmem>> -> memref<64x8xf32, #tpu.memory_space<vmem>>
      tpu.enqueue_dma source(%dma_start3A_96 : memref<64x8xf32, #tpu.memory_space<vmem>>) target(%dma_start3A_93 : memref<64x8xf32, #tpu.memory_space<vmem_shared>>) target_semaphore(%run_scoped3A : memref<!tpu.dma_semaphore, #tpu.memory_space<semaphore_mem>>)
      %dma_wait3A = arith.constant 0 : i32
      %dma_wait3A_97 = arith.constant 0 : i32
      %dma_wait3A_98 = tpu.memref_slice %arg13[%dma_wait3A, %dma_wait3A_97] : memref<80x8xf32, #tpu.memory_space<vmem>> -> memref<64x8xf32, #tpu.memory_space<vmem>>
      %dma_wait3A_99 = arith.constant 0 : i32
      %dma_wait3A_100 = tpu.memref_slice %arg15[%add3A_71, %dma_wait3A_99] : memref<10000x8xf32, #tpu.memory_space<vmem_shared>> -> memref<64x8xf32, #tpu.memory_space<vmem_shared>>
      %dma_wait3A_101 = arith.constant 0 : i32
      %dma_wait3A_102 = tpu.memref_slice %arg15[%add3A_71, %dma_wait3A_101] : memref<10000x8xf32, #tpu.memory_space<vmem_shared>> -> memref<64x8xf32, #tpu.memory_space<vmem_shared>>
      %dma_wait3A_103 = arith.constant 0 : i32
      %dma_wait3A_104 = arith.constant 0 : i32
      %dma_wait3A_105 = tpu.memref_slice %arg13[%dma_wait3A_103, %dma_wait3A_104] : memref<80x8xf32, #tpu.memory_space<vmem>> -> memref<64x8xf32, #tpu.memory_space<vmem>>
      tpu.wait_dma2 semaphore(%run_scoped3A : memref<!tpu.dma_semaphore, #tpu.memory_space<semaphore_mem>>) src(%dma_wait3A_105 : memref<64x8xf32, #tpu.memory_space<vmem>>) dst(%dma_wait3A_102 : memref<64x8xf32, #tpu.memory_space<vmem_shared>>)
      tpu.yield
    }) : () -> ()
    %eq3A = arith.constant 0 : i32
    %eq3A_72 = arith.cmpi eq, %arg1, %eq3A : i32
    %convert_element_type3A = arith.extui %eq3A_72 : i1 to i32
    %cond3A = arith.constant 0 : i32
    %cond3A_73 = arith.cmpi ne, %convert_element_type3A, %cond3A : i32
    scf.if %cond3A_73 {
      "tpu.region"() ({
        %run_scoped3A = tpu.sem_alloc : memref<!tpu.dma_semaphore, #tpu.memory_space<semaphore_mem>>
        %dma_start3A = arith.constant 0 : i32
        %dma_start3A_88 = arith.constant 0 : i32
        %dma_start3A_89 = tpu.memref_slice %arg12[%dma_start3A, %dma_start3A_88] : memref<80x128xf32, #tpu.memory_space<vmem>> -> memref<16x128xf32, #tpu.memory_space<vmem>>
        %dma_start3A_90 = arith.constant 9984 : i32
        %dma_start3A_91 = arith.constant 0 : i32
        %dma_start3A_92 = tpu.memref_slice %arg14[%dma_start3A_90, %dma_start3A_91] : memref<10000x128xf32, #tpu.memory_space<vmem_shared>> -> memref<16x128xf32, #tpu.memory_space<vmem_shared>>
        %dma_start3A_93 = arith.constant 9984 : i32
        %dma_start3A_94 = arith.constant 0 : i32
        %dma_start3A_95 = tpu.memref_slice %arg14[%dma_start3A_93, %dma_start3A_94] : memref<10000x128xf32, #tpu.memory_space<vmem_shared>> -> memref<16x128xf32, #tpu.memory_space<vmem_shared>>
        %dma_start3A_96 = arith.constant 0 : i32
        %dma_start3A_97 = arith.constant 0 : i32
        %dma_start3A_98 = tpu.memref_slice %arg12[%dma_start3A_96, %dma_start3A_97] : memref<80x128xf32, #tpu.memory_space<vmem>> -> memref<16x128xf32, #tpu.memory_space<vmem>>
        tpu.enqueue_dma source(%dma_start3A_98 : memref<16x128xf32, #tpu.memory_space<vmem>>) target(%dma_start3A_95 : memref<16x128xf32, #tpu.memory_space<vmem_shared>>) target_semaphore(%run_scoped3A : memref<!tpu.dma_semaphore, #tpu.memory_space<semaphore_mem>>)
        %dma_wait3A = arith.constant 0 : i32
        %dma_wait3A_99 = arith.constant 0 : i32
        %dma_wait3A_100 = tpu.memref_slice %arg12[%dma_wait3A, %dma_wait3A_99] : memref<80x128xf32, #tpu.memory_space<vmem>> -> memref<16x128xf32, #tpu.memory_space<vmem>>
        %dma_wait3A_101 = arith.constant 9984 : i32
        %dma_wait3A_102 = arith.constant 0 : i32
        %dma_wait3A_103 = tpu.memref_slice %arg14[%dma_wait3A_101, %dma_wait3A_102] : memref<10000x128xf32, #tpu.memory_space<vmem_shared>> -> memref<16x128xf32, #tpu.memory_space<vmem_shared>>
        %dma_wait3A_104 = arith.constant 9984 : i32
        %dma_wait3A_105 = arith.constant 0 : i32
        %dma_wait3A_106 = tpu.memref_slice %arg14[%dma_wait3A_104, %dma_wait3A_105] : memref<10000x128xf32, #tpu.memory_space<vmem_shared>> -> memref<16x128xf32, #tpu.memory_space<vmem_shared>>
        %dma_wait3A_107 = arith.constant 0 : i32
        %dma_wait3A_108 = arith.constant 0 : i32
        %dma_wait3A_109 = tpu.memref_slice %arg12[%dma_wait3A_107, %dma_wait3A_108] : memref<80x128xf32, #tpu.memory_space<vmem>> -> memref<16x128xf32, #tpu.memory_space<vmem>>
        tpu.wait_dma2 semaphore(%run_scoped3A : memref<!tpu.dma_semaphore, #tpu.memory_space<semaphore_mem>>) src(%dma_wait3A_109 : memref<16x128xf32, #tpu.memory_space<vmem>>) dst(%dma_wait3A_106 : memref<16x128xf32, #tpu.memory_space<vmem_shared>>)
        tpu.yield
      }) : () -> ()
      "tpu.region"() ({
        %run_scoped3A = tpu.sem_alloc : memref<!tpu.dma_semaphore, #tpu.memory_space<semaphore_mem>>
        %dma_start3A = arith.constant 0 : i32
        %dma_start3A_88 = arith.constant 0 : i32
        %dma_start3A_89 = tpu.memref_slice %arg13[%dma_start3A, %dma_start3A_88] : memref<80x8xf32, #tpu.memory_space<vmem>> -> memref<16x8xf32, #tpu.memory_space<vmem>>
        %dma_start3A_90 = arith.constant 9984 : i32
        %dma_start3A_91 = arith.constant 0 : i32
        %dma_start3A_92 = tpu.memref_slice %arg15[%dma_start3A_90, %dma_start3A_91] : memref<10000x8xf32, #tpu.memory_space<vmem_shared>> -> memref<16x8xf32, #tpu.memory_space<vmem_shared>>
        %dma_start3A_93 = arith.constant 9984 : i32
        %dma_start3A_94 = arith.constant 0 : i32
        %dma_start3A_95 = tpu.memref_slice %arg15[%dma_start3A_93, %dma_start3A_94] : memref<10000x8xf32, #tpu.memory_space<vmem_shared>> -> memref<16x8xf32, #tpu.memory_space<vmem_shared>>
        %dma_start3A_96 = arith.constant 0 : i32
        %dma_start3A_97 = arith.constant 0 : i32
        %dma_start3A_98 = tpu.memref_slice %arg13[%dma_start3A_96, %dma_start3A_97] : memref<80x8xf32, #tpu.memory_space<vmem>> -> memref<16x8xf32, #tpu.memory_space<vmem>>
        tpu.enqueue_dma source(%dma_start3A_98 : memref<16x8xf32, #tpu.memory_space<vmem>>) target(%dma_start3A_95 : memref<16x8xf32, #tpu.memory_space<vmem_shared>>) target_semaphore(%run_scoped3A : memref<!tpu.dma_semaphore, #tpu.memory_space<semaphore_mem>>)
        %dma_wait3A = arith.constant 0 : i32
        %dma_wait3A_99 = arith.constant 0 : i32
        %dma_wait3A_100 = tpu.memref_slice %arg13[%dma_wait3A, %dma_wait3A_99] : memref<80x8xf32, #tpu.memory_space<vmem>> -> memref<16x8xf32, #tpu.memory_space<vmem>>
        %dma_wait3A_101 = arith.constant 9984 : i32
        %dma_wait3A_102 = arith.constant 0 : i32
        %dma_wait3A_103 = tpu.memref_slice %arg15[%dma_wait3A_101, %dma_wait3A_102] : memref<10000x8xf32, #tpu.memory_space<vmem_shared>> -> memref<16x8xf32, #tpu.memory_space<vmem_shared>>
        %dma_wait3A_104 = arith.constant 9984 : i32
        %dma_wait3A_105 = arith.constant 0 : i32
        %dma_wait3A_106 = tpu.memref_slice %arg15[%dma_wait3A_104, %dma_wait3A_105] : memref<10000x8xf32, #tpu.memory_space<vmem_shared>> -> memref<16x8xf32, #tpu.memory_space<vmem_shared>>
        %dma_wait3A_107 = arith.constant 0 : i32
        %dma_wait3A_108 = arith.constant 0 : i32
        %dma_wait3A_109 = tpu.memref_slice %arg13[%dma_wait3A_107, %dma_wait3A_108] : memref<80x8xf32, #tpu.memory_space<vmem>> -> memref<16x8xf32, #tpu.memory_space<vmem>>
        tpu.wait_dma2 semaphore(%run_scoped3A : memref<!tpu.dma_semaphore, #tpu.memory_space<semaphore_mem>>) src(%dma_wait3A_109 : memref<16x8xf32, #tpu.memory_space<vmem>>) dst(%dma_wait3A_106 : memref<16x8xf32, #tpu.memory_space<vmem_shared>>)
        tpu.yield
      }) : () -> ()
    } else {
    }
    %barrier3A = arith.constant 0 : index
    tpu.barrier barrier_id(%barrier3A)
    %mul3A_74 = arith.constant 10000 : i32
    %mul3A_75 = arith.muli %add3A, %mul3A_74 : i32
    %scan3A_76 = arith.constant 0 : i32
    %scan3A_77 = arith.constant 0 : i32
    %scan3A_78 = arith.constant 125 : i32
    %scan3A_79 = arith.addi %scan3A_77, %scan3A_78 : i32
    %scan3A_80 = arith.constant 1 : i32
    scf.for %scan3A_88 = %scan3A_77 to %scan3A_79 step %scan3A_80  : i32 {
      %mul3A_89 = arith.constant 80 : i32
      %mul3A_90 = arith.muli %scan3A_88, %mul3A_89 : i32
      %add3A_91 = arith.addi %mul3A_75, %mul3A_90 : i32
      %dma_start3A = tpu.memref_slice %arg4[%add3A_91] : memref<320000xi32, #tpu.memory_space<hbm>> -> memref<80xi32, #tpu.memory_space<hbm>>
      %dma_start3A_92 = tpu.memref_slice %arg4[%add3A_91] : memref<320000xi32, #tpu.memory_space<hbm>> -> memref<80xi32, #tpu.memory_space<hbm>>
      tpu.enqueue_dma source(%dma_start3A_92 : memref<80xi32, #tpu.memory_space<hbm>>) target(%arg8 : memref<80xi32, #tpu.memory_space<vmem>>) target_semaphore(%arg16 : memref<!tpu.dma_semaphore, #tpu.memory_space<semaphore_mem>>)
      %dma_start3A_93 = tpu.memref_slice %arg5[%add3A_91] : memref<320000xi32, #tpu.memory_space<hbm>> -> memref<80xi32, #tpu.memory_space<hbm>>
      %dma_start3A_94 = tpu.memref_slice %arg5[%add3A_91] : memref<320000xi32, #tpu.memory_space<hbm>> -> memref<80xi32, #tpu.memory_space<hbm>>
      tpu.enqueue_dma source(%dma_start3A_94 : memref<80xi32, #tpu.memory_space<hbm>>) target(%arg9 : memref<80xi32, #tpu.memory_space<vmem>>) target_semaphore(%arg16 : memref<!tpu.dma_semaphore, #tpu.memory_space<semaphore_mem>>)
      %dma_wait3A = tpu.memref_slice %arg4[%add3A_91] : memref<320000xi32, #tpu.memory_space<hbm>> -> memref<80xi32, #tpu.memory_space<hbm>>
      %dma_wait3A_95 = tpu.memref_slice %arg4[%add3A_91] : memref<320000xi32, #tpu.memory_space<hbm>> -> memref<80xi32, #tpu.memory_space<hbm>>
      tpu.wait_dma2 semaphore(%arg16 : memref<!tpu.dma_semaphore, #tpu.memory_space<semaphore_mem>>) src(%dma_wait3A_95 : memref<80xi32, #tpu.memory_space<hbm>>) dst(%arg8 : memref<80xi32, #tpu.memory_space<vmem>>)
      %dma_wait3A_96 = tpu.memref_slice %arg5[%add3A_91] : memref<320000xi32, #tpu.memory_space<hbm>> -> memref<80xi32, #tpu.memory_space<hbm>>
      %dma_wait3A_97 = tpu.memref_slice %arg5[%add3A_91] : memref<320000xi32, #tpu.memory_space<hbm>> -> memref<80xi32, #tpu.memory_space<hbm>>
      tpu.wait_dma2 semaphore(%arg16 : memref<!tpu.dma_semaphore, #tpu.memory_space<semaphore_mem>>) src(%dma_wait3A_97 : memref<80xi32, #tpu.memory_space<hbm>>) dst(%arg9 : memref<80xi32, #tpu.memory_space<vmem>>)
      %dma_start3A_98 = arith.constant 0 : i32
      %dma_start3A_99 = arith.constant 0 : i32
      %dma_start3A_100 = tpu.memref_slice %arg2[%dma_start3A_98, %dma_start3A_99] : memref<10000x128xf32, #tpu.memory_space<hbm>> -> memref<10000x128xf32, #tpu.memory_space<hbm>>
      tpu.enqueue_indirect_dma source(%dma_start3A_100 : memref<10000x128xf32, #tpu.memory_space<hbm>>) target(%arg10 : memref<80x128xf32, #tpu.memory_space<vmem>>) offsets(%arg9 : memref<80xi32, #tpu.memory_space<vmem>>) semaphore(%arg16 : memref<!tpu.dma_semaphore, #tpu.memory_space<semaphore_mem>>)
      %dma_start3A_101 = arith.constant 0 : i32
      %dma_start3A_102 = arith.constant 0 : i32
      %dma_start3A_103 = tpu.memref_slice %arg3[%dma_start3A_101, %dma_start3A_102] : memref<10000x256xf32, #tpu.memory_space<hbm>> -> memref<10000x256xf32, #tpu.memory_space<hbm>>
      tpu.enqueue_indirect_dma source(%dma_start3A_103 : memref<10000x256xf32, #tpu.memory_space<hbm>>) target(%arg11 : memref<80x256xf32, #tpu.memory_space<vmem>>) offsets(%arg8 : memref<80xi32, #tpu.memory_space<vmem>>) semaphore(%arg16 : memref<!tpu.dma_semaphore, #tpu.memory_space<semaphore_mem>>)
      %dma_wait3A_104 = arith.constant 0 : i32
      %dma_wait3A_105 = arith.constant 0 : i32
      %dma_wait3A_106 = tpu.memref_slice %arg2[%dma_wait3A_104, %dma_wait3A_105] : memref<10000x128xf32, #tpu.memory_space<hbm>> -> memref<10000x128xf32, #tpu.memory_space<hbm>>
      tpu.wait_indirect_dma semaphore(%arg16 : memref<!tpu.dma_semaphore, #tpu.memory_space<semaphore_mem>>) src(%dma_wait3A_106 : memref<10000x128xf32, #tpu.memory_space<hbm>>) dst(%arg10 : memref<80x128xf32, #tpu.memory_space<vmem>>)
      %dma_wait3A_107 = arith.constant 0 : i32
      %dma_wait3A_108 = arith.constant 0 : i32
      %dma_wait3A_109 = tpu.memref_slice %arg3[%dma_wait3A_107, %dma_wait3A_108] : memref<10000x256xf32, #tpu.memory_space<hbm>> -> memref<10000x256xf32, #tpu.memory_space<hbm>>
      tpu.wait_indirect_dma semaphore(%arg16 : memref<!tpu.dma_semaphore, #tpu.memory_space<semaphore_mem>>) src(%dma_wait3A_109 : memref<10000x256xf32, #tpu.memory_space<hbm>>) dst(%arg11 : memref<80x256xf32, #tpu.memory_space<vmem>>)
      %scan3A_110 = arith.constant 0 : i32
      %scan3A_111 = arith.constant 0 : i32
      %scan3A_112 = arith.constant 5 : i32
      %scan3A_113 = arith.addi %scan3A_111, %scan3A_112 : i32
      %scan3A_114 = arith.constant 1 : i32
      scf.for %scan3A_128 = %scan3A_111 to %scan3A_113 step %scan3A_114  : i32 {
        %mul3A_129 = arith.constant 16 : i32
        %mul3A_130 = arith.muli %mul3A_129, %scan3A_128 : i32
        %add3A_131 = vector.broadcast %mul3A_130 : i32 to vector<16xi32>
        %add3A_132 = arith.addi %iota3A, %add3A_131 : vector<16xi32>
        %broadcast_in_dim3A_133 = arith.constant 0 : i32
        %broadcast_in_dim3A_134 = vector.broadcast %broadcast_in_dim3A_133 : i32 to vector<16xi32>
        %gather3A = tpu.vector_load_idx %arg10[%add3A_132, %broadcast_in_dim3A_134] : memref<80x128xf32, #tpu.memory_space<vmem>>[vector<16xi32>, vector<16xi32>], vector<16xf32>,
        %gather3A_135 = tpu.vector_load_idx %arg11[%add3A_132, %broadcast_in_dim3A_134] : memref<80x256xf32, #tpu.memory_space<vmem>>[vector<16xi32>, vector<16xi32>], vector<16xf32>,
        %mul3A_136 = arith.mulf %gather3A, %gather3A_135 : vector<16xf32>
        %add3A_137 = arith.addf %broadcast_in_dim3A_1, %mul3A_136 : vector<16xf32>
        %broadcast_in_dim3A_138 = arith.constant 1 : i32
        %broadcast_in_dim3A_139 = vector.broadcast %broadcast_in_dim3A_138 : i32 to vector<16xi32>
        %gather3A_140 = tpu.vector_load_idx %arg10[%add3A_132, %broadcast_in_dim3A_139] : memref<80x128xf32, #tpu.memory_space<vmem>>[vector<16xi32>, vector<16xi32>], vector<16xf32>,
        %gather3A_141 = tpu.vector_load_idx %arg11[%add3A_132, %broadcast_in_dim3A_139] : memref<80x256xf32, #tpu.memory_space<vmem>>[vector<16xi32>, vector<16xi32>], vector<16xf32>,
        %mul3A_142 = arith.mulf %gather3A_140, %gather3A_141 : vector<16xf32>
        %add3A_143 = arith.addf %add3A_137, %mul3A_142 : vector<16xf32>
        %broadcast_in_dim3A_144 = arith.constant 2 : i32
        %broadcast_in_dim3A_145 = vector.broadcast %broadcast_in_dim3A_144 : i32 to vector<16xi32>
        %gather3A_146 = tpu.vector_load_idx %arg10[%add3A_132, %broadcast_in_dim3A_145] : memref<80x128xf32, #tpu.memory_space<vmem>>[vector<16xi32>, vector<16xi32>], vector<16xf32>,
        %gather3A_147 = tpu.vector_load_idx %arg11[%add3A_132, %broadcast_in_dim3A_145] : memref<80x256xf32, #tpu.memory_space<vmem>>[vector<16xi32>, vector<16xi32>], vector<16xf32>,
        %mul3A_148 = arith.mulf %gather3A_146, %gather3A_147 : vector<16xf32>
        %add3A_149 = arith.addf %add3A_143, %mul3A_148 : vector<16xf32>
        %broadcast_in_dim3A_150 = arith.constant 3 : i32
        %broadcast_in_dim3A_151 = vector.broadcast %broadcast_in_dim3A_150 : i32 to vector<16xi32>
        %gather3A_152 = tpu.vector_load_idx %arg10[%add3A_132, %broadcast_in_dim3A_151] : memref<80x128xf32, #tpu.memory_space<vmem>>[vector<16xi32>, vector<16xi32>], vector<16xf32>,
        %gather3A_153 = tpu.vector_load_idx %arg11[%add3A_132, %broadcast_in_dim3A_151] : memref<80x256xf32, #tpu.memory_space<vmem>>[vector<16xi32>, vector<16xi32>], vector<16xf32>,
        %mul3A_154 = arith.mulf %gather3A_152, %gather3A_153 : vector<16xf32>
        %add3A_155 = arith.addf %add3A_149, %mul3A_154 : vector<16xf32>
        %broadcast_in_dim3A_156 = arith.constant 4 : i32
        %broadcast_in_dim3A_157 = vector.broadcast %broadcast_in_dim3A_156 : i32 to vector<16xi32>
        %gather3A_158 = tpu.vector_load_idx %arg10[%add3A_132, %broadcast_in_dim3A_157] : memref<80x128xf32, #tpu.memory_space<vmem>>[vector<16xi32>, vector<16xi32>], vector<16xf32>,
        %gather3A_159 = tpu.vector_load_idx %arg11[%add3A_132, %broadcast_in_dim3A_157] : memref<80x256xf32, #tpu.memory_space<vmem>>[vector<16xi32>, vector<16xi32>], vector<16xf32>,
        %mul3A_160 = arith.mulf %gather3A_158, %gather3A_159 : vector<16xf32>
        %add3A_161 = arith.addf %add3A_155, %mul3A_160 : vector<16xf32>
        %broadcast_in_dim3A_162 = arith.constant 5 : i32
        %broadcast_in_dim3A_163 = vector.broadcast %broadcast_in_dim3A_162 : i32 to vector<16xi32>
        %gather3A_164 = tpu.vector_load_idx %arg10[%add3A_132, %broadcast_in_dim3A_163] : memref<80x128xf32, #tpu.memory_space<vmem>>[vector<16xi32>, vector<16xi32>], vector<16xf32>,
        %gather3A_165 = tpu.vector_load_idx %arg11[%add3A_132, %broadcast_in_dim3A_163] : memref<80x256xf32, #tpu.memory_space<vmem>>[vector<16xi32>, vector<16xi32>], vector<16xf32>,
        %mul3A_166 = arith.mulf %gather3A_164, %gather3A_165 : vector<16xf32>
        %add3A_167 = arith.addf %add3A_161, %mul3A_166 : vector<16xf32>
        %broadcast_in_dim3A_168 = arith.constant 6 : i32
        %broadcast_in_dim3A_169 = vector.broadcast %broadcast_in_dim3A_168 : i32 to vector<16xi32>
        %gather3A_170 = tpu.vector_load_idx %arg10[%add3A_132, %broadcast_in_dim3A_169] : memref<80x128xf32, #tpu.memory_space<vmem>>[vector<16xi32>, vector<16xi32>], vector<16xf32>,
        %gather3A_171 = tpu.vector_load_idx %arg11[%add3A_132, %broadcast_in_dim3A_169] : memref<80x256xf32, #tpu.memory_space<vmem>>[vector<16xi32>, vector<16xi32>], vector<16xf32>,
        %mul3A_172 = arith.mulf %gather3A_170, %gather3A_171 : vector<16xf32>
        %add3A_173 = arith.addf %add3A_167, %mul3A_172 : vector<16xf32>
        %broadcast_in_dim3A_174 = arith.constant 7 : i32
        %broadcast_in_dim3A_175 = vector.broadcast %broadcast_in_dim3A_174 : i32 to vector<16xi32>
        %gather3A_176 = tpu.vector_load_idx %arg10[%add3A_132, %broadcast_in_dim3A_175] : memref<80x128xf32, #tpu.memory_space<vmem>>[vector<16xi32>, vector<16xi32>], vector<16xf32>,
        %gather3A_177 = tpu.vector_load_idx %arg11[%add3A_132, %broadcast_in_dim3A_175] : memref<80x256xf32, #tpu.memory_space<vmem>>[vector<16xi32>, vector<16xi32>], vector<16xf32>,
        %mul3A_178 = arith.mulf %gather3A_176, %gather3A_177 : vector<16xf32>
        %add3A_179 = arith.addf %add3A_173, %mul3A_178 : vector<16xf32>
        %broadcast_in_dim3A_180 = arith.constant 8 : i32
        %broadcast_in_dim3A_181 = vector.broadcast %broadcast_in_dim3A_180 : i32 to vector<16xi32>
        %gather3A_182 = tpu.vector_load_idx %arg10[%add3A_132, %broadcast_in_dim3A_181] : memref<80x128xf32, #tpu.memory_space<vmem>>[vector<16xi32>, vector<16xi32>], vector<16xf32>,
        %gather3A_183 = tpu.vector_load_idx %arg11[%add3A_132, %broadcast_in_dim3A_181] : memref<80x256xf32, #tpu.memory_space<vmem>>[vector<16xi32>, vector<16xi32>], vector<16xf32>,
        %mul3A_184 = arith.mulf %gather3A_182, %gather3A_183 : vector<16xf32>
        %add3A_185 = arith.addf %add3A_179, %mul3A_184 : vector<16xf32>
        %broadcast_in_dim3A_186 = arith.constant 9 : i32
        %broadcast_in_dim3A_187 = vector.broadcast %broadcast_in_dim3A_186 : i32 to vector<16xi32>
        %gather3A_188 = tpu.vector_load_idx %arg10[%add3A_132, %broadcast_in_dim3A_187] : memref<80x128xf32, #tpu.memory_space<vmem>>[vector<16xi32>, vector<16xi32>], vector<16xf32>,
        %gather3A_189 = tpu.vector_load_idx %arg11[%add3A_132, %broadcast_in_dim3A_187] : memref<80x256xf32, #tpu.memory_space<vmem>>[vector<16xi32>, vector<16xi32>], vector<16xf32>,
        %mul3A_190 = arith.mulf %gather3A_188, %gather3A_189 : vector<16xf32>
        %add3A_191 = arith.addf %add3A_185, %mul3A_190 : vector<16xf32>
        %broadcast_in_dim3A_192 = arith.constant 10 : i32
        %broadcast_in_dim3A_193 = vector.broadcast %broadcast_in_dim3A_192 : i32 to vector<16xi32>
        %gather3A_194 = tpu.vector_load_idx %arg10[%add3A_132, %broadcast_in_dim3A_193] : memref<80x128xf32, #tpu.memory_space<vmem>>[vector<16xi32>, vector<16xi32>], vector<16xf32>,
        %gather3A_195 = tpu.vector_load_idx %arg11[%add3A_132, %broadcast_in_dim3A_193] : memref<80x256xf32, #tpu.memory_space<vmem>>[vector<16xi32>, vector<16xi32>], vector<16xf32>,
        %mul3A_196 = arith.mulf %gather3A_194, %gather3A_195 : vector<16xf32>
        %add3A_197 = arith.addf %add3A_191, %mul3A_196 : vector<16xf32>
        %broadcast_in_dim3A_198 = arith.constant 11 : i32
        %broadcast_in_dim3A_199 = vector.broadcast %broadcast_in_dim3A_198 : i32 to vector<16xi32>
        %gather3A_200 = tpu.vector_load_idx %arg10[%add3A_132, %broadcast_in_dim3A_199] : memref<80x128xf32, #tpu.memory_space<vmem>>[vector<16xi32>, vector<16xi32>], vector<16xf32>,
        %gather3A_201 = tpu.vector_load_idx %arg11[%add3A_132, %broadcast_in_dim3A_199] : memref<80x256xf32, #tpu.memory_space<vmem>>[vector<16xi32>, vector<16xi32>], vector<16xf32>,
        %mul3A_202 = arith.mulf %gather3A_200, %gather3A_201 : vector<16xf32>
        %add3A_203 = arith.addf %add3A_197, %mul3A_202 : vector<16xf32>
        %broadcast_in_dim3A_204 = arith.constant 12 : i32
        %broadcast_in_dim3A_205 = vector.broadcast %broadcast_in_dim3A_204 : i32 to vector<16xi32>
        %gather3A_206 = tpu.vector_load_idx %arg10[%add3A_132, %broadcast_in_dim3A_205] : memref<80x128xf32, #tpu.memory_space<vmem>>[vector<16xi32>, vector<16xi32>], vector<16xf32>,
        %gather3A_207 = tpu.vector_load_idx %arg11[%add3A_132, %broadcast_in_dim3A_205] : memref<80x256xf32, #tpu.memory_space<vmem>>[vector<16xi32>, vector<16xi32>], vector<16xf32>,
        %mul3A_208 = arith.mulf %gather3A_206, %gather3A_207 : vector<16xf32>
        %add3A_209 = arith.addf %add3A_203, %mul3A_208 : vector<16xf32>
        %broadcast_in_dim3A_210 = arith.constant 13 : i32
        %broadcast_in_dim3A_211 = vector.broadcast %broadcast_in_dim3A_210 : i32 to vector<16xi32>
        %gather3A_212 = tpu.vector_load_idx %arg10[%add3A_132, %broadcast_in_dim3A_211] : memref<80x128xf32, #tpu.memory_space<vmem>>[vector<16xi32>, vector<16xi32>], vector<16xf32>,
        %gather3A_213 = tpu.vector_load_idx %arg11[%add3A_132, %broadcast_in_dim3A_211] : memref<80x256xf32, #tpu.memory_space<vmem>>[vector<16xi32>, vector<16xi32>], vector<16xf32>,
        %mul3A_214 = arith.mulf %gather3A_212, %gather3A_213 : vector<16xf32>
        %add3A_215 = arith.addf %add3A_209, %mul3A_214 : vector<16xf32>
        %broadcast_in_dim3A_216 = arith.constant 14 : i32
        %broadcast_in_dim3A_217 = vector.broadcast %broadcast_in_dim3A_216 : i32 to vector<16xi32>
        %gather3A_218 = tpu.vector_load_idx %arg10[%add3A_132, %broadcast_in_dim3A_217] : memref<80x128xf32, #tpu.memory_space<vmem>>[vector<16xi32>, vector<16xi32>], vector<16xf32>,
        %gather3A_219 = tpu.vector_load_idx %arg11[%add3A_132, %broadcast_in_dim3A_217] : memref<80x256xf32, #tpu.memory_space<vmem>>[vector<16xi32>, vector<16xi32>], vector<16xf32>,
        %mul3A_220 = arith.mulf %gather3A_218, %gather3A_219 : vector<16xf32>
        %add3A_221 = arith.addf %add3A_215, %mul3A_220 : vector<16xf32>
        %broadcast_in_dim3A_222 = arith.constant 15 : i32
        %broadcast_in_dim3A_223 = vector.broadcast %broadcast_in_dim3A_222 : i32 to vector<16xi32>
        %gather3A_224 = tpu.vector_load_idx %arg10[%add3A_132, %broadcast_in_dim3A_223] : memref<80x128xf32, #tpu.memory_space<vmem>>[vector<16xi32>, vector<16xi32>], vector<16xf32>,
        %gather3A_225 = tpu.vector_load_idx %arg11[%add3A_132, %broadcast_in_dim3A_223] : memref<80x256xf32, #tpu.memory_space<vmem>>[vector<16xi32>, vector<16xi32>], vector<16xf32>,
        %mul3A_226 = arith.mulf %gather3A_224, %gather3A_225 : vector<16xf32>
        %add3A_227 = arith.addf %add3A_221, %mul3A_226 : vector<16xf32>
        %exp3A = math.exp %add3A_227 : vector<16xf32>
        tpu.vector_store_idx %arg13[%add3A_132, %broadcast_in_dim3A_3], %exp3A : memref<80x8xf32, #tpu.memory_space<vmem>>[vector<16xi32>, vector<16xi32>], vector<16xf32>,
        %mul3A_228 = arith.constant 16 : i32
        %mul3A_229 = arith.muli %mul3A_228, %scan3A_128 : i32
        %add3A_230 = arith.constant 0 : i32
        %add3A_231 = arith.addi %mul3A_229, %add3A_230 : i32
        %get3A = arith.index_cast %add3A_231 : i32 to index
        %get3A_232 = arith.constant 128 : index
        %get3A_233 = tpu.vector_load %arg11[%get3A, %get3A_232] {strides = array<i32>} : memref<80x256xf32, #tpu.memory_space<vmem>>, vector<16xf32>,
        %slice3A = vector.extract_strided_slice %exp3A {offsets = [0], sizes = [1], strides = [1]} : vector<16xf32> to vector<1xf32>
        %squeeze3A = vector.extract %slice3A[0] : f32 from vector<1xf32>
        %mul3A_234 = vector.broadcast %squeeze3A : f32 to vector<16xf32>
        %mul3A_235 = arith.mulf %get3A_233, %mul3A_234 : vector<16xf32>
        %swap3A = arith.index_cast %add3A_231 : i32 to index
        %swap3A_236 = arith.constant 0 : index
        %swap3A_237 = tpu.vector_load %arg12[%swap3A, %swap3A_236] {strides = array<i32>} : memref<80x128xf32, #tpu.memory_space<vmem>>, vector<16xf32>,
        tpu.vector_store %arg12[%swap3A, %swap3A_236], %mul3A_235 {strides = array<i32>} : memref<80x128xf32, #tpu.memory_space<vmem>>, vector<16xf32>,
        %mul3A_238 = arith.constant 16 : i32
        %mul3A_239 = arith.muli %mul3A_238, %scan3A_128 : i32
        %add3A_240 = arith.constant 1 : i32
        %add3A_241 = arith.addi %mul3A_239, %add3A_240 : i32
        %get3A_242 = arith.index_cast %add3A_241 : i32 to index
        %get3A_243 = arith.constant 128 : index
        %get3A_244 = tpu.vector_load %arg11[%get3A_242, %get3A_243] {strides = array<i32>} : memref<80x256xf32, #tpu.memory_space<vmem>>, vector<16xf32>,
        %slice3A_245 = vector.extract_strided_slice %exp3A {offsets = [1], sizes = [1], strides = [1]} : vector<16xf32> to vector<1xf32>
        %squeeze3A_246 = vector.extract %slice3A_245[0] : f32 from vector<1xf32>
        %mul3A_247 = vector.broadcast %squeeze3A_246 : f32 to vector<16xf32>
        %mul3A_248 = arith.mulf %get3A_244, %mul3A_247 : vector<16xf32>
        %swap3A_249 = arith.index_cast %add3A_241 : i32 to index
        %swap3A_250 = arith.constant 0 : index
        %swap3A_251 = tpu.vector_load %arg12[%swap3A_249, %swap3A_250] {strides = array<i32>} : memref<80x128xf32, #tpu.memory_space<vmem>>, vector<16xf32>,
        tpu.vector_store %arg12[%swap3A_249, %swap3A_250], %mul3A_248 {strides = array<i32>} : memref<80x128xf32, #tpu.memory_space<vmem>>, vector<16xf32>,
        %mul3A_252 = arith.constant 16 : i32
        %mul3A_253 = arith.muli %mul3A_252, %scan3A_128 : i32
        %add3A_254 = arith.constant 2 : i32
        %add3A_255 = arith.addi %mul3A_253, %add3A_254 : i32
        %get3A_256 = arith.index_cast %add3A_255 : i32 to index
        %get3A_257 = arith.constant 128 : index
        %get3A_258 = tpu.vector_load %arg11[%get3A_256, %get3A_257] {strides = array<i32>} : memref<80x256xf32, #tpu.memory_space<vmem>>, vector<16xf32>,
        %slice3A_259 = vector.extract_strided_slice %exp3A {offsets = [2], sizes = [1], strides = [1]} : vector<16xf32> to vector<1xf32>
        %squeeze3A_260 = vector.extract %slice3A_259[0] : f32 from vector<1xf32>
        %mul3A_261 = vector.broadcast %squeeze3A_260 : f32 to vector<16xf32>
        %mul3A_262 = arith.mulf %get3A_258, %mul3A_261 : vector<16xf32>
        %swap3A_263 = arith.index_cast %add3A_255 : i32 to index
        %swap3A_264 = arith.constant 0 : index
        %swap3A_265 = tpu.vector_load %arg12[%swap3A_263, %swap3A_264] {strides = array<i32>} : memref<80x128xf32, #tpu.memory_space<vmem>>, vector<16xf32>,
        tpu.vector_store %arg12[%swap3A_263, %swap3A_264], %mul3A_262 {strides = array<i32>} : memref<80x128xf32, #tpu.memory_space<vmem>>, vector<16xf32>,
        %mul3A_266 = arith.constant 16 : i32
        %mul3A_267 = arith.muli %mul3A_266, %scan3A_128 : i32
        %add3A_268 = arith.constant 3 : i32
        %add3A_269 = arith.addi %mul3A_267, %add3A_268 : i32
        %get3A_270 = arith.index_cast %add3A_269 : i32 to index
        %get3A_271 = arith.constant 128 : index
        %get3A_272 = tpu.vector_load %arg11[%get3A_270, %get3A_271] {strides = array<i32>} : memref<80x256xf32, #tpu.memory_space<vmem>>, vector<16xf32>,
        %slice3A_273 = vector.extract_strided_slice %exp3A {offsets = [3], sizes = [1], strides = [1]} : vector<16xf32> to vector<1xf32>
        %squeeze3A_274 = vector.extract %slice3A_273[0] : f32 from vector<1xf32>
        %mul3A_275 = vector.broadcast %squeeze3A_274 : f32 to vector<16xf32>
        %mul3A_276 = arith.mulf %get3A_272, %mul3A_275 : vector<16xf32>
        %swap3A_277 = arith.index_cast %add3A_269 : i32 to index
        %swap3A_278 = arith.constant 0 : index
        %swap3A_279 = tpu.vector_load %arg12[%swap3A_277, %swap3A_278] {strides = array<i32>} : memref<80x128xf32, #tpu.memory_space<vmem>>, vector<16xf32>,
        tpu.vector_store %arg12[%swap3A_277, %swap3A_278], %mul3A_276 {strides = array<i32>} : memref<80x128xf32, #tpu.memory_space<vmem>>, vector<16xf32>,
        %mul3A_280 = arith.constant 16 : i32
        %mul3A_281 = arith.muli %mul3A_280, %scan3A_128 : i32
        %add3A_282 = arith.constant 4 : i32
        %add3A_283 = arith.addi %mul3A_281, %add3A_282 : i32
        %get3A_284 = arith.index_cast %add3A_283 : i32 to index
        %get3A_285 = arith.constant 128 : index
        %get3A_286 = tpu.vector_load %arg11[%get3A_284, %get3A_285] {strides = array<i32>} : memref<80x256xf32, #tpu.memory_space<vmem>>, vector<16xf32>,
        %slice3A_287 = vector.extract_strided_slice %exp3A {offsets = [4], sizes = [1], strides = [1]} : vector<16xf32> to vector<1xf32>
        %squeeze3A_288 = vector.extract %slice3A_287[0] : f32 from vector<1xf32>
        %mul3A_289 = vector.broadcast %squeeze3A_288 : f32 to vector<16xf32>
        %mul3A_290 = arith.mulf %get3A_286, %mul3A_289 : vector<16xf32>
        %swap3A_291 = arith.index_cast %add3A_283 : i32 to index
        %swap3A_292 = arith.constant 0 : index
        %swap3A_293 = tpu.vector_load %arg12[%swap3A_291, %swap3A_292] {strides = array<i32>} : memref<80x128xf32, #tpu.memory_space<vmem>>, vector<16xf32>,
        tpu.vector_store %arg12[%swap3A_291, %swap3A_292], %mul3A_290 {strides = array<i32>} : memref<80x128xf32, #tpu.memory_space<vmem>>, vector<16xf32>,
        %mul3A_294 = arith.constant 16 : i32
        %mul3A_295 = arith.muli %mul3A_294, %scan3A_128 : i32
        %add3A_296 = arith.constant 5 : i32
        %add3A_297 = arith.addi %mul3A_295, %add3A_296 : i32
        %get3A_298 = arith.index_cast %add3A_297 : i32 to index
        %get3A_299 = arith.constant 128 : index
        %get3A_300 = tpu.vector_load %arg11[%get3A_298, %get3A_299] {strides = array<i32>} : memref<80x256xf32, #tpu.memory_space<vmem>>, vector<16xf32>,
        %slice3A_301 = vector.extract_strided_slice %exp3A {offsets = [5], sizes = [1], strides = [1]} : vector<16xf32> to vector<1xf32>
        %squeeze3A_302 = vector.extract %slice3A_301[0] : f32 from vector<1xf32>
        %mul3A_303 = vector.broadcast %squeeze3A_302 : f32 to vector<16xf32>
        %mul3A_304 = arith.mulf %get3A_300, %mul3A_303 : vector<16xf32>
        %swap3A_305 = arith.index_cast %add3A_297 : i32 to index
        %swap3A_306 = arith.constant 0 : index
        %swap3A_307 = tpu.vector_load %arg12[%swap3A_305, %swap3A_306] {strides = array<i32>} : memref<80x128xf32, #tpu.memory_space<vmem>>, vector<16xf32>,
        tpu.vector_store %arg12[%swap3A_305, %swap3A_306], %mul3A_304 {strides = array<i32>} : memref<80x128xf32, #tpu.memory_space<vmem>>, vector<16xf32>,
        %mul3A_308 = arith.constant 16 : i32
        %mul3A_309 = arith.muli %mul3A_308, %scan3A_128 : i32
        %add3A_310 = arith.constant 6 : i32
        %add3A_311 = arith.addi %mul3A_309, %add3A_310 : i32
        %get3A_312 = arith.index_cast %add3A_311 : i32 to index
        %get3A_313 = arith.constant 128 : index
        %get3A_314 = tpu.vector_load %arg11[%get3A_312, %get3A_313] {strides = array<i32>} : memref<80x256xf32, #tpu.memory_space<vmem>>, vector<16xf32>,
        %slice3A_315 = vector.extract_strided_slice %exp3A {offsets = [6], sizes = [1], strides = [1]} : vector<16xf32> to vector<1xf32>
        %squeeze3A_316 = vector.extract %slice3A_315[0] : f32 from vector<1xf32>
        %mul3A_317 = vector.broadcast %squeeze3A_316 : f32 to vector<16xf32>
        %mul3A_318 = arith.mulf %get3A_314, %mul3A_317 : vector<16xf32>
        %swap3A_319 = arith.index_cast %add3A_311 : i32 to index
        %swap3A_320 = arith.constant 0 : index
        %swap3A_321 = tpu.vector_load %arg12[%swap3A_319, %swap3A_320] {strides = array<i32>} : memref<80x128xf32, #tpu.memory_space<vmem>>, vector<16xf32>,
        tpu.vector_store %arg12[%swap3A_319, %swap3A_320], %mul3A_318 {strides = array<i32>} : memref<80x128xf32, #tpu.memory_space<vmem>>, vector<16xf32>,
        %mul3A_322 = arith.constant 16 : i32
        %mul3A_323 = arith.muli %mul3A_322, %scan3A_128 : i32
        %add3A_324 = arith.constant 7 : i32
        %add3A_325 = arith.addi %mul3A_323, %add3A_324 : i32
        %get3A_326 = arith.index_cast %add3A_325 : i32 to index
        %get3A_327 = arith.constant 128 : index
        %get3A_328 = tpu.vector_load %arg11[%get3A_326, %get3A_327] {strides = array<i32>} : memref<80x256xf32, #tpu.memory_space<vmem>>, vector<16xf32>,
        %slice3A_329 = vector.extract_strided_slice %exp3A {offsets = [7], sizes = [1], strides = [1]} : vector<16xf32> to vector<1xf32>
        %squeeze3A_330 = vector.extract %slice3A_329[0] : f32 from vector<1xf32>
        %mul3A_331 = vector.broadcast %squeeze3A_330 : f32 to vector<16xf32>
        %mul3A_332 = arith.mulf %get3A_328, %mul3A_331 : vector<16xf32>
        %swap3A_333 = arith.index_cast %add3A_325 : i32 to index
        %swap3A_334 = arith.constant 0 : index
        %swap3A_335 = tpu.vector_load %arg12[%swap3A_333, %swap3A_334] {strides = array<i32>} : memref<80x128xf32, #tpu.memory_space<vmem>>, vector<16xf32>,
        tpu.vector_store %arg12[%swap3A_333, %swap3A_334], %mul3A_332 {strides = array<i32>} : memref<80x128xf32, #tpu.memory_space<vmem>>, vector<16xf32>,
        %mul3A_336 = arith.constant 16 : i32
        %mul3A_337 = arith.muli %mul3A_336, %scan3A_128 : i32
        %add3A_338 = arith.constant 8 : i32
        %add3A_339 = arith.addi %mul3A_337, %add3A_338 : i32
        %get3A_340 = arith.index_cast %add3A_339 : i32 to index
        %get3A_341 = arith.constant 128 : index
        %get3A_342 = tpu.vector_load %arg11[%get3A_340, %get3A_341] {strides = array<i32>} : memref<80x256xf32, #tpu.memory_space<vmem>>, vector<16xf32>,
        %slice3A_343 = vector.extract_strided_slice %exp3A {offsets = [8], sizes = [1], strides = [1]} : vector<16xf32> to vector<1xf32>
        %squeeze3A_344 = vector.extract %slice3A_343[0] : f32 from vector<1xf32>
        %mul3A_345 = vector.broadcast %squeeze3A_344 : f32 to vector<16xf32>
        %mul3A_346 = arith.mulf %get3A_342, %mul3A_345 : vector<16xf32>
        %swap3A_347 = arith.index_cast %add3A_339 : i32 to index
        %swap3A_348 = arith.constant 0 : index
        %swap3A_349 = tpu.vector_load %arg12[%swap3A_347, %swap3A_348] {strides = array<i32>} : memref<80x128xf32, #tpu.memory_space<vmem>>, vector<16xf32>,
        tpu.vector_store %arg12[%swap3A_347, %swap3A_348], %mul3A_346 {strides = array<i32>} : memref<80x128xf32, #tpu.memory_space<vmem>>, vector<16xf32>,
        %mul3A_350 = arith.constant 16 : i32
        %mul3A_351 = arith.muli %mul3A_350, %scan3A_128 : i32
        %add3A_352 = arith.constant 9 : i32
        %add3A_353 = arith.addi %mul3A_351, %add3A_352 : i32
        %get3A_354 = arith.index_cast %add3A_353 : i32 to index
        %get3A_355 = arith.constant 128 : index
        %get3A_356 = tpu.vector_load %arg11[%get3A_354, %get3A_355] {strides = array<i32>} : memref<80x256xf32, #tpu.memory_space<vmem>>, vector<16xf32>,
        %slice3A_357 = vector.extract_strided_slice %exp3A {offsets = [9], sizes = [1], strides = [1]} : vector<16xf32> to vector<1xf32>
        %squeeze3A_358 = vector.extract %slice3A_357[0] : f32 from vector<1xf32>
        %mul3A_359 = vector.broadcast %squeeze3A_358 : f32 to vector<16xf32>
        %mul3A_360 = arith.mulf %get3A_356, %mul3A_359 : vector<16xf32>
        %swap3A_361 = arith.index_cast %add3A_353 : i32 to index
        %swap3A_362 = arith.constant 0 : index
        %swap3A_363 = tpu.vector_load %arg12[%swap3A_361, %swap3A_362] {strides = array<i32>} : memref<80x128xf32, #tpu.memory_space<vmem>>, vector<16xf32>,
        tpu.vector_store %arg12[%swap3A_361, %swap3A_362], %mul3A_360 {strides = array<i32>} : memref<80x128xf32, #tpu.memory_space<vmem>>, vector<16xf32>,
        %mul3A_364 = arith.constant 16 : i32
        %mul3A_365 = arith.muli %mul3A_364, %scan3A_128 : i32
        %add3A_366 = arith.constant 10 : i32
        %add3A_367 = arith.addi %mul3A_365, %add3A_366 : i32
        %get3A_368 = arith.index_cast %add3A_367 : i32 to index
        %get3A_369 = arith.constant 128 : index
        %get3A_370 = tpu.vector_load %arg11[%get3A_368, %get3A_369] {strides = array<i32>} : memref<80x256xf32, #tpu.memory_space<vmem>>, vector<16xf32>,
        %slice3A_371 = vector.extract_strided_slice %exp3A {offsets = [10], sizes = [1], strides = [1]} : vector<16xf32> to vector<1xf32>
        %squeeze3A_372 = vector.extract %slice3A_371[0] : f32 from vector<1xf32>
        %mul3A_373 = vector.broadcast %squeeze3A_372 : f32 to vector<16xf32>
        %mul3A_374 = arith.mulf %get3A_370, %mul3A_373 : vector<16xf32>
        %swap3A_375 = arith.index_cast %add3A_367 : i32 to index
        %swap3A_376 = arith.constant 0 : index
        %swap3A_377 = tpu.vector_load %arg12[%swap3A_375, %swap3A_376] {strides = array<i32>} : memref<80x128xf32, #tpu.memory_space<vmem>>, vector<16xf32>,
        tpu.vector_store %arg12[%swap3A_375, %swap3A_376], %mul3A_374 {strides = array<i32>} : memref<80x128xf32, #tpu.memory_space<vmem>>, vector<16xf32>,
        %mul3A_378 = arith.constant 16 : i32
        %mul3A_379 = arith.muli %mul3A_378, %scan3A_128 : i32
        %add3A_380 = arith.constant 11 : i32
        %add3A_381 = arith.addi %mul3A_379, %add3A_380 : i32
        %get3A_382 = arith.index_cast %add3A_381 : i32 to index
        %get3A_383 = arith.constant 128 : index
        %get3A_384 = tpu.vector_load %arg11[%get3A_382, %get3A_383] {strides = array<i32>} : memref<80x256xf32, #tpu.memory_space<vmem>>, vector<16xf32>,
        %slice3A_385 = vector.extract_strided_slice %exp3A {offsets = [11], sizes = [1], strides = [1]} : vector<16xf32> to vector<1xf32>
        %squeeze3A_386 = vector.extract %slice3A_385[0] : f32 from vector<1xf32>
        %mul3A_387 = vector.broadcast %squeeze3A_386 : f32 to vector<16xf32>
        %mul3A_388 = arith.mulf %get3A_384, %mul3A_387 : vector<16xf32>
        %swap3A_389 = arith.index_cast %add3A_381 : i32 to index
        %swap3A_390 = arith.constant 0 : index
        %swap3A_391 = tpu.vector_load %arg12[%swap3A_389, %swap3A_390] {strides = array<i32>} : memref<80x128xf32, #tpu.memory_space<vmem>>, vector<16xf32>,
        tpu.vector_store %arg12[%swap3A_389, %swap3A_390], %mul3A_388 {strides = array<i32>} : memref<80x128xf32, #tpu.memory_space<vmem>>, vector<16xf32>,
        %mul3A_392 = arith.constant 16 : i32
        %mul3A_393 = arith.muli %mul3A_392, %scan3A_128 : i32
        %add3A_394 = arith.constant 12 : i32
        %add3A_395 = arith.addi %mul3A_393, %add3A_394 : i32
        %get3A_396 = arith.index_cast %add3A_395 : i32 to index
        %get3A_397 = arith.constant 128 : index
        %get3A_398 = tpu.vector_load %arg11[%get3A_396, %get3A_397] {strides = array<i32>} : memref<80x256xf32, #tpu.memory_space<vmem>>, vector<16xf32>,
        %slice3A_399 = vector.extract_strided_slice %exp3A {offsets = [12], sizes = [1], strides = [1]} : vector<16xf32> to vector<1xf32>
        %squeeze3A_400 = vector.extract %slice3A_399[0] : f32 from vector<1xf32>
        %mul3A_401 = vector.broadcast %squeeze3A_400 : f32 to vector<16xf32>
        %mul3A_402 = arith.mulf %get3A_398, %mul3A_401 : vector<16xf32>
        %swap3A_403 = arith.index_cast %add3A_395 : i32 to index
        %swap3A_404 = arith.constant 0 : index
        %swap3A_405 = tpu.vector_load %arg12[%swap3A_403, %swap3A_404] {strides = array<i32>} : memref<80x128xf32, #tpu.memory_space<vmem>>, vector<16xf32>,
        tpu.vector_store %arg12[%swap3A_403, %swap3A_404], %mul3A_402 {strides = array<i32>} : memref<80x128xf32, #tpu.memory_space<vmem>>, vector<16xf32>,
        %mul3A_406 = arith.constant 16 : i32
        %mul3A_407 = arith.muli %mul3A_406, %scan3A_128 : i32
        %add3A_408 = arith.constant 13 : i32
        %add3A_409 = arith.addi %mul3A_407, %add3A_408 : i32
        %get3A_410 = arith.index_cast %add3A_409 : i32 to index
        %get3A_411 = arith.constant 128 : index
        %get3A_412 = tpu.vector_load %arg11[%get3A_410, %get3A_411] {strides = array<i32>} : memref<80x256xf32, #tpu.memory_space<vmem>>, vector<16xf32>,
        %slice3A_413 = vector.extract_strided_slice %exp3A {offsets = [13], sizes = [1], strides = [1]} : vector<16xf32> to vector<1xf32>
        %squeeze3A_414 = vector.extract %slice3A_413[0] : f32 from vector<1xf32>
        %mul3A_415 = vector.broadcast %squeeze3A_414 : f32 to vector<16xf32>
        %mul3A_416 = arith.mulf %get3A_412, %mul3A_415 : vector<16xf32>
        %swap3A_417 = arith.index_cast %add3A_409 : i32 to index
        %swap3A_418 = arith.constant 0 : index
        %swap3A_419 = tpu.vector_load %arg12[%swap3A_417, %swap3A_418] {strides = array<i32>} : memref<80x128xf32, #tpu.memory_space<vmem>>, vector<16xf32>,
        tpu.vector_store %arg12[%swap3A_417, %swap3A_418], %mul3A_416 {strides = array<i32>} : memref<80x128xf32, #tpu.memory_space<vmem>>, vector<16xf32>,
        %mul3A_420 = arith.constant 16 : i32
        %mul3A_421 = arith.muli %mul3A_420, %scan3A_128 : i32
        %add3A_422 = arith.constant 14 : i32
        %add3A_423 = arith.addi %mul3A_421, %add3A_422 : i32
        %get3A_424 = arith.index_cast %add3A_423 : i32 to index
        %get3A_425 = arith.constant 128 : index
        %get3A_426 = tpu.vector_load %arg11[%get3A_424, %get3A_425] {strides = array<i32>} : memref<80x256xf32, #tpu.memory_space<vmem>>, vector<16xf32>,
        %slice3A_427 = vector.extract_strided_slice %exp3A {offsets = [14], sizes = [1], strides = [1]} : vector<16xf32> to vector<1xf32>
        %squeeze3A_428 = vector.extract %slice3A_427[0] : f32 from vector<1xf32>
        %mul3A_429 = vector.broadcast %squeeze3A_428 : f32 to vector<16xf32>
        %mul3A_430 = arith.mulf %get3A_426, %mul3A_429 : vector<16xf32>
        %swap3A_431 = arith.index_cast %add3A_423 : i32 to index
        %swap3A_432 = arith.constant 0 : index
        %swap3A_433 = tpu.vector_load %arg12[%swap3A_431, %swap3A_432] {strides = array<i32>} : memref<80x128xf32, #tpu.memory_space<vmem>>, vector<16xf32>,
        tpu.vector_store %arg12[%swap3A_431, %swap3A_432], %mul3A_430 {strides = array<i32>} : memref<80x128xf32, #tpu.memory_space<vmem>>, vector<16xf32>,
        %mul3A_434 = arith.constant 16 : i32
        %mul3A_435 = arith.muli %mul3A_434, %scan3A_128 : i32
        %add3A_436 = arith.constant 15 : i32
        %add3A_437 = arith.addi %mul3A_435, %add3A_436 : i32
        %get3A_438 = arith.index_cast %add3A_437 : i32 to index
        %get3A_439 = arith.constant 128 : index
        %get3A_440 = tpu.vector_load %arg11[%get3A_438, %get3A_439] {strides = array<i32>} : memref<80x256xf32, #tpu.memory_space<vmem>>, vector<16xf32>,
        %slice3A_441 = vector.extract_strided_slice %exp3A {offsets = [15], sizes = [1], strides = [1]} : vector<16xf32> to vector<1xf32>
        %squeeze3A_442 = vector.extract %slice3A_441[0] : f32 from vector<1xf32>
        %mul3A_443 = vector.broadcast %squeeze3A_442 : f32 to vector<16xf32>
        %mul3A_444 = arith.mulf %get3A_440, %mul3A_443 : vector<16xf32>
        %swap3A_445 = arith.index_cast %add3A_437 : i32 to index
        %swap3A_446 = arith.constant 0 : index
        %swap3A_447 = tpu.vector_load %arg12[%swap3A_445, %swap3A_446] {strides = array<i32>} : memref<80x128xf32, #tpu.memory_space<vmem>>, vector<16xf32>,
        tpu.vector_store %arg12[%swap3A_445, %swap3A_446], %mul3A_444 {strides = array<i32>} : memref<80x128xf32, #tpu.memory_space<vmem>>, vector<16xf32>,
        %broadcast_in_dim3A_448 = arith.constant 16 : i32
        %broadcast_in_dim3A_449 = vector.broadcast %broadcast_in_dim3A_448 : i32 to vector<16xi32>
        %gather3A_450 = tpu.vector_load_idx %arg10[%add3A_132, %broadcast_in_dim3A_449] : memref<80x128xf32, #tpu.memory_space<vmem>>[vector<16xi32>, vector<16xi32>], vector<16xf32>,
        %gather3A_451 = tpu.vector_load_idx %arg11[%add3A_132, %broadcast_in_dim3A_449] : memref<80x256xf32, #tpu.memory_space<vmem>>[vector<16xi32>, vector<16xi32>], vector<16xf32>,
        %mul3A_452 = arith.mulf %gather3A_450, %gather3A_451 : vector<16xf32>
        %add3A_453 = arith.addf %broadcast_in_dim3A_1, %mul3A_452 : vector<16xf32>
        %broadcast_in_dim3A_454 = arith.constant 17 : i32
        %broadcast_in_dim3A_455 = vector.broadcast %broadcast_in_dim3A_454 : i32 to vector<16xi32>
        %gather3A_456 = tpu.vector_load_idx %arg10[%add3A_132, %broadcast_in_dim3A_455] : memref<80x128xf32, #tpu.memory_space<vmem>>[vector<16xi32>, vector<16xi32>], vector<16xf32>,
        %gather3A_457 = tpu.vector_load_idx %arg11[%add3A_132, %broadcast_in_dim3A_455] : memref<80x256xf32, #tpu.memory_space<vmem>>[vector<16xi32>, vector<16xi32>], vector<16xf32>,
        %mul3A_458 = arith.mulf %gather3A_456, %gather3A_457 : vector<16xf32>
        %add3A_459 = arith.addf %add3A_453, %mul3A_458 : vector<16xf32>
        %broadcast_in_dim3A_460 = arith.constant 18 : i32
        %broadcast_in_dim3A_461 = vector.broadcast %broadcast_in_dim3A_460 : i32 to vector<16xi32>
        %gather3A_462 = tpu.vector_load_idx %arg10[%add3A_132, %broadcast_in_dim3A_461] : memref<80x128xf32, #tpu.memory_space<vmem>>[vector<16xi32>, vector<16xi32>], vector<16xf32>,
        %gather3A_463 = tpu.vector_load_idx %arg11[%add3A_132, %broadcast_in_dim3A_461] : memref<80x256xf32, #tpu.memory_space<vmem>>[vector<16xi32>, vector<16xi32>], vector<16xf32>,
        %mul3A_464 = arith.mulf %gather3A_462, %gather3A_463 : vector<16xf32>
        %add3A_465 = arith.addf %add3A_459, %mul3A_464 : vector<16xf32>
        %broadcast_in_dim3A_466 = arith.constant 19 : i32
        %broadcast_in_dim3A_467 = vector.broadcast %broadcast_in_dim3A_466 : i32 to vector<16xi32>
        %gather3A_468 = tpu.vector_load_idx %arg10[%add3A_132, %broadcast_in_dim3A_467] : memref<80x128xf32, #tpu.memory_space<vmem>>[vector<16xi32>, vector<16xi32>], vector<16xf32>,
        %gather3A_469 = tpu.vector_load_idx %arg11[%add3A_132, %broadcast_in_dim3A_467] : memref<80x256xf32, #tpu.memory_space<vmem>>[vector<16xi32>, vector<16xi32>], vector<16xf32>,
        %mul3A_470 = arith.mulf %gather3A_468, %gather3A_469 : vector<16xf32>
        %add3A_471 = arith.addf %add3A_465, %mul3A_470 : vector<16xf32>
        %broadcast_in_dim3A_472 = arith.constant 20 : i32
        %broadcast_in_dim3A_473 = vector.broadcast %broadcast_in_dim3A_472 : i32 to vector<16xi32>
        %gather3A_474 = tpu.vector_load_idx %arg10[%add3A_132, %broadcast_in_dim3A_473] : memref<80x128xf32, #tpu.memory_space<vmem>>[vector<16xi32>, vector<16xi32>], vector<16xf32>,
        %gather3A_475 = tpu.vector_load_idx %arg11[%add3A_132, %broadcast_in_dim3A_473] : memref<80x256xf32, #tpu.memory_space<vmem>>[vector<16xi32>, vector<16xi32>], vector<16xf32>,
        %mul3A_476 = arith.mulf %gather3A_474, %gather3A_475 : vector<16xf32>
        %add3A_477 = arith.addf %add3A_471, %mul3A_476 : vector<16xf32>
        %broadcast_in_dim3A_478 = arith.constant 21 : i32
        %broadcast_in_dim3A_479 = vector.broadcast %broadcast_in_dim3A_478 : i32 to vector<16xi32>
        %gather3A_480 = tpu.vector_load_idx %arg10[%add3A_132, %broadcast_in_dim3A_479] : memref<80x128xf32, #tpu.memory_space<vmem>>[vector<16xi32>, vector<16xi32>], vector<16xf32>,
        %gather3A_481 = tpu.vector_load_idx %arg11[%add3A_132, %broadcast_in_dim3A_479] : memref<80x256xf32, #tpu.memory_space<vmem>>[vector<16xi32>, vector<16xi32>], vector<16xf32>,
        %mul3A_482 = arith.mulf %gather3A_480, %gather3A_481 : vector<16xf32>
        %add3A_483 = arith.addf %add3A_477, %mul3A_482 : vector<16xf32>
        %broadcast_in_dim3A_484 = arith.constant 22 : i32
        %broadcast_in_dim3A_485 = vector.broadcast %broadcast_in_dim3A_484 : i32 to vector<16xi32>
        %gather3A_486 = tpu.vector_load_idx %arg10[%add3A_132, %broadcast_in_dim3A_485] : memref<80x128xf32, #tpu.memory_space<vmem>>[vector<16xi32>, vector<16xi32>], vector<16xf32>,
        %gather3A_487 = tpu.vector_load_idx %arg11[%add3A_132, %broadcast_in_dim3A_485] : memref<80x256xf32, #tpu.memory_space<vmem>>[vector<16xi32>, vector<16xi32>], vector<16xf32>,
        %mul3A_488 = arith.mulf %gather3A_486, %gather3A_487 : vector<16xf32>
        %add3A_489 = arith.addf %add3A_483, %mul3A_488 : vector<16xf32>
        %broadcast_in_dim3A_490 = arith.constant 23 : i32
        %broadcast_in_dim3A_491 = vector.broadcast %broadcast_in_dim3A_490 : i32 to vector<16xi32>
        %gather3A_492 = tpu.vector_load_idx %arg10[%add3A_132, %broadcast_in_dim3A_491] : memref<80x128xf32, #tpu.memory_space<vmem>>[vector<16xi32>, vector<16xi32>], vector<16xf32>,
        %gather3A_493 = tpu.vector_load_idx %arg11[%add3A_132, %broadcast_in_dim3A_491] : memref<80x256xf32, #tpu.memory_space<vmem>>[vector<16xi32>, vector<16xi32>], vector<16xf32>,
        %mul3A_494 = arith.mulf %gather3A_492, %gather3A_493 : vector<16xf32>
        %add3A_495 = arith.addf %add3A_489, %mul3A_494 : vector<16xf32>
        %broadcast_in_dim3A_496 = arith.constant 24 : i32
        %broadcast_in_dim3A_497 = vector.broadcast %broadcast_in_dim3A_496 : i32 to vector<16xi32>
        %gather3A_498 = tpu.vector_load_idx %arg10[%add3A_132, %broadcast_in_dim3A_497] : memref<80x128xf32, #tpu.memory_space<vmem>>[vector<16xi32>, vector<16xi32>], vector<16xf32>,
        %gather3A_499 = tpu.vector_load_idx %arg11[%add3A_132, %broadcast_in_dim3A_497] : memref<80x256xf32, #tpu.memory_space<vmem>>[vector<16xi32>, vector<16xi32>], vector<16xf32>,
        %mul3A_500 = arith.mulf %gather3A_498, %gather3A_499 : vector<16xf32>
        %add3A_501 = arith.addf %add3A_495, %mul3A_500 : vector<16xf32>
        %broadcast_in_dim3A_502 = arith.constant 25 : i32
        %broadcast_in_dim3A_503 = vector.broadcast %broadcast_in_dim3A_502 : i32 to vector<16xi32>
        %gather3A_504 = tpu.vector_load_idx %arg10[%add3A_132, %broadcast_in_dim3A_503] : memref<80x128xf32, #tpu.memory_space<vmem>>[vector<16xi32>, vector<16xi32>], vector<16xf32>,
        %gather3A_505 = tpu.vector_load_idx %arg11[%add3A_132, %broadcast_in_dim3A_503] : memref<80x256xf32, #tpu.memory_space<vmem>>[vector<16xi32>, vector<16xi32>], vector<16xf32>,
        %mul3A_506 = arith.mulf %gather3A_504, %gather3A_505 : vector<16xf32>
        %add3A_507 = arith.addf %add3A_501, %mul3A_506 : vector<16xf32>
        %broadcast_in_dim3A_508 = arith.constant 26 : i32
        %broadcast_in_dim3A_509 = vector.broadcast %broadcast_in_dim3A_508 : i32 to vector<16xi32>
        %gather3A_510 = tpu.vector_load_idx %arg10[%add3A_132, %broadcast_in_dim3A_509] : memref<80x128xf32, #tpu.memory_space<vmem>>[vector<16xi32>, vector<16xi32>], vector<16xf32>,
        %gather3A_511 = tpu.vector_load_idx %arg11[%add3A_132, %broadcast_in_dim3A_509] : memref<80x256xf32, #tpu.memory_space<vmem>>[vector<16xi32>, vector<16xi32>], vector<16xf32>,
        %mul3A_512 = arith.mulf %gather3A_510, %gather3A_511 : vector<16xf32>
        %add3A_513 = arith.addf %add3A_507, %mul3A_512 : vector<16xf32>
        %broadcast_in_dim3A_514 = arith.constant 27 : i32
        %broadcast_in_dim3A_515 = vector.broadcast %broadcast_in_dim3A_514 : i32 to vector<16xi32>
        %gather3A_516 = tpu.vector_load_idx %arg10[%add3A_132, %broadcast_in_dim3A_515] : memref<80x128xf32, #tpu.memory_space<vmem>>[vector<16xi32>, vector<16xi32>], vector<16xf32>,
        %gather3A_517 = tpu.vector_load_idx %arg11[%add3A_132, %broadcast_in_dim3A_515] : memref<80x256xf32, #tpu.memory_space<vmem>>[vector<16xi32>, vector<16xi32>], vector<16xf32>,
        %mul3A_518 = arith.mulf %gather3A_516, %gather3A_517 : vector<16xf32>
        %add3A_519 = arith.addf %add3A_513, %mul3A_518 : vector<16xf32>
        %broadcast_in_dim3A_520 = arith.constant 28 : i32
        %broadcast_in_dim3A_521 = vector.broadcast %broadcast_in_dim3A_520 : i32 to vector<16xi32>
        %gather3A_522 = tpu.vector_load_idx %arg10[%add3A_132, %broadcast_in_dim3A_521] : memref<80x128xf32, #tpu.memory_space<vmem>>[vector<16xi32>, vector<16xi32>], vector<16xf32>,
        %gather3A_523 = tpu.vector_load_idx %arg11[%add3A_132, %broadcast_in_dim3A_521] : memref<80x256xf32, #tpu.memory_space<vmem>>[vector<16xi32>, vector<16xi32>], vector<16xf32>,
        %mul3A_524 = arith.mulf %gather3A_522, %gather3A_523 : vector<16xf32>
        %add3A_525 = arith.addf %add3A_519, %mul3A_524 : vector<16xf32>
        %broadcast_in_dim3A_526 = arith.constant 29 : i32
        %broadcast_in_dim3A_527 = vector.broadcast %broadcast_in_dim3A_526 : i32 to vector<16xi32>
        %gather3A_528 = tpu.vector_load_idx %arg10[%add3A_132, %broadcast_in_dim3A_527] : memref<80x128xf32, #tpu.memory_space<vmem>>[vector<16xi32>, vector<16xi32>], vector<16xf32>,
        %gather3A_529 = tpu.vector_load_idx %arg11[%add3A_132, %broadcast_in_dim3A_527] : memref<80x256xf32, #tpu.memory_space<vmem>>[vector<16xi32>, vector<16xi32>], vector<16xf32>,
        %mul3A_530 = arith.mulf %gather3A_528, %gather3A_529 : vector<16xf32>
        %add3A_531 = arith.addf %add3A_525, %mul3A_530 : vector<16xf32>
        %broadcast_in_dim3A_532 = arith.constant 30 : i32
        %broadcast_in_dim3A_533 = vector.broadcast %broadcast_in_dim3A_532 : i32 to vector<16xi32>
        %gather3A_534 = tpu.vector_load_idx %arg10[%add3A_132, %broadcast_in_dim3A_533] : memref<80x128xf32, #tpu.memory_space<vmem>>[vector<16xi32>, vector<16xi32>], vector<16xf32>,
        %gather3A_535 = tpu.vector_load_idx %arg11[%add3A_132, %broadcast_in_dim3A_533] : memref<80x256xf32, #tpu.memory_space<vmem>>[vector<16xi32>, vector<16xi32>], vector<16xf32>,
        %mul3A_536 = arith.mulf %gather3A_534, %gather3A_535 : vector<16xf32>
        %add3A_537 = arith.addf %add3A_531, %mul3A_536 : vector<16xf32>
        %broadcast_in_dim3A_538 = arith.constant 31 : i32
        %broadcast_in_dim3A_539 = vector.broadcast %broadcast_in_dim3A_538 : i32 to vector<16xi32>
        %gather3A_540 = tpu.vector_load_idx %arg10[%add3A_132, %broadcast_in_dim3A_539] : memref<80x128xf32, #tpu.memory_space<vmem>>[vector<16xi32>, vector<16xi32>], vector<16xf32>,
        %gather3A_541 = tpu.vector_load_idx %arg11[%add3A_132, %broadcast_in_dim3A_539] : memref<80x256xf32, #tpu.memory_space<vmem>>[vector<16xi32>, vector<16xi32>], vector<16xf32>,
        %mul3A_542 = arith.mulf %gather3A_540, %gather3A_541 : vector<16xf32>
        %add3A_543 = arith.addf %add3A_537, %mul3A_542 : vector<16xf32>
        %exp3A_544 = math.exp %add3A_543 : vector<16xf32>
        tpu.vector_store_idx %arg13[%add3A_132, %broadcast_in_dim3A_5], %exp3A_544 : memref<80x8xf32, #tpu.memory_space<vmem>>[vector<16xi32>, vector<16xi32>], vector<16xf32>,
        %mul3A_545 = arith.constant 16 : i32
        %mul3A_546 = arith.muli %mul3A_545, %scan3A_128 : i32
        %add3A_547 = arith.constant 0 : i32
        %add3A_548 = arith.addi %mul3A_546, %add3A_547 : i32
        %get3A_549 = arith.index_cast %add3A_548 : i32 to index
        %get3A_550 = arith.constant 144 : index
        %get3A_551 = tpu.vector_load %arg11[%get3A_549, %get3A_550] {strides = array<i32>} : memref<80x256xf32, #tpu.memory_space<vmem>>, vector<16xf32>,
        %slice3A_552 = vector.extract_strided_slice %exp3A_544 {offsets = [0], sizes = [1], strides = [1]} : vector<16xf32> to vector<1xf32>
        %squeeze3A_553 = vector.extract %slice3A_552[0] : f32 from vector<1xf32>
        %mul3A_554 = vector.broadcast %squeeze3A_553 : f32 to vector<16xf32>
        %mul3A_555 = arith.mulf %get3A_551, %mul3A_554 : vector<16xf32>
        %swap3A_556 = arith.index_cast %add3A_548 : i32 to index
        %swap3A_557 = arith.constant 16 : index
        %swap3A_558 = tpu.vector_load %arg12[%swap3A_556, %swap3A_557] {strides = array<i32>} : memref<80x128xf32, #tpu.memory_space<vmem>>, vector<16xf32>,
        tpu.vector_store %arg12[%swap3A_556, %swap3A_557], %mul3A_555 {strides = array<i32>} : memref<80x128xf32, #tpu.memory_space<vmem>>, vector<16xf32>,
        %mul3A_559 = arith.constant 16 : i32
        %mul3A_560 = arith.muli %mul3A_559, %scan3A_128 : i32
        %add3A_561 = arith.constant 1 : i32
        %add3A_562 = arith.addi %mul3A_560, %add3A_561 : i32
        %get3A_563 = arith.index_cast %add3A_562 : i32 to index
        %get3A_564 = arith.constant 144 : index
        %get3A_565 = tpu.vector_load %arg11[%get3A_563, %get3A_564] {strides = array<i32>} : memref<80x256xf32, #tpu.memory_space<vmem>>, vector<16xf32>,
        %slice3A_566 = vector.extract_strided_slice %exp3A_544 {offsets = [1], sizes = [1], strides = [1]} : vector<16xf32> to vector<1xf32>
        %squeeze3A_567 = vector.extract %slice3A_566[0] : f32 from vector<1xf32>
        %mul3A_568 = vector.broadcast %squeeze3A_567 : f32 to vector<16xf32>
        %mul3A_569 = arith.mulf %get3A_565, %mul3A_568 : vector<16xf32>
        %swap3A_570 = arith.index_cast %add3A_562 : i32 to index
        %swap3A_571 = arith.constant 16 : index
        %swap3A_572 = tpu.vector_load %arg12[%swap3A_570, %swap3A_571] {strides = array<i32>} : memref<80x128xf32, #tpu.memory_space<vmem>>, vector<16xf32>,
        tpu.vector_store %arg12[%swap3A_570, %swap3A_571], %mul3A_569 {strides = array<i32>} : memref<80x128xf32, #tpu.memory_space<vmem>>, vector<16xf32>,
        %mul3A_573 = arith.constant 16 : i32
        %mul3A_574 = arith.muli %mul3A_573, %scan3A_128 : i32
        %add3A_575 = arith.constant 2 : i32
        %add3A_576 = arith.addi %mul3A_574, %add3A_575 : i32
        %get3A_577 = arith.index_cast %add3A_576 : i32 to index
        %get3A_578 = arith.constant 144 : index
        %get3A_579 = tpu.vector_load %arg11[%get3A_577, %get3A_578] {strides = array<i32>} : memref<80x256xf32, #tpu.memory_space<vmem>>, vector<16xf32>,
        %slice3A_580 = vector.extract_strided_slice %exp3A_544 {offsets = [2], sizes = [1], strides = [1]} : vector<16xf32> to vector<1xf32>
        %squeeze3A_581 = vector.extract %slice3A_580[0] : f32 from vector<1xf32>
        %mul3A_582 = vector.broadcast %squeeze3A_581 : f32 to vector<16xf32>
        %mul3A_583 = arith.mulf %get3A_579, %mul3A_582 : vector<16xf32>
        %swap3A_584 = arith.index_cast %add3A_576 : i32 to index
        %swap3A_585 = arith.constant 16 : index
        %swap3A_586 = tpu.vector_load %arg12[%swap3A_584, %swap3A_585] {strides = array<i32>} : memref<80x128xf32, #tpu.memory_space<vmem>>, vector<16xf32>,
        tpu.vector_store %arg12[%swap3A_584, %swap3A_585], %mul3A_583 {strides = array<i32>} : memref<80x128xf32, #tpu.memory_space<vmem>>, vector<16xf32>,
        %mul3A_587 = arith.constant 16 : i32
        %mul3A_588 = arith.muli %mul3A_587, %scan3A_128 : i32
        %add3A_589 = arith.constant 3 : i32
        %add3A_590 = arith.addi %mul3A_588, %add3A_589 : i32
        %get3A_591 = arith.index_cast %add3A_590 : i32 to index
        %get3A_592 = arith.constant 144 : index
        %get3A_593 = tpu.vector_load %arg11[%get3A_591, %get3A_592] {strides = array<i32>} : memref<80x256xf32, #tpu.memory_space<vmem>>, vector<16xf32>,
        %slice3A_594 = vector.extract_strided_slice %exp3A_544 {offsets = [3], sizes = [1], strides = [1]} : vector<16xf32> to vector<1xf32>
        %squeeze3A_595 = vector.extract %slice3A_594[0] : f32 from vector<1xf32>
        %mul3A_596 = vector.broadcast %squeeze3A_595 : f32 to vector<16xf32>
        %mul3A_597 = arith.mulf %get3A_593, %mul3A_596 : vector<16xf32>
        %swap3A_598 = arith.index_cast %add3A_590 : i32 to index
        %swap3A_599 = arith.constant 16 : index
        %swap3A_600 = tpu.vector_load %arg12[%swap3A_598, %swap3A_599] {strides = array<i32>} : memref<80x128xf32, #tpu.memory_space<vmem>>, vector<16xf32>,
        tpu.vector_store %arg12[%swap3A_598, %swap3A_599], %mul3A_597 {strides = array<i32>} : memref<80x128xf32, #tpu.memory_space<vmem>>, vector<16xf32>,
        %mul3A_601 = arith.constant 16 : i32
        %mul3A_602 = arith.muli %mul3A_601, %scan3A_128 : i32
        %add3A_603 = arith.constant 4 : i32
        %add3A_604 = arith.addi %mul3A_602, %add3A_603 : i32
        %get3A_605 = arith.index_cast %add3A_604 : i32 to index
        %get3A_606 = arith.constant 144 : index
        %get3A_607 = tpu.vector_load %arg11[%get3A_605, %get3A_606] {strides = array<i32>} : memref<80x256xf32, #tpu.memory_space<vmem>>, vector<16xf32>,
        %slice3A_608 = vector.extract_strided_slice %exp3A_544 {offsets = [4], sizes = [1], strides = [1]} : vector<16xf32> to vector<1xf32>
        %squeeze3A_609 = vector.extract %slice3A_608[0] : f32 from vector<1xf32>
        %mul3A_610 = vector.broadcast %squeeze3A_609 : f32 to vector<16xf32>
        %mul3A_611 = arith.mulf %get3A_607, %mul3A_610 : vector<16xf32>
        %swap3A_612 = arith.index_cast %add3A_604 : i32 to index
        %swap3A_613 = arith.constant 16 : index
        %swap3A_614 = tpu.vector_load %arg12[%swap3A_612, %swap3A_613] {strides = array<i32>} : memref<80x128xf32, #tpu.memory_space<vmem>>, vector<16xf32>,
        tpu.vector_store %arg12[%swap3A_612, %swap3A_613], %mul3A_611 {strides = array<i32>} : memref<80x128xf32, #tpu.memory_space<vmem>>, vector<16xf32>,
        %mul3A_615 = arith.constant 16 : i32
        %mul3A_616 = arith.muli %mul3A_615, %scan3A_128 : i32
        %add3A_617 = arith.constant 5 : i32
        %add3A_618 = arith.addi %mul3A_616, %add3A_617 : i32
        %get3A_619 = arith.index_cast %add3A_618 : i32 to index
        %get3A_620 = arith.constant 144 : index
        %get3A_621 = tpu.vector_load %arg11[%get3A_619, %get3A_620] {strides = array<i32>} : memref<80x256xf32, #tpu.memory_space<vmem>>, vector<16xf32>,
        %slice3A_622 = vector.extract_strided_slice %exp3A_544 {offsets = [5], sizes = [1], strides = [1]} : vector<16xf32> to vector<1xf32>
        %squeeze3A_623 = vector.extract %slice3A_622[0] : f32 from vector<1xf32>
        %mul3A_624 = vector.broadcast %squeeze3A_623 : f32 to vector<16xf32>
        %mul3A_625 = arith.mulf %get3A_621, %mul3A_624 : vector<16xf32>
        %swap3A_626 = arith.index_cast %add3A_618 : i32 to index
        %swap3A_627 = arith.constant 16 : index
        %swap3A_628 = tpu.vector_load %arg12[%swap3A_626, %swap3A_627] {strides = array<i32>} : memref<80x128xf32, #tpu.memory_space<vmem>>, vector<16xf32>,
        tpu.vector_store %arg12[%swap3A_626, %swap3A_627], %mul3A_625 {strides = array<i32>} : memref<80x128xf32, #tpu.memory_space<vmem>>, vector<16xf32>,
        %mul3A_629 = arith.constant 16 : i32
        %mul3A_630 = arith.muli %mul3A_629, %scan3A_128 : i32
        %add3A_631 = arith.constant 6 : i32
        %add3A_632 = arith.addi %mul3A_630, %add3A_631 : i32
        %get3A_633 = arith.index_cast %add3A_632 : i32 to index
        %get3A_634 = arith.constant 144 : index
        %get3A_635 = tpu.vector_load %arg11[%get3A_633, %get3A_634] {strides = array<i32>} : memref<80x256xf32, #tpu.memory_space<vmem>>, vector<16xf32>,
        %slice3A_636 = vector.extract_strided_slice %exp3A_544 {offsets = [6], sizes = [1], strides = [1]} : vector<16xf32> to vector<1xf32>
        %squeeze3A_637 = vector.extract %slice3A_636[0] : f32 from vector<1xf32>
        %mul3A_638 = vector.broadcast %squeeze3A_637 : f32 to vector<16xf32>
        %mul3A_639 = arith.mulf %get3A_635, %mul3A_638 : vector<16xf32>
        %swap3A_640 = arith.index_cast %add3A_632 : i32 to index
        %swap3A_641 = arith.constant 16 : index
        %swap3A_642 = tpu.vector_load %arg12[%swap3A_640, %swap3A_641] {strides = array<i32>} : memref<80x128xf32, #tpu.memory_space<vmem>>, vector<16xf32>,
        tpu.vector_store %arg12[%swap3A_640, %swap3A_641], %mul3A_639 {strides = array<i32>} : memref<80x128xf32, #tpu.memory_space<vmem>>, vector<16xf32>,
        %mul3A_643 = arith.constant 16 : i32
        %mul3A_644 = arith.muli %mul3A_643, %scan3A_128 : i32
        %add3A_645 = arith.constant 7 : i32
        %add3A_646 = arith.addi %mul3A_644, %add3A_645 : i32
        %get3A_647 = arith.index_cast %add3A_646 : i32 to index
        %get3A_648 = arith.constant 144 : index
        %get3A_649 = tpu.vector_load %arg11[%get3A_647, %get3A_648] {strides = array<i32>} : memref<80x256xf32, #tpu.memory_space<vmem>>, vector<16xf32>,
        %slice3A_650 = vector.extract_strided_slice %exp3A_544 {offsets = [7], sizes = [1], strides = [1]} : vector<16xf32> to vector<1xf32>
        %squeeze3A_651 = vector.extract %slice3A_650[0] : f32 from vector<1xf32>
        %mul3A_652 = vector.broadcast %squeeze3A_651 : f32 to vector<16xf32>
        %mul3A_653 = arith.mulf %get3A_649, %mul3A_652 : vector<16xf32>
        %swap3A_654 = arith.index_cast %add3A_646 : i32 to index
        %swap3A_655 = arith.constant 16 : index
        %swap3A_656 = tpu.vector_load %arg12[%swap3A_654, %swap3A_655] {strides = array<i32>} : memref<80x128xf32, #tpu.memory_space<vmem>>, vector<16xf32>,
        tpu.vector_store %arg12[%swap3A_654, %swap3A_655], %mul3A_653 {strides = array<i32>} : memref<80x128xf32, #tpu.memory_space<vmem>>, vector<16xf32>,
        %mul3A_657 = arith.constant 16 : i32
        %mul3A_658 = arith.muli %mul3A_657, %scan3A_128 : i32
        %add3A_659 = arith.constant 8 : i32
        %add3A_660 = arith.addi %mul3A_658, %add3A_659 : i32
        %get3A_661 = arith.index_cast %add3A_660 : i32 to index
        %get3A_662 = arith.constant 144 : index
        %get3A_663 = tpu.vector_load %arg11[%get3A_661, %get3A_662] {strides = array<i32>} : memref<80x256xf32, #tpu.memory_space<vmem>>, vector<16xf32>,
        %slice3A_664 = vector.extract_strided_slice %exp3A_544 {offsets = [8], sizes = [1], strides = [1]} : vector<16xf32> to vector<1xf32>
        %squeeze3A_665 = vector.extract %slice3A_664[0] : f32 from vector<1xf32>
        %mul3A_666 = vector.broadcast %squeeze3A_665 : f32 to vector<16xf32>
        %mul3A_667 = arith.mulf %get3A_663, %mul3A_666 : vector<16xf32>
        %swap3A_668 = arith.index_cast %add3A_660 : i32 to index
        %swap3A_669 = arith.constant 16 : index
        %swap3A_670 = tpu.vector_load %arg12[%swap3A_668, %swap3A_669] {strides = array<i32>} : memref<80x128xf32, #tpu.memory_space<vmem>>, vector<16xf32>,
        tpu.vector_store %arg12[%swap3A_668, %swap3A_669], %mul3A_667 {strides = array<i32>} : memref<80x128xf32, #tpu.memory_space<vmem>>, vector<16xf32>,
        %mul3A_671 = arith.constant 16 : i32
        %mul3A_672 = arith.muli %mul3A_671, %scan3A_128 : i32
        %add3A_673 = arith.constant 9 : i32
        %add3A_674 = arith.addi %mul3A_672, %add3A_673 : i32
        %get3A_675 = arith.index_cast %add3A_674 : i32 to index
        %get3A_676 = arith.constant 144 : index
        %get3A_677 = tpu.vector_load %arg11[%get3A_675, %get3A_676] {strides = array<i32>} : memref<80x256xf32, #tpu.memory_space<vmem>>, vector<16xf32>,
        %slice3A_678 = vector.extract_strided_slice %exp3A_544 {offsets = [9], sizes = [1], strides = [1]} : vector<16xf32> to vector<1xf32>
        %squeeze3A_679 = vector.extract %slice3A_678[0] : f32 from vector<1xf32>
        %mul3A_680 = vector.broadcast %squeeze3A_679 : f32 to vector<16xf32>
        %mul3A_681 = arith.mulf %get3A_677, %mul3A_680 : vector<16xf32>
        %swap3A_682 = arith.index_cast %add3A_674 : i32 to index
        %swap3A_683 = arith.constant 16 : index
        %swap3A_684 = tpu.vector_load %arg12[%swap3A_682, %swap3A_683] {strides = array<i32>} : memref<80x128xf32, #tpu.memory_space<vmem>>, vector<16xf32>,
        tpu.vector_store %arg12[%swap3A_682, %swap3A_683], %mul3A_681 {strides = array<i32>} : memref<80x128xf32, #tpu.memory_space<vmem>>, vector<16xf32>,
        %mul3A_685 = arith.constant 16 : i32
        %mul3A_686 = arith.muli %mul3A_685, %scan3A_128 : i32
        %add3A_687 = arith.constant 10 : i32
        %add3A_688 = arith.addi %mul3A_686, %add3A_687 : i32
        %get3A_689 = arith.index_cast %add3A_688 : i32 to index
        %get3A_690 = arith.constant 144 : index
        %get3A_691 = tpu.vector_load %arg11[%get3A_689, %get3A_690] {strides = array<i32>} : memref<80x256xf32, #tpu.memory_space<vmem>>, vector<16xf32>,
        %slice3A_692 = vector.extract_strided_slice %exp3A_544 {offsets = [10], sizes = [1], strides = [1]} : vector<16xf32> to vector<1xf32>
        %squeeze3A_693 = vector.extract %slice3A_692[0] : f32 from vector<1xf32>
        %mul3A_694 = vector.broadcast %squeeze3A_693 : f32 to vector<16xf32>
        %mul3A_695 = arith.mulf %get3A_691, %mul3A_694 : vector<16xf32>
        %swap3A_696 = arith.index_cast %add3A_688 : i32 to index
        %swap3A_697 = arith.constant 16 : index
        %swap3A_698 = tpu.vector_load %arg12[%swap3A_696, %swap3A_697] {strides = array<i32>} : memref<80x128xf32, #tpu.memory_space<vmem>>, vector<16xf32>,
        tpu.vector_store %arg12[%swap3A_696, %swap3A_697], %mul3A_695 {strides = array<i32>} : memref<80x128xf32, #tpu.memory_space<vmem>>, vector<16xf32>,
        %mul3A_699 = arith.constant 16 : i32
        %mul3A_700 = arith.muli %mul3A_699, %scan3A_128 : i32
        %add3A_701 = arith.constant 11 : i32
        %add3A_702 = arith.addi %mul3A_700, %add3A_701 : i32
        %get3A_703 = arith.index_cast %add3A_702 : i32 to index
        %get3A_704 = arith.constant 144 : index
        %get3A_705 = tpu.vector_load %arg11[%get3A_703, %get3A_704] {strides = array<i32>} : memref<80x256xf32, #tpu.memory_space<vmem>>, vector<16xf32>,
        %slice3A_706 = vector.extract_strided_slice %exp3A_544 {offsets = [11], sizes = [1], strides = [1]} : vector<16xf32> to vector<1xf32>
        %squeeze3A_707 = vector.extract %slice3A_706[0] : f32 from vector<1xf32>
        %mul3A_708 = vector.broadcast %squeeze3A_707 : f32 to vector<16xf32>
        %mul3A_709 = arith.mulf %get3A_705, %mul3A_708 : vector<16xf32>
        %swap3A_710 = arith.index_cast %add3A_702 : i32 to index
        %swap3A_711 = arith.constant 16 : index
        %swap3A_712 = tpu.vector_load %arg12[%swap3A_710, %swap3A_711] {strides = array<i32>} : memref<80x128xf32, #tpu.memory_space<vmem>>, vector<16xf32>,
        tpu.vector_store %arg12[%swap3A_710, %swap3A_711], %mul3A_709 {strides = array<i32>} : memref<80x128xf32, #tpu.memory_space<vmem>>, vector<16xf32>,
        %mul3A_713 = arith.constant 16 : i32
        %mul3A_714 = arith.muli %mul3A_713, %scan3A_128 : i32
        %add3A_715 = arith.constant 12 : i32
        %add3A_716 = arith.addi %mul3A_714, %add3A_715 : i32
        %get3A_717 = arith.index_cast %add3A_716 : i32 to index
        %get3A_718 = arith.constant 144 : index
        %get3A_719 = tpu.vector_load %arg11[%get3A_717, %get3A_718] {strides = array<i32>} : memref<80x256xf32, #tpu.memory_space<vmem>>, vector<16xf32>,
        %slice3A_720 = vector.extract_strided_slice %exp3A_544 {offsets = [12], sizes = [1], strides = [1]} : vector<16xf32> to vector<1xf32>
        %squeeze3A_721 = vector.extract %slice3A_720[0] : f32 from vector<1xf32>
        %mul3A_722 = vector.broadcast %squeeze3A_721 : f32 to vector<16xf32>
        %mul3A_723 = arith.mulf %get3A_719, %mul3A_722 : vector<16xf32>
        %swap3A_724 = arith.index_cast %add3A_716 : i32 to index
        %swap3A_725 = arith.constant 16 : index
        %swap3A_726 = tpu.vector_load %arg12[%swap3A_724, %swap3A_725] {strides = array<i32>} : memref<80x128xf32, #tpu.memory_space<vmem>>, vector<16xf32>,
        tpu.vector_store %arg12[%swap3A_724, %swap3A_725], %mul3A_723 {strides = array<i32>} : memref<80x128xf32, #tpu.memory_space<vmem>>, vector<16xf32>,
        %mul3A_727 = arith.constant 16 : i32
        %mul3A_728 = arith.muli %mul3A_727, %scan3A_128 : i32
        %add3A_729 = arith.constant 13 : i32
        %add3A_730 = arith.addi %mul3A_728, %add3A_729 : i32
        %get3A_731 = arith.index_cast %add3A_730 : i32 to index
        %get3A_732 = arith.constant 144 : index
        %get3A_733 = tpu.vector_load %arg11[%get3A_731, %get3A_732] {strides = array<i32>} : memref<80x256xf32, #tpu.memory_space<vmem>>, vector<16xf32>,
        %slice3A_734 = vector.extract_strided_slice %exp3A_544 {offsets = [13], sizes = [1], strides = [1]} : vector<16xf32> to vector<1xf32>
        %squeeze3A_735 = vector.extract %slice3A_734[0] : f32 from vector<1xf32>
        %mul3A_736 = vector.broadcast %squeeze3A_735 : f32 to vector<16xf32>
        %mul3A_737 = arith.mulf %get3A_733, %mul3A_736 : vector<16xf32>
        %swap3A_738 = arith.index_cast %add3A_730 : i32 to index
        %swap3A_739 = arith.constant 16 : index
        %swap3A_740 = tpu.vector_load %arg12[%swap3A_738, %swap3A_739] {strides = array<i32>} : memref<80x128xf32, #tpu.memory_space<vmem>>, vector<16xf32>,
        tpu.vector_store %arg12[%swap3A_738, %swap3A_739], %mul3A_737 {strides = array<i32>} : memref<80x128xf32, #tpu.memory_space<vmem>>, vector<16xf32>,
        %mul3A_741 = arith.constant 16 : i32
        %mul3A_742 = arith.muli %mul3A_741, %scan3A_128 : i32
        %add3A_743 = arith.constant 14 : i32
        %add3A_744 = arith.addi %mul3A_742, %add3A_743 : i32
        %get3A_745 = arith.index_cast %add3A_744 : i32 to index
        %get3A_746 = arith.constant 144 : index
        %get3A_747 = tpu.vector_load %arg11[%get3A_745, %get3A_746] {strides = array<i32>} : memref<80x256xf32, #tpu.memory_space<vmem>>, vector<16xf32>,
        %slice3A_748 = vector.extract_strided_slice %exp3A_544 {offsets = [14], sizes = [1], strides = [1]} : vector<16xf32> to vector<1xf32>
        %squeeze3A_749 = vector.extract %slice3A_748[0] : f32 from vector<1xf32>
        %mul3A_750 = vector.broadcast %squeeze3A_749 : f32 to vector<16xf32>
        %mul3A_751 = arith.mulf %get3A_747, %mul3A_750 : vector<16xf32>
        %swap3A_752 = arith.index_cast %add3A_744 : i32 to index
        %swap3A_753 = arith.constant 16 : index
        %swap3A_754 = tpu.vector_load %arg12[%swap3A_752, %swap3A_753] {strides = array<i32>} : memref<80x128xf32, #tpu.memory_space<vmem>>, vector<16xf32>,
        tpu.vector_store %arg12[%swap3A_752, %swap3A_753], %mul3A_751 {strides = array<i32>} : memref<80x128xf32, #tpu.memory_space<vmem>>, vector<16xf32>,
        %mul3A_755 = arith.constant 16 : i32
        %mul3A_756 = arith.muli %mul3A_755, %scan3A_128 : i32
        %add3A_757 = arith.constant 15 : i32
        %add3A_758 = arith.addi %mul3A_756, %add3A_757 : i32
        %get3A_759 = arith.index_cast %add3A_758 : i32 to index
        %get3A_760 = arith.constant 144 : index
        %get3A_761 = tpu.vector_load %arg11[%get3A_759, %get3A_760] {strides = array<i32>} : memref<80x256xf32, #tpu.memory_space<vmem>>, vector<16xf32>,
        %slice3A_762 = vector.extract_strided_slice %exp3A_544 {offsets = [15], sizes = [1], strides = [1]} : vector<16xf32> to vector<1xf32>
        %squeeze3A_763 = vector.extract %slice3A_762[0] : f32 from vector<1xf32>
        %mul3A_764 = vector.broadcast %squeeze3A_763 : f32 to vector<16xf32>
        %mul3A_765 = arith.mulf %get3A_761, %mul3A_764 : vector<16xf32>
        %swap3A_766 = arith.index_cast %add3A_758 : i32 to index
        %swap3A_767 = arith.constant 16 : index
        %swap3A_768 = tpu.vector_load %arg12[%swap3A_766, %swap3A_767] {strides = array<i32>} : memref<80x128xf32, #tpu.memory_space<vmem>>, vector<16xf32>,
        tpu.vector_store %arg12[%swap3A_766, %swap3A_767], %mul3A_765 {strides = array<i32>} : memref<80x128xf32, #tpu.memory_space<vmem>>, vector<16xf32>,
        %broadcast_in_dim3A_769 = arith.constant 32 : i32
        %broadcast_in_dim3A_770 = vector.broadcast %broadcast_in_dim3A_769 : i32 to vector<16xi32>
        %gather3A_771 = tpu.vector_load_idx %arg10[%add3A_132, %broadcast_in_dim3A_770] : memref<80x128xf32, #tpu.memory_space<vmem>>[vector<16xi32>, vector<16xi32>], vector<16xf32>,
        %gather3A_772 = tpu.vector_load_idx %arg11[%add3A_132, %broadcast_in_dim3A_770] : memref<80x256xf32, #tpu.memory_space<vmem>>[vector<16xi32>, vector<16xi32>], vector<16xf32>,
        %mul3A_773 = arith.mulf %gather3A_771, %gather3A_772 : vector<16xf32>
        %add3A_774 = arith.addf %broadcast_in_dim3A_1, %mul3A_773 : vector<16xf32>
        %broadcast_in_dim3A_775 = arith.constant 33 : i32
        %broadcast_in_dim3A_776 = vector.broadcast %broadcast_in_dim3A_775 : i32 to vector<16xi32>
        %gather3A_777 = tpu.vector_load_idx %arg10[%add3A_132, %broadcast_in_dim3A_776] : memref<80x128xf32, #tpu.memory_space<vmem>>[vector<16xi32>, vector<16xi32>], vector<16xf32>,
        %gather3A_778 = tpu.vector_load_idx %arg11[%add3A_132, %broadcast_in_dim3A_776] : memref<80x256xf32, #tpu.memory_space<vmem>>[vector<16xi32>, vector<16xi32>], vector<16xf32>,
        %mul3A_779 = arith.mulf %gather3A_777, %gather3A_778 : vector<16xf32>
        %add3A_780 = arith.addf %add3A_774, %mul3A_779 : vector<16xf32>
        %broadcast_in_dim3A_781 = arith.constant 34 : i32
        %broadcast_in_dim3A_782 = vector.broadcast %broadcast_in_dim3A_781 : i32 to vector<16xi32>
        %gather3A_783 = tpu.vector_load_idx %arg10[%add3A_132, %broadcast_in_dim3A_782] : memref<80x128xf32, #tpu.memory_space<vmem>>[vector<16xi32>, vector<16xi32>], vector<16xf32>,
        %gather3A_784 = tpu.vector_load_idx %arg11[%add3A_132, %broadcast_in_dim3A_782] : memref<80x256xf32, #tpu.memory_space<vmem>>[vector<16xi32>, vector<16xi32>], vector<16xf32>,
        %mul3A_785 = arith.mulf %gather3A_783, %gather3A_784 : vector<16xf32>
        %add3A_786 = arith.addf %add3A_780, %mul3A_785 : vector<16xf32>
        %broadcast_in_dim3A_787 = arith.constant 35 : i32
        %broadcast_in_dim3A_788 = vector.broadcast %broadcast_in_dim3A_787 : i32 to vector<16xi32>
        %gather3A_789 = tpu.vector_load_idx %arg10[%add3A_132, %broadcast_in_dim3A_788] : memref<80x128xf32, #tpu.memory_space<vmem>>[vector<16xi32>, vector<16xi32>], vector<16xf32>,
        %gather3A_790 = tpu.vector_load_idx %arg11[%add3A_132, %broadcast_in_dim3A_788] : memref<80x256xf32, #tpu.memory_space<vmem>>[vector<16xi32>, vector<16xi32>], vector<16xf32>,
        %mul3A_791 = arith.mulf %gather3A_789, %gather3A_790 : vector<16xf32>
        %add3A_792 = arith.addf %add3A_786, %mul3A_791 : vector<16xf32>
        %broadcast_in_dim3A_793 = arith.constant 36 : i32
        %broadcast_in_dim3A_794 = vector.broadcast %broadcast_in_dim3A_793 : i32 to vector<16xi32>
        %gather3A_795 = tpu.vector_load_idx %arg10[%add3A_132, %broadcast_in_dim3A_794] : memref<80x128xf32, #tpu.memory_space<vmem>>[vector<16xi32>, vector<16xi32>], vector<16xf32>,
        %gather3A_796 = tpu.vector_load_idx %arg11[%add3A_132, %broadcast_in_dim3A_794] : memref<80x256xf32, #tpu.memory_space<vmem>>[vector<16xi32>, vector<16xi32>], vector<16xf32>,
        %mul3A_797 = arith.mulf %gather3A_795, %gather3A_796 : vector<16xf32>
        %add3A_798 = arith.addf %add3A_792, %mul3A_797 : vector<16xf32>
        %broadcast_in_dim3A_799 = arith.constant 37 : i32
        %broadcast_in_dim3A_800 = vector.broadcast %broadcast_in_dim3A_799 : i32 to vector<16xi32>
        %gather3A_801 = tpu.vector_load_idx %arg10[%add3A_132, %broadcast_in_dim3A_800] : memref<80x128xf32, #tpu.memory_space<vmem>>[vector<16xi32>, vector<16xi32>], vector<16xf32>,
        %gather3A_802 = tpu.vector_load_idx %arg11[%add3A_132, %broadcast_in_dim3A_800] : memref<80x256xf32, #tpu.memory_space<vmem>>[vector<16xi32>, vector<16xi32>], vector<16xf32>,
        %mul3A_803 = arith.mulf %gather3A_801, %gather3A_802 : vector<16xf32>
        %add3A_804 = arith.addf %add3A_798, %mul3A_803 : vector<16xf32>
        %broadcast_in_dim3A_805 = arith.constant 38 : i32
        %broadcast_in_dim3A_806 = vector.broadcast %broadcast_in_dim3A_805 : i32 to vector<16xi32>
        %gather3A_807 = tpu.vector_load_idx %arg10[%add3A_132, %broadcast_in_dim3A_806] : memref<80x128xf32, #tpu.memory_space<vmem>>[vector<16xi32>, vector<16xi32>], vector<16xf32>,
        %gather3A_808 = tpu.vector_load_idx %arg11[%add3A_132, %broadcast_in_dim3A_806] : memref<80x256xf32, #tpu.memory_space<vmem>>[vector<16xi32>, vector<16xi32>], vector<16xf32>,
        %mul3A_809 = arith.mulf %gather3A_807, %gather3A_808 : vector<16xf32>
        %add3A_810 = arith.addf %add3A_804, %mul3A_809 : vector<16xf32>
        %broadcast_in_dim3A_811 = arith.constant 39 : i32
        %broadcast_in_dim3A_812 = vector.broadcast %broadcast_in_dim3A_811 : i32 to vector<16xi32>
        %gather3A_813 = tpu.vector_load_idx %arg10[%add3A_132, %broadcast_in_dim3A_812] : memref<80x128xf32, #tpu.memory_space<vmem>>[vector<16xi32>, vector<16xi32>], vector<16xf32>,
        %gather3A_814 = tpu.vector_load_idx %arg11[%add3A_132, %broadcast_in_dim3A_812] : memref<80x256xf32, #tpu.memory_space<vmem>>[vector<16xi32>, vector<16xi32>], vector<16xf32>,
        %mul3A_815 = arith.mulf %gather3A_813, %gather3A_814 : vector<16xf32>
        %add3A_816 = arith.addf %add3A_810, %mul3A_815 : vector<16xf32>
        %broadcast_in_dim3A_817 = arith.constant 40 : i32
        %broadcast_in_dim3A_818 = vector.broadcast %broadcast_in_dim3A_817 : i32 to vector<16xi32>
        %gather3A_819 = tpu.vector_load_idx %arg10[%add3A_132, %broadcast_in_dim3A_818] : memref<80x128xf32, #tpu.memory_space<vmem>>[vector<16xi32>, vector<16xi32>], vector<16xf32>,
        %gather3A_820 = tpu.vector_load_idx %arg11[%add3A_132, %broadcast_in_dim3A_818] : memref<80x256xf32, #tpu.memory_space<vmem>>[vector<16xi32>, vector<16xi32>], vector<16xf32>,
        %mul3A_821 = arith.mulf %gather3A_819, %gather3A_820 : vector<16xf32>
        %add3A_822 = arith.addf %add3A_816, %mul3A_821 : vector<16xf32>
        %broadcast_in_dim3A_823 = arith.constant 41 : i32
        %broadcast_in_dim3A_824 = vector.broadcast %broadcast_in_dim3A_823 : i32 to vector<16xi32>
        %gather3A_825 = tpu.vector_load_idx %arg10[%add3A_132, %broadcast_in_dim3A_824] : memref<80x128xf32, #tpu.memory_space<vmem>>[vector<16xi32>, vector<16xi32>], vector<16xf32>,
        %gather3A_826 = tpu.vector_load_idx %arg11[%add3A_132, %broadcast_in_dim3A_824] : memref<80x256xf32, #tpu.memory_space<vmem>>[vector<16xi32>, vector<16xi32>], vector<16xf32>,
        %mul3A_827 = arith.mulf %gather3A_825, %gather3A_826 : vector<16xf32>
        %add3A_828 = arith.addf %add3A_822, %mul3A_827 : vector<16xf32>
        %broadcast_in_dim3A_829 = arith.constant 42 : i32
        %broadcast_in_dim3A_830 = vector.broadcast %broadcast_in_dim3A_829 : i32 to vector<16xi32>
        %gather3A_831 = tpu.vector_load_idx %arg10[%add3A_132, %broadcast_in_dim3A_830] : memref<80x128xf32, #tpu.memory_space<vmem>>[vector<16xi32>, vector<16xi32>], vector<16xf32>,
        %gather3A_832 = tpu.vector_load_idx %arg11[%add3A_132, %broadcast_in_dim3A_830] : memref<80x256xf32, #tpu.memory_space<vmem>>[vector<16xi32>, vector<16xi32>], vector<16xf32>,
        %mul3A_833 = arith.mulf %gather3A_831, %gather3A_832 : vector<16xf32>
        %add3A_834 = arith.addf %add3A_828, %mul3A_833 : vector<16xf32>
        %broadcast_in_dim3A_835 = arith.constant 43 : i32
        %broadcast_in_dim3A_836 = vector.broadcast %broadcast_in_dim3A_835 : i32 to vector<16xi32>
        %gather3A_837 = tpu.vector_load_idx %arg10[%add3A_132, %broadcast_in_dim3A_836] : memref<80x128xf32, #tpu.memory_space<vmem>>[vector<16xi32>, vector<16xi32>], vector<16xf32>,
        %gather3A_838 = tpu.vector_load_idx %arg11[%add3A_132, %broadcast_in_dim3A_836] : memref<80x256xf32, #tpu.memory_space<vmem>>[vector<16xi32>, vector<16xi32>], vector<16xf32>,
        %mul3A_839 = arith.mulf %gather3A_837, %gather3A_838 : vector<16xf32>
        %add3A_840 = arith.addf %add3A_834, %mul3A_839 : vector<16xf32>
        %broadcast_in_dim3A_841 = arith.constant 44 : i32
        %broadcast_in_dim3A_842 = vector.broadcast %broadcast_in_dim3A_841 : i32 to vector<16xi32>
        %gather3A_843 = tpu.vector_load_idx %arg10[%add3A_132, %broadcast_in_dim3A_842] : memref<80x128xf32, #tpu.memory_space<vmem>>[vector<16xi32>, vector<16xi32>], vector<16xf32>,
        %gather3A_844 = tpu.vector_load_idx %arg11[%add3A_132, %broadcast_in_dim3A_842] : memref<80x256xf32, #tpu.memory_space<vmem>>[vector<16xi32>, vector<16xi32>], vector<16xf32>,
        %mul3A_845 = arith.mulf %gather3A_843, %gather3A_844 : vector<16xf32>
        %add3A_846 = arith.addf %add3A_840, %mul3A_845 : vector<16xf32>
        %broadcast_in_dim3A_847 = arith.constant 45 : i32
        %broadcast_in_dim3A_848 = vector.broadcast %broadcast_in_dim3A_847 : i32 to vector<16xi32>
        %gather3A_849 = tpu.vector_load_idx %arg10[%add3A_132, %broadcast_in_dim3A_848] : memref<80x128xf32, #tpu.memory_space<vmem>>[vector<16xi32>, vector<16xi32>], vector<16xf32>,
        %gather3A_850 = tpu.vector_load_idx %arg11[%add3A_132, %broadcast_in_dim3A_848] : memref<80x256xf32, #tpu.memory_space<vmem>>[vector<16xi32>, vector<16xi32>], vector<16xf32>,
        %mul3A_851 = arith.mulf %gather3A_849, %gather3A_850 : vector<16xf32>
        %add3A_852 = arith.addf %add3A_846, %mul3A_851 : vector<16xf32>
        %broadcast_in_dim3A_853 = arith.constant 46 : i32
        %broadcast_in_dim3A_854 = vector.broadcast %broadcast_in_dim3A_853 : i32 to vector<16xi32>
        %gather3A_855 = tpu.vector_load_idx %arg10[%add3A_132, %broadcast_in_dim3A_854] : memref<80x128xf32, #tpu.memory_space<vmem>>[vector<16xi32>, vector<16xi32>], vector<16xf32>,
        %gather3A_856 = tpu.vector_load_idx %arg11[%add3A_132, %broadcast_in_dim3A_854] : memref<80x256xf32, #tpu.memory_space<vmem>>[vector<16xi32>, vector<16xi32>], vector<16xf32>,
        %mul3A_857 = arith.mulf %gather3A_855, %gather3A_856 : vector<16xf32>
        %add3A_858 = arith.addf %add3A_852, %mul3A_857 : vector<16xf32>
        %broadcast_in_dim3A_859 = arith.constant 47 : i32
        %broadcast_in_dim3A_860 = vector.broadcast %broadcast_in_dim3A_859 : i32 to vector<16xi32>
        %gather3A_861 = tpu.vector_load_idx %arg10[%add3A_132, %broadcast_in_dim3A_860] : memref<80x128xf32, #tpu.memory_space<vmem>>[vector<16xi32>, vector<16xi32>], vector<16xf32>,
        %gather3A_862 = tpu.vector_load_idx %arg11[%add3A_132, %broadcast_in_dim3A_860] : memref<80x256xf32, #tpu.memory_space<vmem>>[vector<16xi32>, vector<16xi32>], vector<16xf32>,
        %mul3A_863 = arith.mulf %gather3A_861, %gather3A_862 : vector<16xf32>
        %add3A_864 = arith.addf %add3A_858, %mul3A_863 : vector<16xf32>
        %exp3A_865 = math.exp %add3A_864 : vector<16xf32>
        tpu.vector_store_idx %arg13[%add3A_132, %broadcast_in_dim3A_7], %exp3A_865 : memref<80x8xf32, #tpu.memory_space<vmem>>[vector<16xi32>, vector<16xi32>], vector<16xf32>,
        %mul3A_866 = arith.constant 16 : i32
        %mul3A_867 = arith.muli %mul3A_866, %scan3A_128 : i32
        %add3A_868 = arith.constant 0 : i32
        %add3A_869 = arith.addi %mul3A_867, %add3A_868 : i32
        %get3A_870 = arith.index_cast %add3A_869 : i32 to index
        %get3A_871 = arith.constant 160 : index
        %get3A_872 = tpu.vector_load %arg11[%get3A_870, %get3A_871] {strides = array<i32>} : memref<80x256xf32, #tpu.memory_space<vmem>>, vector<16xf32>,
        %slice3A_873 = vector.extract_strided_slice %exp3A_865 {offsets = [0], sizes = [1], strides = [1]} : vector<16xf32> to vector<1xf32>
        %squeeze3A_874 = vector.extract %slice3A_873[0] : f32 from vector<1xf32>
        %mul3A_875 = vector.broadcast %squeeze3A_874 : f32 to vector<16xf32>
        %mul3A_876 = arith.mulf %get3A_872, %mul3A_875 : vector<16xf32>
        %swap3A_877 = arith.index_cast %add3A_869 : i32 to index
        %swap3A_878 = arith.constant 32 : index
        %swap3A_879 = tpu.vector_load %arg12[%swap3A_877, %swap3A_878] {strides = array<i32>} : memref<80x128xf32, #tpu.memory_space<vmem>>, vector<16xf32>,
        tpu.vector_store %arg12[%swap3A_877, %swap3A_878], %mul3A_876 {strides = array<i32>} : memref<80x128xf32, #tpu.memory_space<vmem>>, vector<16xf32>,
        %mul3A_880 = arith.constant 16 : i32
        %mul3A_881 = arith.muli %mul3A_880, %scan3A_128 : i32
        %add3A_882 = arith.constant 1 : i32
        %add3A_883 = arith.addi %mul3A_881, %add3A_882 : i32
        %get3A_884 = arith.index_cast %add3A_883 : i32 to index
        %get3A_885 = arith.constant 160 : index
        %get3A_886 = tpu.vector_load %arg11[%get3A_884, %get3A_885] {strides = array<i32>} : memref<80x256xf32, #tpu.memory_space<vmem>>, vector<16xf32>,
        %slice3A_887 = vector.extract_strided_slice %exp3A_865 {offsets = [1], sizes = [1], strides = [1]} : vector<16xf32> to vector<1xf32>
        %squeeze3A_888 = vector.extract %slice3A_887[0] : f32 from vector<1xf32>
        %mul3A_889 = vector.broadcast %squeeze3A_888 : f32 to vector<16xf32>
        %mul3A_890 = arith.mulf %get3A_886, %mul3A_889 : vector<16xf32>
        %swap3A_891 = arith.index_cast %add3A_883 : i32 to index
        %swap3A_892 = arith.constant 32 : index
        %swap3A_893 = tpu.vector_load %arg12[%swap3A_891, %swap3A_892] {strides = array<i32>} : memref<80x128xf32, #tpu.memory_space<vmem>>, vector<16xf32>,
        tpu.vector_store %arg12[%swap3A_891, %swap3A_892], %mul3A_890 {strides = array<i32>} : memref<80x128xf32, #tpu.memory_space<vmem>>, vector<16xf32>,
        %mul3A_894 = arith.constant 16 : i32
        %mul3A_895 = arith.muli %mul3A_894, %scan3A_128 : i32
        %add3A_896 = arith.constant 2 : i32
        %add3A_897 = arith.addi %mul3A_895, %add3A_896 : i32
        %get3A_898 = arith.index_cast %add3A_897 : i32 to index
        %get3A_899 = arith.constant 160 : index
        %get3A_900 = tpu.vector_load %arg11[%get3A_898, %get3A_899] {strides = array<i32>} : memref<80x256xf32, #tpu.memory_space<vmem>>, vector<16xf32>,
        %slice3A_901 = vector.extract_strided_slice %exp3A_865 {offsets = [2], sizes = [1], strides = [1]} : vector<16xf32> to vector<1xf32>
        %squeeze3A_902 = vector.extract %slice3A_901[0] : f32 from vector<1xf32>
        %mul3A_903 = vector.broadcast %squeeze3A_902 : f32 to vector<16xf32>
        %mul3A_904 = arith.mulf %get3A_900, %mul3A_903 : vector<16xf32>
        %swap3A_905 = arith.index_cast %add3A_897 : i32 to index
        %swap3A_906 = arith.constant 32 : index
        %swap3A_907 = tpu.vector_load %arg12[%swap3A_905, %swap3A_906] {strides = array<i32>} : memref<80x128xf32, #tpu.memory_space<vmem>>, vector<16xf32>,
        tpu.vector_store %arg12[%swap3A_905, %swap3A_906], %mul3A_904 {strides = array<i32>} : memref<80x128xf32, #tpu.memory_space<vmem>>, vector<16xf32>,
        %mul3A_908 = arith.constant 16 : i32
        %mul3A_909 = arith.muli %mul3A_908, %scan3A_128 : i32
        %add3A_910 = arith.constant 3 : i32
        %add3A_911 = arith.addi %mul3A_909, %add3A_910 : i32
        %get3A_912 = arith.index_cast %add3A_911 : i32 to index
        %get3A_913 = arith.constant 160 : index
        %get3A_914 = tpu.vector_load %arg11[%get3A_912, %get3A_913] {strides = array<i32>} : memref<80x256xf32, #tpu.memory_space<vmem>>, vector<16xf32>,
        %slice3A_915 = vector.extract_strided_slice %exp3A_865 {offsets = [3], sizes = [1], strides = [1]} : vector<16xf32> to vector<1xf32>
        %squeeze3A_916 = vector.extract %slice3A_915[0] : f32 from vector<1xf32>
        %mul3A_917 = vector.broadcast %squeeze3A_916 : f32 to vector<16xf32>
        %mul3A_918 = arith.mulf %get3A_914, %mul3A_917 : vector<16xf32>
        %swap3A_919 = arith.index_cast %add3A_911 : i32 to index
        %swap3A_920 = arith.constant 32 : index
        %swap3A_921 = tpu.vector_load %arg12[%swap3A_919, %swap3A_920] {strides = array<i32>} : memref<80x128xf32, #tpu.memory_space<vmem>>, vector<16xf32>,
        tpu.vector_store %arg12[%swap3A_919, %swap3A_920], %mul3A_918 {strides = array<i32>} : memref<80x128xf32, #tpu.memory_space<vmem>>, vector<16xf32>,
        %mul3A_922 = arith.constant 16 : i32
        %mul3A_923 = arith.muli %mul3A_922, %scan3A_128 : i32
        %add3A_924 = arith.constant 4 : i32
        %add3A_925 = arith.addi %mul3A_923, %add3A_924 : i32
        %get3A_926 = arith.index_cast %add3A_925 : i32 to index
        %get3A_927 = arith.constant 160 : index
        %get3A_928 = tpu.vector_load %arg11[%get3A_926, %get3A_927] {strides = array<i32>} : memref<80x256xf32, #tpu.memory_space<vmem>>, vector<16xf32>,
        %slice3A_929 = vector.extract_strided_slice %exp3A_865 {offsets = [4], sizes = [1], strides = [1]} : vector<16xf32> to vector<1xf32>
        %squeeze3A_930 = vector.extract %slice3A_929[0] : f32 from vector<1xf32>
        %mul3A_931 = vector.broadcast %squeeze3A_930 : f32 to vector<16xf32>
        %mul3A_932 = arith.mulf %get3A_928, %mul3A_931 : vector<16xf32>
        %swap3A_933 = arith.index_cast %add3A_925 : i32 to index
        %swap3A_934 = arith.constant 32 : index
        %swap3A_935 = tpu.vector_load %arg12[%swap3A_933, %swap3A_934] {strides = array<i32>} : memref<80x128xf32, #tpu.memory_space<vmem>>, vector<16xf32>,
        tpu.vector_store %arg12[%swap3A_933, %swap3A_934], %mul3A_932 {strides = array<i32>} : memref<80x128xf32, #tpu.memory_space<vmem>>, vector<16xf32>,
        %mul3A_936 = arith.constant 16 : i32
        %mul3A_937 = arith.muli %mul3A_936, %scan3A_128 : i32
        %add3A_938 = arith.constant 5 : i32
        %add3A_939 = arith.addi %mul3A_937, %add3A_938 : i32
        %get3A_940 = arith.index_cast %add3A_939 : i32 to index
        %get3A_941 = arith.constant 160 : index
        %get3A_942 = tpu.vector_load %arg11[%get3A_940, %get3A_941] {strides = array<i32>} : memref<80x256xf32, #tpu.memory_space<vmem>>, vector<16xf32>,
        %slice3A_943 = vector.extract_strided_slice %exp3A_865 {offsets = [5], sizes = [1], strides = [1]} : vector<16xf32> to vector<1xf32>
        %squeeze3A_944 = vector.extract %slice3A_943[0] : f32 from vector<1xf32>
        %mul3A_945 = vector.broadcast %squeeze3A_944 : f32 to vector<16xf32>
        %mul3A_946 = arith.mulf %get3A_942, %mul3A_945 : vector<16xf32>
        %swap3A_947 = arith.index_cast %add3A_939 : i32 to index
        %swap3A_948 = arith.constant 32 : index
        %swap3A_949 = tpu.vector_load %arg12[%swap3A_947, %swap3A_948] {strides = array<i32>} : memref<80x128xf32, #tpu.memory_space<vmem>>, vector<16xf32>,
        tpu.vector_store %arg12[%swap3A_947, %swap3A_948], %mul3A_946 {strides = array<i32>} : memref<80x128xf32, #tpu.memory_space<vmem>>, vector<16xf32>,
        %mul3A_950 = arith.constant 16 : i32
        %mul3A_951 = arith.muli %mul3A_950, %scan3A_128 : i32
        %add3A_952 = arith.constant 6 : i32
        %add3A_953 = arith.addi %mul3A_951, %add3A_952 : i32
        %get3A_954 = arith.index_cast %add3A_953 : i32 to index
        %get3A_955 = arith.constant 160 : index
        %get3A_956 = tpu.vector_load %arg11[%get3A_954, %get3A_955] {strides = array<i32>} : memref<80x256xf32, #tpu.memory_space<vmem>>, vector<16xf32>,
        %slice3A_957 = vector.extract_strided_slice %exp3A_865 {offsets = [6], sizes = [1], strides = [1]} : vector<16xf32> to vector<1xf32>
        %squeeze3A_958 = vector.extract %slice3A_957[0] : f32 from vector<1xf32>
        %mul3A_959 = vector.broadcast %squeeze3A_958 : f32 to vector<16xf32>
        %mul3A_960 = arith.mulf %get3A_956, %mul3A_959 : vector<16xf32>
        %swap3A_961 = arith.index_cast %add3A_953 : i32 to index
        %swap3A_962 = arith.constant 32 : index
        %swap3A_963 = tpu.vector_load %arg12[%swap3A_961, %swap3A_962] {strides = array<i32>} : memref<80x128xf32, #tpu.memory_space<vmem>>, vector<16xf32>,
        tpu.vector_store %arg12[%swap3A_961, %swap3A_962], %mul3A_960 {strides = array<i32>} : memref<80x128xf32, #tpu.memory_space<vmem>>, vector<16xf32>,
        %mul3A_964 = arith.constant 16 : i32
        %mul3A_965 = arith.muli %mul3A_964, %scan3A_128 : i32
        %add3A_966 = arith.constant 7 : i32
        %add3A_967 = arith.addi %mul3A_965, %add3A_966 : i32
        %get3A_968 = arith.index_cast %add3A_967 : i32 to index
        %get3A_969 = arith.constant 160 : index
        %get3A_970 = tpu.vector_load %arg11[%get3A_968, %get3A_969] {strides = array<i32>} : memref<80x256xf32, #tpu.memory_space<vmem>>, vector<16xf32>,
        %slice3A_971 = vector.extract_strided_slice %exp3A_865 {offsets = [7], sizes = [1], strides = [1]} : vector<16xf32> to vector<1xf32>
        %squeeze3A_972 = vector.extract %slice3A_971[0] : f32 from vector<1xf32>
        %mul3A_973 = vector.broadcast %squeeze3A_972 : f32 to vector<16xf32>
        %mul3A_974 = arith.mulf %get3A_970, %mul3A_973 : vector<16xf32>
        %swap3A_975 = arith.index_cast %add3A_967 : i32 to index
        %swap3A_976 = arith.constant 32 : index
        %swap3A_977 = tpu.vector_load %arg12[%swap3A_975, %swap3A_976] {strides = array<i32>} : memref<80x128xf32, #tpu.memory_space<vmem>>, vector<16xf32>,
        tpu.vector_store %arg12[%swap3A_975, %swap3A_976], %mul3A_974 {strides = array<i32>} : memref<80x128xf32, #tpu.memory_space<vmem>>, vector<16xf32>,
        %mul3A_978 = arith.constant 16 : i32
        %mul3A_979 = arith.muli %mul3A_978, %scan3A_128 : i32
        %add3A_980 = arith.constant 8 : i32
        %add3A_981 = arith.addi %mul3A_979, %add3A_980 : i32
        %get3A_982 = arith.index_cast %add3A_981 : i32 to index
        %get3A_983 = arith.constant 160 : index
        %get3A_984 = tpu.vector_load %arg11[%get3A_982, %get3A_983] {strides = array<i32>} : memref<80x256xf32, #tpu.memory_space<vmem>>, vector<16xf32>,
        %slice3A_985 = vector.extract_strided_slice %exp3A_865 {offsets = [8], sizes = [1], strides = [1]} : vector<16xf32> to vector<1xf32>
        %squeeze3A_986 = vector.extract %slice3A_985[0] : f32 from vector<1xf32>
        %mul3A_987 = vector.broadcast %squeeze3A_986 : f32 to vector<16xf32>
        %mul3A_988 = arith.mulf %get3A_984, %mul3A_987 : vector<16xf32>
        %swap3A_989 = arith.index_cast %add3A_981 : i32 to index
        %swap3A_990 = arith.constant 32 : index
        %swap3A_991 = tpu.vector_load %arg12[%swap3A_989, %swap3A_990] {strides = array<i32>} : memref<80x128xf32, #tpu.memory_space<vmem>>, vector<16xf32>,
        tpu.vector_store %arg12[%swap3A_989, %swap3A_990], %mul3A_988 {strides = array<i32>} : memref<80x128xf32, #tpu.memory_space<vmem>>, vector<16xf32>,
        %mul3A_992 = arith.constant 16 : i32
        %mul3A_993 = arith.muli %mul3A_992, %scan3A_128 : i32
        %add3A_994 = arith.constant 9 : i32
        %add3A_995 = arith.addi %mul3A_993, %add3A_994 : i32
        %get3A_996 = arith.index_cast %add3A_995 : i32 to index
        %get3A_997 = arith.constant 160 : index
        %get3A_998 = tpu.vector_load %arg11[%get3A_996, %get3A_997] {strides = array<i32>} : memref<80x256xf32, #tpu.memory_space<vmem>>, vector<16xf32>,
        %slice3A_999 = vector.extract_strided_slice %exp3A_865 {offsets = [9], sizes = [1], strides = [1]} : vector<16xf32> to vector<1xf32>
        %squeeze3A_1000 = vector.extract %slice3A_999[0] : f32 from vector<1xf32>
        %mul3A_1001 = vector.broadcast %squeeze3A_1000 : f32 to vector<16xf32>
        %mul3A_1002 = arith.mulf %get3A_998, %mul3A_1001 : vector<16xf32>
        %swap3A_1003 = arith.index_cast %add3A_995 : i32 to index
        %swap3A_1004 = arith.constant 32 : index
        %swap3A_1005 = tpu.vector_load %arg12[%swap3A_1003, %swap3A_1004] {strides = array<i32>} : memref<80x128xf32, #tpu.memory_space<vmem>>, vector<16xf32>,
        tpu.vector_store %arg12[%swap3A_1003, %swap3A_1004], %mul3A_1002 {strides = array<i32>} : memref<80x128xf32, #tpu.memory_space<vmem>>, vector<16xf32>,
        %mul3A_1006 = arith.constant 16 : i32
        %mul3A_1007 = arith.muli %mul3A_1006, %scan3A_128 : i32
        %add3A_1008 = arith.constant 10 : i32
        %add3A_1009 = arith.addi %mul3A_1007, %add3A_1008 : i32
        %get3A_1010 = arith.index_cast %add3A_1009 : i32 to index
        %get3A_1011 = arith.constant 160 : index
        %get3A_1012 = tpu.vector_load %arg11[%get3A_1010, %get3A_1011] {strides = array<i32>} : memref<80x256xf32, #tpu.memory_space<vmem>>, vector<16xf32>,
        %slice3A_1013 = vector.extract_strided_slice %exp3A_865 {offsets = [10], sizes = [1], strides = [1]} : vector<16xf32> to vector<1xf32>
        %squeeze3A_1014 = vector.extract %slice3A_1013[0] : f32 from vector<1xf32>
        %mul3A_1015 = vector.broadcast %squeeze3A_1014 : f32 to vector<16xf32>
        %mul3A_1016 = arith.mulf %get3A_1012, %mul3A_1015 : vector<16xf32>
        %swap3A_1017 = arith.index_cast %add3A_1009 : i32 to index
        %swap3A_1018 = arith.constant 32 : index
        %swap3A_1019 = tpu.vector_load %arg12[%swap3A_1017, %swap3A_1018] {strides = array<i32>} : memref<80x128xf32, #tpu.memory_space<vmem>>, vector<16xf32>,
        tpu.vector_store %arg12[%swap3A_1017, %swap3A_1018], %mul3A_1016 {strides = array<i32>} : memref<80x128xf32, #tpu.memory_space<vmem>>, vector<16xf32>,
        %mul3A_1020 = arith.constant 16 : i32
        %mul3A_1021 = arith.muli %mul3A_1020, %scan3A_128 : i32
        %add3A_1022 = arith.constant 11 : i32
        %add3A_1023 = arith.addi %mul3A_1021, %add3A_1022 : i32
        %get3A_1024 = arith.index_cast %add3A_1023 : i32 to index
        %get3A_1025 = arith.constant 160 : index
        %get3A_1026 = tpu.vector_load %arg11[%get3A_1024, %get3A_1025] {strides = array<i32>} : memref<80x256xf32, #tpu.memory_space<vmem>>, vector<16xf32>,
        %slice3A_1027 = vector.extract_strided_slice %exp3A_865 {offsets = [11], sizes = [1], strides = [1]} : vector<16xf32> to vector<1xf32>
        %squeeze3A_1028 = vector.extract %slice3A_1027[0] : f32 from vector<1xf32>
        %mul3A_1029 = vector.broadcast %squeeze3A_1028 : f32 to vector<16xf32>
        %mul3A_1030 = arith.mulf %get3A_1026, %mul3A_1029 : vector<16xf32>
        %swap3A_1031 = arith.index_cast %add3A_1023 : i32 to index
        %swap3A_1032 = arith.constant 32 : index
        %swap3A_1033 = tpu.vector_load %arg12[%swap3A_1031, %swap3A_1032] {strides = array<i32>} : memref<80x128xf32, #tpu.memory_space<vmem>>, vector<16xf32>,
        tpu.vector_store %arg12[%swap3A_1031, %swap3A_1032], %mul3A_1030 {strides = array<i32>} : memref<80x128xf32, #tpu.memory_space<vmem>>, vector<16xf32>,
        %mul3A_1034 = arith.constant 16 : i32
        %mul3A_1035 = arith.muli %mul3A_1034, %scan3A_128 : i32
        %add3A_1036 = arith.constant 12 : i32
        %add3A_1037 = arith.addi %mul3A_1035, %add3A_1036 : i32
        %get3A_1038 = arith.index_cast %add3A_1037 : i32 to index
        %get3A_1039 = arith.constant 160 : index
        %get3A_1040 = tpu.vector_load %arg11[%get3A_1038, %get3A_1039] {strides = array<i32>} : memref<80x256xf32, #tpu.memory_space<vmem>>, vector<16xf32>,
        %slice3A_1041 = vector.extract_strided_slice %exp3A_865 {offsets = [12], sizes = [1], strides = [1]} : vector<16xf32> to vector<1xf32>
        %squeeze3A_1042 = vector.extract %slice3A_1041[0] : f32 from vector<1xf32>
        %mul3A_1043 = vector.broadcast %squeeze3A_1042 : f32 to vector<16xf32>
        %mul3A_1044 = arith.mulf %get3A_1040, %mul3A_1043 : vector<16xf32>
        %swap3A_1045 = arith.index_cast %add3A_1037 : i32 to index
        %swap3A_1046 = arith.constant 32 : index
        %swap3A_1047 = tpu.vector_load %arg12[%swap3A_1045, %swap3A_1046] {strides = array<i32>} : memref<80x128xf32, #tpu.memory_space<vmem>>, vector<16xf32>,
        tpu.vector_store %arg12[%swap3A_1045, %swap3A_1046], %mul3A_1044 {strides = array<i32>} : memref<80x128xf32, #tpu.memory_space<vmem>>, vector<16xf32>,
        %mul3A_1048 = arith.constant 16 : i32
        %mul3A_1049 = arith.muli %mul3A_1048, %scan3A_128 : i32
        %add3A_1050 = arith.constant 13 : i32
        %add3A_1051 = arith.addi %mul3A_1049, %add3A_1050 : i32
        %get3A_1052 = arith.index_cast %add3A_1051 : i32 to index
        %get3A_1053 = arith.constant 160 : index
        %get3A_1054 = tpu.vector_load %arg11[%get3A_1052, %get3A_1053] {strides = array<i32>} : memref<80x256xf32, #tpu.memory_space<vmem>>, vector<16xf32>,
        %slice3A_1055 = vector.extract_strided_slice %exp3A_865 {offsets = [13], sizes = [1], strides = [1]} : vector<16xf32> to vector<1xf32>
        %squeeze3A_1056 = vector.extract %slice3A_1055[0] : f32 from vector<1xf32>
        %mul3A_1057 = vector.broadcast %squeeze3A_1056 : f32 to vector<16xf32>
        %mul3A_1058 = arith.mulf %get3A_1054, %mul3A_1057 : vector<16xf32>
        %swap3A_1059 = arith.index_cast %add3A_1051 : i32 to index
        %swap3A_1060 = arith.constant 32 : index
        %swap3A_1061 = tpu.vector_load %arg12[%swap3A_1059, %swap3A_1060] {strides = array<i32>} : memref<80x128xf32, #tpu.memory_space<vmem>>, vector<16xf32>,
        tpu.vector_store %arg12[%swap3A_1059, %swap3A_1060], %mul3A_1058 {strides = array<i32>} : memref<80x128xf32, #tpu.memory_space<vmem>>, vector<16xf32>,
        %mul3A_1062 = arith.constant 16 : i32
        %mul3A_1063 = arith.muli %mul3A_1062, %scan3A_128 : i32
        %add3A_1064 = arith.constant 14 : i32
        %add3A_1065 = arith.addi %mul3A_1063, %add3A_1064 : i32
        %get3A_1066 = arith.index_cast %add3A_1065 : i32 to index
        %get3A_1067 = arith.constant 160 : index
        %get3A_1068 = tpu.vector_load %arg11[%get3A_1066, %get3A_1067] {strides = array<i32>} : memref<80x256xf32, #tpu.memory_space<vmem>>, vector<16xf32>,
        %slice3A_1069 = vector.extract_strided_slice %exp3A_865 {offsets = [14], sizes = [1], strides = [1]} : vector<16xf32> to vector<1xf32>
        %squeeze3A_1070 = vector.extract %slice3A_1069[0] : f32 from vector<1xf32>
        %mul3A_1071 = vector.broadcast %squeeze3A_1070 : f32 to vector<16xf32>
        %mul3A_1072 = arith.mulf %get3A_1068, %mul3A_1071 : vector<16xf32>
        %swap3A_1073 = arith.index_cast %add3A_1065 : i32 to index
        %swap3A_1074 = arith.constant 32 : index
        %swap3A_1075 = tpu.vector_load %arg12[%swap3A_1073, %swap3A_1074] {strides = array<i32>} : memref<80x128xf32, #tpu.memory_space<vmem>>, vector<16xf32>,
        tpu.vector_store %arg12[%swap3A_1073, %swap3A_1074], %mul3A_1072 {strides = array<i32>} : memref<80x128xf32, #tpu.memory_space<vmem>>, vector<16xf32>,
        %mul3A_1076 = arith.constant 16 : i32
        %mul3A_1077 = arith.muli %mul3A_1076, %scan3A_128 : i32
        %add3A_1078 = arith.constant 15 : i32
        %add3A_1079 = arith.addi %mul3A_1077, %add3A_1078 : i32
        %get3A_1080 = arith.index_cast %add3A_1079 : i32 to index
        %get3A_1081 = arith.constant 160 : index
        %get3A_1082 = tpu.vector_load %arg11[%get3A_1080, %get3A_1081] {strides = array<i32>} : memref<80x256xf32, #tpu.memory_space<vmem>>, vector<16xf32>,
        %slice3A_1083 = vector.extract_strided_slice %exp3A_865 {offsets = [15], sizes = [1], strides = [1]} : vector<16xf32> to vector<1xf32>
        %squeeze3A_1084 = vector.extract %slice3A_1083[0] : f32 from vector<1xf32>
        %mul3A_1085 = vector.broadcast %squeeze3A_1084 : f32 to vector<16xf32>
        %mul3A_1086 = arith.mulf %get3A_1082, %mul3A_1085 : vector<16xf32>
        %swap3A_1087 = arith.index_cast %add3A_1079 : i32 to index
        %swap3A_1088 = arith.constant 32 : index
        %swap3A_1089 = tpu.vector_load %arg12[%swap3A_1087, %swap3A_1088] {strides = array<i32>} : memref<80x128xf32, #tpu.memory_space<vmem>>, vector<16xf32>,
        tpu.vector_store %arg12[%swap3A_1087, %swap3A_1088], %mul3A_1086 {strides = array<i32>} : memref<80x128xf32, #tpu.memory_space<vmem>>, vector<16xf32>,
        %broadcast_in_dim3A_1090 = arith.constant 48 : i32
        %broadcast_in_dim3A_1091 = vector.broadcast %broadcast_in_dim3A_1090 : i32 to vector<16xi32>
        %gather3A_1092 = tpu.vector_load_idx %arg10[%add3A_132, %broadcast_in_dim3A_1091] : memref<80x128xf32, #tpu.memory_space<vmem>>[vector<16xi32>, vector<16xi32>], vector<16xf32>,
        %gather3A_1093 = tpu.vector_load_idx %arg11[%add3A_132, %broadcast_in_dim3A_1091] : memref<80x256xf32, #tpu.memory_space<vmem>>[vector<16xi32>, vector<16xi32>], vector<16xf32>,
        %mul3A_1094 = arith.mulf %gather3A_1092, %gather3A_1093 : vector<16xf32>
        %add3A_1095 = arith.addf %broadcast_in_dim3A_1, %mul3A_1094 : vector<16xf32>
        %broadcast_in_dim3A_1096 = arith.constant 49 : i32
        %broadcast_in_dim3A_1097 = vector.broadcast %broadcast_in_dim3A_1096 : i32 to vector<16xi32>
        %gather3A_1098 = tpu.vector_load_idx %arg10[%add3A_132, %broadcast_in_dim3A_1097] : memref<80x128xf32, #tpu.memory_space<vmem>>[vector<16xi32>, vector<16xi32>], vector<16xf32>,
        %gather3A_1099 = tpu.vector_load_idx %arg11[%add3A_132, %broadcast_in_dim3A_1097] : memref<80x256xf32, #tpu.memory_space<vmem>>[vector<16xi32>, vector<16xi32>], vector<16xf32>,
        %mul3A_1100 = arith.mulf %gather3A_1098, %gather3A_1099 : vector<16xf32>
        %add3A_1101 = arith.addf %add3A_1095, %mul3A_1100 : vector<16xf32>
        %broadcast_in_dim3A_1102 = arith.constant 50 : i32
        %broadcast_in_dim3A_1103 = vector.broadcast %broadcast_in_dim3A_1102 : i32 to vector<16xi32>
        %gather3A_1104 = tpu.vector_load_idx %arg10[%add3A_132, %broadcast_in_dim3A_1103] : memref<80x128xf32, #tpu.memory_space<vmem>>[vector<16xi32>, vector<16xi32>], vector<16xf32>,
        %gather3A_1105 = tpu.vector_load_idx %arg11[%add3A_132, %broadcast_in_dim3A_1103] : memref<80x256xf32, #tpu.memory_space<vmem>>[vector<16xi32>, vector<16xi32>], vector<16xf32>,
        %mul3A_1106 = arith.mulf %gather3A_1104, %gather3A_1105 : vector<16xf32>
        %add3A_1107 = arith.addf %add3A_1101, %mul3A_1106 : vector<16xf32>
        %broadcast_in_dim3A_1108 = arith.constant 51 : i32
        %broadcast_in_dim3A_1109 = vector.broadcast %broadcast_in_dim3A_1108 : i32 to vector<16xi32>
        %gather3A_1110 = tpu.vector_load_idx %arg10[%add3A_132, %broadcast_in_dim3A_1109] : memref<80x128xf32, #tpu.memory_space<vmem>>[vector<16xi32>, vector<16xi32>], vector<16xf32>,
        %gather3A_1111 = tpu.vector_load_idx %arg11[%add3A_132, %broadcast_in_dim3A_1109] : memref<80x256xf32, #tpu.memory_space<vmem>>[vector<16xi32>, vector<16xi32>], vector<16xf32>,
        %mul3A_1112 = arith.mulf %gather3A_1110, %gather3A_1111 : vector<16xf32>
        %add3A_1113 = arith.addf %add3A_1107, %mul3A_1112 : vector<16xf32>
        %broadcast_in_dim3A_1114 = arith.constant 52 : i32
        %broadcast_in_dim3A_1115 = vector.broadcast %broadcast_in_dim3A_1114 : i32 to vector<16xi32>
        %gather3A_1116 = tpu.vector_load_idx %arg10[%add3A_132, %broadcast_in_dim3A_1115] : memref<80x128xf32, #tpu.memory_space<vmem>>[vector<16xi32>, vector<16xi32>], vector<16xf32>,
        %gather3A_1117 = tpu.vector_load_idx %arg11[%add3A_132, %broadcast_in_dim3A_1115] : memref<80x256xf32, #tpu.memory_space<vmem>>[vector<16xi32>, vector<16xi32>], vector<16xf32>,
        %mul3A_1118 = arith.mulf %gather3A_1116, %gather3A_1117 : vector<16xf32>
        %add3A_1119 = arith.addf %add3A_1113, %mul3A_1118 : vector<16xf32>
        %broadcast_in_dim3A_1120 = arith.constant 53 : i32
        %broadcast_in_dim3A_1121 = vector.broadcast %broadcast_in_dim3A_1120 : i32 to vector<16xi32>
        %gather3A_1122 = tpu.vector_load_idx %arg10[%add3A_132, %broadcast_in_dim3A_1121] : memref<80x128xf32, #tpu.memory_space<vmem>>[vector<16xi32>, vector<16xi32>], vector<16xf32>,
        %gather3A_1123 = tpu.vector_load_idx %arg11[%add3A_132, %broadcast_in_dim3A_1121] : memref<80x256xf32, #tpu.memory_space<vmem>>[vector<16xi32>, vector<16xi32>], vector<16xf32>,
        %mul3A_1124 = arith.mulf %gather3A_1122, %gather3A_1123 : vector<16xf32>
        %add3A_1125 = arith.addf %add3A_1119, %mul3A_1124 : vector<16xf32>
        %broadcast_in_dim3A_1126 = arith.constant 54 : i32
        %broadcast_in_dim3A_1127 = vector.broadcast %broadcast_in_dim3A_1126 : i32 to vector<16xi32>
        %gather3A_1128 = tpu.vector_load_idx %arg10[%add3A_132, %broadcast_in_dim3A_1127] : memref<80x128xf32, #tpu.memory_space<vmem>>[vector<16xi32>, vector<16xi32>], vector<16xf32>,
        %gather3A_1129 = tpu.vector_load_idx %arg11[%add3A_132, %broadcast_in_dim3A_1127] : memref<80x256xf32, #tpu.memory_space<vmem>>[vector<16xi32>, vector<16xi32>], vector<16xf32>,
        %mul3A_1130 = arith.mulf %gather3A_1128, %gather3A_1129 : vector<16xf32>
        %add3A_1131 = arith.addf %add3A_1125, %mul3A_1130 : vector<16xf32>
        %broadcast_in_dim3A_1132 = arith.constant 55 : i32
        %broadcast_in_dim3A_1133 = vector.broadcast %broadcast_in_dim3A_1132 : i32 to vector<16xi32>
        %gather3A_1134 = tpu.vector_load_idx %arg10[%add3A_132, %broadcast_in_dim3A_1133] : memref<80x128xf32, #tpu.memory_space<vmem>>[vector<16xi32>, vector<16xi32>], vector<16xf32>,
        %gather3A_1135 = tpu.vector_load_idx %arg11[%add3A_132, %broadcast_in_dim3A_1133] : memref<80x256xf32, #tpu.memory_space<vmem>>[vector<16xi32>, vector<16xi32>], vector<16xf32>,
        %mul3A_1136 = arith.mulf %gather3A_1134, %gather3A_1135 : vector<16xf32>
        %add3A_1137 = arith.addf %add3A_1131, %mul3A_1136 : vector<16xf32>
        %broadcast_in_dim3A_1138 = arith.constant 56 : i32
        %broadcast_in_dim3A_1139 = vector.broadcast %broadcast_in_dim3A_1138 : i32 to vector<16xi32>
        %gather3A_1140 = tpu.vector_load_idx %arg10[%add3A_132, %broadcast_in_dim3A_1139] : memref<80x128xf32, #tpu.memory_space<vmem>>[vector<16xi32>, vector<16xi32>], vector<16xf32>,
        %gather3A_1141 = tpu.vector_load_idx %arg11[%add3A_132, %broadcast_in_dim3A_1139] : memref<80x256xf32, #tpu.memory_space<vmem>>[vector<16xi32>, vector<16xi32>], vector<16xf32>,
        %mul3A_1142 = arith.mulf %gather3A_1140, %gather3A_1141 : vector<16xf32>
        %add3A_1143 = arith.addf %add3A_1137, %mul3A_1142 : vector<16xf32>
        %broadcast_in_dim3A_1144 = arith.constant 57 : i32
        %broadcast_in_dim3A_1145 = vector.broadcast %broadcast_in_dim3A_1144 : i32 to vector<16xi32>
        %gather3A_1146 = tpu.vector_load_idx %arg10[%add3A_132, %broadcast_in_dim3A_1145] : memref<80x128xf32, #tpu.memory_space<vmem>>[vector<16xi32>, vector<16xi32>], vector<16xf32>,
        %gather3A_1147 = tpu.vector_load_idx %arg11[%add3A_132, %broadcast_in_dim3A_1145] : memref<80x256xf32, #tpu.memory_space<vmem>>[vector<16xi32>, vector<16xi32>], vector<16xf32>,
        %mul3A_1148 = arith.mulf %gather3A_1146, %gather3A_1147 : vector<16xf32>
        %add3A_1149 = arith.addf %add3A_1143, %mul3A_1148 : vector<16xf32>
        %broadcast_in_dim3A_1150 = arith.constant 58 : i32
        %broadcast_in_dim3A_1151 = vector.broadcast %broadcast_in_dim3A_1150 : i32 to vector<16xi32>
        %gather3A_1152 = tpu.vector_load_idx %arg10[%add3A_132, %broadcast_in_dim3A_1151] : memref<80x128xf32, #tpu.memory_space<vmem>>[vector<16xi32>, vector<16xi32>], vector<16xf32>,
        %gather3A_1153 = tpu.vector_load_idx %arg11[%add3A_132, %broadcast_in_dim3A_1151] : memref<80x256xf32, #tpu.memory_space<vmem>>[vector<16xi32>, vector<16xi32>], vector<16xf32>,
        %mul3A_1154 = arith.mulf %gather3A_1152, %gather3A_1153 : vector<16xf32>
        %add3A_1155 = arith.addf %add3A_1149, %mul3A_1154 : vector<16xf32>
        %broadcast_in_dim3A_1156 = arith.constant 59 : i32
        %broadcast_in_dim3A_1157 = vector.broadcast %broadcast_in_dim3A_1156 : i32 to vector<16xi32>
        %gather3A_1158 = tpu.vector_load_idx %arg10[%add3A_132, %broadcast_in_dim3A_1157] : memref<80x128xf32, #tpu.memory_space<vmem>>[vector<16xi32>, vector<16xi32>], vector<16xf32>,
        %gather3A_1159 = tpu.vector_load_idx %arg11[%add3A_132, %broadcast_in_dim3A_1157] : memref<80x256xf32, #tpu.memory_space<vmem>>[vector<16xi32>, vector<16xi32>], vector<16xf32>,
        %mul3A_1160 = arith.mulf %gather3A_1158, %gather3A_1159 : vector<16xf32>
        %add3A_1161 = arith.addf %add3A_1155, %mul3A_1160 : vector<16xf32>
        %broadcast_in_dim3A_1162 = arith.constant 60 : i32
        %broadcast_in_dim3A_1163 = vector.broadcast %broadcast_in_dim3A_1162 : i32 to vector<16xi32>
        %gather3A_1164 = tpu.vector_load_idx %arg10[%add3A_132, %broadcast_in_dim3A_1163] : memref<80x128xf32, #tpu.memory_space<vmem>>[vector<16xi32>, vector<16xi32>], vector<16xf32>,
        %gather3A_1165 = tpu.vector_load_idx %arg11[%add3A_132, %broadcast_in_dim3A_1163] : memref<80x256xf32, #tpu.memory_space<vmem>>[vector<16xi32>, vector<16xi32>], vector<16xf32>,
        %mul3A_1166 = arith.mulf %gather3A_1164, %gather3A_1165 : vector<16xf32>
        %add3A_1167 = arith.addf %add3A_1161, %mul3A_1166 : vector<16xf32>
        %broadcast_in_dim3A_1168 = arith.constant 61 : i32
        %broadcast_in_dim3A_1169 = vector.broadcast %broadcast_in_dim3A_1168 : i32 to vector<16xi32>
        %gather3A_1170 = tpu.vector_load_idx %arg10[%add3A_132, %broadcast_in_dim3A_1169] : memref<80x128xf32, #tpu.memory_space<vmem>>[vector<16xi32>, vector<16xi32>], vector<16xf32>,
        %gather3A_1171 = tpu.vector_load_idx %arg11[%add3A_132, %broadcast_in_dim3A_1169] : memref<80x256xf32, #tpu.memory_space<vmem>>[vector<16xi32>, vector<16xi32>], vector<16xf32>,
        %mul3A_1172 = arith.mulf %gather3A_1170, %gather3A_1171 : vector<16xf32>
        %add3A_1173 = arith.addf %add3A_1167, %mul3A_1172 : vector<16xf32>
        %broadcast_in_dim3A_1174 = arith.constant 62 : i32
        %broadcast_in_dim3A_1175 = vector.broadcast %broadcast_in_dim3A_1174 : i32 to vector<16xi32>
        %gather3A_1176 = tpu.vector_load_idx %arg10[%add3A_132, %broadcast_in_dim3A_1175] : memref<80x128xf32, #tpu.memory_space<vmem>>[vector<16xi32>, vector<16xi32>], vector<16xf32>,
        %gather3A_1177 = tpu.vector_load_idx %arg11[%add3A_132, %broadcast_in_dim3A_1175] : memref<80x256xf32, #tpu.memory_space<vmem>>[vector<16xi32>, vector<16xi32>], vector<16xf32>,
        %mul3A_1178 = arith.mulf %gather3A_1176, %gather3A_1177 : vector<16xf32>
        %add3A_1179 = arith.addf %add3A_1173, %mul3A_1178 : vector<16xf32>
        %broadcast_in_dim3A_1180 = arith.constant 63 : i32
        %broadcast_in_dim3A_1181 = vector.broadcast %broadcast_in_dim3A_1180 : i32 to vector<16xi32>
        %gather3A_1182 = tpu.vector_load_idx %arg10[%add3A_132, %broadcast_in_dim3A_1181] : memref<80x128xf32, #tpu.memory_space<vmem>>[vector<16xi32>, vector<16xi32>], vector<16xf32>,
        %gather3A_1183 = tpu.vector_load_idx %arg11[%add3A_132, %broadcast_in_dim3A_1181] : memref<80x256xf32, #tpu.memory_space<vmem>>[vector<16xi32>, vector<16xi32>], vector<16xf32>,
        %mul3A_1184 = arith.mulf %gather3A_1182, %gather3A_1183 : vector<16xf32>
        %add3A_1185 = arith.addf %add3A_1179, %mul3A_1184 : vector<16xf32>
        %exp3A_1186 = math.exp %add3A_1185 : vector<16xf32>
        tpu.vector_store_idx %arg13[%add3A_132, %broadcast_in_dim3A_9], %exp3A_1186 : memref<80x8xf32, #tpu.memory_space<vmem>>[vector<16xi32>, vector<16xi32>], vector<16xf32>,
        %mul3A_1187 = arith.constant 16 : i32
        %mul3A_1188 = arith.muli %mul3A_1187, %scan3A_128 : i32
        %add3A_1189 = arith.constant 0 : i32
        %add3A_1190 = arith.addi %mul3A_1188, %add3A_1189 : i32
        %get3A_1191 = arith.index_cast %add3A_1190 : i32 to index
        %get3A_1192 = arith.constant 176 : index
        %get3A_1193 = tpu.vector_load %arg11[%get3A_1191, %get3A_1192] {strides = array<i32>} : memref<80x256xf32, #tpu.memory_space<vmem>>, vector<16xf32>,
        %slice3A_1194 = vector.extract_strided_slice %exp3A_1186 {offsets = [0], sizes = [1], strides = [1]} : vector<16xf32> to vector<1xf32>
        %squeeze3A_1195 = vector.extract %slice3A_1194[0] : f32 from vector<1xf32>
        %mul3A_1196 = vector.broadcast %squeeze3A_1195 : f32 to vector<16xf32>
        %mul3A_1197 = arith.mulf %get3A_1193, %mul3A_1196 : vector<16xf32>
        %swap3A_1198 = arith.index_cast %add3A_1190 : i32 to index
        %swap3A_1199 = arith.constant 48 : index
        %swap3A_1200 = tpu.vector_load %arg12[%swap3A_1198, %swap3A_1199] {strides = array<i32>} : memref<80x128xf32, #tpu.memory_space<vmem>>, vector<16xf32>,
        tpu.vector_store %arg12[%swap3A_1198, %swap3A_1199], %mul3A_1197 {strides = array<i32>} : memref<80x128xf32, #tpu.memory_space<vmem>>, vector<16xf32>,
        %mul3A_1201 = arith.constant 16 : i32
        %mul3A_1202 = arith.muli %mul3A_1201, %scan3A_128 : i32
        %add3A_1203 = arith.constant 1 : i32
        %add3A_1204 = arith.addi %mul3A_1202, %add3A_1203 : i32
        %get3A_1205 = arith.index_cast %add3A_1204 : i32 to index
        %get3A_1206 = arith.constant 176 : index
        %get3A_1207 = tpu.vector_load %arg11[%get3A_1205, %get3A_1206] {strides = array<i32>} : memref<80x256xf32, #tpu.memory_space<vmem>>, vector<16xf32>,
        %slice3A_1208 = vector.extract_strided_slice %exp3A_1186 {offsets = [1], sizes = [1], strides = [1]} : vector<16xf32> to vector<1xf32>
        %squeeze3A_1209 = vector.extract %slice3A_1208[0] : f32 from vector<1xf32>
        %mul3A_1210 = vector.broadcast %squeeze3A_1209 : f32 to vector<16xf32>
        %mul3A_1211 = arith.mulf %get3A_1207, %mul3A_1210 : vector<16xf32>
        %swap3A_1212 = arith.index_cast %add3A_1204 : i32 to index
        %swap3A_1213 = arith.constant 48 : index
        %swap3A_1214 = tpu.vector_load %arg12[%swap3A_1212, %swap3A_1213] {strides = array<i32>} : memref<80x128xf32, #tpu.memory_space<vmem>>, vector<16xf32>,
        tpu.vector_store %arg12[%swap3A_1212, %swap3A_1213], %mul3A_1211 {strides = array<i32>} : memref<80x128xf32, #tpu.memory_space<vmem>>, vector<16xf32>,
        %mul3A_1215 = arith.constant 16 : i32
        %mul3A_1216 = arith.muli %mul3A_1215, %scan3A_128 : i32
        %add3A_1217 = arith.constant 2 : i32
        %add3A_1218 = arith.addi %mul3A_1216, %add3A_1217 : i32
        %get3A_1219 = arith.index_cast %add3A_1218 : i32 to index
        %get3A_1220 = arith.constant 176 : index
        %get3A_1221 = tpu.vector_load %arg11[%get3A_1219, %get3A_1220] {strides = array<i32>} : memref<80x256xf32, #tpu.memory_space<vmem>>, vector<16xf32>,
        %slice3A_1222 = vector.extract_strided_slice %exp3A_1186 {offsets = [2], sizes = [1], strides = [1]} : vector<16xf32> to vector<1xf32>
        %squeeze3A_1223 = vector.extract %slice3A_1222[0] : f32 from vector<1xf32>
        %mul3A_1224 = vector.broadcast %squeeze3A_1223 : f32 to vector<16xf32>
        %mul3A_1225 = arith.mulf %get3A_1221, %mul3A_1224 : vector<16xf32>
        %swap3A_1226 = arith.index_cast %add3A_1218 : i32 to index
        %swap3A_1227 = arith.constant 48 : index
        %swap3A_1228 = tpu.vector_load %arg12[%swap3A_1226, %swap3A_1227] {strides = array<i32>} : memref<80x128xf32, #tpu.memory_space<vmem>>, vector<16xf32>,
        tpu.vector_store %arg12[%swap3A_1226, %swap3A_1227], %mul3A_1225 {strides = array<i32>} : memref<80x128xf32, #tpu.memory_space<vmem>>, vector<16xf32>,
        %mul3A_1229 = arith.constant 16 : i32
        %mul3A_1230 = arith.muli %mul3A_1229, %scan3A_128 : i32
        %add3A_1231 = arith.constant 3 : i32
        %add3A_1232 = arith.addi %mul3A_1230, %add3A_1231 : i32
        %get3A_1233 = arith.index_cast %add3A_1232 : i32 to index
        %get3A_1234 = arith.constant 176 : index
        %get3A_1235 = tpu.vector_load %arg11[%get3A_1233, %get3A_1234] {strides = array<i32>} : memref<80x256xf32, #tpu.memory_space<vmem>>, vector<16xf32>,
        %slice3A_1236 = vector.extract_strided_slice %exp3A_1186 {offsets = [3], sizes = [1], strides = [1]} : vector<16xf32> to vector<1xf32>
        %squeeze3A_1237 = vector.extract %slice3A_1236[0] : f32 from vector<1xf32>
        %mul3A_1238 = vector.broadcast %squeeze3A_1237 : f32 to vector<16xf32>
        %mul3A_1239 = arith.mulf %get3A_1235, %mul3A_1238 : vector<16xf32>
        %swap3A_1240 = arith.index_cast %add3A_1232 : i32 to index
        %swap3A_1241 = arith.constant 48 : index
        %swap3A_1242 = tpu.vector_load %arg12[%swap3A_1240, %swap3A_1241] {strides = array<i32>} : memref<80x128xf32, #tpu.memory_space<vmem>>, vector<16xf32>,
        tpu.vector_store %arg12[%swap3A_1240, %swap3A_1241], %mul3A_1239 {strides = array<i32>} : memref<80x128xf32, #tpu.memory_space<vmem>>, vector<16xf32>,
        %mul3A_1243 = arith.constant 16 : i32
        %mul3A_1244 = arith.muli %mul3A_1243, %scan3A_128 : i32
        %add3A_1245 = arith.constant 4 : i32
        %add3A_1246 = arith.addi %mul3A_1244, %add3A_1245 : i32
        %get3A_1247 = arith.index_cast %add3A_1246 : i32 to index
        %get3A_1248 = arith.constant 176 : index
        %get3A_1249 = tpu.vector_load %arg11[%get3A_1247, %get3A_1248] {strides = array<i32>} : memref<80x256xf32, #tpu.memory_space<vmem>>, vector<16xf32>,
        %slice3A_1250 = vector.extract_strided_slice %exp3A_1186 {offsets = [4], sizes = [1], strides = [1]} : vector<16xf32> to vector<1xf32>
        %squeeze3A_1251 = vector.extract %slice3A_1250[0] : f32 from vector<1xf32>
        %mul3A_1252 = vector.broadcast %squeeze3A_1251 : f32 to vector<16xf32>
        %mul3A_1253 = arith.mulf %get3A_1249, %mul3A_1252 : vector<16xf32>
        %swap3A_1254 = arith.index_cast %add3A_1246 : i32 to index
        %swap3A_1255 = arith.constant 48 : index
        %swap3A_1256 = tpu.vector_load %arg12[%swap3A_1254, %swap3A_1255] {strides = array<i32>} : memref<80x128xf32, #tpu.memory_space<vmem>>, vector<16xf32>,
        tpu.vector_store %arg12[%swap3A_1254, %swap3A_1255], %mul3A_1253 {strides = array<i32>} : memref<80x128xf32, #tpu.memory_space<vmem>>, vector<16xf32>,
        %mul3A_1257 = arith.constant 16 : i32
        %mul3A_1258 = arith.muli %mul3A_1257, %scan3A_128 : i32
        %add3A_1259 = arith.constant 5 : i32
        %add3A_1260 = arith.addi %mul3A_1258, %add3A_1259 : i32
        %get3A_1261 = arith.index_cast %add3A_1260 : i32 to index
        %get3A_1262 = arith.constant 176 : index
        %get3A_1263 = tpu.vector_load %arg11[%get3A_1261, %get3A_1262] {strides = array<i32>} : memref<80x256xf32, #tpu.memory_space<vmem>>, vector<16xf32>,
        %slice3A_1264 = vector.extract_strided_slice %exp3A_1186 {offsets = [5], sizes = [1], strides = [1]} : vector<16xf32> to vector<1xf32>
        %squeeze3A_1265 = vector.extract %slice3A_1264[0] : f32 from vector<1xf32>
        %mul3A_1266 = vector.broadcast %squeeze3A_1265 : f32 to vector<16xf32>
        %mul3A_1267 = arith.mulf %get3A_1263, %mul3A_1266 : vector<16xf32>
        %swap3A_1268 = arith.index_cast %add3A_1260 : i32 to index
        %swap3A_1269 = arith.constant 48 : index
        %swap3A_1270 = tpu.vector_load %arg12[%swap3A_1268, %swap3A_1269] {strides = array<i32>} : memref<80x128xf32, #tpu.memory_space<vmem>>, vector<16xf32>,
        tpu.vector_store %arg12[%swap3A_1268, %swap3A_1269], %mul3A_1267 {strides = array<i32>} : memref<80x128xf32, #tpu.memory_space<vmem>>, vector<16xf32>,
        %mul3A_1271 = arith.constant 16 : i32
        %mul3A_1272 = arith.muli %mul3A_1271, %scan3A_128 : i32
        %add3A_1273 = arith.constant 6 : i32
        %add3A_1274 = arith.addi %mul3A_1272, %add3A_1273 : i32
        %get3A_1275 = arith.index_cast %add3A_1274 : i32 to index
        %get3A_1276 = arith.constant 176 : index
        %get3A_1277 = tpu.vector_load %arg11[%get3A_1275, %get3A_1276] {strides = array<i32>} : memref<80x256xf32, #tpu.memory_space<vmem>>, vector<16xf32>,
        %slice3A_1278 = vector.extract_strided_slice %exp3A_1186 {offsets = [6], sizes = [1], strides = [1]} : vector<16xf32> to vector<1xf32>
        %squeeze3A_1279 = vector.extract %slice3A_1278[0] : f32 from vector<1xf32>
        %mul3A_1280 = vector.broadcast %squeeze3A_1279 : f32 to vector<16xf32>
        %mul3A_1281 = arith.mulf %get3A_1277, %mul3A_1280 : vector<16xf32>
        %swap3A_1282 = arith.index_cast %add3A_1274 : i32 to index
        %swap3A_1283 = arith.constant 48 : index
        %swap3A_1284 = tpu.vector_load %arg12[%swap3A_1282, %swap3A_1283] {strides = array<i32>} : memref<80x128xf32, #tpu.memory_space<vmem>>, vector<16xf32>,
        tpu.vector_store %arg12[%swap3A_1282, %swap3A_1283], %mul3A_1281 {strides = array<i32>} : memref<80x128xf32, #tpu.memory_space<vmem>>, vector<16xf32>,
        %mul3A_1285 = arith.constant 16 : i32
        %mul3A_1286 = arith.muli %mul3A_1285, %scan3A_128 : i32
        %add3A_1287 = arith.constant 7 : i32
        %add3A_1288 = arith.addi %mul3A_1286, %add3A_1287 : i32
        %get3A_1289 = arith.index_cast %add3A_1288 : i32 to index
        %get3A_1290 = arith.constant 176 : index
        %get3A_1291 = tpu.vector_load %arg11[%get3A_1289, %get3A_1290] {strides = array<i32>} : memref<80x256xf32, #tpu.memory_space<vmem>>, vector<16xf32>,
        %slice3A_1292 = vector.extract_strided_slice %exp3A_1186 {offsets = [7], sizes = [1], strides = [1]} : vector<16xf32> to vector<1xf32>
        %squeeze3A_1293 = vector.extract %slice3A_1292[0] : f32 from vector<1xf32>
        %mul3A_1294 = vector.broadcast %squeeze3A_1293 : f32 to vector<16xf32>
        %mul3A_1295 = arith.mulf %get3A_1291, %mul3A_1294 : vector<16xf32>
        %swap3A_1296 = arith.index_cast %add3A_1288 : i32 to index
        %swap3A_1297 = arith.constant 48 : index
        %swap3A_1298 = tpu.vector_load %arg12[%swap3A_1296, %swap3A_1297] {strides = array<i32>} : memref<80x128xf32, #tpu.memory_space<vmem>>, vector<16xf32>,
        tpu.vector_store %arg12[%swap3A_1296, %swap3A_1297], %mul3A_1295 {strides = array<i32>} : memref<80x128xf32, #tpu.memory_space<vmem>>, vector<16xf32>,
        %mul3A_1299 = arith.constant 16 : i32
        %mul3A_1300 = arith.muli %mul3A_1299, %scan3A_128 : i32
        %add3A_1301 = arith.constant 8 : i32
        %add3A_1302 = arith.addi %mul3A_1300, %add3A_1301 : i32
        %get3A_1303 = arith.index_cast %add3A_1302 : i32 to index
        %get3A_1304 = arith.constant 176 : index
        %get3A_1305 = tpu.vector_load %arg11[%get3A_1303, %get3A_1304] {strides = array<i32>} : memref<80x256xf32, #tpu.memory_space<vmem>>, vector<16xf32>,
        %slice3A_1306 = vector.extract_strided_slice %exp3A_1186 {offsets = [8], sizes = [1], strides = [1]} : vector<16xf32> to vector<1xf32>
        %squeeze3A_1307 = vector.extract %slice3A_1306[0] : f32 from vector<1xf32>
        %mul3A_1308 = vector.broadcast %squeeze3A_1307 : f32 to vector<16xf32>
        %mul3A_1309 = arith.mulf %get3A_1305, %mul3A_1308 : vector<16xf32>
        %swap3A_1310 = arith.index_cast %add3A_1302 : i32 to index
        %swap3A_1311 = arith.constant 48 : index
        %swap3A_1312 = tpu.vector_load %arg12[%swap3A_1310, %swap3A_1311] {strides = array<i32>} : memref<80x128xf32, #tpu.memory_space<vmem>>, vector<16xf32>,
        tpu.vector_store %arg12[%swap3A_1310, %swap3A_1311], %mul3A_1309 {strides = array<i32>} : memref<80x128xf32, #tpu.memory_space<vmem>>, vector<16xf32>,
        %mul3A_1313 = arith.constant 16 : i32
        %mul3A_1314 = arith.muli %mul3A_1313, %scan3A_128 : i32
        %add3A_1315 = arith.constant 9 : i32
        %add3A_1316 = arith.addi %mul3A_1314, %add3A_1315 : i32
        %get3A_1317 = arith.index_cast %add3A_1316 : i32 to index
        %get3A_1318 = arith.constant 176 : index
        %get3A_1319 = tpu.vector_load %arg11[%get3A_1317, %get3A_1318] {strides = array<i32>} : memref<80x256xf32, #tpu.memory_space<vmem>>, vector<16xf32>,
        %slice3A_1320 = vector.extract_strided_slice %exp3A_1186 {offsets = [9], sizes = [1], strides = [1]} : vector<16xf32> to vector<1xf32>
        %squeeze3A_1321 = vector.extract %slice3A_1320[0] : f32 from vector<1xf32>
        %mul3A_1322 = vector.broadcast %squeeze3A_1321 : f32 to vector<16xf32>
        %mul3A_1323 = arith.mulf %get3A_1319, %mul3A_1322 : vector<16xf32>
        %swap3A_1324 = arith.index_cast %add3A_1316 : i32 to index
        %swap3A_1325 = arith.constant 48 : index
        %swap3A_1326 = tpu.vector_load %arg12[%swap3A_1324, %swap3A_1325] {strides = array<i32>} : memref<80x128xf32, #tpu.memory_space<vmem>>, vector<16xf32>,
        tpu.vector_store %arg12[%swap3A_1324, %swap3A_1325], %mul3A_1323 {strides = array<i32>} : memref<80x128xf32, #tpu.memory_space<vmem>>, vector<16xf32>,
        %mul3A_1327 = arith.constant 16 : i32
        %mul3A_1328 = arith.muli %mul3A_1327, %scan3A_128 : i32
        %add3A_1329 = arith.constant 10 : i32
        %add3A_1330 = arith.addi %mul3A_1328, %add3A_1329 : i32
        %get3A_1331 = arith.index_cast %add3A_1330 : i32 to index
        %get3A_1332 = arith.constant 176 : index
        %get3A_1333 = tpu.vector_load %arg11[%get3A_1331, %get3A_1332] {strides = array<i32>} : memref<80x256xf32, #tpu.memory_space<vmem>>, vector<16xf32>,
        %slice3A_1334 = vector.extract_strided_slice %exp3A_1186 {offsets = [10], sizes = [1], strides = [1]} : vector<16xf32> to vector<1xf32>
        %squeeze3A_1335 = vector.extract %slice3A_1334[0] : f32 from vector<1xf32>
        %mul3A_1336 = vector.broadcast %squeeze3A_1335 : f32 to vector<16xf32>
        %mul3A_1337 = arith.mulf %get3A_1333, %mul3A_1336 : vector<16xf32>
        %swap3A_1338 = arith.index_cast %add3A_1330 : i32 to index
        %swap3A_1339 = arith.constant 48 : index
        %swap3A_1340 = tpu.vector_load %arg12[%swap3A_1338, %swap3A_1339] {strides = array<i32>} : memref<80x128xf32, #tpu.memory_space<vmem>>, vector<16xf32>,
        tpu.vector_store %arg12[%swap3A_1338, %swap3A_1339], %mul3A_1337 {strides = array<i32>} : memref<80x128xf32, #tpu.memory_space<vmem>>, vector<16xf32>,
        %mul3A_1341 = arith.constant 16 : i32
        %mul3A_1342 = arith.muli %mul3A_1341, %scan3A_128 : i32
        %add3A_1343 = arith.constant 11 : i32
        %add3A_1344 = arith.addi %mul3A_1342, %add3A_1343 : i32
        %get3A_1345 = arith.index_cast %add3A_1344 : i32 to index
        %get3A_1346 = arith.constant 176 : index
        %get3A_1347 = tpu.vector_load %arg11[%get3A_1345, %get3A_1346] {strides = array<i32>} : memref<80x256xf32, #tpu.memory_space<vmem>>, vector<16xf32>,
        %slice3A_1348 = vector.extract_strided_slice %exp3A_1186 {offsets = [11], sizes = [1], strides = [1]} : vector<16xf32> to vector<1xf32>
        %squeeze3A_1349 = vector.extract %slice3A_1348[0] : f32 from vector<1xf32>
        %mul3A_1350 = vector.broadcast %squeeze3A_1349 : f32 to vector<16xf32>
        %mul3A_1351 = arith.mulf %get3A_1347, %mul3A_1350 : vector<16xf32>
        %swap3A_1352 = arith.index_cast %add3A_1344 : i32 to index
        %swap3A_1353 = arith.constant 48 : index
        %swap3A_1354 = tpu.vector_load %arg12[%swap3A_1352, %swap3A_1353] {strides = array<i32>} : memref<80x128xf32, #tpu.memory_space<vmem>>, vector<16xf32>,
        tpu.vector_store %arg12[%swap3A_1352, %swap3A_1353], %mul3A_1351 {strides = array<i32>} : memref<80x128xf32, #tpu.memory_space<vmem>>, vector<16xf32>,
        %mul3A_1355 = arith.constant 16 : i32
        %mul3A_1356 = arith.muli %mul3A_1355, %scan3A_128 : i32
        %add3A_1357 = arith.constant 12 : i32
        %add3A_1358 = arith.addi %mul3A_1356, %add3A_1357 : i32
        %get3A_1359 = arith.index_cast %add3A_1358 : i32 to index
        %get3A_1360 = arith.constant 176 : index
        %get3A_1361 = tpu.vector_load %arg11[%get3A_1359, %get3A_1360] {strides = array<i32>} : memref<80x256xf32, #tpu.memory_space<vmem>>, vector<16xf32>,
        %slice3A_1362 = vector.extract_strided_slice %exp3A_1186 {offsets = [12], sizes = [1], strides = [1]} : vector<16xf32> to vector<1xf32>
        %squeeze3A_1363 = vector.extract %slice3A_1362[0] : f32 from vector<1xf32>
        %mul3A_1364 = vector.broadcast %squeeze3A_1363 : f32 to vector<16xf32>
        %mul3A_1365 = arith.mulf %get3A_1361, %mul3A_1364 : vector<16xf32>
        %swap3A_1366 = arith.index_cast %add3A_1358 : i32 to index
        %swap3A_1367 = arith.constant 48 : index
        %swap3A_1368 = tpu.vector_load %arg12[%swap3A_1366, %swap3A_1367] {strides = array<i32>} : memref<80x128xf32, #tpu.memory_space<vmem>>, vector<16xf32>,
        tpu.vector_store %arg12[%swap3A_1366, %swap3A_1367], %mul3A_1365 {strides = array<i32>} : memref<80x128xf32, #tpu.memory_space<vmem>>, vector<16xf32>,
        %mul3A_1369 = arith.constant 16 : i32
        %mul3A_1370 = arith.muli %mul3A_1369, %scan3A_128 : i32
        %add3A_1371 = arith.constant 13 : i32
        %add3A_1372 = arith.addi %mul3A_1370, %add3A_1371 : i32
        %get3A_1373 = arith.index_cast %add3A_1372 : i32 to index
        %get3A_1374 = arith.constant 176 : index
        %get3A_1375 = tpu.vector_load %arg11[%get3A_1373, %get3A_1374] {strides = array<i32>} : memref<80x256xf32, #tpu.memory_space<vmem>>, vector<16xf32>,
        %slice3A_1376 = vector.extract_strided_slice %exp3A_1186 {offsets = [13], sizes = [1], strides = [1]} : vector<16xf32> to vector<1xf32>
        %squeeze3A_1377 = vector.extract %slice3A_1376[0] : f32 from vector<1xf32>
        %mul3A_1378 = vector.broadcast %squeeze3A_1377 : f32 to vector<16xf32>
        %mul3A_1379 = arith.mulf %get3A_1375, %mul3A_1378 : vector<16xf32>
        %swap3A_1380 = arith.index_cast %add3A_1372 : i32 to index
        %swap3A_1381 = arith.constant 48 : index
        %swap3A_1382 = tpu.vector_load %arg12[%swap3A_1380, %swap3A_1381] {strides = array<i32>} : memref<80x128xf32, #tpu.memory_space<vmem>>, vector<16xf32>,
        tpu.vector_store %arg12[%swap3A_1380, %swap3A_1381], %mul3A_1379 {strides = array<i32>} : memref<80x128xf32, #tpu.memory_space<vmem>>, vector<16xf32>,
        %mul3A_1383 = arith.constant 16 : i32
        %mul3A_1384 = arith.muli %mul3A_1383, %scan3A_128 : i32
        %add3A_1385 = arith.constant 14 : i32
        %add3A_1386 = arith.addi %mul3A_1384, %add3A_1385 : i32
        %get3A_1387 = arith.index_cast %add3A_1386 : i32 to index
        %get3A_1388 = arith.constant 176 : index
        %get3A_1389 = tpu.vector_load %arg11[%get3A_1387, %get3A_1388] {strides = array<i32>} : memref<80x256xf32, #tpu.memory_space<vmem>>, vector<16xf32>,
        %slice3A_1390 = vector.extract_strided_slice %exp3A_1186 {offsets = [14], sizes = [1], strides = [1]} : vector<16xf32> to vector<1xf32>
        %squeeze3A_1391 = vector.extract %slice3A_1390[0] : f32 from vector<1xf32>
        %mul3A_1392 = vector.broadcast %squeeze3A_1391 : f32 to vector<16xf32>
        %mul3A_1393 = arith.mulf %get3A_1389, %mul3A_1392 : vector<16xf32>
        %swap3A_1394 = arith.index_cast %add3A_1386 : i32 to index
        %swap3A_1395 = arith.constant 48 : index
        %swap3A_1396 = tpu.vector_load %arg12[%swap3A_1394, %swap3A_1395] {strides = array<i32>} : memref<80x128xf32, #tpu.memory_space<vmem>>, vector<16xf32>,
        tpu.vector_store %arg12[%swap3A_1394, %swap3A_1395], %mul3A_1393 {strides = array<i32>} : memref<80x128xf32, #tpu.memory_space<vmem>>, vector<16xf32>,
        %mul3A_1397 = arith.constant 16 : i32
        %mul3A_1398 = arith.muli %mul3A_1397, %scan3A_128 : i32
        %add3A_1399 = arith.constant 15 : i32
        %add3A_1400 = arith.addi %mul3A_1398, %add3A_1399 : i32
        %get3A_1401 = arith.index_cast %add3A_1400 : i32 to index
        %get3A_1402 = arith.constant 176 : index
        %get3A_1403 = tpu.vector_load %arg11[%get3A_1401, %get3A_1402] {strides = array<i32>} : memref<80x256xf32, #tpu.memory_space<vmem>>, vector<16xf32>,
        %slice3A_1404 = vector.extract_strided_slice %exp3A_1186 {offsets = [15], sizes = [1], strides = [1]} : vector<16xf32> to vector<1xf32>
        %squeeze3A_1405 = vector.extract %slice3A_1404[0] : f32 from vector<1xf32>
        %mul3A_1406 = vector.broadcast %squeeze3A_1405 : f32 to vector<16xf32>
        %mul3A_1407 = arith.mulf %get3A_1403, %mul3A_1406 : vector<16xf32>
        %swap3A_1408 = arith.index_cast %add3A_1400 : i32 to index
        %swap3A_1409 = arith.constant 48 : index
        %swap3A_1410 = tpu.vector_load %arg12[%swap3A_1408, %swap3A_1409] {strides = array<i32>} : memref<80x128xf32, #tpu.memory_space<vmem>>, vector<16xf32>,
        tpu.vector_store %arg12[%swap3A_1408, %swap3A_1409], %mul3A_1407 {strides = array<i32>} : memref<80x128xf32, #tpu.memory_space<vmem>>, vector<16xf32>,
        %broadcast_in_dim3A_1411 = arith.constant 64 : i32
        %broadcast_in_dim3A_1412 = vector.broadcast %broadcast_in_dim3A_1411 : i32 to vector<16xi32>
        %gather3A_1413 = tpu.vector_load_idx %arg10[%add3A_132, %broadcast_in_dim3A_1412] : memref<80x128xf32, #tpu.memory_space<vmem>>[vector<16xi32>, vector<16xi32>], vector<16xf32>,
        %gather3A_1414 = tpu.vector_load_idx %arg11[%add3A_132, %broadcast_in_dim3A_1412] : memref<80x256xf32, #tpu.memory_space<vmem>>[vector<16xi32>, vector<16xi32>], vector<16xf32>,
        %mul3A_1415 = arith.mulf %gather3A_1413, %gather3A_1414 : vector<16xf32>
        %add3A_1416 = arith.addf %broadcast_in_dim3A_1, %mul3A_1415 : vector<16xf32>
        %broadcast_in_dim3A_1417 = arith.constant 65 : i32
        %broadcast_in_dim3A_1418 = vector.broadcast %broadcast_in_dim3A_1417 : i32 to vector<16xi32>
        %gather3A_1419 = tpu.vector_load_idx %arg10[%add3A_132, %broadcast_in_dim3A_1418] : memref<80x128xf32, #tpu.memory_space<vmem>>[vector<16xi32>, vector<16xi32>], vector<16xf32>,
        %gather3A_1420 = tpu.vector_load_idx %arg11[%add3A_132, %broadcast_in_dim3A_1418] : memref<80x256xf32, #tpu.memory_space<vmem>>[vector<16xi32>, vector<16xi32>], vector<16xf32>,
        %mul3A_1421 = arith.mulf %gather3A_1419, %gather3A_1420 : vector<16xf32>
        %add3A_1422 = arith.addf %add3A_1416, %mul3A_1421 : vector<16xf32>
        %broadcast_in_dim3A_1423 = arith.constant 66 : i32
        %broadcast_in_dim3A_1424 = vector.broadcast %broadcast_in_dim3A_1423 : i32 to vector<16xi32>
        %gather3A_1425 = tpu.vector_load_idx %arg10[%add3A_132, %broadcast_in_dim3A_1424] : memref<80x128xf32, #tpu.memory_space<vmem>>[vector<16xi32>, vector<16xi32>], vector<16xf32>,
        %gather3A_1426 = tpu.vector_load_idx %arg11[%add3A_132, %broadcast_in_dim3A_1424] : memref<80x256xf32, #tpu.memory_space<vmem>>[vector<16xi32>, vector<16xi32>], vector<16xf32>,
        %mul3A_1427 = arith.mulf %gather3A_1425, %gather3A_1426 : vector<16xf32>
        %add3A_1428 = arith.addf %add3A_1422, %mul3A_1427 : vector<16xf32>
        %broadcast_in_dim3A_1429 = arith.constant 67 : i32
        %broadcast_in_dim3A_1430 = vector.broadcast %broadcast_in_dim3A_1429 : i32 to vector<16xi32>
        %gather3A_1431 = tpu.vector_load_idx %arg10[%add3A_132, %broadcast_in_dim3A_1430] : memref<80x128xf32, #tpu.memory_space<vmem>>[vector<16xi32>, vector<16xi32>], vector<16xf32>,
        %gather3A_1432 = tpu.vector_load_idx %arg11[%add3A_132, %broadcast_in_dim3A_1430] : memref<80x256xf32, #tpu.memory_space<vmem>>[vector<16xi32>, vector<16xi32>], vector<16xf32>,
        %mul3A_1433 = arith.mulf %gather3A_1431, %gather3A_1432 : vector<16xf32>
        %add3A_1434 = arith.addf %add3A_1428, %mul3A_1433 : vector<16xf32>
        %broadcast_in_dim3A_1435 = arith.constant 68 : i32
        %broadcast_in_dim3A_1436 = vector.broadcast %broadcast_in_dim3A_1435 : i32 to vector<16xi32>
        %gather3A_1437 = tpu.vector_load_idx %arg10[%add3A_132, %broadcast_in_dim3A_1436] : memref<80x128xf32, #tpu.memory_space<vmem>>[vector<16xi32>, vector<16xi32>], vector<16xf32>,
        %gather3A_1438 = tpu.vector_load_idx %arg11[%add3A_132, %broadcast_in_dim3A_1436] : memref<80x256xf32, #tpu.memory_space<vmem>>[vector<16xi32>, vector<16xi32>], vector<16xf32>,
        %mul3A_1439 = arith.mulf %gather3A_1437, %gather3A_1438 : vector<16xf32>
        %add3A_1440 = arith.addf %add3A_1434, %mul3A_1439 : vector<16xf32>
        %broadcast_in_dim3A_1441 = arith.constant 69 : i32
        %broadcast_in_dim3A_1442 = vector.broadcast %broadcast_in_dim3A_1441 : i32 to vector<16xi32>
        %gather3A_1443 = tpu.vector_load_idx %arg10[%add3A_132, %broadcast_in_dim3A_1442] : memref<80x128xf32, #tpu.memory_space<vmem>>[vector<16xi32>, vector<16xi32>], vector<16xf32>,
        %gather3A_1444 = tpu.vector_load_idx %arg11[%add3A_132, %broadcast_in_dim3A_1442] : memref<80x256xf32, #tpu.memory_space<vmem>>[vector<16xi32>, vector<16xi32>], vector<16xf32>,
        %mul3A_1445 = arith.mulf %gather3A_1443, %gather3A_1444 : vector<16xf32>
        %add3A_1446 = arith.addf %add3A_1440, %mul3A_1445 : vector<16xf32>
        %broadcast_in_dim3A_1447 = arith.constant 70 : i32
        %broadcast_in_dim3A_1448 = vector.broadcast %broadcast_in_dim3A_1447 : i32 to vector<16xi32>
        %gather3A_1449 = tpu.vector_load_idx %arg10[%add3A_132, %broadcast_in_dim3A_1448] : memref<80x128xf32, #tpu.memory_space<vmem>>[vector<16xi32>, vector<16xi32>], vector<16xf32>,
        %gather3A_1450 = tpu.vector_load_idx %arg11[%add3A_132, %broadcast_in_dim3A_1448] : memref<80x256xf32, #tpu.memory_space<vmem>>[vector<16xi32>, vector<16xi32>], vector<16xf32>,
        %mul3A_1451 = arith.mulf %gather3A_1449, %gather3A_1450 : vector<16xf32>
        %add3A_1452 = arith.addf %add3A_1446, %mul3A_1451 : vector<16xf32>
        %broadcast_in_dim3A_1453 = arith.constant 71 : i32
        %broadcast_in_dim3A_1454 = vector.broadcast %broadcast_in_dim3A_1453 : i32 to vector<16xi32>
        %gather3A_1455 = tpu.vector_load_idx %arg10[%add3A_132, %broadcast_in_dim3A_1454] : memref<80x128xf32, #tpu.memory_space<vmem>>[vector<16xi32>, vector<16xi32>], vector<16xf32>,
        %gather3A_1456 = tpu.vector_load_idx %arg11[%add3A_132, %broadcast_in_dim3A_1454] : memref<80x256xf32, #tpu.memory_space<vmem>>[vector<16xi32>, vector<16xi32>], vector<16xf32>,
        %mul3A_1457 = arith.mulf %gather3A_1455, %gather3A_1456 : vector<16xf32>
        %add3A_1458 = arith.addf %add3A_1452, %mul3A_1457 : vector<16xf32>
        %broadcast_in_dim3A_1459 = arith.constant 72 : i32
        %broadcast_in_dim3A_1460 = vector.broadcast %broadcast_in_dim3A_1459 : i32 to vector<16xi32>
        %gather3A_1461 = tpu.vector_load_idx %arg10[%add3A_132, %broadcast_in_dim3A_1460] : memref<80x128xf32, #tpu.memory_space<vmem>>[vector<16xi32>, vector<16xi32>], vector<16xf32>,
        %gather3A_1462 = tpu.vector_load_idx %arg11[%add3A_132, %broadcast_in_dim3A_1460] : memref<80x256xf32, #tpu.memory_space<vmem>>[vector<16xi32>, vector<16xi32>], vector<16xf32>,
        %mul3A_1463 = arith.mulf %gather3A_1461, %gather3A_1462 : vector<16xf32>
        %add3A_1464 = arith.addf %add3A_1458, %mul3A_1463 : vector<16xf32>
        %broadcast_in_dim3A_1465 = arith.constant 73 : i32
        %broadcast_in_dim3A_1466 = vector.broadcast %broadcast_in_dim3A_1465 : i32 to vector<16xi32>
        %gather3A_1467 = tpu.vector_load_idx %arg10[%add3A_132, %broadcast_in_dim3A_1466] : memref<80x128xf32, #tpu.memory_space<vmem>>[vector<16xi32>, vector<16xi32>], vector<16xf32>,
        %gather3A_1468 = tpu.vector_load_idx %arg11[%add3A_132, %broadcast_in_dim3A_1466] : memref<80x256xf32, #tpu.memory_space<vmem>>[vector<16xi32>, vector<16xi32>], vector<16xf32>,
        %mul3A_1469 = arith.mulf %gather3A_1467, %gather3A_1468 : vector<16xf32>
        %add3A_1470 = arith.addf %add3A_1464, %mul3A_1469 : vector<16xf32>
        %broadcast_in_dim3A_1471 = arith.constant 74 : i32
        %broadcast_in_dim3A_1472 = vector.broadcast %broadcast_in_dim3A_1471 : i32 to vector<16xi32>
        %gather3A_1473 = tpu.vector_load_idx %arg10[%add3A_132, %broadcast_in_dim3A_1472] : memref<80x128xf32, #tpu.memory_space<vmem>>[vector<16xi32>, vector<16xi32>], vector<16xf32>,
        %gather3A_1474 = tpu.vector_load_idx %arg11[%add3A_132, %broadcast_in_dim3A_1472] : memref<80x256xf32, #tpu.memory_space<vmem>>[vector<16xi32>, vector<16xi32>], vector<16xf32>,
        %mul3A_1475 = arith.mulf %gather3A_1473, %gather3A_1474 : vector<16xf32>
        %add3A_1476 = arith.addf %add3A_1470, %mul3A_1475 : vector<16xf32>
        %broadcast_in_dim3A_1477 = arith.constant 75 : i32
        %broadcast_in_dim3A_1478 = vector.broadcast %broadcast_in_dim3A_1477 : i32 to vector<16xi32>
        %gather3A_1479 = tpu.vector_load_idx %arg10[%add3A_132, %broadcast_in_dim3A_1478] : memref<80x128xf32, #tpu.memory_space<vmem>>[vector<16xi32>, vector<16xi32>], vector<16xf32>,
        %gather3A_1480 = tpu.vector_load_idx %arg11[%add3A_132, %broadcast_in_dim3A_1478] : memref<80x256xf32, #tpu.memory_space<vmem>>[vector<16xi32>, vector<16xi32>], vector<16xf32>,
        %mul3A_1481 = arith.mulf %gather3A_1479, %gather3A_1480 : vector<16xf32>
        %add3A_1482 = arith.addf %add3A_1476, %mul3A_1481 : vector<16xf32>
        %broadcast_in_dim3A_1483 = arith.constant 76 : i32
        %broadcast_in_dim3A_1484 = vector.broadcast %broadcast_in_dim3A_1483 : i32 to vector<16xi32>
        %gather3A_1485 = tpu.vector_load_idx %arg10[%add3A_132, %broadcast_in_dim3A_1484] : memref<80x128xf32, #tpu.memory_space<vmem>>[vector<16xi32>, vector<16xi32>], vector<16xf32>,
        %gather3A_1486 = tpu.vector_load_idx %arg11[%add3A_132, %broadcast_in_dim3A_1484] : memref<80x256xf32, #tpu.memory_space<vmem>>[vector<16xi32>, vector<16xi32>], vector<16xf32>,
        %mul3A_1487 = arith.mulf %gather3A_1485, %gather3A_1486 : vector<16xf32>
        %add3A_1488 = arith.addf %add3A_1482, %mul3A_1487 : vector<16xf32>
        %broadcast_in_dim3A_1489 = arith.constant 77 : i32
        %broadcast_in_dim3A_1490 = vector.broadcast %broadcast_in_dim3A_1489 : i32 to vector<16xi32>
        %gather3A_1491 = tpu.vector_load_idx %arg10[%add3A_132, %broadcast_in_dim3A_1490] : memref<80x128xf32, #tpu.memory_space<vmem>>[vector<16xi32>, vector<16xi32>], vector<16xf32>,
        %gather3A_1492 = tpu.vector_load_idx %arg11[%add3A_132, %broadcast_in_dim3A_1490] : memref<80x256xf32, #tpu.memory_space<vmem>>[vector<16xi32>, vector<16xi32>], vector<16xf32>,
        %mul3A_1493 = arith.mulf %gather3A_1491, %gather3A_1492 : vector<16xf32>
        %add3A_1494 = arith.addf %add3A_1488, %mul3A_1493 : vector<16xf32>
        %broadcast_in_dim3A_1495 = arith.constant 78 : i32
        %broadcast_in_dim3A_1496 = vector.broadcast %broadcast_in_dim3A_1495 : i32 to vector<16xi32>
        %gather3A_1497 = tpu.vector_load_idx %arg10[%add3A_132, %broadcast_in_dim3A_1496] : memref<80x128xf32, #tpu.memory_space<vmem>>[vector<16xi32>, vector<16xi32>], vector<16xf32>,
        %gather3A_1498 = tpu.vector_load_idx %arg11[%add3A_132, %broadcast_in_dim3A_1496] : memref<80x256xf32, #tpu.memory_space<vmem>>[vector<16xi32>, vector<16xi32>], vector<16xf32>,
        %mul3A_1499 = arith.mulf %gather3A_1497, %gather3A_1498 : vector<16xf32>
        %add3A_1500 = arith.addf %add3A_1494, %mul3A_1499 : vector<16xf32>
        %broadcast_in_dim3A_1501 = arith.constant 79 : i32
        %broadcast_in_dim3A_1502 = vector.broadcast %broadcast_in_dim3A_1501 : i32 to vector<16xi32>
        %gather3A_1503 = tpu.vector_load_idx %arg10[%add3A_132, %broadcast_in_dim3A_1502] : memref<80x128xf32, #tpu.memory_space<vmem>>[vector<16xi32>, vector<16xi32>], vector<16xf32>,
        %gather3A_1504 = tpu.vector_load_idx %arg11[%add3A_132, %broadcast_in_dim3A_1502] : memref<80x256xf32, #tpu.memory_space<vmem>>[vector<16xi32>, vector<16xi32>], vector<16xf32>,
        %mul3A_1505 = arith.mulf %gather3A_1503, %gather3A_1504 : vector<16xf32>
        %add3A_1506 = arith.addf %add3A_1500, %mul3A_1505 : vector<16xf32>
        %exp3A_1507 = math.exp %add3A_1506 : vector<16xf32>
        tpu.vector_store_idx %arg13[%add3A_132, %broadcast_in_dim3A_11], %exp3A_1507 : memref<80x8xf32, #tpu.memory_space<vmem>>[vector<16xi32>, vector<16xi32>], vector<16xf32>,
        %mul3A_1508 = arith.constant 16 : i32
        %mul3A_1509 = arith.muli %mul3A_1508, %scan3A_128 : i32
        %add3A_1510 = arith.constant 0 : i32
        %add3A_1511 = arith.addi %mul3A_1509, %add3A_1510 : i32
        %get3A_1512 = arith.index_cast %add3A_1511 : i32 to index
        %get3A_1513 = arith.constant 192 : index
        %get3A_1514 = tpu.vector_load %arg11[%get3A_1512, %get3A_1513] {strides = array<i32>} : memref<80x256xf32, #tpu.memory_space<vmem>>, vector<16xf32>,
        %slice3A_1515 = vector.extract_strided_slice %exp3A_1507 {offsets = [0], sizes = [1], strides = [1]} : vector<16xf32> to vector<1xf32>
        %squeeze3A_1516 = vector.extract %slice3A_1515[0] : f32 from vector<1xf32>
        %mul3A_1517 = vector.broadcast %squeeze3A_1516 : f32 to vector<16xf32>
        %mul3A_1518 = arith.mulf %get3A_1514, %mul3A_1517 : vector<16xf32>
        %swap3A_1519 = arith.index_cast %add3A_1511 : i32 to index
        %swap3A_1520 = arith.constant 64 : index
        %swap3A_1521 = tpu.vector_load %arg12[%swap3A_1519, %swap3A_1520] {strides = array<i32>} : memref<80x128xf32, #tpu.memory_space<vmem>>, vector<16xf32>,
        tpu.vector_store %arg12[%swap3A_1519, %swap3A_1520], %mul3A_1518 {strides = array<i32>} : memref<80x128xf32, #tpu.memory_space<vmem>>, vector<16xf32>,
        %mul3A_1522 = arith.constant 16 : i32
        %mul3A_1523 = arith.muli %mul3A_1522, %scan3A_128 : i32
        %add3A_1524 = arith.constant 1 : i32
        %add3A_1525 = arith.addi %mul3A_1523, %add3A_1524 : i32
        %get3A_1526 = arith.index_cast %add3A_1525 : i32 to index
        %get3A_1527 = arith.constant 192 : index
        %get3A_1528 = tpu.vector_load %arg11[%get3A_1526, %get3A_1527] {strides = array<i32>} : memref<80x256xf32, #tpu.memory_space<vmem>>, vector<16xf32>,
        %slice3A_1529 = vector.extract_strided_slice %exp3A_1507 {offsets = [1], sizes = [1], strides = [1]} : vector<16xf32> to vector<1xf32>
        %squeeze3A_1530 = vector.extract %slice3A_1529[0] : f32 from vector<1xf32>
        %mul3A_1531 = vector.broadcast %squeeze3A_1530 : f32 to vector<16xf32>
        %mul3A_1532 = arith.mulf %get3A_1528, %mul3A_1531 : vector<16xf32>
        %swap3A_1533 = arith.index_cast %add3A_1525 : i32 to index
        %swap3A_1534 = arith.constant 64 : index
        %swap3A_1535 = tpu.vector_load %arg12[%swap3A_1533, %swap3A_1534] {strides = array<i32>} : memref<80x128xf32, #tpu.memory_space<vmem>>, vector<16xf32>,
        tpu.vector_store %arg12[%swap3A_1533, %swap3A_1534], %mul3A_1532 {strides = array<i32>} : memref<80x128xf32, #tpu.memory_space<vmem>>, vector<16xf32>,
        %mul3A_1536 = arith.constant 16 : i32
        %mul3A_1537 = arith.muli %mul3A_1536, %scan3A_128 : i32
        %add3A_1538 = arith.constant 2 : i32
        %add3A_1539 = arith.addi %mul3A_1537, %add3A_1538 : i32
        %get3A_1540 = arith.index_cast %add3A_1539 : i32 to index
        %get3A_1541 = arith.constant 192 : index
        %get3A_1542 = tpu.vector_load %arg11[%get3A_1540, %get3A_1541] {strides = array<i32>} : memref<80x256xf32, #tpu.memory_space<vmem>>, vector<16xf32>,
        %slice3A_1543 = vector.extract_strided_slice %exp3A_1507 {offsets = [2], sizes = [1], strides = [1]} : vector<16xf32> to vector<1xf32>
        %squeeze3A_1544 = vector.extract %slice3A_1543[0] : f32 from vector<1xf32>
        %mul3A_1545 = vector.broadcast %squeeze3A_1544 : f32 to vector<16xf32>
        %mul3A_1546 = arith.mulf %get3A_1542, %mul3A_1545 : vector<16xf32>
        %swap3A_1547 = arith.index_cast %add3A_1539 : i32 to index
        %swap3A_1548 = arith.constant 64 : index
        %swap3A_1549 = tpu.vector_load %arg12[%swap3A_1547, %swap3A_1548] {strides = array<i32>} : memref<80x128xf32, #tpu.memory_space<vmem>>, vector<16xf32>,
        tpu.vector_store %arg12[%swap3A_1547, %swap3A_1548], %mul3A_1546 {strides = array<i32>} : memref<80x128xf32, #tpu.memory_space<vmem>>, vector<16xf32>,
        %mul3A_1550 = arith.constant 16 : i32
        %mul3A_1551 = arith.muli %mul3A_1550, %scan3A_128 : i32
        %add3A_1552 = arith.constant 3 : i32
        %add3A_1553 = arith.addi %mul3A_1551, %add3A_1552 : i32
        %get3A_1554 = arith.index_cast %add3A_1553 : i32 to index
        %get3A_1555 = arith.constant 192 : index
        %get3A_1556 = tpu.vector_load %arg11[%get3A_1554, %get3A_1555] {strides = array<i32>} : memref<80x256xf32, #tpu.memory_space<vmem>>, vector<16xf32>,
        %slice3A_1557 = vector.extract_strided_slice %exp3A_1507 {offsets = [3], sizes = [1], strides = [1]} : vector<16xf32> to vector<1xf32>
        %squeeze3A_1558 = vector.extract %slice3A_1557[0] : f32 from vector<1xf32>
        %mul3A_1559 = vector.broadcast %squeeze3A_1558 : f32 to vector<16xf32>
        %mul3A_1560 = arith.mulf %get3A_1556, %mul3A_1559 : vector<16xf32>
        %swap3A_1561 = arith.index_cast %add3A_1553 : i32 to index
        %swap3A_1562 = arith.constant 64 : index
        %swap3A_1563 = tpu.vector_load %arg12[%swap3A_1561, %swap3A_1562] {strides = array<i32>} : memref<80x128xf32, #tpu.memory_space<vmem>>, vector<16xf32>,
        tpu.vector_store %arg12[%swap3A_1561, %swap3A_1562], %mul3A_1560 {strides = array<i32>} : memref<80x128xf32, #tpu.memory_space<vmem>>, vector<16xf32>,
        %mul3A_1564 = arith.constant 16 : i32
        %mul3A_1565 = arith.muli %mul3A_1564, %scan3A_128 : i32
        %add3A_1566 = arith.constant 4 : i32
        %add3A_1567 = arith.addi %mul3A_1565, %add3A_1566 : i32
        %get3A_1568 = arith.index_cast %add3A_1567 : i32 to index
        %get3A_1569 = arith.constant 192 : index
        %get3A_1570 = tpu.vector_load %arg11[%get3A_1568, %get3A_1569] {strides = array<i32>} : memref<80x256xf32, #tpu.memory_space<vmem>>, vector<16xf32>,
        %slice3A_1571 = vector.extract_strided_slice %exp3A_1507 {offsets = [4], sizes = [1], strides = [1]} : vector<16xf32> to vector<1xf32>
        %squeeze3A_1572 = vector.extract %slice3A_1571[0] : f32 from vector<1xf32>
        %mul3A_1573 = vector.broadcast %squeeze3A_1572 : f32 to vector<16xf32>
        %mul3A_1574 = arith.mulf %get3A_1570, %mul3A_1573 : vector<16xf32>
        %swap3A_1575 = arith.index_cast %add3A_1567 : i32 to index
        %swap3A_1576 = arith.constant 64 : index
        %swap3A_1577 = tpu.vector_load %arg12[%swap3A_1575, %swap3A_1576] {strides = array<i32>} : memref<80x128xf32, #tpu.memory_space<vmem>>, vector<16xf32>,
        tpu.vector_store %arg12[%swap3A_1575, %swap3A_1576], %mul3A_1574 {strides = array<i32>} : memref<80x128xf32, #tpu.memory_space<vmem>>, vector<16xf32>,
        %mul3A_1578 = arith.constant 16 : i32
        %mul3A_1579 = arith.muli %mul3A_1578, %scan3A_128 : i32
        %add3A_1580 = arith.constant 5 : i32
        %add3A_1581 = arith.addi %mul3A_1579, %add3A_1580 : i32
        %get3A_1582 = arith.index_cast %add3A_1581 : i32 to index
        %get3A_1583 = arith.constant 192 : index
        %get3A_1584 = tpu.vector_load %arg11[%get3A_1582, %get3A_1583] {strides = array<i32>} : memref<80x256xf32, #tpu.memory_space<vmem>>, vector<16xf32>,
        %slice3A_1585 = vector.extract_strided_slice %exp3A_1507 {offsets = [5], sizes = [1], strides = [1]} : vector<16xf32> to vector<1xf32>
        %squeeze3A_1586 = vector.extract %slice3A_1585[0] : f32 from vector<1xf32>
        %mul3A_1587 = vector.broadcast %squeeze3A_1586 : f32 to vector<16xf32>
        %mul3A_1588 = arith.mulf %get3A_1584, %mul3A_1587 : vector<16xf32>
        %swap3A_1589 = arith.index_cast %add3A_1581 : i32 to index
        %swap3A_1590 = arith.constant 64 : index
        %swap3A_1591 = tpu.vector_load %arg12[%swap3A_1589, %swap3A_1590] {strides = array<i32>} : memref<80x128xf32, #tpu.memory_space<vmem>>, vector<16xf32>,
        tpu.vector_store %arg12[%swap3A_1589, %swap3A_1590], %mul3A_1588 {strides = array<i32>} : memref<80x128xf32, #tpu.memory_space<vmem>>, vector<16xf32>,
        %mul3A_1592 = arith.constant 16 : i32
        %mul3A_1593 = arith.muli %mul3A_1592, %scan3A_128 : i32
        %add3A_1594 = arith.constant 6 : i32
        %add3A_1595 = arith.addi %mul3A_1593, %add3A_1594 : i32
        %get3A_1596 = arith.index_cast %add3A_1595 : i32 to index
        %get3A_1597 = arith.constant 192 : index
        %get3A_1598 = tpu.vector_load %arg11[%get3A_1596, %get3A_1597] {strides = array<i32>} : memref<80x256xf32, #tpu.memory_space<vmem>>, vector<16xf32>,
        %slice3A_1599 = vector.extract_strided_slice %exp3A_1507 {offsets = [6], sizes = [1], strides = [1]} : vector<16xf32> to vector<1xf32>
        %squeeze3A_1600 = vector.extract %slice3A_1599[0] : f32 from vector<1xf32>
        %mul3A_1601 = vector.broadcast %squeeze3A_1600 : f32 to vector<16xf32>
        %mul3A_1602 = arith.mulf %get3A_1598, %mul3A_1601 : vector<16xf32>
        %swap3A_1603 = arith.index_cast %add3A_1595 : i32 to index
        %swap3A_1604 = arith.constant 64 : index
        %swap3A_1605 = tpu.vector_load %arg12[%swap3A_1603, %swap3A_1604] {strides = array<i32>} : memref<80x128xf32, #tpu.memory_space<vmem>>, vector<16xf32>,
        tpu.vector_store %arg12[%swap3A_1603, %swap3A_1604], %mul3A_1602 {strides = array<i32>} : memref<80x128xf32, #tpu.memory_space<vmem>>, vector<16xf32>,
        %mul3A_1606 = arith.constant 16 : i32
        %mul3A_1607 = arith.muli %mul3A_1606, %scan3A_128 : i32
        %add3A_1608 = arith.constant 7 : i32
        %add3A_1609 = arith.addi %mul3A_1607, %add3A_1608 : i32
        %get3A_1610 = arith.index_cast %add3A_1609 : i32 to index
        %get3A_1611 = arith.constant 192 : index
        %get3A_1612 = tpu.vector_load %arg11[%get3A_1610, %get3A_1611] {strides = array<i32>} : memref<80x256xf32, #tpu.memory_space<vmem>>, vector<16xf32>,
        %slice3A_1613 = vector.extract_strided_slice %exp3A_1507 {offsets = [7], sizes = [1], strides = [1]} : vector<16xf32> to vector<1xf32>
        %squeeze3A_1614 = vector.extract %slice3A_1613[0] : f32 from vector<1xf32>
        %mul3A_1615 = vector.broadcast %squeeze3A_1614 : f32 to vector<16xf32>
        %mul3A_1616 = arith.mulf %get3A_1612, %mul3A_1615 : vector<16xf32>
        %swap3A_1617 = arith.index_cast %add3A_1609 : i32 to index
        %swap3A_1618 = arith.constant 64 : index
        %swap3A_1619 = tpu.vector_load %arg12[%swap3A_1617, %swap3A_1618] {strides = array<i32>} : memref<80x128xf32, #tpu.memory_space<vmem>>, vector<16xf32>,
        tpu.vector_store %arg12[%swap3A_1617, %swap3A_1618], %mul3A_1616 {strides = array<i32>} : memref<80x128xf32, #tpu.memory_space<vmem>>, vector<16xf32>,
        %mul3A_1620 = arith.constant 16 : i32
        %mul3A_1621 = arith.muli %mul3A_1620, %scan3A_128 : i32
        %add3A_1622 = arith.constant 8 : i32
        %add3A_1623 = arith.addi %mul3A_1621, %add3A_1622 : i32
        %get3A_1624 = arith.index_cast %add3A_1623 : i32 to index
        %get3A_1625 = arith.constant 192 : index
        %get3A_1626 = tpu.vector_load %arg11[%get3A_1624, %get3A_1625] {strides = array<i32>} : memref<80x256xf32, #tpu.memory_space<vmem>>, vector<16xf32>,
        %slice3A_1627 = vector.extract_strided_slice %exp3A_1507 {offsets = [8], sizes = [1], strides = [1]} : vector<16xf32> to vector<1xf32>
        %squeeze3A_1628 = vector.extract %slice3A_1627[0] : f32 from vector<1xf32>
        %mul3A_1629 = vector.broadcast %squeeze3A_1628 : f32 to vector<16xf32>
        %mul3A_1630 = arith.mulf %get3A_1626, %mul3A_1629 : vector<16xf32>
        %swap3A_1631 = arith.index_cast %add3A_1623 : i32 to index
        %swap3A_1632 = arith.constant 64 : index
        %swap3A_1633 = tpu.vector_load %arg12[%swap3A_1631, %swap3A_1632] {strides = array<i32>} : memref<80x128xf32, #tpu.memory_space<vmem>>, vector<16xf32>,
        tpu.vector_store %arg12[%swap3A_1631, %swap3A_1632], %mul3A_1630 {strides = array<i32>} : memref<80x128xf32, #tpu.memory_space<vmem>>, vector<16xf32>,
        %mul3A_1634 = arith.constant 16 : i32
        %mul3A_1635 = arith.muli %mul3A_1634, %scan3A_128 : i32
        %add3A_1636 = arith.constant 9 : i32
        %add3A_1637 = arith.addi %mul3A_1635, %add3A_1636 : i32
        %get3A_1638 = arith.index_cast %add3A_1637 : i32 to index
        %get3A_1639 = arith.constant 192 : index
        %get3A_1640 = tpu.vector_load %arg11[%get3A_1638, %get3A_1639] {strides = array<i32>} : memref<80x256xf32, #tpu.memory_space<vmem>>, vector<16xf32>,
        %slice3A_1641 = vector.extract_strided_slice %exp3A_1507 {offsets = [9], sizes = [1], strides = [1]} : vector<16xf32> to vector<1xf32>
        %squeeze3A_1642 = vector.extract %slice3A_1641[0] : f32 from vector<1xf32>
        %mul3A_1643 = vector.broadcast %squeeze3A_1642 : f32 to vector<16xf32>
        %mul3A_1644 = arith.mulf %get3A_1640, %mul3A_1643 : vector<16xf32>
        %swap3A_1645 = arith.index_cast %add3A_1637 : i32 to index
        %swap3A_1646 = arith.constant 64 : index
        %swap3A_1647 = tpu.vector_load %arg12[%swap3A_1645, %swap3A_1646] {strides = array<i32>} : memref<80x128xf32, #tpu.memory_space<vmem>>, vector<16xf32>,
        tpu.vector_store %arg12[%swap3A_1645, %swap3A_1646], %mul3A_1644 {strides = array<i32>} : memref<80x128xf32, #tpu.memory_space<vmem>>, vector<16xf32>,
        %mul3A_1648 = arith.constant 16 : i32
        %mul3A_1649 = arith.muli %mul3A_1648, %scan3A_128 : i32
        %add3A_1650 = arith.constant 10 : i32
        %add3A_1651 = arith.addi %mul3A_1649, %add3A_1650 : i32
        %get3A_1652 = arith.index_cast %add3A_1651 : i32 to index
        %get3A_1653 = arith.constant 192 : index
        %get3A_1654 = tpu.vector_load %arg11[%get3A_1652, %get3A_1653] {strides = array<i32>} : memref<80x256xf32, #tpu.memory_space<vmem>>, vector<16xf32>,
        %slice3A_1655 = vector.extract_strided_slice %exp3A_1507 {offsets = [10], sizes = [1], strides = [1]} : vector<16xf32> to vector<1xf32>
        %squeeze3A_1656 = vector.extract %slice3A_1655[0] : f32 from vector<1xf32>
        %mul3A_1657 = vector.broadcast %squeeze3A_1656 : f32 to vector<16xf32>
        %mul3A_1658 = arith.mulf %get3A_1654, %mul3A_1657 : vector<16xf32>
        %swap3A_1659 = arith.index_cast %add3A_1651 : i32 to index
        %swap3A_1660 = arith.constant 64 : index
        %swap3A_1661 = tpu.vector_load %arg12[%swap3A_1659, %swap3A_1660] {strides = array<i32>} : memref<80x128xf32, #tpu.memory_space<vmem>>, vector<16xf32>,
        tpu.vector_store %arg12[%swap3A_1659, %swap3A_1660], %mul3A_1658 {strides = array<i32>} : memref<80x128xf32, #tpu.memory_space<vmem>>, vector<16xf32>,
        %mul3A_1662 = arith.constant 16 : i32
        %mul3A_1663 = arith.muli %mul3A_1662, %scan3A_128 : i32
        %add3A_1664 = arith.constant 11 : i32
        %add3A_1665 = arith.addi %mul3A_1663, %add3A_1664 : i32
        %get3A_1666 = arith.index_cast %add3A_1665 : i32 to index
        %get3A_1667 = arith.constant 192 : index
        %get3A_1668 = tpu.vector_load %arg11[%get3A_1666, %get3A_1667] {strides = array<i32>} : memref<80x256xf32, #tpu.memory_space<vmem>>, vector<16xf32>,
        %slice3A_1669 = vector.extract_strided_slice %exp3A_1507 {offsets = [11], sizes = [1], strides = [1]} : vector<16xf32> to vector<1xf32>
        %squeeze3A_1670 = vector.extract %slice3A_1669[0] : f32 from vector<1xf32>
        %mul3A_1671 = vector.broadcast %squeeze3A_1670 : f32 to vector<16xf32>
        %mul3A_1672 = arith.mulf %get3A_1668, %mul3A_1671 : vector<16xf32>
        %swap3A_1673 = arith.index_cast %add3A_1665 : i32 to index
        %swap3A_1674 = arith.constant 64 : index
        %swap3A_1675 = tpu.vector_load %arg12[%swap3A_1673, %swap3A_1674] {strides = array<i32>} : memref<80x128xf32, #tpu.memory_space<vmem>>, vector<16xf32>,
        tpu.vector_store %arg12[%swap3A_1673, %swap3A_1674], %mul3A_1672 {strides = array<i32>} : memref<80x128xf32, #tpu.memory_space<vmem>>, vector<16xf32>,
        %mul3A_1676 = arith.constant 16 : i32
        %mul3A_1677 = arith.muli %mul3A_1676, %scan3A_128 : i32
        %add3A_1678 = arith.constant 12 : i32
        %add3A_1679 = arith.addi %mul3A_1677, %add3A_1678 : i32
        %get3A_1680 = arith.index_cast %add3A_1679 : i32 to index
        %get3A_1681 = arith.constant 192 : index
        %get3A_1682 = tpu.vector_load %arg11[%get3A_1680, %get3A_1681] {strides = array<i32>} : memref<80x256xf32, #tpu.memory_space<vmem>>, vector<16xf32>,
        %slice3A_1683 = vector.extract_strided_slice %exp3A_1507 {offsets = [12], sizes = [1], strides = [1]} : vector<16xf32> to vector<1xf32>
        %squeeze3A_1684 = vector.extract %slice3A_1683[0] : f32 from vector<1xf32>
        %mul3A_1685 = vector.broadcast %squeeze3A_1684 : f32 to vector<16xf32>
        %mul3A_1686 = arith.mulf %get3A_1682, %mul3A_1685 : vector<16xf32>
        %swap3A_1687 = arith.index_cast %add3A_1679 : i32 to index
        %swap3A_1688 = arith.constant 64 : index
        %swap3A_1689 = tpu.vector_load %arg12[%swap3A_1687, %swap3A_1688] {strides = array<i32>} : memref<80x128xf32, #tpu.memory_space<vmem>>, vector<16xf32>,
        tpu.vector_store %arg12[%swap3A_1687, %swap3A_1688], %mul3A_1686 {strides = array<i32>} : memref<80x128xf32, #tpu.memory_space<vmem>>, vector<16xf32>,
        %mul3A_1690 = arith.constant 16 : i32
        %mul3A_1691 = arith.muli %mul3A_1690, %scan3A_128 : i32
        %add3A_1692 = arith.constant 13 : i32
        %add3A_1693 = arith.addi %mul3A_1691, %add3A_1692 : i32
        %get3A_1694 = arith.index_cast %add3A_1693 : i32 to index
        %get3A_1695 = arith.constant 192 : index
        %get3A_1696 = tpu.vector_load %arg11[%get3A_1694, %get3A_1695] {strides = array<i32>} : memref<80x256xf32, #tpu.memory_space<vmem>>, vector<16xf32>,
        %slice3A_1697 = vector.extract_strided_slice %exp3A_1507 {offsets = [13], sizes = [1], strides = [1]} : vector<16xf32> to vector<1xf32>
        %squeeze3A_1698 = vector.extract %slice3A_1697[0] : f32 from vector<1xf32>
        %mul3A_1699 = vector.broadcast %squeeze3A_1698 : f32 to vector<16xf32>
        %mul3A_1700 = arith.mulf %get3A_1696, %mul3A_1699 : vector<16xf32>
        %swap3A_1701 = arith.index_cast %add3A_1693 : i32 to index
        %swap3A_1702 = arith.constant 64 : index
        %swap3A_1703 = tpu.vector_load %arg12[%swap3A_1701, %swap3A_1702] {strides = array<i32>} : memref<80x128xf32, #tpu.memory_space<vmem>>, vector<16xf32>,
        tpu.vector_store %arg12[%swap3A_1701, %swap3A_1702], %mul3A_1700 {strides = array<i32>} : memref<80x128xf32, #tpu.memory_space<vmem>>, vector<16xf32>,
        %mul3A_1704 = arith.constant 16 : i32
        %mul3A_1705 = arith.muli %mul3A_1704, %scan3A_128 : i32
        %add3A_1706 = arith.constant 14 : i32
        %add3A_1707 = arith.addi %mul3A_1705, %add3A_1706 : i32
        %get3A_1708 = arith.index_cast %add3A_1707 : i32 to index
        %get3A_1709 = arith.constant 192 : index
        %get3A_1710 = tpu.vector_load %arg11[%get3A_1708, %get3A_1709] {strides = array<i32>} : memref<80x256xf32, #tpu.memory_space<vmem>>, vector<16xf32>,
        %slice3A_1711 = vector.extract_strided_slice %exp3A_1507 {offsets = [14], sizes = [1], strides = [1]} : vector<16xf32> to vector<1xf32>
        %squeeze3A_1712 = vector.extract %slice3A_1711[0] : f32 from vector<1xf32>
        %mul3A_1713 = vector.broadcast %squeeze3A_1712 : f32 to vector<16xf32>
        %mul3A_1714 = arith.mulf %get3A_1710, %mul3A_1713 : vector<16xf32>
        %swap3A_1715 = arith.index_cast %add3A_1707 : i32 to index
        %swap3A_1716 = arith.constant 64 : index
        %swap3A_1717 = tpu.vector_load %arg12[%swap3A_1715, %swap3A_1716] {strides = array<i32>} : memref<80x128xf32, #tpu.memory_space<vmem>>, vector<16xf32>,
        tpu.vector_store %arg12[%swap3A_1715, %swap3A_1716], %mul3A_1714 {strides = array<i32>} : memref<80x128xf32, #tpu.memory_space<vmem>>, vector<16xf32>,
        %mul3A_1718 = arith.constant 16 : i32
        %mul3A_1719 = arith.muli %mul3A_1718, %scan3A_128 : i32
        %add3A_1720 = arith.constant 15 : i32
        %add3A_1721 = arith.addi %mul3A_1719, %add3A_1720 : i32
        %get3A_1722 = arith.index_cast %add3A_1721 : i32 to index
        %get3A_1723 = arith.constant 192 : index
        %get3A_1724 = tpu.vector_load %arg11[%get3A_1722, %get3A_1723] {strides = array<i32>} : memref<80x256xf32, #tpu.memory_space<vmem>>, vector<16xf32>,
        %slice3A_1725 = vector.extract_strided_slice %exp3A_1507 {offsets = [15], sizes = [1], strides = [1]} : vector<16xf32> to vector<1xf32>
        %squeeze3A_1726 = vector.extract %slice3A_1725[0] : f32 from vector<1xf32>
        %mul3A_1727 = vector.broadcast %squeeze3A_1726 : f32 to vector<16xf32>
        %mul3A_1728 = arith.mulf %get3A_1724, %mul3A_1727 : vector<16xf32>
        %swap3A_1729 = arith.index_cast %add3A_1721 : i32 to index
        %swap3A_1730 = arith.constant 64 : index
        %swap3A_1731 = tpu.vector_load %arg12[%swap3A_1729, %swap3A_1730] {strides = array<i32>} : memref<80x128xf32, #tpu.memory_space<vmem>>, vector<16xf32>,
        tpu.vector_store %arg12[%swap3A_1729, %swap3A_1730], %mul3A_1728 {strides = array<i32>} : memref<80x128xf32, #tpu.memory_space<vmem>>, vector<16xf32>,
        %broadcast_in_dim3A_1732 = arith.constant 80 : i32
        %broadcast_in_dim3A_1733 = vector.broadcast %broadcast_in_dim3A_1732 : i32 to vector<16xi32>
        %gather3A_1734 = tpu.vector_load_idx %arg10[%add3A_132, %broadcast_in_dim3A_1733] : memref<80x128xf32, #tpu.memory_space<vmem>>[vector<16xi32>, vector<16xi32>], vector<16xf32>,
        %gather3A_1735 = tpu.vector_load_idx %arg11[%add3A_132, %broadcast_in_dim3A_1733] : memref<80x256xf32, #tpu.memory_space<vmem>>[vector<16xi32>, vector<16xi32>], vector<16xf32>,
        %mul3A_1736 = arith.mulf %gather3A_1734, %gather3A_1735 : vector<16xf32>
        %add3A_1737 = arith.addf %broadcast_in_dim3A_1, %mul3A_1736 : vector<16xf32>
        %broadcast_in_dim3A_1738 = arith.constant 81 : i32
        %broadcast_in_dim3A_1739 = vector.broadcast %broadcast_in_dim3A_1738 : i32 to vector<16xi32>
        %gather3A_1740 = tpu.vector_load_idx %arg10[%add3A_132, %broadcast_in_dim3A_1739] : memref<80x128xf32, #tpu.memory_space<vmem>>[vector<16xi32>, vector<16xi32>], vector<16xf32>,
        %gather3A_1741 = tpu.vector_load_idx %arg11[%add3A_132, %broadcast_in_dim3A_1739] : memref<80x256xf32, #tpu.memory_space<vmem>>[vector<16xi32>, vector<16xi32>], vector<16xf32>,
        %mul3A_1742 = arith.mulf %gather3A_1740, %gather3A_1741 : vector<16xf32>
        %add3A_1743 = arith.addf %add3A_1737, %mul3A_1742 : vector<16xf32>
        %broadcast_in_dim3A_1744 = arith.constant 82 : i32
        %broadcast_in_dim3A_1745 = vector.broadcast %broadcast_in_dim3A_1744 : i32 to vector<16xi32>
        %gather3A_1746 = tpu.vector_load_idx %arg10[%add3A_132, %broadcast_in_dim3A_1745] : memref<80x128xf32, #tpu.memory_space<vmem>>[vector<16xi32>, vector<16xi32>], vector<16xf32>,
        %gather3A_1747 = tpu.vector_load_idx %arg11[%add3A_132, %broadcast_in_dim3A_1745] : memref<80x256xf32, #tpu.memory_space<vmem>>[vector<16xi32>, vector<16xi32>], vector<16xf32>,
        %mul3A_1748 = arith.mulf %gather3A_1746, %gather3A_1747 : vector<16xf32>
        %add3A_1749 = arith.addf %add3A_1743, %mul3A_1748 : vector<16xf32>
        %broadcast_in_dim3A_1750 = arith.constant 83 : i32
        %broadcast_in_dim3A_1751 = vector.broadcast %broadcast_in_dim3A_1750 : i32 to vector<16xi32>
        %gather3A_1752 = tpu.vector_load_idx %arg10[%add3A_132, %broadcast_in_dim3A_1751] : memref<80x128xf32, #tpu.memory_space<vmem>>[vector<16xi32>, vector<16xi32>], vector<16xf32>,
        %gather3A_1753 = tpu.vector_load_idx %arg11[%add3A_132, %broadcast_in_dim3A_1751] : memref<80x256xf32, #tpu.memory_space<vmem>>[vector<16xi32>, vector<16xi32>], vector<16xf32>,
        %mul3A_1754 = arith.mulf %gather3A_1752, %gather3A_1753 : vector<16xf32>
        %add3A_1755 = arith.addf %add3A_1749, %mul3A_1754 : vector<16xf32>
        %broadcast_in_dim3A_1756 = arith.constant 84 : i32
        %broadcast_in_dim3A_1757 = vector.broadcast %broadcast_in_dim3A_1756 : i32 to vector<16xi32>
        %gather3A_1758 = tpu.vector_load_idx %arg10[%add3A_132, %broadcast_in_dim3A_1757] : memref<80x128xf32, #tpu.memory_space<vmem>>[vector<16xi32>, vector<16xi32>], vector<16xf32>,
        %gather3A_1759 = tpu.vector_load_idx %arg11[%add3A_132, %broadcast_in_dim3A_1757] : memref<80x256xf32, #tpu.memory_space<vmem>>[vector<16xi32>, vector<16xi32>], vector<16xf32>,
        %mul3A_1760 = arith.mulf %gather3A_1758, %gather3A_1759 : vector<16xf32>
        %add3A_1761 = arith.addf %add3A_1755, %mul3A_1760 : vector<16xf32>
        %broadcast_in_dim3A_1762 = arith.constant 85 : i32
        %broadcast_in_dim3A_1763 = vector.broadcast %broadcast_in_dim3A_1762 : i32 to vector<16xi32>
        %gather3A_1764 = tpu.vector_load_idx %arg10[%add3A_132, %broadcast_in_dim3A_1763] : memref<80x128xf32, #tpu.memory_space<vmem>>[vector<16xi32>, vector<16xi32>], vector<16xf32>,
        %gather3A_1765 = tpu.vector_load_idx %arg11[%add3A_132, %broadcast_in_dim3A_1763] : memref<80x256xf32, #tpu.memory_space<vmem>>[vector<16xi32>, vector<16xi32>], vector<16xf32>,
        %mul3A_1766 = arith.mulf %gather3A_1764, %gather3A_1765 : vector<16xf32>
        %add3A_1767 = arith.addf %add3A_1761, %mul3A_1766 : vector<16xf32>
        %broadcast_in_dim3A_1768 = arith.constant 86 : i32
        %broadcast_in_dim3A_1769 = vector.broadcast %broadcast_in_dim3A_1768 : i32 to vector<16xi32>
        %gather3A_1770 = tpu.vector_load_idx %arg10[%add3A_132, %broadcast_in_dim3A_1769] : memref<80x128xf32, #tpu.memory_space<vmem>>[vector<16xi32>, vector<16xi32>], vector<16xf32>,
        %gather3A_1771 = tpu.vector_load_idx %arg11[%add3A_132, %broadcast_in_dim3A_1769] : memref<80x256xf32, #tpu.memory_space<vmem>>[vector<16xi32>, vector<16xi32>], vector<16xf32>,
        %mul3A_1772 = arith.mulf %gather3A_1770, %gather3A_1771 : vector<16xf32>
        %add3A_1773 = arith.addf %add3A_1767, %mul3A_1772 : vector<16xf32>
        %broadcast_in_dim3A_1774 = arith.constant 87 : i32
        %broadcast_in_dim3A_1775 = vector.broadcast %broadcast_in_dim3A_1774 : i32 to vector<16xi32>
        %gather3A_1776 = tpu.vector_load_idx %arg10[%add3A_132, %broadcast_in_dim3A_1775] : memref<80x128xf32, #tpu.memory_space<vmem>>[vector<16xi32>, vector<16xi32>], vector<16xf32>,
        %gather3A_1777 = tpu.vector_load_idx %arg11[%add3A_132, %broadcast_in_dim3A_1775] : memref<80x256xf32, #tpu.memory_space<vmem>>[vector<16xi32>, vector<16xi32>], vector<16xf32>,
        %mul3A_1778 = arith.mulf %gather3A_1776, %gather3A_1777 : vector<16xf32>
        %add3A_1779 = arith.addf %add3A_1773, %mul3A_1778 : vector<16xf32>
        %broadcast_in_dim3A_1780 = arith.constant 88 : i32
        %broadcast_in_dim3A_1781 = vector.broadcast %broadcast_in_dim3A_1780 : i32 to vector<16xi32>
        %gather3A_1782 = tpu.vector_load_idx %arg10[%add3A_132, %broadcast_in_dim3A_1781] : memref<80x128xf32, #tpu.memory_space<vmem>>[vector<16xi32>, vector<16xi32>], vector<16xf32>,
        %gather3A_1783 = tpu.vector_load_idx %arg11[%add3A_132, %broadcast_in_dim3A_1781] : memref<80x256xf32, #tpu.memory_space<vmem>>[vector<16xi32>, vector<16xi32>], vector<16xf32>,
        %mul3A_1784 = arith.mulf %gather3A_1782, %gather3A_1783 : vector<16xf32>
        %add3A_1785 = arith.addf %add3A_1779, %mul3A_1784 : vector<16xf32>
        %broadcast_in_dim3A_1786 = arith.constant 89 : i32
        %broadcast_in_dim3A_1787 = vector.broadcast %broadcast_in_dim3A_1786 : i32 to vector<16xi32>
        %gather3A_1788 = tpu.vector_load_idx %arg10[%add3A_132, %broadcast_in_dim3A_1787] : memref<80x128xf32, #tpu.memory_space<vmem>>[vector<16xi32>, vector<16xi32>], vector<16xf32>,
        %gather3A_1789 = tpu.vector_load_idx %arg11[%add3A_132, %broadcast_in_dim3A_1787] : memref<80x256xf32, #tpu.memory_space<vmem>>[vector<16xi32>, vector<16xi32>], vector<16xf32>,
        %mul3A_1790 = arith.mulf %gather3A_1788, %gather3A_1789 : vector<16xf32>
        %add3A_1791 = arith.addf %add3A_1785, %mul3A_1790 : vector<16xf32>
        %broadcast_in_dim3A_1792 = arith.constant 90 : i32
        %broadcast_in_dim3A_1793 = vector.broadcast %broadcast_in_dim3A_1792 : i32 to vector<16xi32>
        %gather3A_1794 = tpu.vector_load_idx %arg10[%add3A_132, %broadcast_in_dim3A_1793] : memref<80x128xf32, #tpu.memory_space<vmem>>[vector<16xi32>, vector<16xi32>], vector<16xf32>,
        %gather3A_1795 = tpu.vector_load_idx %arg11[%add3A_132, %broadcast_in_dim3A_1793] : memref<80x256xf32, #tpu.memory_space<vmem>>[vector<16xi32>, vector<16xi32>], vector<16xf32>,
        %mul3A_1796 = arith.mulf %gather3A_1794, %gather3A_1795 : vector<16xf32>
        %add3A_1797 = arith.addf %add3A_1791, %mul3A_1796 : vector<16xf32>
        %broadcast_in_dim3A_1798 = arith.constant 91 : i32
        %broadcast_in_dim3A_1799 = vector.broadcast %broadcast_in_dim3A_1798 : i32 to vector<16xi32>
        %gather3A_1800 = tpu.vector_load_idx %arg10[%add3A_132, %broadcast_in_dim3A_1799] : memref<80x128xf32, #tpu.memory_space<vmem>>[vector<16xi32>, vector<16xi32>], vector<16xf32>,
        %gather3A_1801 = tpu.vector_load_idx %arg11[%add3A_132, %broadcast_in_dim3A_1799] : memref<80x256xf32, #tpu.memory_space<vmem>>[vector<16xi32>, vector<16xi32>], vector<16xf32>,
        %mul3A_1802 = arith.mulf %gather3A_1800, %gather3A_1801 : vector<16xf32>
        %add3A_1803 = arith.addf %add3A_1797, %mul3A_1802 : vector<16xf32>
        %broadcast_in_dim3A_1804 = arith.constant 92 : i32
        %broadcast_in_dim3A_1805 = vector.broadcast %broadcast_in_dim3A_1804 : i32 to vector<16xi32>
        %gather3A_1806 = tpu.vector_load_idx %arg10[%add3A_132, %broadcast_in_dim3A_1805] : memref<80x128xf32, #tpu.memory_space<vmem>>[vector<16xi32>, vector<16xi32>], vector<16xf32>,
        %gather3A_1807 = tpu.vector_load_idx %arg11[%add3A_132, %broadcast_in_dim3A_1805] : memref<80x256xf32, #tpu.memory_space<vmem>>[vector<16xi32>, vector<16xi32>], vector<16xf32>,
        %mul3A_1808 = arith.mulf %gather3A_1806, %gather3A_1807 : vector<16xf32>
        %add3A_1809 = arith.addf %add3A_1803, %mul3A_1808 : vector<16xf32>
        %broadcast_in_dim3A_1810 = arith.constant 93 : i32
        %broadcast_in_dim3A_1811 = vector.broadcast %broadcast_in_dim3A_1810 : i32 to vector<16xi32>
        %gather3A_1812 = tpu.vector_load_idx %arg10[%add3A_132, %broadcast_in_dim3A_1811] : memref<80x128xf32, #tpu.memory_space<vmem>>[vector<16xi32>, vector<16xi32>], vector<16xf32>,
        %gather3A_1813 = tpu.vector_load_idx %arg11[%add3A_132, %broadcast_in_dim3A_1811] : memref<80x256xf32, #tpu.memory_space<vmem>>[vector<16xi32>, vector<16xi32>], vector<16xf32>,
        %mul3A_1814 = arith.mulf %gather3A_1812, %gather3A_1813 : vector<16xf32>
        %add3A_1815 = arith.addf %add3A_1809, %mul3A_1814 : vector<16xf32>
        %broadcast_in_dim3A_1816 = arith.constant 94 : i32
        %broadcast_in_dim3A_1817 = vector.broadcast %broadcast_in_dim3A_1816 : i32 to vector<16xi32>
        %gather3A_1818 = tpu.vector_load_idx %arg10[%add3A_132, %broadcast_in_dim3A_1817] : memref<80x128xf32, #tpu.memory_space<vmem>>[vector<16xi32>, vector<16xi32>], vector<16xf32>,
        %gather3A_1819 = tpu.vector_load_idx %arg11[%add3A_132, %broadcast_in_dim3A_1817] : memref<80x256xf32, #tpu.memory_space<vmem>>[vector<16xi32>, vector<16xi32>], vector<16xf32>,
        %mul3A_1820 = arith.mulf %gather3A_1818, %gather3A_1819 : vector<16xf32>
        %add3A_1821 = arith.addf %add3A_1815, %mul3A_1820 : vector<16xf32>
        %broadcast_in_dim3A_1822 = arith.constant 95 : i32
        %broadcast_in_dim3A_1823 = vector.broadcast %broadcast_in_dim3A_1822 : i32 to vector<16xi32>
        %gather3A_1824 = tpu.vector_load_idx %arg10[%add3A_132, %broadcast_in_dim3A_1823] : memref<80x128xf32, #tpu.memory_space<vmem>>[vector<16xi32>, vector<16xi32>], vector<16xf32>,
        %gather3A_1825 = tpu.vector_load_idx %arg11[%add3A_132, %broadcast_in_dim3A_1823] : memref<80x256xf32, #tpu.memory_space<vmem>>[vector<16xi32>, vector<16xi32>], vector<16xf32>,
        %mul3A_1826 = arith.mulf %gather3A_1824, %gather3A_1825 : vector<16xf32>
        %add3A_1827 = arith.addf %add3A_1821, %mul3A_1826 : vector<16xf32>
        %exp3A_1828 = math.exp %add3A_1827 : vector<16xf32>
        tpu.vector_store_idx %arg13[%add3A_132, %broadcast_in_dim3A_13], %exp3A_1828 : memref<80x8xf32, #tpu.memory_space<vmem>>[vector<16xi32>, vector<16xi32>], vector<16xf32>,
        %mul3A_1829 = arith.constant 16 : i32
        %mul3A_1830 = arith.muli %mul3A_1829, %scan3A_128 : i32
        %add3A_1831 = arith.constant 0 : i32
        %add3A_1832 = arith.addi %mul3A_1830, %add3A_1831 : i32
        %get3A_1833 = arith.index_cast %add3A_1832 : i32 to index
        %get3A_1834 = arith.constant 208 : index
        %get3A_1835 = tpu.vector_load %arg11[%get3A_1833, %get3A_1834] {strides = array<i32>} : memref<80x256xf32, #tpu.memory_space<vmem>>, vector<16xf32>,
        %slice3A_1836 = vector.extract_strided_slice %exp3A_1828 {offsets = [0], sizes = [1], strides = [1]} : vector<16xf32> to vector<1xf32>
        %squeeze3A_1837 = vector.extract %slice3A_1836[0] : f32 from vector<1xf32>
        %mul3A_1838 = vector.broadcast %squeeze3A_1837 : f32 to vector<16xf32>
        %mul3A_1839 = arith.mulf %get3A_1835, %mul3A_1838 : vector<16xf32>
        %swap3A_1840 = arith.index_cast %add3A_1832 : i32 to index
        %swap3A_1841 = arith.constant 80 : index
        %swap3A_1842 = tpu.vector_load %arg12[%swap3A_1840, %swap3A_1841] {strides = array<i32>} : memref<80x128xf32, #tpu.memory_space<vmem>>, vector<16xf32>,
        tpu.vector_store %arg12[%swap3A_1840, %swap3A_1841], %mul3A_1839 {strides = array<i32>} : memref<80x128xf32, #tpu.memory_space<vmem>>, vector<16xf32>,
        %mul3A_1843 = arith.constant 16 : i32
        %mul3A_1844 = arith.muli %mul3A_1843, %scan3A_128 : i32
        %add3A_1845 = arith.constant 1 : i32
        %add3A_1846 = arith.addi %mul3A_1844, %add3A_1845 : i32
        %get3A_1847 = arith.index_cast %add3A_1846 : i32 to index
        %get3A_1848 = arith.constant 208 : index
        %get3A_1849 = tpu.vector_load %arg11[%get3A_1847, %get3A_1848] {strides = array<i32>} : memref<80x256xf32, #tpu.memory_space<vmem>>, vector<16xf32>,
        %slice3A_1850 = vector.extract_strided_slice %exp3A_1828 {offsets = [1], sizes = [1], strides = [1]} : vector<16xf32> to vector<1xf32>
        %squeeze3A_1851 = vector.extract %slice3A_1850[0] : f32 from vector<1xf32>
        %mul3A_1852 = vector.broadcast %squeeze3A_1851 : f32 to vector<16xf32>
        %mul3A_1853 = arith.mulf %get3A_1849, %mul3A_1852 : vector<16xf32>
        %swap3A_1854 = arith.index_cast %add3A_1846 : i32 to index
        %swap3A_1855 = arith.constant 80 : index
        %swap3A_1856 = tpu.vector_load %arg12[%swap3A_1854, %swap3A_1855] {strides = array<i32>} : memref<80x128xf32, #tpu.memory_space<vmem>>, vector<16xf32>,
        tpu.vector_store %arg12[%swap3A_1854, %swap3A_1855], %mul3A_1853 {strides = array<i32>} : memref<80x128xf32, #tpu.memory_space<vmem>>, vector<16xf32>,
        %mul3A_1857 = arith.constant 16 : i32
        %mul3A_1858 = arith.muli %mul3A_1857, %scan3A_128 : i32
        %add3A_1859 = arith.constant 2 : i32
        %add3A_1860 = arith.addi %mul3A_1858, %add3A_1859 : i32
        %get3A_1861 = arith.index_cast %add3A_1860 : i32 to index
        %get3A_1862 = arith.constant 208 : index
        %get3A_1863 = tpu.vector_load %arg11[%get3A_1861, %get3A_1862] {strides = array<i32>} : memref<80x256xf32, #tpu.memory_space<vmem>>, vector<16xf32>,
        %slice3A_1864 = vector.extract_strided_slice %exp3A_1828 {offsets = [2], sizes = [1], strides = [1]} : vector<16xf32> to vector<1xf32>
        %squeeze3A_1865 = vector.extract %slice3A_1864[0] : f32 from vector<1xf32>
        %mul3A_1866 = vector.broadcast %squeeze3A_1865 : f32 to vector<16xf32>
        %mul3A_1867 = arith.mulf %get3A_1863, %mul3A_1866 : vector<16xf32>
        %swap3A_1868 = arith.index_cast %add3A_1860 : i32 to index
        %swap3A_1869 = arith.constant 80 : index
        %swap3A_1870 = tpu.vector_load %arg12[%swap3A_1868, %swap3A_1869] {strides = array<i32>} : memref<80x128xf32, #tpu.memory_space<vmem>>, vector<16xf32>,
        tpu.vector_store %arg12[%swap3A_1868, %swap3A_1869], %mul3A_1867 {strides = array<i32>} : memref<80x128xf32, #tpu.memory_space<vmem>>, vector<16xf32>,
        %mul3A_1871 = arith.constant 16 : i32
        %mul3A_1872 = arith.muli %mul3A_1871, %scan3A_128 : i32
        %add3A_1873 = arith.constant 3 : i32
        %add3A_1874 = arith.addi %mul3A_1872, %add3A_1873 : i32
        %get3A_1875 = arith.index_cast %add3A_1874 : i32 to index
        %get3A_1876 = arith.constant 208 : index
        %get3A_1877 = tpu.vector_load %arg11[%get3A_1875, %get3A_1876] {strides = array<i32>} : memref<80x256xf32, #tpu.memory_space<vmem>>, vector<16xf32>,
        %slice3A_1878 = vector.extract_strided_slice %exp3A_1828 {offsets = [3], sizes = [1], strides = [1]} : vector<16xf32> to vector<1xf32>
        %squeeze3A_1879 = vector.extract %slice3A_1878[0] : f32 from vector<1xf32>
        %mul3A_1880 = vector.broadcast %squeeze3A_1879 : f32 to vector<16xf32>
        %mul3A_1881 = arith.mulf %get3A_1877, %mul3A_1880 : vector<16xf32>
        %swap3A_1882 = arith.index_cast %add3A_1874 : i32 to index
        %swap3A_1883 = arith.constant 80 : index
        %swap3A_1884 = tpu.vector_load %arg12[%swap3A_1882, %swap3A_1883] {strides = array<i32>} : memref<80x128xf32, #tpu.memory_space<vmem>>, vector<16xf32>,
        tpu.vector_store %arg12[%swap3A_1882, %swap3A_1883], %mul3A_1881 {strides = array<i32>} : memref<80x128xf32, #tpu.memory_space<vmem>>, vector<16xf32>,
        %mul3A_1885 = arith.constant 16 : i32
        %mul3A_1886 = arith.muli %mul3A_1885, %scan3A_128 : i32
        %add3A_1887 = arith.constant 4 : i32
        %add3A_1888 = arith.addi %mul3A_1886, %add3A_1887 : i32
        %get3A_1889 = arith.index_cast %add3A_1888 : i32 to index
        %get3A_1890 = arith.constant 208 : index
        %get3A_1891 = tpu.vector_load %arg11[%get3A_1889, %get3A_1890] {strides = array<i32>} : memref<80x256xf32, #tpu.memory_space<vmem>>, vector<16xf32>,
        %slice3A_1892 = vector.extract_strided_slice %exp3A_1828 {offsets = [4], sizes = [1], strides = [1]} : vector<16xf32> to vector<1xf32>
        %squeeze3A_1893 = vector.extract %slice3A_1892[0] : f32 from vector<1xf32>
        %mul3A_1894 = vector.broadcast %squeeze3A_1893 : f32 to vector<16xf32>
        %mul3A_1895 = arith.mulf %get3A_1891, %mul3A_1894 : vector<16xf32>
        %swap3A_1896 = arith.index_cast %add3A_1888 : i32 to index
        %swap3A_1897 = arith.constant 80 : index
        %swap3A_1898 = tpu.vector_load %arg12[%swap3A_1896, %swap3A_1897] {strides = array<i32>} : memref<80x128xf32, #tpu.memory_space<vmem>>, vector<16xf32>,
        tpu.vector_store %arg12[%swap3A_1896, %swap3A_1897], %mul3A_1895 {strides = array<i32>} : memref<80x128xf32, #tpu.memory_space<vmem>>, vector<16xf32>,
        %mul3A_1899 = arith.constant 16 : i32
        %mul3A_1900 = arith.muli %mul3A_1899, %scan3A_128 : i32
        %add3A_1901 = arith.constant 5 : i32
        %add3A_1902 = arith.addi %mul3A_1900, %add3A_1901 : i32
        %get3A_1903 = arith.index_cast %add3A_1902 : i32 to index
        %get3A_1904 = arith.constant 208 : index
        %get3A_1905 = tpu.vector_load %arg11[%get3A_1903, %get3A_1904] {strides = array<i32>} : memref<80x256xf32, #tpu.memory_space<vmem>>, vector<16xf32>,
        %slice3A_1906 = vector.extract_strided_slice %exp3A_1828 {offsets = [5], sizes = [1], strides = [1]} : vector<16xf32> to vector<1xf32>
        %squeeze3A_1907 = vector.extract %slice3A_1906[0] : f32 from vector<1xf32>
        %mul3A_1908 = vector.broadcast %squeeze3A_1907 : f32 to vector<16xf32>
        %mul3A_1909 = arith.mulf %get3A_1905, %mul3A_1908 : vector<16xf32>
        %swap3A_1910 = arith.index_cast %add3A_1902 : i32 to index
        %swap3A_1911 = arith.constant 80 : index
        %swap3A_1912 = tpu.vector_load %arg12[%swap3A_1910, %swap3A_1911] {strides = array<i32>} : memref<80x128xf32, #tpu.memory_space<vmem>>, vector<16xf32>,
        tpu.vector_store %arg12[%swap3A_1910, %swap3A_1911], %mul3A_1909 {strides = array<i32>} : memref<80x128xf32, #tpu.memory_space<vmem>>, vector<16xf32>,
        %mul3A_1913 = arith.constant 16 : i32
        %mul3A_1914 = arith.muli %mul3A_1913, %scan3A_128 : i32
        %add3A_1915 = arith.constant 6 : i32
        %add3A_1916 = arith.addi %mul3A_1914, %add3A_1915 : i32
        %get3A_1917 = arith.index_cast %add3A_1916 : i32 to index
        %get3A_1918 = arith.constant 208 : index
        %get3A_1919 = tpu.vector_load %arg11[%get3A_1917, %get3A_1918] {strides = array<i32>} : memref<80x256xf32, #tpu.memory_space<vmem>>, vector<16xf32>,
        %slice3A_1920 = vector.extract_strided_slice %exp3A_1828 {offsets = [6], sizes = [1], strides = [1]} : vector<16xf32> to vector<1xf32>
        %squeeze3A_1921 = vector.extract %slice3A_1920[0] : f32 from vector<1xf32>
        %mul3A_1922 = vector.broadcast %squeeze3A_1921 : f32 to vector<16xf32>
        %mul3A_1923 = arith.mulf %get3A_1919, %mul3A_1922 : vector<16xf32>
        %swap3A_1924 = arith.index_cast %add3A_1916 : i32 to index
        %swap3A_1925 = arith.constant 80 : index
        %swap3A_1926 = tpu.vector_load %arg12[%swap3A_1924, %swap3A_1925] {strides = array<i32>} : memref<80x128xf32, #tpu.memory_space<vmem>>, vector<16xf32>,
        tpu.vector_store %arg12[%swap3A_1924, %swap3A_1925], %mul3A_1923 {strides = array<i32>} : memref<80x128xf32, #tpu.memory_space<vmem>>, vector<16xf32>,
        %mul3A_1927 = arith.constant 16 : i32
        %mul3A_1928 = arith.muli %mul3A_1927, %scan3A_128 : i32
        %add3A_1929 = arith.constant 7 : i32
        %add3A_1930 = arith.addi %mul3A_1928, %add3A_1929 : i32
        %get3A_1931 = arith.index_cast %add3A_1930 : i32 to index
        %get3A_1932 = arith.constant 208 : index
        %get3A_1933 = tpu.vector_load %arg11[%get3A_1931, %get3A_1932] {strides = array<i32>} : memref<80x256xf32, #tpu.memory_space<vmem>>, vector<16xf32>,
        %slice3A_1934 = vector.extract_strided_slice %exp3A_1828 {offsets = [7], sizes = [1], strides = [1]} : vector<16xf32> to vector<1xf32>
        %squeeze3A_1935 = vector.extract %slice3A_1934[0] : f32 from vector<1xf32>
        %mul3A_1936 = vector.broadcast %squeeze3A_1935 : f32 to vector<16xf32>
        %mul3A_1937 = arith.mulf %get3A_1933, %mul3A_1936 : vector<16xf32>
        %swap3A_1938 = arith.index_cast %add3A_1930 : i32 to index
        %swap3A_1939 = arith.constant 80 : index
        %swap3A_1940 = tpu.vector_load %arg12[%swap3A_1938, %swap3A_1939] {strides = array<i32>} : memref<80x128xf32, #tpu.memory_space<vmem>>, vector<16xf32>,
        tpu.vector_store %arg12[%swap3A_1938, %swap3A_1939], %mul3A_1937 {strides = array<i32>} : memref<80x128xf32, #tpu.memory_space<vmem>>, vector<16xf32>,
        %mul3A_1941 = arith.constant 16 : i32
        %mul3A_1942 = arith.muli %mul3A_1941, %scan3A_128 : i32
        %add3A_1943 = arith.constant 8 : i32
        %add3A_1944 = arith.addi %mul3A_1942, %add3A_1943 : i32
        %get3A_1945 = arith.index_cast %add3A_1944 : i32 to index
        %get3A_1946 = arith.constant 208 : index
        %get3A_1947 = tpu.vector_load %arg11[%get3A_1945, %get3A_1946] {strides = array<i32>} : memref<80x256xf32, #tpu.memory_space<vmem>>, vector<16xf32>,
        %slice3A_1948 = vector.extract_strided_slice %exp3A_1828 {offsets = [8], sizes = [1], strides = [1]} : vector<16xf32> to vector<1xf32>
        %squeeze3A_1949 = vector.extract %slice3A_1948[0] : f32 from vector<1xf32>
        %mul3A_1950 = vector.broadcast %squeeze3A_1949 : f32 to vector<16xf32>
        %mul3A_1951 = arith.mulf %get3A_1947, %mul3A_1950 : vector<16xf32>
        %swap3A_1952 = arith.index_cast %add3A_1944 : i32 to index
        %swap3A_1953 = arith.constant 80 : index
        %swap3A_1954 = tpu.vector_load %arg12[%swap3A_1952, %swap3A_1953] {strides = array<i32>} : memref<80x128xf32, #tpu.memory_space<vmem>>, vector<16xf32>,
        tpu.vector_store %arg12[%swap3A_1952, %swap3A_1953], %mul3A_1951 {strides = array<i32>} : memref<80x128xf32, #tpu.memory_space<vmem>>, vector<16xf32>,
        %mul3A_1955 = arith.constant 16 : i32
        %mul3A_1956 = arith.muli %mul3A_1955, %scan3A_128 : i32
        %add3A_1957 = arith.constant 9 : i32
        %add3A_1958 = arith.addi %mul3A_1956, %add3A_1957 : i32
        %get3A_1959 = arith.index_cast %add3A_1958 : i32 to index
        %get3A_1960 = arith.constant 208 : index
        %get3A_1961 = tpu.vector_load %arg11[%get3A_1959, %get3A_1960] {strides = array<i32>} : memref<80x256xf32, #tpu.memory_space<vmem>>, vector<16xf32>,
        %slice3A_1962 = vector.extract_strided_slice %exp3A_1828 {offsets = [9], sizes = [1], strides = [1]} : vector<16xf32> to vector<1xf32>
        %squeeze3A_1963 = vector.extract %slice3A_1962[0] : f32 from vector<1xf32>
        %mul3A_1964 = vector.broadcast %squeeze3A_1963 : f32 to vector<16xf32>
        %mul3A_1965 = arith.mulf %get3A_1961, %mul3A_1964 : vector<16xf32>
        %swap3A_1966 = arith.index_cast %add3A_1958 : i32 to index
        %swap3A_1967 = arith.constant 80 : index
        %swap3A_1968 = tpu.vector_load %arg12[%swap3A_1966, %swap3A_1967] {strides = array<i32>} : memref<80x128xf32, #tpu.memory_space<vmem>>, vector<16xf32>,
        tpu.vector_store %arg12[%swap3A_1966, %swap3A_1967], %mul3A_1965 {strides = array<i32>} : memref<80x128xf32, #tpu.memory_space<vmem>>, vector<16xf32>,
        %mul3A_1969 = arith.constant 16 : i32
        %mul3A_1970 = arith.muli %mul3A_1969, %scan3A_128 : i32
        %add3A_1971 = arith.constant 10 : i32
        %add3A_1972 = arith.addi %mul3A_1970, %add3A_1971 : i32
        %get3A_1973 = arith.index_cast %add3A_1972 : i32 to index
        %get3A_1974 = arith.constant 208 : index
        %get3A_1975 = tpu.vector_load %arg11[%get3A_1973, %get3A_1974] {strides = array<i32>} : memref<80x256xf32, #tpu.memory_space<vmem>>, vector<16xf32>,
        %slice3A_1976 = vector.extract_strided_slice %exp3A_1828 {offsets = [10], sizes = [1], strides = [1]} : vector<16xf32> to vector<1xf32>
        %squeeze3A_1977 = vector.extract %slice3A_1976[0] : f32 from vector<1xf32>
        %mul3A_1978 = vector.broadcast %squeeze3A_1977 : f32 to vector<16xf32>
        %mul3A_1979 = arith.mulf %get3A_1975, %mul3A_1978 : vector<16xf32>
        %swap3A_1980 = arith.index_cast %add3A_1972 : i32 to index
        %swap3A_1981 = arith.constant 80 : index
        %swap3A_1982 = tpu.vector_load %arg12[%swap3A_1980, %swap3A_1981] {strides = array<i32>} : memref<80x128xf32, #tpu.memory_space<vmem>>, vector<16xf32>,
        tpu.vector_store %arg12[%swap3A_1980, %swap3A_1981], %mul3A_1979 {strides = array<i32>} : memref<80x128xf32, #tpu.memory_space<vmem>>, vector<16xf32>,
        %mul3A_1983 = arith.constant 16 : i32
        %mul3A_1984 = arith.muli %mul3A_1983, %scan3A_128 : i32
        %add3A_1985 = arith.constant 11 : i32
        %add3A_1986 = arith.addi %mul3A_1984, %add3A_1985 : i32
        %get3A_1987 = arith.index_cast %add3A_1986 : i32 to index
        %get3A_1988 = arith.constant 208 : index
        %get3A_1989 = tpu.vector_load %arg11[%get3A_1987, %get3A_1988] {strides = array<i32>} : memref<80x256xf32, #tpu.memory_space<vmem>>, vector<16xf32>,
        %slice3A_1990 = vector.extract_strided_slice %exp3A_1828 {offsets = [11], sizes = [1], strides = [1]} : vector<16xf32> to vector<1xf32>
        %squeeze3A_1991 = vector.extract %slice3A_1990[0] : f32 from vector<1xf32>
        %mul3A_1992 = vector.broadcast %squeeze3A_1991 : f32 to vector<16xf32>
        %mul3A_1993 = arith.mulf %get3A_1989, %mul3A_1992 : vector<16xf32>
        %swap3A_1994 = arith.index_cast %add3A_1986 : i32 to index
        %swap3A_1995 = arith.constant 80 : index
        %swap3A_1996 = tpu.vector_load %arg12[%swap3A_1994, %swap3A_1995] {strides = array<i32>} : memref<80x128xf32, #tpu.memory_space<vmem>>, vector<16xf32>,
        tpu.vector_store %arg12[%swap3A_1994, %swap3A_1995], %mul3A_1993 {strides = array<i32>} : memref<80x128xf32, #tpu.memory_space<vmem>>, vector<16xf32>,
        %mul3A_1997 = arith.constant 16 : i32
        %mul3A_1998 = arith.muli %mul3A_1997, %scan3A_128 : i32
        %add3A_1999 = arith.constant 12 : i32
        %add3A_2000 = arith.addi %mul3A_1998, %add3A_1999 : i32
        %get3A_2001 = arith.index_cast %add3A_2000 : i32 to index
        %get3A_2002 = arith.constant 208 : index
        %get3A_2003 = tpu.vector_load %arg11[%get3A_2001, %get3A_2002] {strides = array<i32>} : memref<80x256xf32, #tpu.memory_space<vmem>>, vector<16xf32>,
        %slice3A_2004 = vector.extract_strided_slice %exp3A_1828 {offsets = [12], sizes = [1], strides = [1]} : vector<16xf32> to vector<1xf32>
        %squeeze3A_2005 = vector.extract %slice3A_2004[0] : f32 from vector<1xf32>
        %mul3A_2006 = vector.broadcast %squeeze3A_2005 : f32 to vector<16xf32>
        %mul3A_2007 = arith.mulf %get3A_2003, %mul3A_2006 : vector<16xf32>
        %swap3A_2008 = arith.index_cast %add3A_2000 : i32 to index
        %swap3A_2009 = arith.constant 80 : index
        %swap3A_2010 = tpu.vector_load %arg12[%swap3A_2008, %swap3A_2009] {strides = array<i32>} : memref<80x128xf32, #tpu.memory_space<vmem>>, vector<16xf32>,
        tpu.vector_store %arg12[%swap3A_2008, %swap3A_2009], %mul3A_2007 {strides = array<i32>} : memref<80x128xf32, #tpu.memory_space<vmem>>, vector<16xf32>,
        %mul3A_2011 = arith.constant 16 : i32
        %mul3A_2012 = arith.muli %mul3A_2011, %scan3A_128 : i32
        %add3A_2013 = arith.constant 13 : i32
        %add3A_2014 = arith.addi %mul3A_2012, %add3A_2013 : i32
        %get3A_2015 = arith.index_cast %add3A_2014 : i32 to index
        %get3A_2016 = arith.constant 208 : index
        %get3A_2017 = tpu.vector_load %arg11[%get3A_2015, %get3A_2016] {strides = array<i32>} : memref<80x256xf32, #tpu.memory_space<vmem>>, vector<16xf32>,
        %slice3A_2018 = vector.extract_strided_slice %exp3A_1828 {offsets = [13], sizes = [1], strides = [1]} : vector<16xf32> to vector<1xf32>
        %squeeze3A_2019 = vector.extract %slice3A_2018[0] : f32 from vector<1xf32>
        %mul3A_2020 = vector.broadcast %squeeze3A_2019 : f32 to vector<16xf32>
        %mul3A_2021 = arith.mulf %get3A_2017, %mul3A_2020 : vector<16xf32>
        %swap3A_2022 = arith.index_cast %add3A_2014 : i32 to index
        %swap3A_2023 = arith.constant 80 : index
        %swap3A_2024 = tpu.vector_load %arg12[%swap3A_2022, %swap3A_2023] {strides = array<i32>} : memref<80x128xf32, #tpu.memory_space<vmem>>, vector<16xf32>,
        tpu.vector_store %arg12[%swap3A_2022, %swap3A_2023], %mul3A_2021 {strides = array<i32>} : memref<80x128xf32, #tpu.memory_space<vmem>>, vector<16xf32>,
        %mul3A_2025 = arith.constant 16 : i32
        %mul3A_2026 = arith.muli %mul3A_2025, %scan3A_128 : i32
        %add3A_2027 = arith.constant 14 : i32
        %add3A_2028 = arith.addi %mul3A_2026, %add3A_2027 : i32
        %get3A_2029 = arith.index_cast %add3A_2028 : i32 to index
        %get3A_2030 = arith.constant 208 : index
        %get3A_2031 = tpu.vector_load %arg11[%get3A_2029, %get3A_2030] {strides = array<i32>} : memref<80x256xf32, #tpu.memory_space<vmem>>, vector<16xf32>,
        %slice3A_2032 = vector.extract_strided_slice %exp3A_1828 {offsets = [14], sizes = [1], strides = [1]} : vector<16xf32> to vector<1xf32>
        %squeeze3A_2033 = vector.extract %slice3A_2032[0] : f32 from vector<1xf32>
        %mul3A_2034 = vector.broadcast %squeeze3A_2033 : f32 to vector<16xf32>
        %mul3A_2035 = arith.mulf %get3A_2031, %mul3A_2034 : vector<16xf32>
        %swap3A_2036 = arith.index_cast %add3A_2028 : i32 to index
        %swap3A_2037 = arith.constant 80 : index
        %swap3A_2038 = tpu.vector_load %arg12[%swap3A_2036, %swap3A_2037] {strides = array<i32>} : memref<80x128xf32, #tpu.memory_space<vmem>>, vector<16xf32>,
        tpu.vector_store %arg12[%swap3A_2036, %swap3A_2037], %mul3A_2035 {strides = array<i32>} : memref<80x128xf32, #tpu.memory_space<vmem>>, vector<16xf32>,
        %mul3A_2039 = arith.constant 16 : i32
        %mul3A_2040 = arith.muli %mul3A_2039, %scan3A_128 : i32
        %add3A_2041 = arith.constant 15 : i32
        %add3A_2042 = arith.addi %mul3A_2040, %add3A_2041 : i32
        %get3A_2043 = arith.index_cast %add3A_2042 : i32 to index
        %get3A_2044 = arith.constant 208 : index
        %get3A_2045 = tpu.vector_load %arg11[%get3A_2043, %get3A_2044] {strides = array<i32>} : memref<80x256xf32, #tpu.memory_space<vmem>>, vector<16xf32>,
        %slice3A_2046 = vector.extract_strided_slice %exp3A_1828 {offsets = [15], sizes = [1], strides = [1]} : vector<16xf32> to vector<1xf32>
        %squeeze3A_2047 = vector.extract %slice3A_2046[0] : f32 from vector<1xf32>
        %mul3A_2048 = vector.broadcast %squeeze3A_2047 : f32 to vector<16xf32>
        %mul3A_2049 = arith.mulf %get3A_2045, %mul3A_2048 : vector<16xf32>
        %swap3A_2050 = arith.index_cast %add3A_2042 : i32 to index
        %swap3A_2051 = arith.constant 80 : index
        %swap3A_2052 = tpu.vector_load %arg12[%swap3A_2050, %swap3A_2051] {strides = array<i32>} : memref<80x128xf32, #tpu.memory_space<vmem>>, vector<16xf32>,
        tpu.vector_store %arg12[%swap3A_2050, %swap3A_2051], %mul3A_2049 {strides = array<i32>} : memref<80x128xf32, #tpu.memory_space<vmem>>, vector<16xf32>,
        %broadcast_in_dim3A_2053 = arith.constant 96 : i32
        %broadcast_in_dim3A_2054 = vector.broadcast %broadcast_in_dim3A_2053 : i32 to vector<16xi32>
        %gather3A_2055 = tpu.vector_load_idx %arg10[%add3A_132, %broadcast_in_dim3A_2054] : memref<80x128xf32, #tpu.memory_space<vmem>>[vector<16xi32>, vector<16xi32>], vector<16xf32>,
        %gather3A_2056 = tpu.vector_load_idx %arg11[%add3A_132, %broadcast_in_dim3A_2054] : memref<80x256xf32, #tpu.memory_space<vmem>>[vector<16xi32>, vector<16xi32>], vector<16xf32>,
        %mul3A_2057 = arith.mulf %gather3A_2055, %gather3A_2056 : vector<16xf32>
        %add3A_2058 = arith.addf %broadcast_in_dim3A_1, %mul3A_2057 : vector<16xf32>
        %broadcast_in_dim3A_2059 = arith.constant 97 : i32
        %broadcast_in_dim3A_2060 = vector.broadcast %broadcast_in_dim3A_2059 : i32 to vector<16xi32>
        %gather3A_2061 = tpu.vector_load_idx %arg10[%add3A_132, %broadcast_in_dim3A_2060] : memref<80x128xf32, #tpu.memory_space<vmem>>[vector<16xi32>, vector<16xi32>], vector<16xf32>,
        %gather3A_2062 = tpu.vector_load_idx %arg11[%add3A_132, %broadcast_in_dim3A_2060] : memref<80x256xf32, #tpu.memory_space<vmem>>[vector<16xi32>, vector<16xi32>], vector<16xf32>,
        %mul3A_2063 = arith.mulf %gather3A_2061, %gather3A_2062 : vector<16xf32>
        %add3A_2064 = arith.addf %add3A_2058, %mul3A_2063 : vector<16xf32>
        %broadcast_in_dim3A_2065 = arith.constant 98 : i32
        %broadcast_in_dim3A_2066 = vector.broadcast %broadcast_in_dim3A_2065 : i32 to vector<16xi32>
        %gather3A_2067 = tpu.vector_load_idx %arg10[%add3A_132, %broadcast_in_dim3A_2066] : memref<80x128xf32, #tpu.memory_space<vmem>>[vector<16xi32>, vector<16xi32>], vector<16xf32>,
        %gather3A_2068 = tpu.vector_load_idx %arg11[%add3A_132, %broadcast_in_dim3A_2066] : memref<80x256xf32, #tpu.memory_space<vmem>>[vector<16xi32>, vector<16xi32>], vector<16xf32>,
        %mul3A_2069 = arith.mulf %gather3A_2067, %gather3A_2068 : vector<16xf32>
        %add3A_2070 = arith.addf %add3A_2064, %mul3A_2069 : vector<16xf32>
        %broadcast_in_dim3A_2071 = arith.constant 99 : i32
        %broadcast_in_dim3A_2072 = vector.broadcast %broadcast_in_dim3A_2071 : i32 to vector<16xi32>
        %gather3A_2073 = tpu.vector_load_idx %arg10[%add3A_132, %broadcast_in_dim3A_2072] : memref<80x128xf32, #tpu.memory_space<vmem>>[vector<16xi32>, vector<16xi32>], vector<16xf32>,
        %gather3A_2074 = tpu.vector_load_idx %arg11[%add3A_132, %broadcast_in_dim3A_2072] : memref<80x256xf32, #tpu.memory_space<vmem>>[vector<16xi32>, vector<16xi32>], vector<16xf32>,
        %mul3A_2075 = arith.mulf %gather3A_2073, %gather3A_2074 : vector<16xf32>
        %add3A_2076 = arith.addf %add3A_2070, %mul3A_2075 : vector<16xf32>
        %broadcast_in_dim3A_2077 = arith.constant 100 : i32
        %broadcast_in_dim3A_2078 = vector.broadcast %broadcast_in_dim3A_2077 : i32 to vector<16xi32>
        %gather3A_2079 = tpu.vector_load_idx %arg10[%add3A_132, %broadcast_in_dim3A_2078] : memref<80x128xf32, #tpu.memory_space<vmem>>[vector<16xi32>, vector<16xi32>], vector<16xf32>,
        %gather3A_2080 = tpu.vector_load_idx %arg11[%add3A_132, %broadcast_in_dim3A_2078] : memref<80x256xf32, #tpu.memory_space<vmem>>[vector<16xi32>, vector<16xi32>], vector<16xf32>,
        %mul3A_2081 = arith.mulf %gather3A_2079, %gather3A_2080 : vector<16xf32>
        %add3A_2082 = arith.addf %add3A_2076, %mul3A_2081 : vector<16xf32>
        %broadcast_in_dim3A_2083 = arith.constant 101 : i32
        %broadcast_in_dim3A_2084 = vector.broadcast %broadcast_in_dim3A_2083 : i32 to vector<16xi32>
        %gather3A_2085 = tpu.vector_load_idx %arg10[%add3A_132, %broadcast_in_dim3A_2084] : memref<80x128xf32, #tpu.memory_space<vmem>>[vector<16xi32>, vector<16xi32>], vector<16xf32>,
        %gather3A_2086 = tpu.vector_load_idx %arg11[%add3A_132, %broadcast_in_dim3A_2084] : memref<80x256xf32, #tpu.memory_space<vmem>>[vector<16xi32>, vector<16xi32>], vector<16xf32>,
        %mul3A_2087 = arith.mulf %gather3A_2085, %gather3A_2086 : vector<16xf32>
        %add3A_2088 = arith.addf %add3A_2082, %mul3A_2087 : vector<16xf32>
        %broadcast_in_dim3A_2089 = arith.constant 102 : i32
        %broadcast_in_dim3A_2090 = vector.broadcast %broadcast_in_dim3A_2089 : i32 to vector<16xi32>
        %gather3A_2091 = tpu.vector_load_idx %arg10[%add3A_132, %broadcast_in_dim3A_2090] : memref<80x128xf32, #tpu.memory_space<vmem>>[vector<16xi32>, vector<16xi32>], vector<16xf32>,
        %gather3A_2092 = tpu.vector_load_idx %arg11[%add3A_132, %broadcast_in_dim3A_2090] : memref<80x256xf32, #tpu.memory_space<vmem>>[vector<16xi32>, vector<16xi32>], vector<16xf32>,
        %mul3A_2093 = arith.mulf %gather3A_2091, %gather3A_2092 : vector<16xf32>
        %add3A_2094 = arith.addf %add3A_2088, %mul3A_2093 : vector<16xf32>
        %broadcast_in_dim3A_2095 = arith.constant 103 : i32
        %broadcast_in_dim3A_2096 = vector.broadcast %broadcast_in_dim3A_2095 : i32 to vector<16xi32>
        %gather3A_2097 = tpu.vector_load_idx %arg10[%add3A_132, %broadcast_in_dim3A_2096] : memref<80x128xf32, #tpu.memory_space<vmem>>[vector<16xi32>, vector<16xi32>], vector<16xf32>,
        %gather3A_2098 = tpu.vector_load_idx %arg11[%add3A_132, %broadcast_in_dim3A_2096] : memref<80x256xf32, #tpu.memory_space<vmem>>[vector<16xi32>, vector<16xi32>], vector<16xf32>,
        %mul3A_2099 = arith.mulf %gather3A_2097, %gather3A_2098 : vector<16xf32>
        %add3A_2100 = arith.addf %add3A_2094, %mul3A_2099 : vector<16xf32>
        %broadcast_in_dim3A_2101 = arith.constant 104 : i32
        %broadcast_in_dim3A_2102 = vector.broadcast %broadcast_in_dim3A_2101 : i32 to vector<16xi32>
        %gather3A_2103 = tpu.vector_load_idx %arg10[%add3A_132, %broadcast_in_dim3A_2102] : memref<80x128xf32, #tpu.memory_space<vmem>>[vector<16xi32>, vector<16xi32>], vector<16xf32>,
        %gather3A_2104 = tpu.vector_load_idx %arg11[%add3A_132, %broadcast_in_dim3A_2102] : memref<80x256xf32, #tpu.memory_space<vmem>>[vector<16xi32>, vector<16xi32>], vector<16xf32>,
        %mul3A_2105 = arith.mulf %gather3A_2103, %gather3A_2104 : vector<16xf32>
        %add3A_2106 = arith.addf %add3A_2100, %mul3A_2105 : vector<16xf32>
        %broadcast_in_dim3A_2107 = arith.constant 105 : i32
        %broadcast_in_dim3A_2108 = vector.broadcast %broadcast_in_dim3A_2107 : i32 to vector<16xi32>
        %gather3A_2109 = tpu.vector_load_idx %arg10[%add3A_132, %broadcast_in_dim3A_2108] : memref<80x128xf32, #tpu.memory_space<vmem>>[vector<16xi32>, vector<16xi32>], vector<16xf32>,
        %gather3A_2110 = tpu.vector_load_idx %arg11[%add3A_132, %broadcast_in_dim3A_2108] : memref<80x256xf32, #tpu.memory_space<vmem>>[vector<16xi32>, vector<16xi32>], vector<16xf32>,
        %mul3A_2111 = arith.mulf %gather3A_2109, %gather3A_2110 : vector<16xf32>
        %add3A_2112 = arith.addf %add3A_2106, %mul3A_2111 : vector<16xf32>
        %broadcast_in_dim3A_2113 = arith.constant 106 : i32
        %broadcast_in_dim3A_2114 = vector.broadcast %broadcast_in_dim3A_2113 : i32 to vector<16xi32>
        %gather3A_2115 = tpu.vector_load_idx %arg10[%add3A_132, %broadcast_in_dim3A_2114] : memref<80x128xf32, #tpu.memory_space<vmem>>[vector<16xi32>, vector<16xi32>], vector<16xf32>,
        %gather3A_2116 = tpu.vector_load_idx %arg11[%add3A_132, %broadcast_in_dim3A_2114] : memref<80x256xf32, #tpu.memory_space<vmem>>[vector<16xi32>, vector<16xi32>], vector<16xf32>,
        %mul3A_2117 = arith.mulf %gather3A_2115, %gather3A_2116 : vector<16xf32>
        %add3A_2118 = arith.addf %add3A_2112, %mul3A_2117 : vector<16xf32>
        %broadcast_in_dim3A_2119 = arith.constant 107 : i32
        %broadcast_in_dim3A_2120 = vector.broadcast %broadcast_in_dim3A_2119 : i32 to vector<16xi32>
        %gather3A_2121 = tpu.vector_load_idx %arg10[%add3A_132, %broadcast_in_dim3A_2120] : memref<80x128xf32, #tpu.memory_space<vmem>>[vector<16xi32>, vector<16xi32>], vector<16xf32>,
        %gather3A_2122 = tpu.vector_load_idx %arg11[%add3A_132, %broadcast_in_dim3A_2120] : memref<80x256xf32, #tpu.memory_space<vmem>>[vector<16xi32>, vector<16xi32>], vector<16xf32>,
        %mul3A_2123 = arith.mulf %gather3A_2121, %gather3A_2122 : vector<16xf32>
        %add3A_2124 = arith.addf %add3A_2118, %mul3A_2123 : vector<16xf32>
        %broadcast_in_dim3A_2125 = arith.constant 108 : i32
        %broadcast_in_dim3A_2126 = vector.broadcast %broadcast_in_dim3A_2125 : i32 to vector<16xi32>
        %gather3A_2127 = tpu.vector_load_idx %arg10[%add3A_132, %broadcast_in_dim3A_2126] : memref<80x128xf32, #tpu.memory_space<vmem>>[vector<16xi32>, vector<16xi32>], vector<16xf32>,
        %gather3A_2128 = tpu.vector_load_idx %arg11[%add3A_132, %broadcast_in_dim3A_2126] : memref<80x256xf32, #tpu.memory_space<vmem>>[vector<16xi32>, vector<16xi32>], vector<16xf32>,
        %mul3A_2129 = arith.mulf %gather3A_2127, %gather3A_2128 : vector<16xf32>
        %add3A_2130 = arith.addf %add3A_2124, %mul3A_2129 : vector<16xf32>
        %broadcast_in_dim3A_2131 = arith.constant 109 : i32
        %broadcast_in_dim3A_2132 = vector.broadcast %broadcast_in_dim3A_2131 : i32 to vector<16xi32>
        %gather3A_2133 = tpu.vector_load_idx %arg10[%add3A_132, %broadcast_in_dim3A_2132] : memref<80x128xf32, #tpu.memory_space<vmem>>[vector<16xi32>, vector<16xi32>], vector<16xf32>,
        %gather3A_2134 = tpu.vector_load_idx %arg11[%add3A_132, %broadcast_in_dim3A_2132] : memref<80x256xf32, #tpu.memory_space<vmem>>[vector<16xi32>, vector<16xi32>], vector<16xf32>,
        %mul3A_2135 = arith.mulf %gather3A_2133, %gather3A_2134 : vector<16xf32>
        %add3A_2136 = arith.addf %add3A_2130, %mul3A_2135 : vector<16xf32>
        %broadcast_in_dim3A_2137 = arith.constant 110 : i32
        %broadcast_in_dim3A_2138 = vector.broadcast %broadcast_in_dim3A_2137 : i32 to vector<16xi32>
        %gather3A_2139 = tpu.vector_load_idx %arg10[%add3A_132, %broadcast_in_dim3A_2138] : memref<80x128xf32, #tpu.memory_space<vmem>>[vector<16xi32>, vector<16xi32>], vector<16xf32>,
        %gather3A_2140 = tpu.vector_load_idx %arg11[%add3A_132, %broadcast_in_dim3A_2138] : memref<80x256xf32, #tpu.memory_space<vmem>>[vector<16xi32>, vector<16xi32>], vector<16xf32>,
        %mul3A_2141 = arith.mulf %gather3A_2139, %gather3A_2140 : vector<16xf32>
        %add3A_2142 = arith.addf %add3A_2136, %mul3A_2141 : vector<16xf32>
        %broadcast_in_dim3A_2143 = arith.constant 111 : i32
        %broadcast_in_dim3A_2144 = vector.broadcast %broadcast_in_dim3A_2143 : i32 to vector<16xi32>
        %gather3A_2145 = tpu.vector_load_idx %arg10[%add3A_132, %broadcast_in_dim3A_2144] : memref<80x128xf32, #tpu.memory_space<vmem>>[vector<16xi32>, vector<16xi32>], vector<16xf32>,
        %gather3A_2146 = tpu.vector_load_idx %arg11[%add3A_132, %broadcast_in_dim3A_2144] : memref<80x256xf32, #tpu.memory_space<vmem>>[vector<16xi32>, vector<16xi32>], vector<16xf32>,
        %mul3A_2147 = arith.mulf %gather3A_2145, %gather3A_2146 : vector<16xf32>
        %add3A_2148 = arith.addf %add3A_2142, %mul3A_2147 : vector<16xf32>
        %exp3A_2149 = math.exp %add3A_2148 : vector<16xf32>
        tpu.vector_store_idx %arg13[%add3A_132, %broadcast_in_dim3A_15], %exp3A_2149 : memref<80x8xf32, #tpu.memory_space<vmem>>[vector<16xi32>, vector<16xi32>], vector<16xf32>,
        %mul3A_2150 = arith.constant 16 : i32
        %mul3A_2151 = arith.muli %mul3A_2150, %scan3A_128 : i32
        %add3A_2152 = arith.constant 0 : i32
        %add3A_2153 = arith.addi %mul3A_2151, %add3A_2152 : i32
        %get3A_2154 = arith.index_cast %add3A_2153 : i32 to index
        %get3A_2155 = arith.constant 224 : index
        %get3A_2156 = tpu.vector_load %arg11[%get3A_2154, %get3A_2155] {strides = array<i32>} : memref<80x256xf32, #tpu.memory_space<vmem>>, vector<16xf32>,
        %slice3A_2157 = vector.extract_strided_slice %exp3A_2149 {offsets = [0], sizes = [1], strides = [1]} : vector<16xf32> to vector<1xf32>
        %squeeze3A_2158 = vector.extract %slice3A_2157[0] : f32 from vector<1xf32>
        %mul3A_2159 = vector.broadcast %squeeze3A_2158 : f32 to vector<16xf32>
        %mul3A_2160 = arith.mulf %get3A_2156, %mul3A_2159 : vector<16xf32>
        %swap3A_2161 = arith.index_cast %add3A_2153 : i32 to index
        %swap3A_2162 = arith.constant 96 : index
        %swap3A_2163 = tpu.vector_load %arg12[%swap3A_2161, %swap3A_2162] {strides = array<i32>} : memref<80x128xf32, #tpu.memory_space<vmem>>, vector<16xf32>,
        tpu.vector_store %arg12[%swap3A_2161, %swap3A_2162], %mul3A_2160 {strides = array<i32>} : memref<80x128xf32, #tpu.memory_space<vmem>>, vector<16xf32>,
        %mul3A_2164 = arith.constant 16 : i32
        %mul3A_2165 = arith.muli %mul3A_2164, %scan3A_128 : i32
        %add3A_2166 = arith.constant 1 : i32
        %add3A_2167 = arith.addi %mul3A_2165, %add3A_2166 : i32
        %get3A_2168 = arith.index_cast %add3A_2167 : i32 to index
        %get3A_2169 = arith.constant 224 : index
        %get3A_2170 = tpu.vector_load %arg11[%get3A_2168, %get3A_2169] {strides = array<i32>} : memref<80x256xf32, #tpu.memory_space<vmem>>, vector<16xf32>,
        %slice3A_2171 = vector.extract_strided_slice %exp3A_2149 {offsets = [1], sizes = [1], strides = [1]} : vector<16xf32> to vector<1xf32>
        %squeeze3A_2172 = vector.extract %slice3A_2171[0] : f32 from vector<1xf32>
        %mul3A_2173 = vector.broadcast %squeeze3A_2172 : f32 to vector<16xf32>
        %mul3A_2174 = arith.mulf %get3A_2170, %mul3A_2173 : vector<16xf32>
        %swap3A_2175 = arith.index_cast %add3A_2167 : i32 to index
        %swap3A_2176 = arith.constant 96 : index
        %swap3A_2177 = tpu.vector_load %arg12[%swap3A_2175, %swap3A_2176] {strides = array<i32>} : memref<80x128xf32, #tpu.memory_space<vmem>>, vector<16xf32>,
        tpu.vector_store %arg12[%swap3A_2175, %swap3A_2176], %mul3A_2174 {strides = array<i32>} : memref<80x128xf32, #tpu.memory_space<vmem>>, vector<16xf32>,
        %mul3A_2178 = arith.constant 16 : i32
        %mul3A_2179 = arith.muli %mul3A_2178, %scan3A_128 : i32
        %add3A_2180 = arith.constant 2 : i32
        %add3A_2181 = arith.addi %mul3A_2179, %add3A_2180 : i32
        %get3A_2182 = arith.index_cast %add3A_2181 : i32 to index
        %get3A_2183 = arith.constant 224 : index
        %get3A_2184 = tpu.vector_load %arg11[%get3A_2182, %get3A_2183] {strides = array<i32>} : memref<80x256xf32, #tpu.memory_space<vmem>>, vector<16xf32>,
        %slice3A_2185 = vector.extract_strided_slice %exp3A_2149 {offsets = [2], sizes = [1], strides = [1]} : vector<16xf32> to vector<1xf32>
        %squeeze3A_2186 = vector.extract %slice3A_2185[0] : f32 from vector<1xf32>
        %mul3A_2187 = vector.broadcast %squeeze3A_2186 : f32 to vector<16xf32>
        %mul3A_2188 = arith.mulf %get3A_2184, %mul3A_2187 : vector<16xf32>
        %swap3A_2189 = arith.index_cast %add3A_2181 : i32 to index
        %swap3A_2190 = arith.constant 96 : index
        %swap3A_2191 = tpu.vector_load %arg12[%swap3A_2189, %swap3A_2190] {strides = array<i32>} : memref<80x128xf32, #tpu.memory_space<vmem>>, vector<16xf32>,
        tpu.vector_store %arg12[%swap3A_2189, %swap3A_2190], %mul3A_2188 {strides = array<i32>} : memref<80x128xf32, #tpu.memory_space<vmem>>, vector<16xf32>,
        %mul3A_2192 = arith.constant 16 : i32
        %mul3A_2193 = arith.muli %mul3A_2192, %scan3A_128 : i32
        %add3A_2194 = arith.constant 3 : i32
        %add3A_2195 = arith.addi %mul3A_2193, %add3A_2194 : i32
        %get3A_2196 = arith.index_cast %add3A_2195 : i32 to index
        %get3A_2197 = arith.constant 224 : index
        %get3A_2198 = tpu.vector_load %arg11[%get3A_2196, %get3A_2197] {strides = array<i32>} : memref<80x256xf32, #tpu.memory_space<vmem>>, vector<16xf32>,
        %slice3A_2199 = vector.extract_strided_slice %exp3A_2149 {offsets = [3], sizes = [1], strides = [1]} : vector<16xf32> to vector<1xf32>
        %squeeze3A_2200 = vector.extract %slice3A_2199[0] : f32 from vector<1xf32>
        %mul3A_2201 = vector.broadcast %squeeze3A_2200 : f32 to vector<16xf32>
        %mul3A_2202 = arith.mulf %get3A_2198, %mul3A_2201 : vector<16xf32>
        %swap3A_2203 = arith.index_cast %add3A_2195 : i32 to index
        %swap3A_2204 = arith.constant 96 : index
        %swap3A_2205 = tpu.vector_load %arg12[%swap3A_2203, %swap3A_2204] {strides = array<i32>} : memref<80x128xf32, #tpu.memory_space<vmem>>, vector<16xf32>,
        tpu.vector_store %arg12[%swap3A_2203, %swap3A_2204], %mul3A_2202 {strides = array<i32>} : memref<80x128xf32, #tpu.memory_space<vmem>>, vector<16xf32>,
        %mul3A_2206 = arith.constant 16 : i32
        %mul3A_2207 = arith.muli %mul3A_2206, %scan3A_128 : i32
        %add3A_2208 = arith.constant 4 : i32
        %add3A_2209 = arith.addi %mul3A_2207, %add3A_2208 : i32
        %get3A_2210 = arith.index_cast %add3A_2209 : i32 to index
        %get3A_2211 = arith.constant 224 : index
        %get3A_2212 = tpu.vector_load %arg11[%get3A_2210, %get3A_2211] {strides = array<i32>} : memref<80x256xf32, #tpu.memory_space<vmem>>, vector<16xf32>,
        %slice3A_2213 = vector.extract_strided_slice %exp3A_2149 {offsets = [4], sizes = [1], strides = [1]} : vector<16xf32> to vector<1xf32>
        %squeeze3A_2214 = vector.extract %slice3A_2213[0] : f32 from vector<1xf32>
        %mul3A_2215 = vector.broadcast %squeeze3A_2214 : f32 to vector<16xf32>
        %mul3A_2216 = arith.mulf %get3A_2212, %mul3A_2215 : vector<16xf32>
        %swap3A_2217 = arith.index_cast %add3A_2209 : i32 to index
        %swap3A_2218 = arith.constant 96 : index
        %swap3A_2219 = tpu.vector_load %arg12[%swap3A_2217, %swap3A_2218] {strides = array<i32>} : memref<80x128xf32, #tpu.memory_space<vmem>>, vector<16xf32>,
        tpu.vector_store %arg12[%swap3A_2217, %swap3A_2218], %mul3A_2216 {strides = array<i32>} : memref<80x128xf32, #tpu.memory_space<vmem>>, vector<16xf32>,
        %mul3A_2220 = arith.constant 16 : i32
        %mul3A_2221 = arith.muli %mul3A_2220, %scan3A_128 : i32
        %add3A_2222 = arith.constant 5 : i32
        %add3A_2223 = arith.addi %mul3A_2221, %add3A_2222 : i32
        %get3A_2224 = arith.index_cast %add3A_2223 : i32 to index
        %get3A_2225 = arith.constant 224 : index
        %get3A_2226 = tpu.vector_load %arg11[%get3A_2224, %get3A_2225] {strides = array<i32>} : memref<80x256xf32, #tpu.memory_space<vmem>>, vector<16xf32>,
        %slice3A_2227 = vector.extract_strided_slice %exp3A_2149 {offsets = [5], sizes = [1], strides = [1]} : vector<16xf32> to vector<1xf32>
        %squeeze3A_2228 = vector.extract %slice3A_2227[0] : f32 from vector<1xf32>
        %mul3A_2229 = vector.broadcast %squeeze3A_2228 : f32 to vector<16xf32>
        %mul3A_2230 = arith.mulf %get3A_2226, %mul3A_2229 : vector<16xf32>
        %swap3A_2231 = arith.index_cast %add3A_2223 : i32 to index
        %swap3A_2232 = arith.constant 96 : index
        %swap3A_2233 = tpu.vector_load %arg12[%swap3A_2231, %swap3A_2232] {strides = array<i32>} : memref<80x128xf32, #tpu.memory_space<vmem>>, vector<16xf32>,
        tpu.vector_store %arg12[%swap3A_2231, %swap3A_2232], %mul3A_2230 {strides = array<i32>} : memref<80x128xf32, #tpu.memory_space<vmem>>, vector<16xf32>,
        %mul3A_2234 = arith.constant 16 : i32
        %mul3A_2235 = arith.muli %mul3A_2234, %scan3A_128 : i32
        %add3A_2236 = arith.constant 6 : i32
        %add3A_2237 = arith.addi %mul3A_2235, %add3A_2236 : i32
        %get3A_2238 = arith.index_cast %add3A_2237 : i32 to index
        %get3A_2239 = arith.constant 224 : index
        %get3A_2240 = tpu.vector_load %arg11[%get3A_2238, %get3A_2239] {strides = array<i32>} : memref<80x256xf32, #tpu.memory_space<vmem>>, vector<16xf32>,
        %slice3A_2241 = vector.extract_strided_slice %exp3A_2149 {offsets = [6], sizes = [1], strides = [1]} : vector<16xf32> to vector<1xf32>
        %squeeze3A_2242 = vector.extract %slice3A_2241[0] : f32 from vector<1xf32>
        %mul3A_2243 = vector.broadcast %squeeze3A_2242 : f32 to vector<16xf32>
        %mul3A_2244 = arith.mulf %get3A_2240, %mul3A_2243 : vector<16xf32>
        %swap3A_2245 = arith.index_cast %add3A_2237 : i32 to index
        %swap3A_2246 = arith.constant 96 : index
        %swap3A_2247 = tpu.vector_load %arg12[%swap3A_2245, %swap3A_2246] {strides = array<i32>} : memref<80x128xf32, #tpu.memory_space<vmem>>, vector<16xf32>,
        tpu.vector_store %arg12[%swap3A_2245, %swap3A_2246], %mul3A_2244 {strides = array<i32>} : memref<80x128xf32, #tpu.memory_space<vmem>>, vector<16xf32>,
        %mul3A_2248 = arith.constant 16 : i32
        %mul3A_2249 = arith.muli %mul3A_2248, %scan3A_128 : i32
        %add3A_2250 = arith.constant 7 : i32
        %add3A_2251 = arith.addi %mul3A_2249, %add3A_2250 : i32
        %get3A_2252 = arith.index_cast %add3A_2251 : i32 to index
        %get3A_2253 = arith.constant 224 : index
        %get3A_2254 = tpu.vector_load %arg11[%get3A_2252, %get3A_2253] {strides = array<i32>} : memref<80x256xf32, #tpu.memory_space<vmem>>, vector<16xf32>,
        %slice3A_2255 = vector.extract_strided_slice %exp3A_2149 {offsets = [7], sizes = [1], strides = [1]} : vector<16xf32> to vector<1xf32>
        %squeeze3A_2256 = vector.extract %slice3A_2255[0] : f32 from vector<1xf32>
        %mul3A_2257 = vector.broadcast %squeeze3A_2256 : f32 to vector<16xf32>
        %mul3A_2258 = arith.mulf %get3A_2254, %mul3A_2257 : vector<16xf32>
        %swap3A_2259 = arith.index_cast %add3A_2251 : i32 to index
        %swap3A_2260 = arith.constant 96 : index
        %swap3A_2261 = tpu.vector_load %arg12[%swap3A_2259, %swap3A_2260] {strides = array<i32>} : memref<80x128xf32, #tpu.memory_space<vmem>>, vector<16xf32>,
        tpu.vector_store %arg12[%swap3A_2259, %swap3A_2260], %mul3A_2258 {strides = array<i32>} : memref<80x128xf32, #tpu.memory_space<vmem>>, vector<16xf32>,
        %mul3A_2262 = arith.constant 16 : i32
        %mul3A_2263 = arith.muli %mul3A_2262, %scan3A_128 : i32
        %add3A_2264 = arith.constant 8 : i32
        %add3A_2265 = arith.addi %mul3A_2263, %add3A_2264 : i32
        %get3A_2266 = arith.index_cast %add3A_2265 : i32 to index
        %get3A_2267 = arith.constant 224 : index
        %get3A_2268 = tpu.vector_load %arg11[%get3A_2266, %get3A_2267] {strides = array<i32>} : memref<80x256xf32, #tpu.memory_space<vmem>>, vector<16xf32>,
        %slice3A_2269 = vector.extract_strided_slice %exp3A_2149 {offsets = [8], sizes = [1], strides = [1]} : vector<16xf32> to vector<1xf32>
        %squeeze3A_2270 = vector.extract %slice3A_2269[0] : f32 from vector<1xf32>
        %mul3A_2271 = vector.broadcast %squeeze3A_2270 : f32 to vector<16xf32>
        %mul3A_2272 = arith.mulf %get3A_2268, %mul3A_2271 : vector<16xf32>
        %swap3A_2273 = arith.index_cast %add3A_2265 : i32 to index
        %swap3A_2274 = arith.constant 96 : index
        %swap3A_2275 = tpu.vector_load %arg12[%swap3A_2273, %swap3A_2274] {strides = array<i32>} : memref<80x128xf32, #tpu.memory_space<vmem>>, vector<16xf32>,
        tpu.vector_store %arg12[%swap3A_2273, %swap3A_2274], %mul3A_2272 {strides = array<i32>} : memref<80x128xf32, #tpu.memory_space<vmem>>, vector<16xf32>,
        %mul3A_2276 = arith.constant 16 : i32
        %mul3A_2277 = arith.muli %mul3A_2276, %scan3A_128 : i32
        %add3A_2278 = arith.constant 9 : i32
        %add3A_2279 = arith.addi %mul3A_2277, %add3A_2278 : i32
        %get3A_2280 = arith.index_cast %add3A_2279 : i32 to index
        %get3A_2281 = arith.constant 224 : index
        %get3A_2282 = tpu.vector_load %arg11[%get3A_2280, %get3A_2281] {strides = array<i32>} : memref<80x256xf32, #tpu.memory_space<vmem>>, vector<16xf32>,
        %slice3A_2283 = vector.extract_strided_slice %exp3A_2149 {offsets = [9], sizes = [1], strides = [1]} : vector<16xf32> to vector<1xf32>
        %squeeze3A_2284 = vector.extract %slice3A_2283[0] : f32 from vector<1xf32>
        %mul3A_2285 = vector.broadcast %squeeze3A_2284 : f32 to vector<16xf32>
        %mul3A_2286 = arith.mulf %get3A_2282, %mul3A_2285 : vector<16xf32>
        %swap3A_2287 = arith.index_cast %add3A_2279 : i32 to index
        %swap3A_2288 = arith.constant 96 : index
        %swap3A_2289 = tpu.vector_load %arg12[%swap3A_2287, %swap3A_2288] {strides = array<i32>} : memref<80x128xf32, #tpu.memory_space<vmem>>, vector<16xf32>,
        tpu.vector_store %arg12[%swap3A_2287, %swap3A_2288], %mul3A_2286 {strides = array<i32>} : memref<80x128xf32, #tpu.memory_space<vmem>>, vector<16xf32>,
        %mul3A_2290 = arith.constant 16 : i32
        %mul3A_2291 = arith.muli %mul3A_2290, %scan3A_128 : i32
        %add3A_2292 = arith.constant 10 : i32
        %add3A_2293 = arith.addi %mul3A_2291, %add3A_2292 : i32
        %get3A_2294 = arith.index_cast %add3A_2293 : i32 to index
        %get3A_2295 = arith.constant 224 : index
        %get3A_2296 = tpu.vector_load %arg11[%get3A_2294, %get3A_2295] {strides = array<i32>} : memref<80x256xf32, #tpu.memory_space<vmem>>, vector<16xf32>,
        %slice3A_2297 = vector.extract_strided_slice %exp3A_2149 {offsets = [10], sizes = [1], strides = [1]} : vector<16xf32> to vector<1xf32>
        %squeeze3A_2298 = vector.extract %slice3A_2297[0] : f32 from vector<1xf32>
        %mul3A_2299 = vector.broadcast %squeeze3A_2298 : f32 to vector<16xf32>
        %mul3A_2300 = arith.mulf %get3A_2296, %mul3A_2299 : vector<16xf32>
        %swap3A_2301 = arith.index_cast %add3A_2293 : i32 to index
        %swap3A_2302 = arith.constant 96 : index
        %swap3A_2303 = tpu.vector_load %arg12[%swap3A_2301, %swap3A_2302] {strides = array<i32>} : memref<80x128xf32, #tpu.memory_space<vmem>>, vector<16xf32>,
        tpu.vector_store %arg12[%swap3A_2301, %swap3A_2302], %mul3A_2300 {strides = array<i32>} : memref<80x128xf32, #tpu.memory_space<vmem>>, vector<16xf32>,
        %mul3A_2304 = arith.constant 16 : i32
        %mul3A_2305 = arith.muli %mul3A_2304, %scan3A_128 : i32
        %add3A_2306 = arith.constant 11 : i32
        %add3A_2307 = arith.addi %mul3A_2305, %add3A_2306 : i32
        %get3A_2308 = arith.index_cast %add3A_2307 : i32 to index
        %get3A_2309 = arith.constant 224 : index
        %get3A_2310 = tpu.vector_load %arg11[%get3A_2308, %get3A_2309] {strides = array<i32>} : memref<80x256xf32, #tpu.memory_space<vmem>>, vector<16xf32>,
        %slice3A_2311 = vector.extract_strided_slice %exp3A_2149 {offsets = [11], sizes = [1], strides = [1]} : vector<16xf32> to vector<1xf32>
        %squeeze3A_2312 = vector.extract %slice3A_2311[0] : f32 from vector<1xf32>
        %mul3A_2313 = vector.broadcast %squeeze3A_2312 : f32 to vector<16xf32>
        %mul3A_2314 = arith.mulf %get3A_2310, %mul3A_2313 : vector<16xf32>
        %swap3A_2315 = arith.index_cast %add3A_2307 : i32 to index
        %swap3A_2316 = arith.constant 96 : index
        %swap3A_2317 = tpu.vector_load %arg12[%swap3A_2315, %swap3A_2316] {strides = array<i32>} : memref<80x128xf32, #tpu.memory_space<vmem>>, vector<16xf32>,
        tpu.vector_store %arg12[%swap3A_2315, %swap3A_2316], %mul3A_2314 {strides = array<i32>} : memref<80x128xf32, #tpu.memory_space<vmem>>, vector<16xf32>,
        %mul3A_2318 = arith.constant 16 : i32
        %mul3A_2319 = arith.muli %mul3A_2318, %scan3A_128 : i32
        %add3A_2320 = arith.constant 12 : i32
        %add3A_2321 = arith.addi %mul3A_2319, %add3A_2320 : i32
        %get3A_2322 = arith.index_cast %add3A_2321 : i32 to index
        %get3A_2323 = arith.constant 224 : index
        %get3A_2324 = tpu.vector_load %arg11[%get3A_2322, %get3A_2323] {strides = array<i32>} : memref<80x256xf32, #tpu.memory_space<vmem>>, vector<16xf32>,
        %slice3A_2325 = vector.extract_strided_slice %exp3A_2149 {offsets = [12], sizes = [1], strides = [1]} : vector<16xf32> to vector<1xf32>
        %squeeze3A_2326 = vector.extract %slice3A_2325[0] : f32 from vector<1xf32>
        %mul3A_2327 = vector.broadcast %squeeze3A_2326 : f32 to vector<16xf32>
        %mul3A_2328 = arith.mulf %get3A_2324, %mul3A_2327 : vector<16xf32>
        %swap3A_2329 = arith.index_cast %add3A_2321 : i32 to index
        %swap3A_2330 = arith.constant 96 : index
        %swap3A_2331 = tpu.vector_load %arg12[%swap3A_2329, %swap3A_2330] {strides = array<i32>} : memref<80x128xf32, #tpu.memory_space<vmem>>, vector<16xf32>,
        tpu.vector_store %arg12[%swap3A_2329, %swap3A_2330], %mul3A_2328 {strides = array<i32>} : memref<80x128xf32, #tpu.memory_space<vmem>>, vector<16xf32>,
        %mul3A_2332 = arith.constant 16 : i32
        %mul3A_2333 = arith.muli %mul3A_2332, %scan3A_128 : i32
        %add3A_2334 = arith.constant 13 : i32
        %add3A_2335 = arith.addi %mul3A_2333, %add3A_2334 : i32
        %get3A_2336 = arith.index_cast %add3A_2335 : i32 to index
        %get3A_2337 = arith.constant 224 : index
        %get3A_2338 = tpu.vector_load %arg11[%get3A_2336, %get3A_2337] {strides = array<i32>} : memref<80x256xf32, #tpu.memory_space<vmem>>, vector<16xf32>,
        %slice3A_2339 = vector.extract_strided_slice %exp3A_2149 {offsets = [13], sizes = [1], strides = [1]} : vector<16xf32> to vector<1xf32>
        %squeeze3A_2340 = vector.extract %slice3A_2339[0] : f32 from vector<1xf32>
        %mul3A_2341 = vector.broadcast %squeeze3A_2340 : f32 to vector<16xf32>
        %mul3A_2342 = arith.mulf %get3A_2338, %mul3A_2341 : vector<16xf32>
        %swap3A_2343 = arith.index_cast %add3A_2335 : i32 to index
        %swap3A_2344 = arith.constant 96 : index
        %swap3A_2345 = tpu.vector_load %arg12[%swap3A_2343, %swap3A_2344] {strides = array<i32>} : memref<80x128xf32, #tpu.memory_space<vmem>>, vector<16xf32>,
        tpu.vector_store %arg12[%swap3A_2343, %swap3A_2344], %mul3A_2342 {strides = array<i32>} : memref<80x128xf32, #tpu.memory_space<vmem>>, vector<16xf32>,
        %mul3A_2346 = arith.constant 16 : i32
        %mul3A_2347 = arith.muli %mul3A_2346, %scan3A_128 : i32
        %add3A_2348 = arith.constant 14 : i32
        %add3A_2349 = arith.addi %mul3A_2347, %add3A_2348 : i32
        %get3A_2350 = arith.index_cast %add3A_2349 : i32 to index
        %get3A_2351 = arith.constant 224 : index
        %get3A_2352 = tpu.vector_load %arg11[%get3A_2350, %get3A_2351] {strides = array<i32>} : memref<80x256xf32, #tpu.memory_space<vmem>>, vector<16xf32>,
        %slice3A_2353 = vector.extract_strided_slice %exp3A_2149 {offsets = [14], sizes = [1], strides = [1]} : vector<16xf32> to vector<1xf32>
        %squeeze3A_2354 = vector.extract %slice3A_2353[0] : f32 from vector<1xf32>
        %mul3A_2355 = vector.broadcast %squeeze3A_2354 : f32 to vector<16xf32>
        %mul3A_2356 = arith.mulf %get3A_2352, %mul3A_2355 : vector<16xf32>
        %swap3A_2357 = arith.index_cast %add3A_2349 : i32 to index
        %swap3A_2358 = arith.constant 96 : index
        %swap3A_2359 = tpu.vector_load %arg12[%swap3A_2357, %swap3A_2358] {strides = array<i32>} : memref<80x128xf32, #tpu.memory_space<vmem>>, vector<16xf32>,
        tpu.vector_store %arg12[%swap3A_2357, %swap3A_2358], %mul3A_2356 {strides = array<i32>} : memref<80x128xf32, #tpu.memory_space<vmem>>, vector<16xf32>,
        %mul3A_2360 = arith.constant 16 : i32
        %mul3A_2361 = arith.muli %mul3A_2360, %scan3A_128 : i32
        %add3A_2362 = arith.constant 15 : i32
        %add3A_2363 = arith.addi %mul3A_2361, %add3A_2362 : i32
        %get3A_2364 = arith.index_cast %add3A_2363 : i32 to index
        %get3A_2365 = arith.constant 224 : index
        %get3A_2366 = tpu.vector_load %arg11[%get3A_2364, %get3A_2365] {strides = array<i32>} : memref<80x256xf32, #tpu.memory_space<vmem>>, vector<16xf32>,
        %slice3A_2367 = vector.extract_strided_slice %exp3A_2149 {offsets = [15], sizes = [1], strides = [1]} : vector<16xf32> to vector<1xf32>
        %squeeze3A_2368 = vector.extract %slice3A_2367[0] : f32 from vector<1xf32>
        %mul3A_2369 = vector.broadcast %squeeze3A_2368 : f32 to vector<16xf32>
        %mul3A_2370 = arith.mulf %get3A_2366, %mul3A_2369 : vector<16xf32>
        %swap3A_2371 = arith.index_cast %add3A_2363 : i32 to index
        %swap3A_2372 = arith.constant 96 : index
        %swap3A_2373 = tpu.vector_load %arg12[%swap3A_2371, %swap3A_2372] {strides = array<i32>} : memref<80x128xf32, #tpu.memory_space<vmem>>, vector<16xf32>,
        tpu.vector_store %arg12[%swap3A_2371, %swap3A_2372], %mul3A_2370 {strides = array<i32>} : memref<80x128xf32, #tpu.memory_space<vmem>>, vector<16xf32>,
        %broadcast_in_dim3A_2374 = arith.constant 112 : i32
        %broadcast_in_dim3A_2375 = vector.broadcast %broadcast_in_dim3A_2374 : i32 to vector<16xi32>
        %gather3A_2376 = tpu.vector_load_idx %arg10[%add3A_132, %broadcast_in_dim3A_2375] : memref<80x128xf32, #tpu.memory_space<vmem>>[vector<16xi32>, vector<16xi32>], vector<16xf32>,
        %gather3A_2377 = tpu.vector_load_idx %arg11[%add3A_132, %broadcast_in_dim3A_2375] : memref<80x256xf32, #tpu.memory_space<vmem>>[vector<16xi32>, vector<16xi32>], vector<16xf32>,
        %mul3A_2378 = arith.mulf %gather3A_2376, %gather3A_2377 : vector<16xf32>
        %add3A_2379 = arith.addf %broadcast_in_dim3A_1, %mul3A_2378 : vector<16xf32>
        %broadcast_in_dim3A_2380 = arith.constant 113 : i32
        %broadcast_in_dim3A_2381 = vector.broadcast %broadcast_in_dim3A_2380 : i32 to vector<16xi32>
        %gather3A_2382 = tpu.vector_load_idx %arg10[%add3A_132, %broadcast_in_dim3A_2381] : memref<80x128xf32, #tpu.memory_space<vmem>>[vector<16xi32>, vector<16xi32>], vector<16xf32>,
        %gather3A_2383 = tpu.vector_load_idx %arg11[%add3A_132, %broadcast_in_dim3A_2381] : memref<80x256xf32, #tpu.memory_space<vmem>>[vector<16xi32>, vector<16xi32>], vector<16xf32>,
        %mul3A_2384 = arith.mulf %gather3A_2382, %gather3A_2383 : vector<16xf32>
        %add3A_2385 = arith.addf %add3A_2379, %mul3A_2384 : vector<16xf32>
        %broadcast_in_dim3A_2386 = arith.constant 114 : i32
        %broadcast_in_dim3A_2387 = vector.broadcast %broadcast_in_dim3A_2386 : i32 to vector<16xi32>
        %gather3A_2388 = tpu.vector_load_idx %arg10[%add3A_132, %broadcast_in_dim3A_2387] : memref<80x128xf32, #tpu.memory_space<vmem>>[vector<16xi32>, vector<16xi32>], vector<16xf32>,
        %gather3A_2389 = tpu.vector_load_idx %arg11[%add3A_132, %broadcast_in_dim3A_2387] : memref<80x256xf32, #tpu.memory_space<vmem>>[vector<16xi32>, vector<16xi32>], vector<16xf32>,
        %mul3A_2390 = arith.mulf %gather3A_2388, %gather3A_2389 : vector<16xf32>
        %add3A_2391 = arith.addf %add3A_2385, %mul3A_2390 : vector<16xf32>
        %broadcast_in_dim3A_2392 = arith.constant 115 : i32
        %broadcast_in_dim3A_2393 = vector.broadcast %broadcast_in_dim3A_2392 : i32 to vector<16xi32>
        %gather3A_2394 = tpu.vector_load_idx %arg10[%add3A_132, %broadcast_in_dim3A_2393] : memref<80x128xf32, #tpu.memory_space<vmem>>[vector<16xi32>, vector<16xi32>], vector<16xf32>,
        %gather3A_2395 = tpu.vector_load_idx %arg11[%add3A_132, %broadcast_in_dim3A_2393] : memref<80x256xf32, #tpu.memory_space<vmem>>[vector<16xi32>, vector<16xi32>], vector<16xf32>,
        %mul3A_2396 = arith.mulf %gather3A_2394, %gather3A_2395 : vector<16xf32>
        %add3A_2397 = arith.addf %add3A_2391, %mul3A_2396 : vector<16xf32>
        %broadcast_in_dim3A_2398 = arith.constant 116 : i32
        %broadcast_in_dim3A_2399 = vector.broadcast %broadcast_in_dim3A_2398 : i32 to vector<16xi32>
        %gather3A_2400 = tpu.vector_load_idx %arg10[%add3A_132, %broadcast_in_dim3A_2399] : memref<80x128xf32, #tpu.memory_space<vmem>>[vector<16xi32>, vector<16xi32>], vector<16xf32>,
        %gather3A_2401 = tpu.vector_load_idx %arg11[%add3A_132, %broadcast_in_dim3A_2399] : memref<80x256xf32, #tpu.memory_space<vmem>>[vector<16xi32>, vector<16xi32>], vector<16xf32>,
        %mul3A_2402 = arith.mulf %gather3A_2400, %gather3A_2401 : vector<16xf32>
        %add3A_2403 = arith.addf %add3A_2397, %mul3A_2402 : vector<16xf32>
        %broadcast_in_dim3A_2404 = arith.constant 117 : i32
        %broadcast_in_dim3A_2405 = vector.broadcast %broadcast_in_dim3A_2404 : i32 to vector<16xi32>
        %gather3A_2406 = tpu.vector_load_idx %arg10[%add3A_132, %broadcast_in_dim3A_2405] : memref<80x128xf32, #tpu.memory_space<vmem>>[vector<16xi32>, vector<16xi32>], vector<16xf32>,
        %gather3A_2407 = tpu.vector_load_idx %arg11[%add3A_132, %broadcast_in_dim3A_2405] : memref<80x256xf32, #tpu.memory_space<vmem>>[vector<16xi32>, vector<16xi32>], vector<16xf32>,
        %mul3A_2408 = arith.mulf %gather3A_2406, %gather3A_2407 : vector<16xf32>
        %add3A_2409 = arith.addf %add3A_2403, %mul3A_2408 : vector<16xf32>
        %broadcast_in_dim3A_2410 = arith.constant 118 : i32
        %broadcast_in_dim3A_2411 = vector.broadcast %broadcast_in_dim3A_2410 : i32 to vector<16xi32>
        %gather3A_2412 = tpu.vector_load_idx %arg10[%add3A_132, %broadcast_in_dim3A_2411] : memref<80x128xf32, #tpu.memory_space<vmem>>[vector<16xi32>, vector<16xi32>], vector<16xf32>,
        %gather3A_2413 = tpu.vector_load_idx %arg11[%add3A_132, %broadcast_in_dim3A_2411] : memref<80x256xf32, #tpu.memory_space<vmem>>[vector<16xi32>, vector<16xi32>], vector<16xf32>,
        %mul3A_2414 = arith.mulf %gather3A_2412, %gather3A_2413 : vector<16xf32>
        %add3A_2415 = arith.addf %add3A_2409, %mul3A_2414 : vector<16xf32>
        %broadcast_in_dim3A_2416 = arith.constant 119 : i32
        %broadcast_in_dim3A_2417 = vector.broadcast %broadcast_in_dim3A_2416 : i32 to vector<16xi32>
        %gather3A_2418 = tpu.vector_load_idx %arg10[%add3A_132, %broadcast_in_dim3A_2417] : memref<80x128xf32, #tpu.memory_space<vmem>>[vector<16xi32>, vector<16xi32>], vector<16xf32>,
        %gather3A_2419 = tpu.vector_load_idx %arg11[%add3A_132, %broadcast_in_dim3A_2417] : memref<80x256xf32, #tpu.memory_space<vmem>>[vector<16xi32>, vector<16xi32>], vector<16xf32>,
        %mul3A_2420 = arith.mulf %gather3A_2418, %gather3A_2419 : vector<16xf32>
        %add3A_2421 = arith.addf %add3A_2415, %mul3A_2420 : vector<16xf32>
        %broadcast_in_dim3A_2422 = arith.constant 120 : i32
        %broadcast_in_dim3A_2423 = vector.broadcast %broadcast_in_dim3A_2422 : i32 to vector<16xi32>
        %gather3A_2424 = tpu.vector_load_idx %arg10[%add3A_132, %broadcast_in_dim3A_2423] : memref<80x128xf32, #tpu.memory_space<vmem>>[vector<16xi32>, vector<16xi32>], vector<16xf32>,
        %gather3A_2425 = tpu.vector_load_idx %arg11[%add3A_132, %broadcast_in_dim3A_2423] : memref<80x256xf32, #tpu.memory_space<vmem>>[vector<16xi32>, vector<16xi32>], vector<16xf32>,
        %mul3A_2426 = arith.mulf %gather3A_2424, %gather3A_2425 : vector<16xf32>
        %add3A_2427 = arith.addf %add3A_2421, %mul3A_2426 : vector<16xf32>
        %broadcast_in_dim3A_2428 = arith.constant 121 : i32
        %broadcast_in_dim3A_2429 = vector.broadcast %broadcast_in_dim3A_2428 : i32 to vector<16xi32>
        %gather3A_2430 = tpu.vector_load_idx %arg10[%add3A_132, %broadcast_in_dim3A_2429] : memref<80x128xf32, #tpu.memory_space<vmem>>[vector<16xi32>, vector<16xi32>], vector<16xf32>,
        %gather3A_2431 = tpu.vector_load_idx %arg11[%add3A_132, %broadcast_in_dim3A_2429] : memref<80x256xf32, #tpu.memory_space<vmem>>[vector<16xi32>, vector<16xi32>], vector<16xf32>,
        %mul3A_2432 = arith.mulf %gather3A_2430, %gather3A_2431 : vector<16xf32>
        %add3A_2433 = arith.addf %add3A_2427, %mul3A_2432 : vector<16xf32>
        %broadcast_in_dim3A_2434 = arith.constant 122 : i32
        %broadcast_in_dim3A_2435 = vector.broadcast %broadcast_in_dim3A_2434 : i32 to vector<16xi32>
        %gather3A_2436 = tpu.vector_load_idx %arg10[%add3A_132, %broadcast_in_dim3A_2435] : memref<80x128xf32, #tpu.memory_space<vmem>>[vector<16xi32>, vector<16xi32>], vector<16xf32>,
        %gather3A_2437 = tpu.vector_load_idx %arg11[%add3A_132, %broadcast_in_dim3A_2435] : memref<80x256xf32, #tpu.memory_space<vmem>>[vector<16xi32>, vector<16xi32>], vector<16xf32>,
        %mul3A_2438 = arith.mulf %gather3A_2436, %gather3A_2437 : vector<16xf32>
        %add3A_2439 = arith.addf %add3A_2433, %mul3A_2438 : vector<16xf32>
        %broadcast_in_dim3A_2440 = arith.constant 123 : i32
        %broadcast_in_dim3A_2441 = vector.broadcast %broadcast_in_dim3A_2440 : i32 to vector<16xi32>
        %gather3A_2442 = tpu.vector_load_idx %arg10[%add3A_132, %broadcast_in_dim3A_2441] : memref<80x128xf32, #tpu.memory_space<vmem>>[vector<16xi32>, vector<16xi32>], vector<16xf32>,
        %gather3A_2443 = tpu.vector_load_idx %arg11[%add3A_132, %broadcast_in_dim3A_2441] : memref<80x256xf32, #tpu.memory_space<vmem>>[vector<16xi32>, vector<16xi32>], vector<16xf32>,
        %mul3A_2444 = arith.mulf %gather3A_2442, %gather3A_2443 : vector<16xf32>
        %add3A_2445 = arith.addf %add3A_2439, %mul3A_2444 : vector<16xf32>
        %broadcast_in_dim3A_2446 = arith.constant 124 : i32
        %broadcast_in_dim3A_2447 = vector.broadcast %broadcast_in_dim3A_2446 : i32 to vector<16xi32>
        %gather3A_2448 = tpu.vector_load_idx %arg10[%add3A_132, %broadcast_in_dim3A_2447] : memref<80x128xf32, #tpu.memory_space<vmem>>[vector<16xi32>, vector<16xi32>], vector<16xf32>,
        %gather3A_2449 = tpu.vector_load_idx %arg11[%add3A_132, %broadcast_in_dim3A_2447] : memref<80x256xf32, #tpu.memory_space<vmem>>[vector<16xi32>, vector<16xi32>], vector<16xf32>,
        %mul3A_2450 = arith.mulf %gather3A_2448, %gather3A_2449 : vector<16xf32>
        %add3A_2451 = arith.addf %add3A_2445, %mul3A_2450 : vector<16xf32>
        %broadcast_in_dim3A_2452 = arith.constant 125 : i32
        %broadcast_in_dim3A_2453 = vector.broadcast %broadcast_in_dim3A_2452 : i32 to vector<16xi32>
        %gather3A_2454 = tpu.vector_load_idx %arg10[%add3A_132, %broadcast_in_dim3A_2453] : memref<80x128xf32, #tpu.memory_space<vmem>>[vector<16xi32>, vector<16xi32>], vector<16xf32>,
        %gather3A_2455 = tpu.vector_load_idx %arg11[%add3A_132, %broadcast_in_dim3A_2453] : memref<80x256xf32, #tpu.memory_space<vmem>>[vector<16xi32>, vector<16xi32>], vector<16xf32>,
        %mul3A_2456 = arith.mulf %gather3A_2454, %gather3A_2455 : vector<16xf32>
        %add3A_2457 = arith.addf %add3A_2451, %mul3A_2456 : vector<16xf32>
        %broadcast_in_dim3A_2458 = arith.constant 126 : i32
        %broadcast_in_dim3A_2459 = vector.broadcast %broadcast_in_dim3A_2458 : i32 to vector<16xi32>
        %gather3A_2460 = tpu.vector_load_idx %arg10[%add3A_132, %broadcast_in_dim3A_2459] : memref<80x128xf32, #tpu.memory_space<vmem>>[vector<16xi32>, vector<16xi32>], vector<16xf32>,
        %gather3A_2461 = tpu.vector_load_idx %arg11[%add3A_132, %broadcast_in_dim3A_2459] : memref<80x256xf32, #tpu.memory_space<vmem>>[vector<16xi32>, vector<16xi32>], vector<16xf32>,
        %mul3A_2462 = arith.mulf %gather3A_2460, %gather3A_2461 : vector<16xf32>
        %add3A_2463 = arith.addf %add3A_2457, %mul3A_2462 : vector<16xf32>
        %broadcast_in_dim3A_2464 = arith.constant 127 : i32
        %broadcast_in_dim3A_2465 = vector.broadcast %broadcast_in_dim3A_2464 : i32 to vector<16xi32>
        %gather3A_2466 = tpu.vector_load_idx %arg10[%add3A_132, %broadcast_in_dim3A_2465] : memref<80x128xf32, #tpu.memory_space<vmem>>[vector<16xi32>, vector<16xi32>], vector<16xf32>,
        %gather3A_2467 = tpu.vector_load_idx %arg11[%add3A_132, %broadcast_in_dim3A_2465] : memref<80x256xf32, #tpu.memory_space<vmem>>[vector<16xi32>, vector<16xi32>], vector<16xf32>,
        %mul3A_2468 = arith.mulf %gather3A_2466, %gather3A_2467 : vector<16xf32>
        %add3A_2469 = arith.addf %add3A_2463, %mul3A_2468 : vector<16xf32>
        %exp3A_2470 = math.exp %add3A_2469 : vector<16xf32>
        tpu.vector_store_idx %arg13[%add3A_132, %broadcast_in_dim3A_17], %exp3A_2470 : memref<80x8xf32, #tpu.memory_space<vmem>>[vector<16xi32>, vector<16xi32>], vector<16xf32>,
        %mul3A_2471 = arith.constant 16 : i32
        %mul3A_2472 = arith.muli %mul3A_2471, %scan3A_128 : i32
        %add3A_2473 = arith.constant 0 : i32
        %add3A_2474 = arith.addi %mul3A_2472, %add3A_2473 : i32
        %get3A_2475 = arith.index_cast %add3A_2474 : i32 to index
        %get3A_2476 = arith.constant 240 : index
        %get3A_2477 = tpu.vector_load %arg11[%get3A_2475, %get3A_2476] {strides = array<i32>} : memref<80x256xf32, #tpu.memory_space<vmem>>, vector<16xf32>,
        %slice3A_2478 = vector.extract_strided_slice %exp3A_2470 {offsets = [0], sizes = [1], strides = [1]} : vector<16xf32> to vector<1xf32>
        %squeeze3A_2479 = vector.extract %slice3A_2478[0] : f32 from vector<1xf32>
        %mul3A_2480 = vector.broadcast %squeeze3A_2479 : f32 to vector<16xf32>
        %mul3A_2481 = arith.mulf %get3A_2477, %mul3A_2480 : vector<16xf32>
        %swap3A_2482 = arith.index_cast %add3A_2474 : i32 to index
        %swap3A_2483 = arith.constant 112 : index
        %swap3A_2484 = tpu.vector_load %arg12[%swap3A_2482, %swap3A_2483] {strides = array<i32>} : memref<80x128xf32, #tpu.memory_space<vmem>>, vector<16xf32>,
        tpu.vector_store %arg12[%swap3A_2482, %swap3A_2483], %mul3A_2481 {strides = array<i32>} : memref<80x128xf32, #tpu.memory_space<vmem>>, vector<16xf32>,
        %mul3A_2485 = arith.constant 16 : i32
        %mul3A_2486 = arith.muli %mul3A_2485, %scan3A_128 : i32
        %add3A_2487 = arith.constant 1 : i32
        %add3A_2488 = arith.addi %mul3A_2486, %add3A_2487 : i32
        %get3A_2489 = arith.index_cast %add3A_2488 : i32 to index
        %get3A_2490 = arith.constant 240 : index
        %get3A_2491 = tpu.vector_load %arg11[%get3A_2489, %get3A_2490] {strides = array<i32>} : memref<80x256xf32, #tpu.memory_space<vmem>>, vector<16xf32>,
        %slice3A_2492 = vector.extract_strided_slice %exp3A_2470 {offsets = [1], sizes = [1], strides = [1]} : vector<16xf32> to vector<1xf32>
        %squeeze3A_2493 = vector.extract %slice3A_2492[0] : f32 from vector<1xf32>
        %mul3A_2494 = vector.broadcast %squeeze3A_2493 : f32 to vector<16xf32>
        %mul3A_2495 = arith.mulf %get3A_2491, %mul3A_2494 : vector<16xf32>
        %swap3A_2496 = arith.index_cast %add3A_2488 : i32 to index
        %swap3A_2497 = arith.constant 112 : index
        %swap3A_2498 = tpu.vector_load %arg12[%swap3A_2496, %swap3A_2497] {strides = array<i32>} : memref<80x128xf32, #tpu.memory_space<vmem>>, vector<16xf32>,
        tpu.vector_store %arg12[%swap3A_2496, %swap3A_2497], %mul3A_2495 {strides = array<i32>} : memref<80x128xf32, #tpu.memory_space<vmem>>, vector<16xf32>,
        %mul3A_2499 = arith.constant 16 : i32
        %mul3A_2500 = arith.muli %mul3A_2499, %scan3A_128 : i32
        %add3A_2501 = arith.constant 2 : i32
        %add3A_2502 = arith.addi %mul3A_2500, %add3A_2501 : i32
        %get3A_2503 = arith.index_cast %add3A_2502 : i32 to index
        %get3A_2504 = arith.constant 240 : index
        %get3A_2505 = tpu.vector_load %arg11[%get3A_2503, %get3A_2504] {strides = array<i32>} : memref<80x256xf32, #tpu.memory_space<vmem>>, vector<16xf32>,
        %slice3A_2506 = vector.extract_strided_slice %exp3A_2470 {offsets = [2], sizes = [1], strides = [1]} : vector<16xf32> to vector<1xf32>
        %squeeze3A_2507 = vector.extract %slice3A_2506[0] : f32 from vector<1xf32>
        %mul3A_2508 = vector.broadcast %squeeze3A_2507 : f32 to vector<16xf32>
        %mul3A_2509 = arith.mulf %get3A_2505, %mul3A_2508 : vector<16xf32>
        %swap3A_2510 = arith.index_cast %add3A_2502 : i32 to index
        %swap3A_2511 = arith.constant 112 : index
        %swap3A_2512 = tpu.vector_load %arg12[%swap3A_2510, %swap3A_2511] {strides = array<i32>} : memref<80x128xf32, #tpu.memory_space<vmem>>, vector<16xf32>,
        tpu.vector_store %arg12[%swap3A_2510, %swap3A_2511], %mul3A_2509 {strides = array<i32>} : memref<80x128xf32, #tpu.memory_space<vmem>>, vector<16xf32>,
        %mul3A_2513 = arith.constant 16 : i32
        %mul3A_2514 = arith.muli %mul3A_2513, %scan3A_128 : i32
        %add3A_2515 = arith.constant 3 : i32
        %add3A_2516 = arith.addi %mul3A_2514, %add3A_2515 : i32
        %get3A_2517 = arith.index_cast %add3A_2516 : i32 to index
        %get3A_2518 = arith.constant 240 : index
        %get3A_2519 = tpu.vector_load %arg11[%get3A_2517, %get3A_2518] {strides = array<i32>} : memref<80x256xf32, #tpu.memory_space<vmem>>, vector<16xf32>,
        %slice3A_2520 = vector.extract_strided_slice %exp3A_2470 {offsets = [3], sizes = [1], strides = [1]} : vector<16xf32> to vector<1xf32>
        %squeeze3A_2521 = vector.extract %slice3A_2520[0] : f32 from vector<1xf32>
        %mul3A_2522 = vector.broadcast %squeeze3A_2521 : f32 to vector<16xf32>
        %mul3A_2523 = arith.mulf %get3A_2519, %mul3A_2522 : vector<16xf32>
        %swap3A_2524 = arith.index_cast %add3A_2516 : i32 to index
        %swap3A_2525 = arith.constant 112 : index
        %swap3A_2526 = tpu.vector_load %arg12[%swap3A_2524, %swap3A_2525] {strides = array<i32>} : memref<80x128xf32, #tpu.memory_space<vmem>>, vector<16xf32>,
        tpu.vector_store %arg12[%swap3A_2524, %swap3A_2525], %mul3A_2523 {strides = array<i32>} : memref<80x128xf32, #tpu.memory_space<vmem>>, vector<16xf32>,
        %mul3A_2527 = arith.constant 16 : i32
        %mul3A_2528 = arith.muli %mul3A_2527, %scan3A_128 : i32
        %add3A_2529 = arith.constant 4 : i32
        %add3A_2530 = arith.addi %mul3A_2528, %add3A_2529 : i32
        %get3A_2531 = arith.index_cast %add3A_2530 : i32 to index
        %get3A_2532 = arith.constant 240 : index
        %get3A_2533 = tpu.vector_load %arg11[%get3A_2531, %get3A_2532] {strides = array<i32>} : memref<80x256xf32, #tpu.memory_space<vmem>>, vector<16xf32>,
        %slice3A_2534 = vector.extract_strided_slice %exp3A_2470 {offsets = [4], sizes = [1], strides = [1]} : vector<16xf32> to vector<1xf32>
        %squeeze3A_2535 = vector.extract %slice3A_2534[0] : f32 from vector<1xf32>
        %mul3A_2536 = vector.broadcast %squeeze3A_2535 : f32 to vector<16xf32>
        %mul3A_2537 = arith.mulf %get3A_2533, %mul3A_2536 : vector<16xf32>
        %swap3A_2538 = arith.index_cast %add3A_2530 : i32 to index
        %swap3A_2539 = arith.constant 112 : index
        %swap3A_2540 = tpu.vector_load %arg12[%swap3A_2538, %swap3A_2539] {strides = array<i32>} : memref<80x128xf32, #tpu.memory_space<vmem>>, vector<16xf32>,
        tpu.vector_store %arg12[%swap3A_2538, %swap3A_2539], %mul3A_2537 {strides = array<i32>} : memref<80x128xf32, #tpu.memory_space<vmem>>, vector<16xf32>,
        %mul3A_2541 = arith.constant 16 : i32
        %mul3A_2542 = arith.muli %mul3A_2541, %scan3A_128 : i32
        %add3A_2543 = arith.constant 5 : i32
        %add3A_2544 = arith.addi %mul3A_2542, %add3A_2543 : i32
        %get3A_2545 = arith.index_cast %add3A_2544 : i32 to index
        %get3A_2546 = arith.constant 240 : index
        %get3A_2547 = tpu.vector_load %arg11[%get3A_2545, %get3A_2546] {strides = array<i32>} : memref<80x256xf32, #tpu.memory_space<vmem>>, vector<16xf32>,
        %slice3A_2548 = vector.extract_strided_slice %exp3A_2470 {offsets = [5], sizes = [1], strides = [1]} : vector<16xf32> to vector<1xf32>
        %squeeze3A_2549 = vector.extract %slice3A_2548[0] : f32 from vector<1xf32>
        %mul3A_2550 = vector.broadcast %squeeze3A_2549 : f32 to vector<16xf32>
        %mul3A_2551 = arith.mulf %get3A_2547, %mul3A_2550 : vector<16xf32>
        %swap3A_2552 = arith.index_cast %add3A_2544 : i32 to index
        %swap3A_2553 = arith.constant 112 : index
        %swap3A_2554 = tpu.vector_load %arg12[%swap3A_2552, %swap3A_2553] {strides = array<i32>} : memref<80x128xf32, #tpu.memory_space<vmem>>, vector<16xf32>,
        tpu.vector_store %arg12[%swap3A_2552, %swap3A_2553], %mul3A_2551 {strides = array<i32>} : memref<80x128xf32, #tpu.memory_space<vmem>>, vector<16xf32>,
        %mul3A_2555 = arith.constant 16 : i32
        %mul3A_2556 = arith.muli %mul3A_2555, %scan3A_128 : i32
        %add3A_2557 = arith.constant 6 : i32
        %add3A_2558 = arith.addi %mul3A_2556, %add3A_2557 : i32
        %get3A_2559 = arith.index_cast %add3A_2558 : i32 to index
        %get3A_2560 = arith.constant 240 : index
        %get3A_2561 = tpu.vector_load %arg11[%get3A_2559, %get3A_2560] {strides = array<i32>} : memref<80x256xf32, #tpu.memory_space<vmem>>, vector<16xf32>,
        %slice3A_2562 = vector.extract_strided_slice %exp3A_2470 {offsets = [6], sizes = [1], strides = [1]} : vector<16xf32> to vector<1xf32>
        %squeeze3A_2563 = vector.extract %slice3A_2562[0] : f32 from vector<1xf32>
        %mul3A_2564 = vector.broadcast %squeeze3A_2563 : f32 to vector<16xf32>
        %mul3A_2565 = arith.mulf %get3A_2561, %mul3A_2564 : vector<16xf32>
        %swap3A_2566 = arith.index_cast %add3A_2558 : i32 to index
        %swap3A_2567 = arith.constant 112 : index
        %swap3A_2568 = tpu.vector_load %arg12[%swap3A_2566, %swap3A_2567] {strides = array<i32>} : memref<80x128xf32, #tpu.memory_space<vmem>>, vector<16xf32>,
        tpu.vector_store %arg12[%swap3A_2566, %swap3A_2567], %mul3A_2565 {strides = array<i32>} : memref<80x128xf32, #tpu.memory_space<vmem>>, vector<16xf32>,
        %mul3A_2569 = arith.constant 16 : i32
        %mul3A_2570 = arith.muli %mul3A_2569, %scan3A_128 : i32
        %add3A_2571 = arith.constant 7 : i32
        %add3A_2572 = arith.addi %mul3A_2570, %add3A_2571 : i32
        %get3A_2573 = arith.index_cast %add3A_2572 : i32 to index
        %get3A_2574 = arith.constant 240 : index
        %get3A_2575 = tpu.vector_load %arg11[%get3A_2573, %get3A_2574] {strides = array<i32>} : memref<80x256xf32, #tpu.memory_space<vmem>>, vector<16xf32>,
        %slice3A_2576 = vector.extract_strided_slice %exp3A_2470 {offsets = [7], sizes = [1], strides = [1]} : vector<16xf32> to vector<1xf32>
        %squeeze3A_2577 = vector.extract %slice3A_2576[0] : f32 from vector<1xf32>
        %mul3A_2578 = vector.broadcast %squeeze3A_2577 : f32 to vector<16xf32>
        %mul3A_2579 = arith.mulf %get3A_2575, %mul3A_2578 : vector<16xf32>
        %swap3A_2580 = arith.index_cast %add3A_2572 : i32 to index
        %swap3A_2581 = arith.constant 112 : index
        %swap3A_2582 = tpu.vector_load %arg12[%swap3A_2580, %swap3A_2581] {strides = array<i32>} : memref<80x128xf32, #tpu.memory_space<vmem>>, vector<16xf32>,
        tpu.vector_store %arg12[%swap3A_2580, %swap3A_2581], %mul3A_2579 {strides = array<i32>} : memref<80x128xf32, #tpu.memory_space<vmem>>, vector<16xf32>,
        %mul3A_2583 = arith.constant 16 : i32
        %mul3A_2584 = arith.muli %mul3A_2583, %scan3A_128 : i32
        %add3A_2585 = arith.constant 8 : i32
        %add3A_2586 = arith.addi %mul3A_2584, %add3A_2585 : i32
        %get3A_2587 = arith.index_cast %add3A_2586 : i32 to index
        %get3A_2588 = arith.constant 240 : index
        %get3A_2589 = tpu.vector_load %arg11[%get3A_2587, %get3A_2588] {strides = array<i32>} : memref<80x256xf32, #tpu.memory_space<vmem>>, vector<16xf32>,
        %slice3A_2590 = vector.extract_strided_slice %exp3A_2470 {offsets = [8], sizes = [1], strides = [1]} : vector<16xf32> to vector<1xf32>
        %squeeze3A_2591 = vector.extract %slice3A_2590[0] : f32 from vector<1xf32>
        %mul3A_2592 = vector.broadcast %squeeze3A_2591 : f32 to vector<16xf32>
        %mul3A_2593 = arith.mulf %get3A_2589, %mul3A_2592 : vector<16xf32>
        %swap3A_2594 = arith.index_cast %add3A_2586 : i32 to index
        %swap3A_2595 = arith.constant 112 : index
        %swap3A_2596 = tpu.vector_load %arg12[%swap3A_2594, %swap3A_2595] {strides = array<i32>} : memref<80x128xf32, #tpu.memory_space<vmem>>, vector<16xf32>,
        tpu.vector_store %arg12[%swap3A_2594, %swap3A_2595], %mul3A_2593 {strides = array<i32>} : memref<80x128xf32, #tpu.memory_space<vmem>>, vector<16xf32>,
        %mul3A_2597 = arith.constant 16 : i32
        %mul3A_2598 = arith.muli %mul3A_2597, %scan3A_128 : i32
        %add3A_2599 = arith.constant 9 : i32
        %add3A_2600 = arith.addi %mul3A_2598, %add3A_2599 : i32
        %get3A_2601 = arith.index_cast %add3A_2600 : i32 to index
        %get3A_2602 = arith.constant 240 : index
        %get3A_2603 = tpu.vector_load %arg11[%get3A_2601, %get3A_2602] {strides = array<i32>} : memref<80x256xf32, #tpu.memory_space<vmem>>, vector<16xf32>,
        %slice3A_2604 = vector.extract_strided_slice %exp3A_2470 {offsets = [9], sizes = [1], strides = [1]} : vector<16xf32> to vector<1xf32>
        %squeeze3A_2605 = vector.extract %slice3A_2604[0] : f32 from vector<1xf32>
        %mul3A_2606 = vector.broadcast %squeeze3A_2605 : f32 to vector<16xf32>
        %mul3A_2607 = arith.mulf %get3A_2603, %mul3A_2606 : vector<16xf32>
        %swap3A_2608 = arith.index_cast %add3A_2600 : i32 to index
        %swap3A_2609 = arith.constant 112 : index
        %swap3A_2610 = tpu.vector_load %arg12[%swap3A_2608, %swap3A_2609] {strides = array<i32>} : memref<80x128xf32, #tpu.memory_space<vmem>>, vector<16xf32>,
        tpu.vector_store %arg12[%swap3A_2608, %swap3A_2609], %mul3A_2607 {strides = array<i32>} : memref<80x128xf32, #tpu.memory_space<vmem>>, vector<16xf32>,
        %mul3A_2611 = arith.constant 16 : i32
        %mul3A_2612 = arith.muli %mul3A_2611, %scan3A_128 : i32
        %add3A_2613 = arith.constant 10 : i32
        %add3A_2614 = arith.addi %mul3A_2612, %add3A_2613 : i32
        %get3A_2615 = arith.index_cast %add3A_2614 : i32 to index
        %get3A_2616 = arith.constant 240 : index
        %get3A_2617 = tpu.vector_load %arg11[%get3A_2615, %get3A_2616] {strides = array<i32>} : memref<80x256xf32, #tpu.memory_space<vmem>>, vector<16xf32>,
        %slice3A_2618 = vector.extract_strided_slice %exp3A_2470 {offsets = [10], sizes = [1], strides = [1]} : vector<16xf32> to vector<1xf32>
        %squeeze3A_2619 = vector.extract %slice3A_2618[0] : f32 from vector<1xf32>
        %mul3A_2620 = vector.broadcast %squeeze3A_2619 : f32 to vector<16xf32>
        %mul3A_2621 = arith.mulf %get3A_2617, %mul3A_2620 : vector<16xf32>
        %swap3A_2622 = arith.index_cast %add3A_2614 : i32 to index
        %swap3A_2623 = arith.constant 112 : index
        %swap3A_2624 = tpu.vector_load %arg12[%swap3A_2622, %swap3A_2623] {strides = array<i32>} : memref<80x128xf32, #tpu.memory_space<vmem>>, vector<16xf32>,
        tpu.vector_store %arg12[%swap3A_2622, %swap3A_2623], %mul3A_2621 {strides = array<i32>} : memref<80x128xf32, #tpu.memory_space<vmem>>, vector<16xf32>,
        %mul3A_2625 = arith.constant 16 : i32
        %mul3A_2626 = arith.muli %mul3A_2625, %scan3A_128 : i32
        %add3A_2627 = arith.constant 11 : i32
        %add3A_2628 = arith.addi %mul3A_2626, %add3A_2627 : i32
        %get3A_2629 = arith.index_cast %add3A_2628 : i32 to index
        %get3A_2630 = arith.constant 240 : index
        %get3A_2631 = tpu.vector_load %arg11[%get3A_2629, %get3A_2630] {strides = array<i32>} : memref<80x256xf32, #tpu.memory_space<vmem>>, vector<16xf32>,
        %slice3A_2632 = vector.extract_strided_slice %exp3A_2470 {offsets = [11], sizes = [1], strides = [1]} : vector<16xf32> to vector<1xf32>
        %squeeze3A_2633 = vector.extract %slice3A_2632[0] : f32 from vector<1xf32>
        %mul3A_2634 = vector.broadcast %squeeze3A_2633 : f32 to vector<16xf32>
        %mul3A_2635 = arith.mulf %get3A_2631, %mul3A_2634 : vector<16xf32>
        %swap3A_2636 = arith.index_cast %add3A_2628 : i32 to index
        %swap3A_2637 = arith.constant 112 : index
        %swap3A_2638 = tpu.vector_load %arg12[%swap3A_2636, %swap3A_2637] {strides = array<i32>} : memref<80x128xf32, #tpu.memory_space<vmem>>, vector<16xf32>,
        tpu.vector_store %arg12[%swap3A_2636, %swap3A_2637], %mul3A_2635 {strides = array<i32>} : memref<80x128xf32, #tpu.memory_space<vmem>>, vector<16xf32>,
        %mul3A_2639 = arith.constant 16 : i32
        %mul3A_2640 = arith.muli %mul3A_2639, %scan3A_128 : i32
        %add3A_2641 = arith.constant 12 : i32
        %add3A_2642 = arith.addi %mul3A_2640, %add3A_2641 : i32
        %get3A_2643 = arith.index_cast %add3A_2642 : i32 to index
        %get3A_2644 = arith.constant 240 : index
        %get3A_2645 = tpu.vector_load %arg11[%get3A_2643, %get3A_2644] {strides = array<i32>} : memref<80x256xf32, #tpu.memory_space<vmem>>, vector<16xf32>,
        %slice3A_2646 = vector.extract_strided_slice %exp3A_2470 {offsets = [12], sizes = [1], strides = [1]} : vector<16xf32> to vector<1xf32>
        %squeeze3A_2647 = vector.extract %slice3A_2646[0] : f32 from vector<1xf32>
        %mul3A_2648 = vector.broadcast %squeeze3A_2647 : f32 to vector<16xf32>
        %mul3A_2649 = arith.mulf %get3A_2645, %mul3A_2648 : vector<16xf32>
        %swap3A_2650 = arith.index_cast %add3A_2642 : i32 to index
        %swap3A_2651 = arith.constant 112 : index
        %swap3A_2652 = tpu.vector_load %arg12[%swap3A_2650, %swap3A_2651] {strides = array<i32>} : memref<80x128xf32, #tpu.memory_space<vmem>>, vector<16xf32>,
        tpu.vector_store %arg12[%swap3A_2650, %swap3A_2651], %mul3A_2649 {strides = array<i32>} : memref<80x128xf32, #tpu.memory_space<vmem>>, vector<16xf32>,
        %mul3A_2653 = arith.constant 16 : i32
        %mul3A_2654 = arith.muli %mul3A_2653, %scan3A_128 : i32
        %add3A_2655 = arith.constant 13 : i32
        %add3A_2656 = arith.addi %mul3A_2654, %add3A_2655 : i32
        %get3A_2657 = arith.index_cast %add3A_2656 : i32 to index
        %get3A_2658 = arith.constant 240 : index
        %get3A_2659 = tpu.vector_load %arg11[%get3A_2657, %get3A_2658] {strides = array<i32>} : memref<80x256xf32, #tpu.memory_space<vmem>>, vector<16xf32>,
        %slice3A_2660 = vector.extract_strided_slice %exp3A_2470 {offsets = [13], sizes = [1], strides = [1]} : vector<16xf32> to vector<1xf32>
        %squeeze3A_2661 = vector.extract %slice3A_2660[0] : f32 from vector<1xf32>
        %mul3A_2662 = vector.broadcast %squeeze3A_2661 : f32 to vector<16xf32>
        %mul3A_2663 = arith.mulf %get3A_2659, %mul3A_2662 : vector<16xf32>
        %swap3A_2664 = arith.index_cast %add3A_2656 : i32 to index
        %swap3A_2665 = arith.constant 112 : index
        %swap3A_2666 = tpu.vector_load %arg12[%swap3A_2664, %swap3A_2665] {strides = array<i32>} : memref<80x128xf32, #tpu.memory_space<vmem>>, vector<16xf32>,
        tpu.vector_store %arg12[%swap3A_2664, %swap3A_2665], %mul3A_2663 {strides = array<i32>} : memref<80x128xf32, #tpu.memory_space<vmem>>, vector<16xf32>,
        %mul3A_2667 = arith.constant 16 : i32
        %mul3A_2668 = arith.muli %mul3A_2667, %scan3A_128 : i32
        %add3A_2669 = arith.constant 14 : i32
        %add3A_2670 = arith.addi %mul3A_2668, %add3A_2669 : i32
        %get3A_2671 = arith.index_cast %add3A_2670 : i32 to index
        %get3A_2672 = arith.constant 240 : index
        %get3A_2673 = tpu.vector_load %arg11[%get3A_2671, %get3A_2672] {strides = array<i32>} : memref<80x256xf32, #tpu.memory_space<vmem>>, vector<16xf32>,
        %slice3A_2674 = vector.extract_strided_slice %exp3A_2470 {offsets = [14], sizes = [1], strides = [1]} : vector<16xf32> to vector<1xf32>
        %squeeze3A_2675 = vector.extract %slice3A_2674[0] : f32 from vector<1xf32>
        %mul3A_2676 = vector.broadcast %squeeze3A_2675 : f32 to vector<16xf32>
        %mul3A_2677 = arith.mulf %get3A_2673, %mul3A_2676 : vector<16xf32>
        %swap3A_2678 = arith.index_cast %add3A_2670 : i32 to index
        %swap3A_2679 = arith.constant 112 : index
        %swap3A_2680 = tpu.vector_load %arg12[%swap3A_2678, %swap3A_2679] {strides = array<i32>} : memref<80x128xf32, #tpu.memory_space<vmem>>, vector<16xf32>,
        tpu.vector_store %arg12[%swap3A_2678, %swap3A_2679], %mul3A_2677 {strides = array<i32>} : memref<80x128xf32, #tpu.memory_space<vmem>>, vector<16xf32>,
        %mul3A_2681 = arith.constant 16 : i32
        %mul3A_2682 = arith.muli %mul3A_2681, %scan3A_128 : i32
        %add3A_2683 = arith.constant 15 : i32
        %add3A_2684 = arith.addi %mul3A_2682, %add3A_2683 : i32
        %get3A_2685 = arith.index_cast %add3A_2684 : i32 to index
        %get3A_2686 = arith.constant 240 : index
        %get3A_2687 = tpu.vector_load %arg11[%get3A_2685, %get3A_2686] {strides = array<i32>} : memref<80x256xf32, #tpu.memory_space<vmem>>, vector<16xf32>,
        %slice3A_2688 = vector.extract_strided_slice %exp3A_2470 {offsets = [15], sizes = [1], strides = [1]} : vector<16xf32> to vector<1xf32>
        %squeeze3A_2689 = vector.extract %slice3A_2688[0] : f32 from vector<1xf32>
        %mul3A_2690 = vector.broadcast %squeeze3A_2689 : f32 to vector<16xf32>
        %mul3A_2691 = arith.mulf %get3A_2687, %mul3A_2690 : vector<16xf32>
        %swap3A_2692 = arith.index_cast %add3A_2684 : i32 to index
        %swap3A_2693 = arith.constant 112 : index
        %swap3A_2694 = tpu.vector_load %arg12[%swap3A_2692, %swap3A_2693] {strides = array<i32>} : memref<80x128xf32, #tpu.memory_space<vmem>>, vector<16xf32>,
        tpu.vector_store %arg12[%swap3A_2692, %swap3A_2693], %mul3A_2691 {strides = array<i32>} : memref<80x128xf32, #tpu.memory_space<vmem>>, vector<16xf32>,
      }
      %scan3A_115 = arith.constant 5 : i32
      %dma_start3A_116 = arith.constant 0 : i32
      %dma_start3A_117 = arith.constant 0 : i32
      %dma_start3A_118 = tpu.memref_slice %arg14[%dma_start3A_116, %dma_start3A_117] : memref<10000x128xf32, #tpu.memory_space<vmem_shared>> -> memref<10000x128xf32, #tpu.memory_space<vmem_shared>>
      tpu.enqueue_indirect_dma source(%arg12 : memref<80x128xf32, #tpu.memory_space<vmem>>) target(%dma_start3A_118 : memref<10000x128xf32, #tpu.memory_space<vmem_shared>>) offsets(%arg9 : memref<80xi32, #tpu.memory_space<vmem>>) semaphore(%arg16 : memref<!tpu.dma_semaphore, #tpu.memory_space<semaphore_mem>>) {add = true}
      %dma_start3A_119 = arith.constant 0 : i32
      %dma_start3A_120 = arith.constant 0 : i32
      %dma_start3A_121 = tpu.memref_slice %arg15[%dma_start3A_119, %dma_start3A_120] : memref<10000x8xf32, #tpu.memory_space<vmem_shared>> -> memref<10000x8xf32, #tpu.memory_space<vmem_shared>>
      tpu.enqueue_indirect_dma source(%arg13 : memref<80x8xf32, #tpu.memory_space<vmem>>) target(%dma_start3A_121 : memref<10000x8xf32, #tpu.memory_space<vmem_shared>>) offsets(%arg9 : memref<80xi32, #tpu.memory_space<vmem>>) semaphore(%arg16 : memref<!tpu.dma_semaphore, #tpu.memory_space<semaphore_mem>>) {add = true}
      %dma_wait3A_122 = arith.constant 0 : i32
      %dma_wait3A_123 = arith.constant 0 : i32
      %dma_wait3A_124 = tpu.memref_slice %arg14[%dma_wait3A_122, %dma_wait3A_123] : memref<10000x128xf32, #tpu.memory_space<vmem_shared>> -> memref<10000x128xf32, #tpu.memory_space<vmem_shared>>
      tpu.wait_indirect_dma semaphore(%arg16 : memref<!tpu.dma_semaphore, #tpu.memory_space<semaphore_mem>>) src(%arg12 : memref<80x128xf32, #tpu.memory_space<vmem>>) dst(%dma_wait3A_124 : memref<10000x128xf32, #tpu.memory_space<vmem_shared>>)
      %dma_wait3A_125 = arith.constant 0 : i32
      %dma_wait3A_126 = arith.constant 0 : i32
      %dma_wait3A_127 = tpu.memref_slice %arg15[%dma_wait3A_125, %dma_wait3A_126] : memref<10000x8xf32, #tpu.memory_space<vmem_shared>> -> memref<10000x8xf32, #tpu.memory_space<vmem_shared>>
      tpu.wait_indirect_dma semaphore(%arg16 : memref<!tpu.dma_semaphore, #tpu.memory_space<semaphore_mem>>) src(%arg13 : memref<80x8xf32, #tpu.memory_space<vmem>>) dst(%dma_wait3A_127 : memref<10000x8xf32, #tpu.memory_space<vmem_shared>>)
    }
    %scan3A_81 = arith.constant 125 : i32
    %barrier3A_82 = arith.constant 0 : index
    tpu.barrier barrier_id(%barrier3A_82)
    "tpu.region"() ({
      %run_scoped3A = tpu.sem_alloc : memref<!tpu.dma_semaphore, #tpu.memory_space<semaphore_mem>>
      %dma_start3A = arith.constant 0 : i32
      %dma_start3A_88 = tpu.memref_slice %arg6[%arg0, %mul3A_39, %dma_start3A] : memref<2x10000x128xf32, #tpu.memory_space<hbm>> -> memref<1x624x128xf32, #tpu.memory_space<hbm>>
      %dma_start3A_89 = tpu.memref_squeeze %dma_start3A_88 : memref<1x624x128xf32, #tpu.memory_space<hbm>> -> memref<624x128xf32, #tpu.memory_space<hbm>>
      %dma_start3A_90 = arith.constant 0 : i32
      %dma_start3A_91 = tpu.memref_slice %arg14[%mul3A_39, %dma_start3A_90] : memref<10000x128xf32, #tpu.memory_space<vmem_shared>> -> memref<624x128xf32, #tpu.memory_space<vmem_shared>>
      tpu.enqueue_dma source(%dma_start3A_91 : memref<624x128xf32, #tpu.memory_space<vmem_shared>>) target(%dma_start3A_89 : memref<624x128xf32, #tpu.memory_space<hbm>>) target_semaphore(%run_scoped3A : memref<!tpu.dma_semaphore, #tpu.memory_space<semaphore_mem>>)
      %dma_wait3A = arith.constant 0 : i32
      %dma_wait3A_92 = tpu.memref_slice %arg6[%arg0, %mul3A_39, %dma_wait3A] : memref<2x10000x128xf32, #tpu.memory_space<hbm>> -> memref<1x624x128xf32, #tpu.memory_space<hbm>>
      %dma_wait3A_93 = tpu.memref_squeeze %dma_wait3A_92 : memref<1x624x128xf32, #tpu.memory_space<hbm>> -> memref<624x128xf32, #tpu.memory_space<hbm>>
      %dma_wait3A_94 = arith.constant 0 : i32
      %dma_wait3A_95 = tpu.memref_slice %arg14[%mul3A_39, %dma_wait3A_94] : memref<10000x128xf32, #tpu.memory_space<vmem_shared>> -> memref<624x128xf32, #tpu.memory_space<vmem_shared>>
      tpu.wait_dma2 semaphore(%run_scoped3A : memref<!tpu.dma_semaphore, #tpu.memory_space<semaphore_mem>>) src(%dma_wait3A_95 : memref<624x128xf32, #tpu.memory_space<vmem_shared>>) dst(%dma_wait3A_93 : memref<624x128xf32, #tpu.memory_space<hbm>>)
      tpu.yield
    }) : () -> ()
    "tpu.region"() ({
      %run_scoped3A = tpu.sem_alloc : memref<!tpu.dma_semaphore, #tpu.memory_space<semaphore_mem>>
      %dma_start3A = arith.constant 0 : i32
      %dma_start3A_88 = tpu.memref_slice %arg7[%arg0, %mul3A_39, %dma_start3A] : memref<2x10000x8xf32, #tpu.memory_space<hbm>> -> memref<1x624x8xf32, #tpu.memory_space<hbm>>
      %dma_start3A_89 = tpu.memref_squeeze %dma_start3A_88 : memref<1x624x8xf32, #tpu.memory_space<hbm>> -> memref<624x8xf32, #tpu.memory_space<hbm>>
      %dma_start3A_90 = arith.constant 0 : i32
      %dma_start3A_91 = tpu.memref_slice %arg15[%mul3A_39, %dma_start3A_90] : memref<10000x8xf32, #tpu.memory_space<vmem_shared>> -> memref<624x8xf32, #tpu.memory_space<vmem_shared>>
      tpu.enqueue_dma source(%dma_start3A_91 : memref<624x8xf32, #tpu.memory_space<vmem_shared>>) target(%dma_start3A_89 : memref<624x8xf32, #tpu.memory_space<hbm>>) target_semaphore(%run_scoped3A : memref<!tpu.dma_semaphore, #tpu.memory_space<semaphore_mem>>)
      %dma_wait3A = arith.constant 0 : i32
      %dma_wait3A_92 = tpu.memref_slice %arg7[%arg0, %mul3A_39, %dma_wait3A] : memref<2x10000x8xf32, #tpu.memory_space<hbm>> -> memref<1x624x8xf32, #tpu.memory_space<hbm>>
      %dma_wait3A_93 = tpu.memref_squeeze %dma_wait3A_92 : memref<1x624x8xf32, #tpu.memory_space<hbm>> -> memref<624x8xf32, #tpu.memory_space<hbm>>
      %dma_wait3A_94 = arith.constant 0 : i32
      %dma_wait3A_95 = tpu.memref_slice %arg15[%mul3A_39, %dma_wait3A_94] : memref<10000x8xf32, #tpu.memory_space<vmem_shared>> -> memref<624x8xf32, #tpu.memory_space<vmem_shared>>
      tpu.wait_dma2 semaphore(%run_scoped3A : memref<!tpu.dma_semaphore, #tpu.memory_space<semaphore_mem>>) src(%dma_wait3A_95 : memref<624x8xf32, #tpu.memory_space<vmem_shared>>) dst(%dma_wait3A_93 : memref<624x8xf32, #tpu.memory_space<hbm>>)
      tpu.yield
    }) : () -> ()
    %eq3A_83 = arith.constant 0 : i32
    %eq3A_84 = arith.cmpi eq, %arg1, %eq3A_83 : i32
    %convert_element_type3A_85 = arith.extui %eq3A_84 : i1 to i32
    %cond3A_86 = arith.constant 0 : i32
    %cond3A_87 = arith.cmpi ne, %convert_element_type3A_85, %cond3A_86 : i32
    scf.if %cond3A_87 {
      "tpu.region"() ({
        %run_scoped3A = tpu.sem_alloc : memref<!tpu.dma_semaphore, #tpu.memory_space<semaphore_mem>>
        %dma_start3A = arith.constant 9984 : i32
        %dma_start3A_88 = arith.constant 0 : i32
        %dma_start3A_89 = tpu.memref_slice %arg6[%arg0, %dma_start3A, %dma_start3A_88] : memref<2x10000x128xf32, #tpu.memory_space<hbm>> -> memref<1x16x128xf32, #tpu.memory_space<hbm>>
        %dma_start3A_90 = tpu.memref_squeeze %dma_start3A_89 : memref<1x16x128xf32, #tpu.memory_space<hbm>> -> memref<16x128xf32, #tpu.memory_space<hbm>>
        %dma_start3A_91 = arith.constant 9984 : i32
        %dma_start3A_92 = arith.constant 0 : i32
        %dma_start3A_93 = tpu.memref_slice %arg14[%dma_start3A_91, %dma_start3A_92] : memref<10000x128xf32, #tpu.memory_space<vmem_shared>> -> memref<16x128xf32, #tpu.memory_space<vmem_shared>>
        tpu.enqueue_dma source(%dma_start3A_93 : memref<16x128xf32, #tpu.memory_space<vmem_shared>>) target(%dma_start3A_90 : memref<16x128xf32, #tpu.memory_space<hbm>>) target_semaphore(%run_scoped3A : memref<!tpu.dma_semaphore, #tpu.memory_space<semaphore_mem>>)
        %dma_wait3A = arith.constant 9984 : i32
        %dma_wait3A_94 = arith.constant 0 : i32
        %dma_wait3A_95 = tpu.memref_slice %arg6[%arg0, %dma_wait3A, %dma_wait3A_94] : memref<2x10000x128xf32, #tpu.memory_space<hbm>> -> memref<1x16x128xf32, #tpu.memory_space<hbm>>
        %dma_wait3A_96 = tpu.memref_squeeze %dma_wait3A_95 : memref<1x16x128xf32, #tpu.memory_space<hbm>> -> memref<16x128xf32, #tpu.memory_space<hbm>>
        %dma_wait3A_97 = arith.constant 9984 : i32
        %dma_wait3A_98 = arith.constant 0 : i32
        %dma_wait3A_99 = tpu.memref_slice %arg14[%dma_wait3A_97, %dma_wait3A_98] : memref<10000x128xf32, #tpu.memory_space<vmem_shared>> -> memref<16x128xf32, #tpu.memory_space<vmem_shared>>
        tpu.wait_dma2 semaphore(%run_scoped3A : memref<!tpu.dma_semaphore, #tpu.memory_space<semaphore_mem>>) src(%dma_wait3A_99 : memref<16x128xf32, #tpu.memory_space<vmem_shared>>) dst(%dma_wait3A_96 : memref<16x128xf32, #tpu.memory_space<hbm>>)
        tpu.yield
      }) : () -> ()
      "tpu.region"() ({
        %run_scoped3A = tpu.sem_alloc : memref<!tpu.dma_semaphore, #tpu.memory_space<semaphore_mem>>
        %dma_start3A = arith.constant 9984 : i32
        %dma_start3A_88 = arith.constant 0 : i32
        %dma_start3A_89 = tpu.memref_slice %arg7[%arg0, %dma_start3A, %dma_start3A_88] : memref<2x10000x8xf32, #tpu.memory_space<hbm>> -> memref<1x16x8xf32, #tpu.memory_space<hbm>>
        %dma_start3A_90 = tpu.memref_squeeze %dma_start3A_89 : memref<1x16x8xf32, #tpu.memory_space<hbm>> -> memref<16x8xf32, #tpu.memory_space<hbm>>
        %dma_start3A_91 = arith.constant 9984 : i32
        %dma_start3A_92 = arith.constant 0 : i32
        %dma_start3A_93 = tpu.memref_slice %arg15[%dma_start3A_91, %dma_start3A_92] : memref<10000x8xf32, #tpu.memory_space<vmem_shared>> -> memref<16x8xf32, #tpu.memory_space<vmem_shared>>
        tpu.enqueue_dma source(%dma_start3A_93 : memref<16x8xf32, #tpu.memory_space<vmem_shared>>) target(%dma_start3A_90 : memref<16x8xf32, #tpu.memory_space<hbm>>) target_semaphore(%run_scoped3A : memref<!tpu.dma_semaphore, #tpu.memory_space<semaphore_mem>>)
        %dma_wait3A = arith.constant 9984 : i32
        %dma_wait3A_94 = arith.constant 0 : i32
        %dma_wait3A_95 = tpu.memref_slice %arg7[%arg0, %dma_wait3A, %dma_wait3A_94] : memref<2x10000x8xf32, #tpu.memory_space<hbm>> -> memref<1x16x8xf32, #tpu.memory_space<hbm>>
        %dma_wait3A_96 = tpu.memref_squeeze %dma_wait3A_95 : memref<1x16x8xf32, #tpu.memory_space<hbm>> -> memref<16x8xf32, #tpu.memory_space<hbm>>
        %dma_wait3A_97 = arith.constant 9984 : i32
        %dma_wait3A_98 = arith.constant 0 : i32
        %dma_wait3A_99 = tpu.memref_slice %arg15[%dma_wait3A_97, %dma_wait3A_98] : memref<10000x8xf32, #tpu.memory_space<vmem_shared>> -> memref<16x8xf32, #tpu.memory_space<vmem_shared>>
        tpu.wait_dma2 semaphore(%run_scoped3A : memref<!tpu.dma_semaphore, #tpu.memory_space<semaphore_mem>>) src(%dma_wait3A_99 : memref<16x8xf32, #tpu.memory_space<vmem_shared>>) dst(%dma_wait3A_96 : memref<16x8xf32, #tpu.memory_space<hbm>>)
        tpu.yield
      }) : () -> ()
    } else {
    }
    return
  }
}

module attributes {stable_mosaic.version = 14 : i64} {
  func.func @_pre_body(%arg0: i32, %arg1: memref<400x128xf32, #tpu.memory_space<vmem>>, %arg2: memref<128x128xf32, #tpu.memory_space<vmem>>, %arg3: memref<1x128xf32, #tpu.memory_space<vmem>>, %arg4: memref<128x128xf32, #tpu.memory_space<vmem>>, %arg5: memref<1x128xf32, #tpu.memory_space<vmem>>, %arg6: memref<128x256xf32, #tpu.memory_space<vmem>>, %arg7: memref<1x256xf32, #tpu.memory_space<vmem>>, %arg8: memref<400x128xf32, #tpu.memory_space<vmem>>, %arg9: memref<400x128xf32, #tpu.memory_space<vmem>>, %arg10: memref<400x256xf32, #tpu.memory_space<vmem>>) attributes {dimension_semantics = [#tpu.dimension_semantics<arbitrary>], iteration_bounds = array<i64: 25>, scalar_prefetch = 0 : i64, scratch_operands = 0 : i64, tpu.core_type = #tpu.core_type<tc>, window_params = [{transform_indices = @transform_0, window_bounds = array<i64: 400, 128>}, {pipeline_mode = #tpu.pipeline_mode<synchronous>, transform_indices = @transform_1, window_bounds = array<i64: 128, 128>}, {pipeline_mode = #tpu.pipeline_mode<synchronous>, transform_indices = @transform_2, window_bounds = array<i64: 1, 128>}, {pipeline_mode = #tpu.pipeline_mode<synchronous>, transform_indices = @transform_3, window_bounds = array<i64: 128, 128>}, {pipeline_mode = #tpu.pipeline_mode<synchronous>, transform_indices = @transform_4, window_bounds = array<i64: 1, 128>}, {pipeline_mode = #tpu.pipeline_mode<synchronous>, transform_indices = @transform_5, window_bounds = array<i64: 128, 256>}, {pipeline_mode = #tpu.pipeline_mode<synchronous>, transform_indices = @transform_6, window_bounds = array<i64: 1, 256>}, {transform_indices = @transform_7, window_bounds = array<i64: 400, 128>}, {transform_indices = @transform_8, window_bounds = array<i64: 400, 128>}, {transform_indices = @transform_9, window_bounds = array<i64: 400, 256>}]} {
    %get3A = arith.constant 0 : index
    %get3A_0 = arith.constant 0 : index
    %get3A_1 = vector.load %arg1[%get3A, %get3A_0] : memref<400x128xf32, #tpu.memory_space<vmem>>, vector<400x128xf32>
    %get3A_2 = arith.constant 0 : index
    %get3A_3 = arith.constant 0 : index
    %get3A_4 = vector.load %arg2[%get3A_2, %get3A_3] : memref<128x128xf32, #tpu.memory_space<vmem>>, vector<128x128xf32>
    %dot_general3A = arith.constant dense<0.000000e+00> : vector<400x128xf32>
    %dot_general3A_5 = tpu.matmul %get3A_1, %get3A_4, %dot_general3A {dimension_numbers = #tpu.dot_dimension_numbers<[1], [0], [0], [1], [0, 0, 1, 1], [], []>, transpose_lhs_hint = false} : vector<400x128xf32>, vector<128x128xf32>, vector<400x128xf32> -> vector<400x128xf32>
    %get3A_6 = arith.constant 0 : index
    %get3A_7 = arith.constant 0 : index
    %get3A_8 = vector.load %arg3[%get3A_6, %get3A_7] : memref<1x128xf32, #tpu.memory_space<vmem>>, vector<1x128xf32>
    %add3A = vector.broadcast %get3A_8 : vector<1x128xf32> to vector<400x128xf32>
    %add3A_9 = arith.addf %dot_general3A_5, %add3A : vector<400x128xf32>
    %mul3A = arith.constant 5.000000e-01 : f32
    %mul3A_10 = vector.broadcast %mul3A : f32 to vector<400x128xf32>
    %mul3A_11 = arith.mulf %mul3A_10, %add3A_9 : vector<400x128xf32>
    %mul3A_12 = arith.constant 0.707106769 : f32
    %mul3A_13 = vector.broadcast %mul3A_12 : f32 to vector<400x128xf32>
    %mul3A_14 = arith.mulf %add3A_9, %mul3A_13 : vector<400x128xf32>
    %erf3A = math.erf %mul3A_14 : vector<400x128xf32>
    %add3A_15 = arith.constant 1.000000e+00 : f32
    %add3A_16 = vector.broadcast %add3A_15 : f32 to vector<400x128xf32>
    %add3A_17 = arith.addf %add3A_16, %erf3A : vector<400x128xf32>
    %mul3A_18 = arith.mulf %mul3A_11, %add3A_17 : vector<400x128xf32>
    %swap3A = arith.constant 0 : index
    %swap3A_19 = arith.constant 0 : index
    %swap3A_20 = vector.load %arg8[%swap3A, %swap3A_19] : memref<400x128xf32, #tpu.memory_space<vmem>>, vector<400x128xf32>
    tpu.vector_store %arg8[%swap3A, %swap3A_19], %mul3A_18 {strides = array<i32>} : memref<400x128xf32, #tpu.memory_space<vmem>>, vector<400x128xf32>,
    %get3A_21 = arith.constant 0 : index
    %get3A_22 = arith.constant 0 : index
    %get3A_23 = vector.load %arg4[%get3A_21, %get3A_22] : memref<128x128xf32, #tpu.memory_space<vmem>>, vector<128x128xf32>
    %dot_general3A_24 = arith.constant dense<0.000000e+00> : vector<400x128xf32>
    %dot_general3A_25 = tpu.matmul %mul3A_18, %get3A_23, %dot_general3A_24 {dimension_numbers = #tpu.dot_dimension_numbers<[1], [0], [0], [1], [0, 0, 1, 1], [], []>, transpose_lhs_hint = false} : vector<400x128xf32>, vector<128x128xf32>, vector<400x128xf32> -> vector<400x128xf32>
    %get3A_26 = arith.constant 0 : index
    %get3A_27 = arith.constant 0 : index
    %get3A_28 = vector.load %arg5[%get3A_26, %get3A_27] : memref<1x128xf32, #tpu.memory_space<vmem>>, vector<1x128xf32>
    %add3A_29 = vector.broadcast %get3A_28 : vector<1x128xf32> to vector<400x128xf32>
    %add3A_30 = arith.addf %dot_general3A_25, %add3A_29 : vector<400x128xf32>
    %swap3A_31 = arith.constant 0 : index
    %swap3A_32 = arith.constant 0 : index
    %swap3A_33 = vector.load %arg9[%swap3A_31, %swap3A_32] : memref<400x128xf32, #tpu.memory_space<vmem>>, vector<400x128xf32>
    tpu.vector_store %arg9[%swap3A_31, %swap3A_32], %add3A_30 {strides = array<i32>} : memref<400x128xf32, #tpu.memory_space<vmem>>, vector<400x128xf32>,
    %get3A_34 = arith.constant 0 : index
    %get3A_35 = arith.constant 0 : index
    %get3A_36 = vector.load %arg6[%get3A_34, %get3A_35] : memref<128x256xf32, #tpu.memory_space<vmem>>, vector<128x256xf32>
    %dot_general3A_37 = arith.constant dense<0.000000e+00> : vector<400x256xf32>
    %dot_general3A_38 = tpu.matmul %mul3A_18, %get3A_36, %dot_general3A_37 {dimension_numbers = #tpu.dot_dimension_numbers<[1], [0], [0], [1], [0, 0, 1, 1], [], []>, transpose_lhs_hint = false} : vector<400x128xf32>, vector<128x256xf32>, vector<400x256xf32> -> vector<400x256xf32>
    %get3A_39 = arith.constant 0 : index
    %get3A_40 = arith.constant 0 : index
    %get3A_41 = vector.load %arg7[%get3A_39, %get3A_40] : memref<1x256xf32, #tpu.memory_space<vmem>>, vector<1x256xf32>
    %add3A_42 = vector.broadcast %get3A_41 : vector<1x256xf32> to vector<400x256xf32>
    %add3A_43 = arith.addf %dot_general3A_38, %add3A_42 : vector<400x256xf32>
    %swap3A_44 = arith.constant 0 : index
    %swap3A_45 = arith.constant 0 : index
    %swap3A_46 = vector.load %arg10[%swap3A_44, %swap3A_45] : memref<400x256xf32, #tpu.memory_space<vmem>>, vector<400x256xf32>
    tpu.vector_store %arg10[%swap3A_44, %swap3A_45], %add3A_43 {strides = array<i32>} : memref<400x256xf32, #tpu.memory_space<vmem>>, vector<400x256xf32>,
    return
  }
  func.func @transform_0(%arg0: i32) -> (i32, i32) {
    %c0_i32 = arith.constant 0 : i32
    %c0_i32_0 = arith.constant 0 : i32
    return %arg0, %c0_i32 : i32, i32
  }
  func.func @transform_1(%arg0: i32) -> (i32, i32) {
    %c0_i32 = arith.constant 0 : i32
    %c0_i32_0 = arith.constant 0 : i32
    %c0_i32_1 = arith.constant 0 : i32
    return %c0_i32, %c0_i32_0 : i32, i32
  }
  func.func @transform_2(%arg0: i32) -> (i32, i32) {
    %c0_i32 = arith.constant 0 : i32
    %c0_i32_0 = arith.constant 0 : i32
    %c0_i32_1 = arith.constant 0 : i32
    return %c0_i32, %c0_i32_0 : i32, i32
  }
  func.func @transform_3(%arg0: i32) -> (i32, i32) {
    %c0_i32 = arith.constant 0 : i32
    %c0_i32_0 = arith.constant 0 : i32
    %c0_i32_1 = arith.constant 0 : i32
    return %c0_i32, %c0_i32_0 : i32, i32
  }
  func.func @transform_4(%arg0: i32) -> (i32, i32) {
    %c0_i32 = arith.constant 0 : i32
    %c0_i32_0 = arith.constant 0 : i32
    %c0_i32_1 = arith.constant 0 : i32
    return %c0_i32, %c0_i32_0 : i32, i32
  }
  func.func @transform_5(%arg0: i32) -> (i32, i32) {
    %c0_i32 = arith.constant 0 : i32
    %c0_i32_0 = arith.constant 0 : i32
    %c0_i32_1 = arith.constant 0 : i32
    return %c0_i32, %c0_i32_0 : i32, i32
  }
  func.func @transform_6(%arg0: i32) -> (i32, i32) {
    %c0_i32 = arith.constant 0 : i32
    %c0_i32_0 = arith.constant 0 : i32
    %c0_i32_1 = arith.constant 0 : i32
    return %c0_i32, %c0_i32_0 : i32, i32
  }
  func.func @transform_7(%arg0: i32) -> (i32, i32) {
    %c0_i32 = arith.constant 0 : i32
    %c0_i32_0 = arith.constant 0 : i32
    return %arg0, %c0_i32 : i32, i32
  }
  func.func @transform_8(%arg0: i32) -> (i32, i32) {
    %c0_i32 = arith.constant 0 : i32
    %c0_i32_0 = arith.constant 0 : i32
    return %arg0, %c0_i32 : i32, i32
  }
  func.func @transform_9(%arg0: i32) -> (i32, i32) {
    %c0_i32 = arith.constant 0 : i32
    %c0_i32_0 = arith.constant 0 : i32
    return %arg0, %c0_i32 : i32, i32
  }
}

module attributes {stable_mosaic.version = 14 : i64} {
  func.func @_post_body(%arg0: i32, %arg1: memref<2x400x128xf32, #tpu.memory_space<vmem>>, %arg2: memref<2x400x8xf32, #tpu.memory_space<vmem>>, %arg3: memref<400x128xf32, #tpu.memory_space<vmem>>, %arg4: memref<128x128xf32, #tpu.memory_space<vmem>>, %arg5: memref<1x128xf32, #tpu.memory_space<vmem>>, %arg6: memref<1x1xf32, #tpu.memory_space<vmem>>, %arg7: memref<1x128xf32, #tpu.memory_space<vmem>>, %arg8: memref<1x128xf32, #tpu.memory_space<vmem>>, %arg9: memref<128x128xf32, #tpu.memory_space<vmem>>, %arg10: memref<1x128xf32, #tpu.memory_space<vmem>>, %arg11: memref<8x128xf32, #tpu.memory_space<vmem>>, %arg12: memref<400x128xf32, #tpu.memory_space<vmem>>) attributes {dimension_semantics = [#tpu.dimension_semantics<arbitrary>], iteration_bounds = array<i64: 25>, scalar_prefetch = 0 : i64, scratch_operands = 0 : i64, tpu.core_type = #tpu.core_type<tc>, window_params = [{transform_indices = @transform_0, window_bounds = array<i64: 2, 400, 128>}, {transform_indices = @transform_1, window_bounds = array<i64: 2, 400, 8>}, {transform_indices = @transform_2, window_bounds = array<i64: 400, 128>}, {pipeline_mode = #tpu.pipeline_mode<synchronous>, transform_indices = @transform_3, window_bounds = array<i64: 128, 128>}, {pipeline_mode = #tpu.pipeline_mode<synchronous>, transform_indices = @transform_4, window_bounds = array<i64: 1, 128>}, {pipeline_mode = #tpu.pipeline_mode<synchronous>, transform_indices = @transform_5, window_bounds = array<i64: 1, 1>}, {pipeline_mode = #tpu.pipeline_mode<synchronous>, transform_indices = @transform_6, window_bounds = array<i64: 1, 128>}, {pipeline_mode = #tpu.pipeline_mode<synchronous>, transform_indices = @transform_7, window_bounds = array<i64: 1, 128>}, {pipeline_mode = #tpu.pipeline_mode<synchronous>, transform_indices = @transform_8, window_bounds = array<i64: 128, 128>}, {pipeline_mode = #tpu.pipeline_mode<synchronous>, transform_indices = @transform_9, window_bounds = array<i64: 1, 128>}, {pipeline_mode = #tpu.pipeline_mode<synchronous>, transform_indices = @transform_10, window_bounds = array<i64: 8, 128>}, {transform_indices = @transform_11, window_bounds = array<i64: 400, 128>}]} {
    %get3A = arith.constant 0 : index
    %get3A_0 = arith.constant 0 : index
    %get3A_1 = arith.constant 0 : index
    %get3A_2 = vector.load %arg1[%get3A, %get3A_0, %get3A_1] : memref<2x400x128xf32, #tpu.memory_space<vmem>>, vector<1x400x128xf32>
    %get3A_3 = vector.shape_cast %get3A_2 : vector<1x400x128xf32> to vector<400x128xf32>
    %get3A_4 = arith.constant 1 : index
    %get3A_5 = arith.constant 0 : index
    %get3A_6 = arith.constant 0 : index
    %get3A_7 = vector.load %arg1[%get3A_4, %get3A_5, %get3A_6] : memref<2x400x128xf32, #tpu.memory_space<vmem>>, vector<1x400x128xf32>
    %get3A_8 = vector.shape_cast %get3A_7 : vector<1x400x128xf32> to vector<400x128xf32>
    %add3A = arith.addf %get3A_3, %get3A_8 : vector<400x128xf32>
    %get3A_9 = arith.constant 0 : index
    %get3A_10 = arith.constant 0 : index
    %get3A_11 = arith.constant 0 : index
    %get3A_12 = vector.load %arg2[%get3A_9, %get3A_10, %get3A_11] : memref<2x400x8xf32, #tpu.memory_space<vmem>>, vector<1x400x8xf32>
    %get3A_13 = vector.shape_cast %get3A_12 : vector<1x400x8xf32> to vector<400x8xf32>
    %get3A_14 = arith.constant 1 : index
    %get3A_15 = arith.constant 0 : index
    %get3A_16 = arith.constant 0 : index
    %get3A_17 = vector.load %arg2[%get3A_14, %get3A_15, %get3A_16] : memref<2x400x8xf32, #tpu.memory_space<vmem>>, vector<1x400x8xf32>
    %get3A_18 = vector.shape_cast %get3A_17 : vector<1x400x8xf32> to vector<400x8xf32>
    %add3A_19 = arith.addf %get3A_13, %get3A_18 : vector<400x8xf32>
    %add3A_20 = arith.constant 1.000000e-16 : f32
    %add3A_21 = vector.broadcast %add3A_20 : f32 to vector<400x8xf32>
    %add3A_22 = arith.addf %add3A_19, %add3A_21 : vector<400x8xf32>
    %div3A = arith.constant 1.000000e+00 : f32
    %div3A_23 = vector.broadcast %div3A : f32 to vector<400x8xf32>
    %div3A_24 = arith.divf %div3A_23, %add3A_22 : vector<400x8xf32>
    %get3A_25 = arith.constant 0 : index
    %get3A_26 = arith.constant 0 : index
    %get3A_27 = vector.load %arg11[%get3A_25, %get3A_26] : memref<8x128xf32, #tpu.memory_space<vmem>>, vector<8x128xf32>
    %dot_general3A = arith.constant dense<0.000000e+00> : vector<400x128xf32>
    %dot_general3A_28 = tpu.matmul %div3A_24, %get3A_27, %dot_general3A {dimension_numbers = #tpu.dot_dimension_numbers<[1], [0], [0], [1], [0, 0, 1, 1], [], []>, transpose_lhs_hint = false} : vector<400x8xf32>, vector<8x128xf32>, vector<400x128xf32> -> vector<400x128xf32>
    %mul3A = arith.mulf %add3A, %dot_general3A_28 : vector<400x128xf32>
    %get3A_29 = arith.constant 0 : index
    %get3A_30 = arith.constant 0 : index
    %get3A_31 = vector.load %arg4[%get3A_29, %get3A_30] : memref<128x128xf32, #tpu.memory_space<vmem>>, vector<128x128xf32>
    %dot_general3A_32 = arith.constant dense<0.000000e+00> : vector<400x128xf32>
    %dot_general3A_33 = tpu.matmul %mul3A, %get3A_31, %dot_general3A_32 {dimension_numbers = #tpu.dot_dimension_numbers<[1], [0], [0], [1], [0, 0, 1, 1], [], []>, transpose_lhs_hint = false} : vector<400x128xf32>, vector<128x128xf32>, vector<400x128xf32> -> vector<400x128xf32>
    %get3A_34 = arith.constant 0 : index
    %get3A_35 = arith.constant 0 : index
    %get3A_36 = vector.load %arg5[%get3A_34, %get3A_35] : memref<1x128xf32, #tpu.memory_space<vmem>>, vector<1x128xf32>
    %add3A_37 = vector.broadcast %get3A_36 : vector<1x128xf32> to vector<400x128xf32>
    %add3A_38 = arith.addf %dot_general3A_33, %add3A_37 : vector<400x128xf32>
    %get3A_39 = arith.constant 0 : index
    %get3A_40 = arith.constant 0 : index
    %get3A_41 = vector.load %arg6[%get3A_39, %get3A_40] : memref<1x1xf32, #tpu.memory_space<vmem>>, vector<1x1xf32>
    %get3A_42 = vector.extract %get3A_41[0, 0] : f32 from vector<1x1xf32>
    %logistic3A = arith.negf %get3A_42 : f32
    %logistic3A_43 = math.exp %logistic3A : f32
    %logistic3A_44 = arith.constant 1.000000e+00 : f32
    %logistic3A_45 = arith.addf %logistic3A_44, %logistic3A_43 : f32
    %logistic3A_46 = arith.divf %logistic3A_44, %logistic3A_45 : f32
    %mul3A_47 = vector.broadcast %logistic3A_46 : f32 to vector<400x128xf32>
    %mul3A_48 = arith.mulf %add3A_38, %mul3A_47 : vector<400x128xf32>
    %get3A_49 = arith.constant 0 : index
    %get3A_50 = arith.constant 0 : index
    %get3A_51 = vector.load %arg3[%get3A_49, %get3A_50] : memref<400x128xf32, #tpu.memory_space<vmem>>, vector<400x128xf32>
    %sub3A = arith.constant 1.000000e+00 : f32
    %sub3A_52 = arith.subf %sub3A, %logistic3A_46 : f32
    %mul3A_53 = vector.broadcast %sub3A_52 : f32 to vector<400x128xf32>
    %mul3A_54 = arith.mulf %get3A_51, %mul3A_53 : vector<400x128xf32>
    %add3A_55 = arith.addf %mul3A_48, %mul3A_54 : vector<400x128xf32>
    %reduce_sum3A = arith.constant dense<0.000000e+00> : vector<400xf32>
    %reduce_sum3A_56 = vector.multi_reduction <add>, %add3A_55, %reduce_sum3A [1] : vector<400x128xf32> to vector<400xf32>
    %broadcast_in_dim3A = vector.shape_cast %reduce_sum3A_56 : vector<400xf32> to vector<400x1xf32>
    %div3A_57 = arith.constant 1.280000e+02 : f32
    %div3A_58 = vector.broadcast %div3A_57 : f32 to vector<400x1xf32>
    %div3A_59 = arith.divf %broadcast_in_dim3A, %div3A_58 : vector<400x1xf32>
    %sub3A_60 = vector.broadcast %div3A_59 : vector<400x1xf32> to vector<400x128xf32>
    %sub3A_61 = arith.subf %add3A_55, %sub3A_60 : vector<400x128xf32>
    %mul3A_62 = arith.mulf %sub3A_61, %sub3A_61 : vector<400x128xf32>
    %reduce_sum3A_63 = arith.constant dense<0.000000e+00> : vector<400xf32>
    %reduce_sum3A_64 = vector.multi_reduction <add>, %mul3A_62, %reduce_sum3A_63 [1] : vector<400x128xf32> to vector<400xf32>
    %broadcast_in_dim3A_65 = vector.shape_cast %reduce_sum3A_64 : vector<400xf32> to vector<400x1xf32>
    %div3A_66 = arith.constant 1.280000e+02 : f32
    %div3A_67 = vector.broadcast %div3A_66 : f32 to vector<400x1xf32>
    %div3A_68 = arith.divf %broadcast_in_dim3A_65, %div3A_67 : vector<400x1xf32>
    %add3A_69 = arith.constant 9.99999974E-6 : f32
    %add3A_70 = vector.broadcast %add3A_69 : f32 to vector<400x1xf32>
    %add3A_71 = arith.addf %div3A_68, %add3A_70 : vector<400x1xf32>
    %rsqrt3A = math.rsqrt %add3A_71 : vector<400x1xf32>
    %mul3A_72 = vector.broadcast %rsqrt3A : vector<400x1xf32> to vector<400x128xf32>
    %mul3A_73 = arith.mulf %sub3A_61, %mul3A_72 : vector<400x128xf32>
    %get3A_74 = arith.constant 0 : index
    %get3A_75 = arith.constant 0 : index
    %get3A_76 = vector.load %arg7[%get3A_74, %get3A_75] : memref<1x128xf32, #tpu.memory_space<vmem>>, vector<1x128xf32>
    %mul3A_77 = vector.broadcast %get3A_76 : vector<1x128xf32> to vector<400x128xf32>
    %mul3A_78 = arith.mulf %mul3A_73, %mul3A_77 : vector<400x128xf32>
    %get3A_79 = arith.constant 0 : index
    %get3A_80 = arith.constant 0 : index
    %get3A_81 = vector.load %arg8[%get3A_79, %get3A_80] : memref<1x128xf32, #tpu.memory_space<vmem>>, vector<1x128xf32>
    %add3A_82 = vector.broadcast %get3A_81 : vector<1x128xf32> to vector<400x128xf32>
    %add3A_83 = arith.addf %mul3A_78, %add3A_82 : vector<400x128xf32>
    %get3A_84 = arith.constant 0 : index
    %get3A_85 = arith.constant 0 : index
    %get3A_86 = vector.load %arg9[%get3A_84, %get3A_85] : memref<128x128xf32, #tpu.memory_space<vmem>>, vector<128x128xf32>
    %dot_general3A_87 = arith.constant dense<0.000000e+00> : vector<400x128xf32>
    %dot_general3A_88 = tpu.matmul %add3A_83, %get3A_86, %dot_general3A_87 {dimension_numbers = #tpu.dot_dimension_numbers<[1], [0], [0], [1], [0, 0, 1, 1], [], []>, transpose_lhs_hint = false} : vector<400x128xf32>, vector<128x128xf32>, vector<400x128xf32> -> vector<400x128xf32>
    %get3A_89 = arith.constant 0 : index
    %get3A_90 = arith.constant 0 : index
    %get3A_91 = vector.load %arg10[%get3A_89, %get3A_90] : memref<1x128xf32, #tpu.memory_space<vmem>>, vector<1x128xf32>
    %add3A_92 = vector.broadcast %get3A_91 : vector<1x128xf32> to vector<400x128xf32>
    %add3A_93 = arith.addf %dot_general3A_88, %add3A_92 : vector<400x128xf32>
    %swap3A = arith.constant 0 : index
    %swap3A_94 = arith.constant 0 : index
    %swap3A_95 = vector.load %arg12[%swap3A, %swap3A_94] : memref<400x128xf32, #tpu.memory_space<vmem>>, vector<400x128xf32>
    tpu.vector_store %arg12[%swap3A, %swap3A_94], %add3A_93 {strides = array<i32>} : memref<400x128xf32, #tpu.memory_space<vmem>>, vector<400x128xf32>,
    return
  }
  func.func @transform_0(%arg0: i32) -> (i32, i32, i32) {
    %c0_i32 = arith.constant 0 : i32
    %c0_i32_0 = arith.constant 0 : i32
    %c0_i32_1 = arith.constant 0 : i32
    return %c0_i32, %arg0, %c0_i32_0 : i32, i32, i32
  }
  func.func @transform_1(%arg0: i32) -> (i32, i32, i32) {
    %c0_i32 = arith.constant 0 : i32
    %c0_i32_0 = arith.constant 0 : i32
    %c0_i32_1 = arith.constant 0 : i32
    return %c0_i32, %arg0, %c0_i32_0 : i32, i32, i32
  }
  func.func @transform_2(%arg0: i32) -> (i32, i32) {
    %c0_i32 = arith.constant 0 : i32
    %c0_i32_0 = arith.constant 0 : i32
    return %arg0, %c0_i32 : i32, i32
  }
  func.func @transform_3(%arg0: i32) -> (i32, i32) {
    %c0_i32 = arith.constant 0 : i32
    %c0_i32_0 = arith.constant 0 : i32
    %c0_i32_1 = arith.constant 0 : i32
    return %c0_i32, %c0_i32_0 : i32, i32
  }
  func.func @transform_4(%arg0: i32) -> (i32, i32) {
    %c0_i32 = arith.constant 0 : i32
    %c0_i32_0 = arith.constant 0 : i32
    %c0_i32_1 = arith.constant 0 : i32
    return %c0_i32, %c0_i32_0 : i32, i32
  }
  func.func @transform_5(%arg0: i32) -> (i32, i32) {
    %c0_i32 = arith.constant 0 : i32
    %c0_i32_0 = arith.constant 0 : i32
    %c0_i32_1 = arith.constant 0 : i32
    return %c0_i32, %c0_i32_0 : i32, i32
  }
  func.func @transform_6(%arg0: i32) -> (i32, i32) {
    %c0_i32 = arith.constant 0 : i32
    %c0_i32_0 = arith.constant 0 : i32
    %c0_i32_1 = arith.constant 0 : i32
    return %c0_i32, %c0_i32_0 : i32, i32
  }
  func.func @transform_7(%arg0: i32) -> (i32, i32) {
    %c0_i32 = arith.constant 0 : i32
    %c0_i32_0 = arith.constant 0 : i32
    %c0_i32_1 = arith.constant 0 : i32
    return %c0_i32, %c0_i32_0 : i32, i32
  }
  func.func @transform_8(%arg0: i32) -> (i32, i32) {
    %c0_i32 = arith.constant 0 : i32
    %c0_i32_0 = arith.constant 0 : i32
    %c0_i32_1 = arith.constant 0 : i32
    return %c0_i32, %c0_i32_0 : i32, i32
  }
  func.func @transform_9(%arg0: i32) -> (i32, i32) {
    %c0_i32 = arith.constant 0 : i32
    %c0_i32_0 = arith.constant 0 : i32
    %c0_i32_1 = arith.constant 0 : i32
    return %c0_i32, %c0_i32_0 : i32, i32
  }
  func.func @transform_10(%arg0: i32) -> (i32, i32) {
    %c0_i32 = arith.constant 0 : i32
    %c0_i32_0 = arith.constant 0 : i32
    %c0_i32_1 = arith.constant 0 : i32
    return %c0_i32, %c0_i32_0 : i32, i32
  }
  func.func @transform_11(%arg0: i32) -> (i32, i32) {
    %c0_i32 = arith.constant 0 : i32
    %c0_i32_0 = arith.constant 0 : i32
    return %arg0, %c0_i32 : i32, i32
  }
}

</mosaic_0001>

<sc_bundles>
// kernel: kernel.5.cloned.1.call-start
scs
__scs_entry_jumppad:
0x0: {  	(pc) =	sbr.rel $0x88, $3  }
0x1: {  	(tag) =	ssettag $0x0;
	lr =	simm.s32 $0x1  }
0x2: {  	[smem:$0x3F8D] =	sst lr;
	_ =	strace $0xD0000000  }
0x3: {  	_ = 	snop  }
0x4: {  	_ = 	snop  }
0x5: {  	_ = 	snop  }
0x6: {  	_ = 	snop  }
0x7: {  	_ = 	snop  }
__scs_overlays_trampoline_lowered:
0x8: {  	[smem:$0x3F9C] =	sst s0  }
0x9: {  	[smem:$0x3F9D] =	sst s1  }
0xa: {  	[smem:$0x3F9E] =	sst s2  }
0xb: {  	[smem:$0x3F9F] =	sst s3  }
0xc: {  	[smem:$0x3FA0] =	sst s4  }
0xd: {  	[smem:$0x3FA1] =	sst s5  }
0xe: {  	[smem:$0x3FA2] =	sst s6  }
0xf: {  	[smem:$0x3FA3] =	sst s7  }
0x10: {  	[smem:$0x3FA4] =	sst s8  }
0x11: {  	[smem:$0x3FA5] =	sst s9;
	s0 =	simm.s32 @!p0 $0x0  }
0x12: {  	s1 =	sld [smem:$0x3F8B];
	s0 =	simm.s32 @p0 $0x1  }
0x13: {  	[smem:$0x3FA6] =	sst s0;
	s0 =	simm.s32 @!p1 $0x0  }
0x14: {  	s2 =	sld [smem:$0x3F8A];
	s0 =	simm.s32 @p1 $0x1  }
0x15: {  	[smem:$0x3FA7] =	sst s0;
	s0 =	simm.s32 @!p2 $0x0  }
0x16: {  	s3 =	sld [smem:$0x3FDB];
	s0 =	simm.s32 @p2 $0x1  }
0x17: {  	s4 =	simm.s32 $0x1BF5;
	[smem:$0x3FA9] =	sst s0  }
0x18: {  	s0 =	sld [smem:$0x3F8C];
	_ =	swait.ge [sflag:s4], $0x0  }
0x19: {  	s7 =	sld [smem:$0x3F8D]  }
0x1a: {  	s8 =	sadd.s32 $0xFFFFE003, lr  }
0x1b: {  	s9 =	sadd.s32 $0xFFFFFEF7, lr;
	s5 =	simm.s32 $0xFFFFFFFF;
	p2 =	slt.u32 s8, $0xFFFFF086  }
0x1c: {  	p1 =	slt.u32 s9, $0xF7A;
	s5 =	simm.s32 @!p2 $0x0  }
0x1d: {  	s5 =	simm.s32 @p1 $0x1;
	p0 =	seq.s32 s7, s2  }
0x1e: {  	s7 =	smul.u32 @!p0 $0xF7A, s2;
	p2 =	seq.s32 @!p0 s5, $0x0  }
0x1f: {  	s9 =	smul.u32 $0xF7A, s1;
	s8 =	simm.s32 @!p0 $0x1BF5;
	p2 =	por !p2, p0  }
0x20: {  	[sflag:s8] =	ssyncset.s32 @!p0 $0xFFFFF086;
	s6 =	sadd.s32 @!p0 s3, s7;
	s7 =	simm.s32 @!p0 $0x108  }
0x21: {  	s3 =	sadd.s32 s3, s9;
	s6 =	sadd.s32 @!p0 $0x88, s6;
	s7 =	simm.s32 @p2 $0x1082  }
0x22: {  	[simem:s7], [sflag:s8] =	dma.local @!p0 [hbm:s6], $0xF7A  }
0x23: {  	s9 =	sor.u32 $0xD0000000, s2;
	s6 =	simm.s32 $0x108;
	_ =	swait.ge @!p0 [sflag:s8], $0x0  }
0x24: {  	s3 =	sadd.s32 $0x88, s3;
	s6 =	simm.s32 @!p1 $0x1082;
	[sflag:s4] =	ssyncset.s32 $0xFFFFF086  }
0x25: {  	[simem:s6], [sflag:s4] =	dma.local [hbm:s3], $0xF7A  }
0x26: {  	[smem:$0x3F8D] =	sst s1;
	(tag) =	ssettag s2;
	_ =	strace s9  }
0x27: {  	s1 =	sld [smem:$0x3F9D]  }
0x28: {  	s2 =	sld [smem:$0x3F9E]  }
0x29: {  	s4 =	sld [smem:$0x3FA0]  }
0x2a: {  	p0 =	seq.s32 s5, $0x0;
	s5 =	sld [smem:$0x3FA1]  }
0x2b: {  	s6 =	sld [smem:$0x3FA2]  }
0x2c: {  	s7 =	sld [smem:$0x3FA3]  }
0x2d: {  	s3 =	simm.s32 $0x108;
	s8 =	sld [smem:$0x3FA4]  }
0x2e: {  	s3 =	simm.s32 @!p0 $0x1082;
	s9 =	sld [smem:$0x3FA5]  }
0x2f: {  	lr =	sadd.s32 s0, s3;
	s0 =	sld [smem:$0x3F9C]  }
0x30: {  	s3 =	sld [smem:$0x3F9F]  }
0x31: {  	[smem:$0x3FA8] =	sst s10  }
0x32: {  	s10 =	sld [smem:$0x3FA6];
	_ =	sdelay $0x3  }
0x33: {  	p0 =	seq.s32 s10, $0x1;
	s10 =	sld [smem:$0x3FA8];
	_ =	sdelay $0x3  }
0x34: {  	[smem:$0x3FA8] =	sst s10  }
0x35: {  	s10 =	sld [smem:$0x3FA7];
	_ =	sdelay $0x3  }
0x36: {  	p1 =	seq.s32 s10, $0x1;
	s10 =	sld [smem:$0x3FA8];
	_ =	sdelay $0x3  }
0x37: {  	[smem:$0x3FA8] =	sst s10  }
0x38: {  	s10 =	sld [smem:$0x3FA9]  }
0x39: {  	_ = 	snop;
	(pc) =	sbr.ind lr, $3  }
0x3a: {  	_ = 	snop  }
0x3b: {  	_ = 	snop  }
0x3c: {  	p2 =	seq.s32 s10, $0x1;
	s10 =	sld [smem:$0x3FA8]  }
0x3d: {  	_ =	shalt  }
0x3e: {  	_ =	shalt  }
0x3f: {  	_ =	shalt  }
0x40: {  	_ =	shalt  }
0x41: {  	_ =	shalt  }
0x42: {  	_ =	shalt  }
0x43: {  	_ =	shalt  }
0x44: {  	_ =	shalt  }
0x45: {  	_ =	shalt  }
0x46: {  	_ =	shalt  }
0x47: {  	_ =	shalt  }
0x48: {  	_ =	shalt  }
0x49: {  	_ =	shalt  }
0x4a: {  	_ =	shalt  }
0x4b: {  	_ =	shalt  }
0x4c: {  	_ =	shalt  }
0x4d: {  	_ =	shalt  }
0x4e: {  	_ =	shalt  }
0x4f: {  	_ =	shalt  }
0x50: {  	_ =	shalt  }
0x51: {  	_ =	shalt  }
0x52: {  	_ =	shalt  }
0x53: {  	_ =	shalt  }
0x54: {  	_ =	shalt  }
0x55: {  	_ =	shalt  }
0x56: {  	_ =	shalt  }
0x57: {  	_ =	shalt  }
0x58: {  	_ =	shalt  }
0x59: {  	_ =	shalt  }
0x5a: {  	_ =	shalt  }
0x5b: {  	_ =	shalt  }
0x5c: {  	_ =	shalt  }
0x5d: {  	_ =	shalt  }
0x5e: {  	_ =	shalt  }
0x5f: {  	_ =	shalt  }
0x60: {  	_ =	shalt  }
0x61: {  	_ =	shalt  }
0x62: {  	_ =	shalt  }
0x63: {  	_ =	shalt  }
0x64: {  	_ =	shalt  }
0x65: {  	_ =	shalt  }
0x66: {  	_ =	shalt  }
0x67: {  	_ =	shalt  }
0x68: {  	_ =	shalt  }
0x69: {  	_ =	shalt  }
0x6a: {  	_ =	shalt  }
0x6b: {  	_ =	shalt  }
0x6c: {  	_ =	shalt  }
0x6d: {  	_ =	shalt  }
0x6e: {  	_ =	shalt  }
0x6f: {  	_ =	shalt  }
0x70: {  	_ =	shalt  }
0x71: {  	_ =	shalt  }
0x72: {  	_ =	shalt  }
0x73: {  	_ =	shalt  }
0x74: {  	_ =	shalt  }
0x75: {  	_ =	shalt  }
0x76: {  	_ =	shalt  }
0x77: {  	_ =	shalt  }
0x78: {  	_ =	shalt  }
0x79: {  	_ =	shalt  }
0x7a: {  	_ =	shalt  }
0x7b: {  	_ =	shalt  }
0x7c: {  	_ =	shalt  }
0x7d: {  	_ =	shalt  }
0x7e: {  	_ =	shalt  }
0x7f: {  	_ =	shalt  }
0x80: {  	_ =	shalt  }
0x81: {  	_ =	shalt  }
0x82: {  	_ =	shalt  }
0x83: {  	_ =	shalt  }
0x84: {  	_ =	shalt  }
0x85: {  	_ =	shalt  }
0x86: {  	_ =	shalt  }
0x87: {  	_ =	shalt  }
.Lfunc_end0:
.L_simem_size_0:
called_computation_lowered:
.L_overlay_start_0:
0x88: {  	s2 =	sld [smem:$0x3FD9]  }
0x89: {  	s3 =	sld [smem:$0x3FFE];
	_ =	sdelay $0x1  }
0x8a: {  	s1 =	srdreg.scid  }
0x8b: {  	s0 =	sand.u32 $0x1, s1  }
0x8c: {  	s17 =	sshll.u32 s0, $0xA;
	s2 =	sadd.s32 s3, s2  }
0x8d: {  	s2 =	sadd.s32 s2, s17  }
0x8e: {  	[smem:$0x3FB4] =	sst s2  }
0x8f: {  	_ = 	snop  }
0x90: {  	s2 =	sld [smem:$0x3FD0];
	(tm) =	ssettm $0x1  }
0x91: {  	s18 =	sld [smem:$0x3FFB];
	_ =	sdelay $0x3  }
0x92: {  	_ =	strace s18  }
0x93: {  	s3 =	sld [smem:$0x3FFC];
	_ =	sdelay $0x3  }
0x94: {  	_ =	strace s3  }
0x95: {  	s3 =	sld [smem:$0x3FFD];
	_ =	sdelay $0x3  }
0x96: {  	_ =	strace s3  }
0x97: {  	_ =	strace $0x8FFFFFFF  }
0x98: {  	s19 =	sld [smem:$0x3FDB];
	_ =	sdelay $0x1  }
0x99: {  	s4 =	simm.s32 $_scs_section_size  }
0x9a: {  	s5 =	simm.s32 $_size__tile_overlayer_lowered;
	s6 =	simm.s32 $_tile_overlayer_lowered  }
0x9b: {  	s22 =	simm.s32 $0x1BFF;
	s21 =	sshll.u32 s6, $0x1;
	s3 =	sadd.s32 s4, s19  }
0x9c: {  	s7 =	simm.s32 $0x0;
	s20 =	sshll.u32 s5, $0x1;
	s5 =	sadd.s32 s21, s3  }
0x9d: {  	[timem:s7], [sflag:s22] =	dma.local [hbm:s5], s20  }
0x9e: {  	_ =	swait.ge [sflag:s22], s20  }
0x9f: {  	s4 =	ssub.s32 $0x0, s20;
	[sflag:s22] =	ssyncset.done $0x0  }
0xa0: {  	[sflag:s22] =	ssyncadd.s32 s4;
	_ =	sdelay $0x1  }
0xa1: {  	s23 =	simm.s32 $0x1B8B  }
0xa2: {  	_ =	swait.ge [sflag:s23], $0x1  }
0xa3: {  	[sflag:s23] =	ssyncset.done $0x0  }
0xa4: {  	s25 =	simm.s32 $0x1B8E;
	s24 =	sld [smem:$0x3FFE];
	[sflag:s23] =	ssyncadd.s32 $0xFFFFFFFF  }
0xa5: {  	s26 =	simm.s32 $execute0_lowered;
	[smem:$0x3FD2] =	sst s25  }
0xa6: {  	s5 =	sshll.u32 s26, $0x1;
	_ =	strace $0x80000046;
	[dreg:$0x1] =	wrdreg $0xFFFFFFFF  }
0xa7: {  	s28 =	simm.s32 $_size_execute0_lowered;
	s3 =	sadd.s32 s3, s5;
	[dreg:$0x0] =	wrdreg $0x0  }
0xa8: {  	s5 =	sshll.u32 s28, $0x1;
	[dreg:$0x2] =	wrdreg s3  }
0xa9: {  	[dreg:$0x3] =	wrdreg s5  }
0xaa: {  	[dreg:$0x4] =	wrdreg $0xC0  }
0xab: {  	_ =	task [dreg:s7], $0x5FFFF  }
0xac: {  	[dreg:$0x1] =	wrdreg $0xFFFFFFFF  }
0xad: {  	[dreg:$0x0] =	wrdreg $0x60  }
0xae: {  	[dreg:$0x2] =	wrdreg s2  }
0xaf: {  	[dreg:$0x3] =	wrdreg s24  }
0xb0: {  	[dreg:$0x4] =	wrdreg $0xA3200  }
0xb1: {  	[dreg:$0x5] =	wrdreg $0x1DBA00  }
0xb2: {  	[dreg:$0x6] =	wrdreg $0x9  }
0xb3: {  	_ =	task.clear_ibuf [dreg:s7], $0x7FFFF;
	_ =	strace $0x90000046  }
0xb4: {  	s29 =	simm.s32 $0x9;
	_ =	strace $0x80000048  }
0xb5: {  	_ =	swait.ge [sflag:s29], $0x1  }
0xb6: {  	[sflag:s29] =	ssyncadd.s32 $0xFFFFFFFF  }
0xb7: {  	_ =	strace $0x90000048  }
0xb8: {  	_ =	sfence  }
0xb9: {  	s30 =	sld [smem:$0x0];
	_ =	sdelay $0x2  }
0xba: {  	s31 =	sshll.u32 s1, $0xD;
	s1 =	sshrl.u32 s1, $0x2  }
0xbb: {  	s3 =	sand.u32 $0x4000, s31;
	s1 =	sadd.s32 s1, s30  }
0xbc: {  	s0 =	sor.u32 s3, s0;
	s1 =	sshll.u32 s1, $0x11  }
0xbd: {  	s0 =	sor.u32 s1, s0  }
0xbe: {  	s0 =	sadd.s32 $0x8F2B, s0  }
0xbf: {  	[sflag:s0] =	ssyncadd.remote.s32 $0x1  }
0xc0: {  	_ =	sfence.sel $0xFFFF  }
0xc1: {  	[dreg:$0x0] =	wrdreg $0xFFFFFFFF;
	(pc) =	sbr.abs _section_cstart, $3  }
0xc2: {  	[dreg:$0x1] =	wrdreg $0xFFFFFFFF  }
0xc3: {  	_ =	task.clear_ibuf [dreg:s7], $0x2FFFF;
	_ =	strace $0x9FFFFFFF  }
0xc4: {  	(tm) =	ssettm $0x7FFFFFFF  }
0xc5: {  	_ =	shalt  }
tec
execute0_lowered:
.L_overlay_start_1:
0x0: {  	(tag) =	ssettag $0x1  }
0x1: {  	s0 =	rddreg [dreg:$0x1]  }
0x2: {  	s12 =	rddreg [dreg:$0x2]  }
0x3: {  	s13 =	rddreg [dreg:$0x3];
	s14 =	simm.s32 $0x0;
	s22 =	srdreg.scid  }
0x4: {  	s15 =	stileid.u32;
	[smem:$0x7FF] =	sst s14;
	s1 =	sadd.s32 $0x50600, s0  }
0x5: {  	s21 =	sadd.s32 $0xC200, s0;
	s2 =	sadd.s32 $0x2400, s0;
	s3 =	sand.u32 $0x1, s22  }
0x6: {  	s4 =	sadd.s32 $0x9E800, s0;
	s5 =	smul.u32 $0x13800, s15;
	s7 =	sshll.u32 s15, $0x1  }
0x7: {  	s8 =	smul.u32 $0x1380, s15;
	_ =	strace $0x80000047;
	[dreg:$0x6] =	wrdreg s1  }
0x8: {  	s9 =	sadd.s32 $0x16000, s0;
	p0 =	sne.s32 s15, $0x0;
	[dreg:$0x7] =	wrdreg s21  }
0x9: {  	[dreg:$0x8] =	wrdreg s2;
	s2 =	smul.u32 $0x270, s15;
	s1 =	ssub.s32 $0x2, s3  }
0xa: {  	s11 =	smul.u32 $0x138800, s3;
	s6 =	sshrl.u32 s1, $0x1;
	s18 =	sadd.s32 s5, s12  }
0xb: {  	s19 =	sadd.s32 s8, s13;
	s0 =	ssub.s32 s1, s6;
	s1 =	sor.u32 s3, s7  }
0xc: {  	s23 =	sadd.s32 $0x50, s2;
	s10 =	sadd.s32 $0xA0, s2;
	s28 =	sadd.s32 $0xF0, s2  }
0xd: {  	s5 =	sadd.s32 s5, s11;
	s3 =	smul.u32 $0x13880, s3;
	s11 =	sshrl.u32 s11, $0x3  }
0xe: {  	s16 =	sadd.s32 $0x140, s2;
	s20 =	sadd.s32 $0x190, s2;
	[dreg:$0x9] =	wrdreg s18  }
0xf: {  	[dreg:$0xa] =	wrdreg s19;
	s24 =	sshll.u32 s23, $0x7;
	s6 =	sshll.u32 s23, $0x3  }
0x10: {  	s25 =	sshll.u32 s10, $0x7;
	s26 =	sshll.u32 s10, $0x3;
	s0 =	smax.u32 s0, $0x1  }
0x11: {  	s30 =	sshll.u32 s28, $0x7;
	s7 =	sadd.s32 s24, s12;
	[dreg:$0x1e] =	wrdreg s0  }
0x12: {  	s31 =	sshll.u32 s28, $0x3;
	s6 =	sadd.s32 s6, s13;
	[dreg:$0xb] =	wrdreg s7  }
0x13: {  	s5 =	sshrl.u32 s5, $0x3;
	s29 =	sadd.s32 s26, s13;
	[dreg:$0xc] =	wrdreg s6  }
0x14: {  	s1 =	smul.u32 $0x2710, s1;
	s5 =	sadd.s32 s4, s5;
	[dreg:$0xe] =	wrdreg s29  }
0x15: {  	s10 =	sadd.s32 s8, s3;
	s4 =	sadd.s32 s4, s11;
	[dreg:$0x11] =	wrdreg s5  }
0x16: {  	s24 =	sadd.s32 $0x1E0, s2;
	s6 =	sadd.s32 s25, s12;
	[dreg:$0x1b] =	wrdreg s1  }
0x17: {  	v0 =	vlaneseq.u32;
	s2 =	sadd.s32 $0x230, s2;
	s7 =	sadd.s32 s31, s13;
	[dreg:$0xd] =	wrdreg s6  }
0x18: {  	v1 =	vmul.u32 $0x8, v0;
	s5 =	sshrl.u32 s10, $0x3;
	s6 =	sadd.s32 s30, s12;
	[dreg:$0x10] =	wrdreg s7  }
0x19: {  	v2 =	vimm.f32 $0.0e+00;
	s28 =	sshll.u32 s2, $0x7;
	s5 =	sadd.s32 s9, s5;
	[dreg:$0xf] =	wrdreg s6  }
0x1a: {  	v3 =	vor.u32 $0x1, v1;
	v4 =	vor.u32 $0x2, v1;
	v5 =	vor.u32 $0x3, v1;
	s2 =	sshll.u32 s2, $0x3;
	s29 =	sadd.s32 s28, s12;
	[dreg:$0x12] =	wrdreg s5  }
0x1b: {  	v6 =	vor.u32 $0x4, v1;
	v7 =	vor.u32 $0x5, v1;
	v8 =	vor.u32 $0x6, v1;
	s3 =	sshrl.u32 s3, $0x3;
	s2 =	sadd.s32 s2, s13;
	[dreg:$0x19] =	wrdreg s29  }
0x1c: {  	v9 =	vor.u32 $0x7, v1;
	v10 =	vor.u32 $0x80, v1;
	v11 =	vor.u32 $0x81, v1;
	s3 =	sadd.s32 s9, s3;
	s30 =	sadd.s32 $0x27000, s4;
	[dreg:$0x1a] =	wrdreg s2  }
0x1d: {  	v12 =	vor.u32 $0x82, v1;
	v13 =	vor.u32 $0x83, v1;
	v14 =	vor.u32 $0x84, v1;
	s17 =	sshll.u32 s16, $0x7;
	s31 =	sadd.s32 $0x2700, s3;
	[dreg:$0x1c] =	wrdreg s30  }
0x1e: {  	v15 =	vor.u32 $0x85, v1;
	v16 =	vor.u32 $0x86, v1;
	v17 =	vor.u32 $0x87, v1;
	s22 =	sshll.u32 s20, $0x7;
	s4 =	sadd.s32 $0x138000, s12;
	[dreg:$0x1d] =	wrdreg s31  }
0x1f: {  	v18 =	vor.u32 $0x100, v1;
	v19 =	vor.u32 $0x101, v1;
	v20 =	vor.u32 $0x102, v1;
	s6 =	sshll.u32 s16, $0x3;
	s5 =	sadd.s32 s17, s12;
	[dreg:$0x1f] =	wrdreg s4  }
0x20: {  	v21 =	vor.u32 $0x103, v1;
	v22 =	vor.u32 $0x104, v1;
	v23 =	vor.u32 $0x105, v1;
	s23 =	sshll.u32 s20, $0x3;
	[dreg:$0x13] =	wrdreg s5;
	s21 =	sadd.s32 s6, s13  }
0x21: {  	v24 =	vor.u32 $0x106, v1;
	v25 =	vor.u32 $0x107, v1;
	v26 =	vor.u32 $0x180, v1;
	s8 =	simm.s32 $0x1;
	s5 =	sadd.s32 s22, s12;
	[dreg:$0x14] =	wrdreg s21  }
0x22: {  	v27 =	vor.u32 $0x181, v1;
	v28 =	vor.u32 $0x182, v1;
	v29 =	vor.u32 $0x183, v1;
	s25 =	sshll.u32 s24, $0x7;
	[dreg:$0x15] =	wrdreg s5;
	s5 =	sadd.s32 s23, s13  }
0x23: {  	v30 =	vor.u32 $0x184, v1;
	v31 =	vor.u32 $0x185, v1;
	v32 =	vor.u32 $0x186, v1;
	s26 =	sshll.u32 s24, $0x3;
	[dreg:$0x16] =	wrdreg s5;
	s5 =	sadd.s32 s25, s12  }
0x24: {  	v33 =	vor.u32 $0x187, v1;
	v34 =	vor.u32 $0x200, v1;
	v35 =	vor.u32 $0x201, v1;
	s7 =	simm.s32 $0x50;
	[dreg:$0x17] =	wrdreg s5;
	s5 =	sadd.s32 s26, s13  }
0x25: {  	v36 =	vor.u32 $0x202, v1;
	v37 =	vor.u32 $0x203, v1;
	v38 =	vor.u32 $0x204, v1;
	s16 =	simm.s32 $0xA0;
	[dreg:$0x18] =	wrdreg s5;
	s5 =	sadd.s32 $0x13800, s13  }
0x26: {  	v39 =	vor.u32 $0x205, v1;
	v40 =	vor.u32 $0x206, v1;
	v41 =	vor.u32 $0x207, v1;
	s17 =	simm.s32 $0x28A0;
	s6 =	simm.s32 $0x2;
	[smem:$0x7FD] =	sst s5  }
.LBB2_1:
0x27: {  	[dreg:$0x5] =	wrdreg s14;
	s0 =	simm.s32 $0x0;
	s1 =	simm.s32 $0x200  }
.LBB2_2:
0x28: {  	p1 =	sne.s32 s1, $0x9E00;
	[tilespmem:s0+$0x7910] =	vst v2  }
0x29: {  	[tilespmem:s0+$0x78A0] =	vst v2  }
0x2a: {  	[tilespmem:s0+$0x78B0] =	vst v2  }
.Ltmp0:
0x2b: {  	[tilespmem:s0+$0x78C0] =	vst v2;
	(pc) =	sbr.rel @p1 .LBB2_2-.Ltmp0, $4  }
0x2c: {  	[tilespmem:s0+$0x78D0] =	vst v2  }
0x2d: {  	[tilespmem:s0+$0x78E0] =	vst v2  }
0x2e: {  	[tilespmem:s0+$0x78F0] =	vst v2  }
0x2f: {  	[tilespmem:s0+$0x7900] =	vst v2;
	s0 =	sshra.s32 s1, $0x2;
	s1 =	sadd.s32 $0x200, s1  }
0x30: {  	[tilespmem:s0+$0x7910] =	vst v2  }
0x31: {  	[tilespmem:s0+$0x78A0] =	vst v2  }
0x32: {  	[tilespmem:s0+$0x78B0] =	vst v2  }
0x33: {  	[tilespmem:s0+$0x78C0] =	vst v2  }
0x34: {  	[tilespmem:s0+$0x78D0] =	vst v2  }
0x35: {  	[tilespmem:s0+$0x78E0] =	vst v2  }
0x36: {  	[tilespmem:s0+$0x78F0] =	vst v2  }
0x37: {  	[tilespmem:s0+$0x7900] =	vst v2;
	s2 =	simm.s32 $0xA0A0  }
0x38: {  	[tilespmem:v1+s2+$0x0] =	vst.idx.msk $0xffff, v2  }
0x39: {  	[tilespmem:v3+s2+$0x0] =	vst.idx.msk $0xffff, v2  }
0x3a: {  	[tilespmem:v4+s2+$0x0] =	vst.idx.msk $0xffff, v2  }
0x3b: {  	[tilespmem:v5+s2+$0x0] =	vst.idx.msk $0xffff, v2  }
0x3c: {  	[tilespmem:v6+s2+$0x0] =	vst.idx.msk $0xffff, v2  }
0x3d: {  	[tilespmem:v7+s2+$0x0] =	vst.idx.msk $0xffff, v2  }
0x3e: {  	[tilespmem:v8+s2+$0x0] =	vst.idx.msk $0xffff, v2  }
0x3f: {  	[tilespmem:v9+s2+$0x0] =	vst.idx.msk $0xffff, v2  }
0x40: {  	[tilespmem:v10+s2+$0x0] =	vst.idx.msk $0xffff, v2  }
0x41: {  	[tilespmem:v11+s2+$0x0] =	vst.idx.msk $0xffff, v2  }
0x42: {  	[tilespmem:v12+s2+$0x0] =	vst.idx.msk $0xffff, v2  }
0x43: {  	[tilespmem:v13+s2+$0x0] =	vst.idx.msk $0xffff, v2  }
0x44: {  	[tilespmem:v14+s2+$0x0] =	vst.idx.msk $0xffff, v2  }
0x45: {  	[tilespmem:v15+s2+$0x0] =	vst.idx.msk $0xffff, v2  }
0x46: {  	[tilespmem:v16+s2+$0x0] =	vst.idx.msk $0xffff, v2  }
0x47: {  	[tilespmem:v17+s2+$0x0] =	vst.idx.msk $0xffff, v2  }
0x48: {  	[tilespmem:v18+s2+$0x0] =	vst.idx.msk $0xffff, v2  }
0x49: {  	[tilespmem:v19+s2+$0x0] =	vst.idx.msk $0xffff, v2  }
0x4a: {  	[tilespmem:v20+s2+$0x0] =	vst.idx.msk $0xffff, v2  }
0x4b: {  	[tilespmem:v21+s2+$0x0] =	vst.idx.msk $0xffff, v2  }
0x4c: {  	[tilespmem:v22+s2+$0x0] =	vst.idx.msk $0xffff, v2  }
0x4d: {  	[tilespmem:v23+s2+$0x0] =	vst.idx.msk $0xffff, v2  }
0x4e: {  	[tilespmem:v24+s2+$0x0] =	vst.idx.msk $0xffff, v2  }
0x4f: {  	[tilespmem:v25+s2+$0x0] =	vst.idx.msk $0xffff, v2  }
0x50: {  	[tilespmem:v26+s2+$0x0] =	vst.idx.msk $0xffff, v2  }
0x51: {  	[tilespmem:v27+s2+$0x0] =	vst.idx.msk $0xffff, v2  }
0x52: {  	[tilespmem:v28+s2+$0x0] =	vst.idx.msk $0xffff, v2  }
0x53: {  	[tilespmem:v29+s2+$0x0] =	vst.idx.msk $0xffff, v2  }
0x54: {  	[tilespmem:v30+s2+$0x0] =	vst.idx.msk $0xffff, v2  }
0x55: {  	[tilespmem:v31+s2+$0x0] =	vst.idx.msk $0xffff, v2  }
0x56: {  	[tilespmem:v32+s2+$0x0] =	vst.idx.msk $0xffff, v2  }
0x57: {  	[tilespmem:v33+s2+$0x0] =	vst.idx.msk $0xffff, v2  }
0x58: {  	[tilespmem:v34+s2+$0x0] =	vst.idx.msk $0xffff, v2  }
0x59: {  	[tilespmem:v35+s2+$0x0] =	vst.idx.msk $0xffff, v2  }
0x5a: {  	[tilespmem:v36+s2+$0x0] =	vst.idx.msk $0xffff, v2  }
0x5b: {  	[tilespmem:v37+s2+$0x0] =	vst.idx.msk $0xffff, v2  }
0x5c: {  	[tilespmem:v38+s2+$0x0] =	vst.idx.msk $0xffff, v2  }
0x5d: {  	[tilespmem:v39+s2+$0x0] =	vst.idx.msk $0xffff, v2  }
0x5e: {  	[tilespmem:v40+s2+$0x0] =	vst.idx.msk $0xffff, v2  }
0x5f: {  	s1 =	simm.s32 $0x78A0;
	[tilespmem:v41+s2+$0x0] =	vst.idx.msk $0xffff, v2  }
0x60: {  	[spmem:s18] =	stream.linear.scatter [tilespmem:s1], [sflag:$0x2], $0x2800, $0x38;
	[tilespmem:$0x1EF28] =	vst v63  }
0x61: {  	_ =	swait.ge [sflag:s6], $0x2800  }
0x62: {  	[sflag:s6] =	ssyncset.done $0x0  }
0x63: {  	[sflag:s6] =	ssyncadd.s32 $0xFFFFD800  }
0x64: {  	[spmem:s19] =	stream.linear.scatter [tilespmem:s2], [sflag:$0x2], $0x280, $0x38;
	[tilespmem:$0x1EF28] =	vst v63  }
0x65: {  	_ =	swait.ge [sflag:s6], $0x280  }
0x66: {  	[sflag:s6] =	ssyncset.done $0x0  }
0x67: {  	s14 =	rddreg [dreg:$0xb];
	[sflag:s6] =	ssyncadd.s32 $0xFFFFFD80  }
0x68: {  	[spmem:s14] =	stream.linear.scatter [tilespmem:s1], [sflag:$0x2], $0x2800, $0x38;
	[tilespmem:$0x1EF28] =	vst v63  }
0x69: {  	_ =	swait.ge [sflag:s6], $0x2800  }
0x6a: {  	[sflag:s6] =	ssyncset.done $0x0  }
0x6b: {  	s15 =	rddreg [dreg:$0xc];
	[sflag:s6] =	ssyncadd.s32 $0xFFFFD800  }
0x6c: {  	[spmem:s15] =	stream.linear.scatter [tilespmem:s2], [sflag:$0x2], $0x280, $0x38;
	[tilespmem:$0x1EF28] =	vst v63  }
0x6d: {  	_ =	swait.ge [sflag:s6], $0x280  }
0x6e: {  	[sflag:s6] =	ssyncset.done $0x0  }
0x6f: {  	s18 =	rddreg [dreg:$0xd];
	[sflag:s6] =	ssyncadd.s32 $0xFFFFFD80  }
0x70: {  	[spmem:s18] =	stream.linear.scatter [tilespmem:s1], [sflag:$0x2], $0x2800, $0x38;
	[tilespmem:$0x1EF28] =	vst v63  }
0x71: {  	_ =	swait.ge [sflag:s6], $0x2800  }
0x72: {  	[sflag:s6] =	ssyncset.done $0x0  }
0x73: {  	s19 =	rddreg [dreg:$0xe];
	[sflag:s6] =	ssyncadd.s32 $0xFFFFD800  }
0x74: {  	[spmem:s19] =	stream.linear.scatter [tilespmem:s2], [sflag:$0x2], $0x280, $0x38;
	[tilespmem:$0x1EF28] =	vst v63  }
0x75: {  	_ =	swait.ge [sflag:s6], $0x280  }
0x76: {  	[sflag:s6] =	ssyncset.done $0x0  }
0x77: {  	s20 =	rddreg [dreg:$0xf];
	[sflag:s6] =	ssyncadd.s32 $0xFFFFFD80  }
0x78: {  	[spmem:s20] =	stream.linear.scatter [tilespmem:s1], [sflag:$0x2], $0x2800, $0x38;
	[tilespmem:$0x1EF28] =	vst v63  }
0x79: {  	_ =	swait.ge [sflag:s6], $0x2800  }
0x7a: {  	[sflag:s6] =	ssyncset.done $0x0  }
0x7b: {  	s21 =	rddreg [dreg:$0x10];
	[sflag:s6] =	ssyncadd.s32 $0xFFFFD800  }
0x7c: {  	[spmem:s21] =	stream.linear.scatter [tilespmem:s2], [sflag:$0x2], $0x280, $0x38;
	[tilespmem:$0x1EF28] =	vst v63  }
0x7d: {  	_ =	swait.ge [sflag:s6], $0x280  }
0x7e: {  	[sflag:s6] =	ssyncset.done $0x0  }
0x7f: {  	s22 =	rddreg [dreg:$0x13];
	[sflag:s6] =	ssyncadd.s32 $0xFFFFFD80  }
0x80: {  	[spmem:s22] =	stream.linear.scatter [tilespmem:s1], [sflag:$0x2], $0x2800, $0x38;
	[tilespmem:$0x1EF28] =	vst v63  }
0x81: {  	_ =	swait.ge [sflag:s6], $0x2800  }
0x82: {  	[sflag:s6] =	ssyncset.done $0x0  }
0x83: {  	s23 =	rddreg [dreg:$0x14];
	[sflag:s6] =	ssyncadd.s32 $0xFFFFD800  }
0x84: {  	[spmem:s23] =	stream.linear.scatter [tilespmem:s2], [sflag:$0x2], $0x280, $0x38;
	[tilespmem:$0x1EF28] =	vst v63  }
0x85: {  	_ =	swait.ge [sflag:s6], $0x280  }
0x86: {  	[sflag:s6] =	ssyncset.done $0x0  }
0x87: {  	s24 =	rddreg [dreg:$0x15];
	[sflag:s6] =	ssyncadd.s32 $0xFFFFFD80  }
0x88: {  	[spmem:s24] =	stream.linear.scatter [tilespmem:s1], [sflag:$0x2], $0x2800, $0x38;
	[tilespmem:$0x1EF28] =	vst v63  }
0x89: {  	_ =	swait.ge [sflag:s6], $0x2800  }
0x8a: {  	[sflag:s6] =	ssyncset.done $0x0  }
0x8b: {  	s25 =	rddreg [dreg:$0x16];
	[sflag:s6] =	ssyncadd.s32 $0xFFFFD800  }
0x8c: {  	[spmem:s25] =	stream.linear.scatter [tilespmem:s2], [sflag:$0x2], $0x280, $0x38;
	[tilespmem:$0x1EF28] =	vst v63  }
0x8d: {  	_ =	swait.ge [sflag:s6], $0x280  }
0x8e: {  	[sflag:s6] =	ssyncset.done $0x0  }
0x8f: {  	s26 =	rddreg [dreg:$0x17];
	[sflag:s6] =	ssyncadd.s32 $0xFFFFFD80  }
0x90: {  	[spmem:s26] =	stream.linear.scatter [tilespmem:s1], [sflag:$0x2], $0x2800, $0x38;
	[tilespmem:$0x1EF28] =	vst v63  }
0x91: {  	_ =	swait.ge [sflag:s6], $0x2800  }
0x92: {  	[sflag:s6] =	ssyncset.done $0x0  }
0x93: {  	s28 =	rddreg [dreg:$0x18];
	[sflag:s6] =	ssyncadd.s32 $0xFFFFD800  }
0x94: {  	[spmem:s28] =	stream.linear.scatter [tilespmem:s2], [sflag:$0x2], $0x280, $0x38;
	[tilespmem:$0x1EF28] =	vst v63  }
0x95: {  	_ =	swait.ge [sflag:s6], $0x280  }
0x96: {  	[sflag:s6] =	ssyncset.done $0x0  }
0x97: {  	s29 =	rddreg [dreg:$0x19];
	[sflag:s6] =	ssyncadd.s32 $0xFFFFFD80  }
0x98: {  	[spmem:s29] =	stream.linear.scatter [tilespmem:s1], [sflag:$0x2], $0x2000, $0x38;
	[tilespmem:$0x1EF28] =	vst v63  }
0x99: {  	_ =	swait.ge [sflag:s6], $0x2000  }
0x9a: {  	[sflag:s6] =	ssyncset.done $0x0  }
0x9b: {  	s30 =	rddreg [dreg:$0x1a];
	[sflag:s6] =	ssyncadd.s32 $0xFFFFE000  }
0x9c: {  	[spmem:s30] =	stream.linear.scatter [tilespmem:s2], [sflag:$0x2], $0x200, $0x38;
	[tilespmem:$0x1EF28] =	vst v63  }
0x9d: {  	_ =	swait.ge [sflag:s6], $0x200  }
0x9e: {  	[sflag:s6] =	ssyncset.done $0x0  }
0x9f: {  	s0 =	simm.s32 @!p0 $0x78A0;
	[sflag:s6] =	ssyncadd.s32 $0xFFFFFE00  }
0xa0: {  	[spmem:s4] =	stream.linear.scatter @!p0 [tilespmem:s0], [sflag:$0x2], $0x800, $0x38;
	[tilespmem:$0x1EF28] =	vst v63  }
0xa1: {  	s0 =	simm.s32 @!p0 $0x2  }
0xa2: {  	_ =	swait.ge @!p0 [sflag:s0], $0x800  }
0xa3: {  	[sflag:s0] =	ssyncset.done @!p0 $0x0  }
0xa4: {  	s1 =	simm.s32 @!p0 $0xA0A0;
	[sflag:s0] =	ssyncadd.s32 @!p0 $0xFFFFF800  }
0xa5: {  	[spmem:s5] =	stream.linear.scatter @!p0 [tilespmem:s1], [sflag:$0x2], $0x80, $0x38;
	[tilespmem:$0x1EF28] =	vst v63  }
0xa6: {  	_ =	swait.ge @!p0 [sflag:s0], $0x80  }
0xa7: {  	[sflag:s0] =	ssyncset.done @!p0 $0x0  }
0xa8: {  	[sflag:s0] =	ssyncadd.s32 @!p0 $0xFFFFFF80  }
0xa9: {  	s31 =	simm.s32 $0xA0A0;
	s0 =	simm.s32 $0x0;
	[bflag:$0x0] =	sbarrier.arrive $0xFFFF  }
.LBB2_4:
0xaa: {  	s25 =	smul.u32 $0x50, s0  }
0xab: {  	s1 =	rddreg [dreg:$0x1b]  }
0xac: {  	[smem:$0x7FC] =	sst s0;
	s0 =	sadd.s32 s1, s25  }
0xad: {  	s26 =	rddreg [dreg:$0x7];
	s0 =	sshrl.u32 s0, $0x3  }
0xae: {  	s2 =	simm.s32 $0x0;
	s28 =	rddreg [dreg:$0x8];
	s1 =	sadd.s32 s26, s0  }
0xaf: {  	[tilespmem:s2], [sflag:$0x1] =	stream.linear.gather [hbm4b:s1+s2], $0x50, $0x38;
	[tilespmem:$0x1EF28] =	vst v63  }
0xb0: {  	s0 =	sadd.s32 s28, s0  }
0xb1: {  	[tilespmem:s7], [sflag:$0x1] =	stream.linear.gather [hbm4b:s0+s2], $0x50, $0x38;
	[tilespmem:$0x1EF28] =	vst v63  }
0xb2: {  	_ =	swait.ge [sflag:s8], $0x50  }
0xb3: {  	[sflag:s8] =	ssyncset.done $0x0  }
0xb4: {  	[sflag:s8] =	ssyncadd.s32 $0xFFFFFFB0  }
0xb5: {  	_ =	swait.ge [sflag:s8], $0x50  }
0xb6: {  	[sflag:s8] =	ssyncset.done $0x0  }
0xb7: {  	[sflag:s8] =	ssyncadd.s32 $0xFFFFFFB0  }
0xb8: {  	s29 =	rddreg [dreg:$0x0]  }
0xb9: {  	[tilespmem:s16], [sflag:$0x1] =	stream.indirect.gather [hbm4b:s29+s7], $0x80, s7, s7, $0xb8;
	[tilespmem:$0x1EF28] =	vst v63  }
0xba: {  	s30 =	rddreg [dreg:$0x6]  }
0xbb: {  	[tilespmem:s17], [sflag:$0x1] =	stream.indirect.gather [hbm4b:s30+s7], $0x100, s2, s7, $0xb8;
	[tilespmem:$0x1EF28] =	vst v63  }
0xbc: {  	_ =	swait.ge [sflag:s8], $0x2800  }
0xbd: {  	[sflag:s8] =	ssyncset.done $0x0  }
0xbe: {  	[sflag:s8] =	ssyncadd.s32 $0xFFFFD800  }
0xbf: {  	_ =	swait.ge [sflag:s8], $0x5000  }
0xc0: {  	[sflag:s8] =	ssyncset.done $0x0  }
0xc1: {  	s0 =	simm.s32 $0x0;
	[sflag:s8] =	ssyncadd.s32 $0xFFFFB000  }
.LBB2_5:
0xc2: {  	[smem:$0x7FB] =	sst s0  }
0xc3: {  	s0 =	sld [smem:$0x7FB];
	_ =	sdelay $0x2  }
0xc4: {  	s0 =	sshll.u32 s0, $0x4  }
0xc5: {  	v44 =	vor.u32 s0, v0  }
0xc6: {  	v43 =	vshll.u32 v44, $0x7  }
0xc7: {  	v42 =	vshll.u32 v44, $0x8  }
0xc8: {  	v45 =	vor.u32 $0x1, v43  }
0xc9: {  	v46 =	vor.u32 $0x1, v42  }
0xca: {  	v47 =	vor.u32 $0x2, v43  }
0xcb: {  	v49 =	vor.u32 $0x2, v42;
	v48 =	vld.idx.msk [tilespmem:v43+s16+$0x0], $0xffff  }
0xcc: {  	v51 =	vor.u32 $0x3, v43;
	v50 =	vld.idx.msk [tilespmem:v42+s17+$0x0], $0xffff  }
0xcd: {  	v52 =	vor.u32 $0x3, v42;
	v45 =	vld.idx.msk [tilespmem:v45+s16+$0x0], $0xffff  }
0xce: {  	v54 =	vor.u32 $0x4, v42;
	v46 =	vld.idx.msk [tilespmem:v46+s17+$0x0], $0xffff  }
0xcf: {  	v62 =	vor.u32 $0x5, v42;
	v47 =	vld.idx.msk [tilespmem:v47+s16+$0x0], $0xffff  }
0xd0: {  	v56 =	vor.u32 $0x6, v43;
	v49 =	vld.idx.msk [tilespmem:v49+s17+$0x0], $0xffff  }
0xd1: {  	v53 =	vor.u32 $0x4, v43;
	v61 =	vld.idx.msk [tilespmem:v51+s16+$0x0], $0xffff  }
0xd2: {  	v63 =	vor.u32 $0x6, v42;
	v52 =	vld.idx.msk [tilespmem:v52+s17+$0x0], $0xffff  }
0xd3: {  	v55 =	vor.u32 $0x5, v43;
	v54 =	vld.idx.msk [tilespmem:v54+s17+$0x0], $0xffff;
	v48 =	vmul.f32 v50, v48  }
0xd4: {  	v51 =	vld.idx.msk [tilespmem:v62+s17+$0x0], $0xffff  }
0xd5: {  	v57 =	vor.u32 $0x7, v43;
	v50 =	vld.idx.msk [tilespmem:v56+s16+$0x0], $0xffff;
	v45 =	vmul.f32 v46, v45;
	v48 =	vadd.f32 $0.0e+00, v48  }
0xd6: {  	v46 =	vld.idx.msk [tilespmem:v53+s16+$0x0], $0xffff;
	v47 =	vmul.f32 v49, v47;
	v49 =	vor.u32 $0x7, v42  }
0xd7: {  	v60 =	vmul.f32 v52, v61;
	v61 =	vor.u32 $0x8, v42;
	v53 =	vld.idx.msk [tilespmem:v63+s17+$0x0], $0xffff;
	v45 =	vadd.f32 v45, v48  }
0xd8: {  	v62 =	vor.u32 $0x9, v43;
	v48 =	vld.idx.msk [tilespmem:v55+s16+$0x0], $0xffff  }
0xd9: {  	v55 =	vor.u32 $0x8, v43;
	v45 =	vadd.f32 v47, v45  }
0xda: {  	v47 =	vld.idx.msk [tilespmem:v57+s16+$0x0], $0xffff  }
0xdb: {  	v63 =	vor.u32 $0x9, v42;
	v46 =	vmul.f32 v54, v46;
	v49 =	vld.idx.msk [tilespmem:v49+s17+$0x0], $0xffff;
	v45 =	vadd.f32 v60, v45  }
0xdc: {  	v57 =	vor.u32 $0xA, v43;
	v52 =	vld.idx.msk [tilespmem:v61+s17+$0x0], $0xffff;
	v61 =	vmul.f32 v53, v50  }
0xdd: {  	v50 =	vld.idx.msk [tilespmem:v62+s16+$0x0], $0xffff;
	v60 =	vor.u32 $0xA, v42;
	v59 =	vmul.f32 v51, v48;
	v45 =	vadd.f32 v46, v45  }
0xde: {  	v62 =	vor.u32 $0xB, v42;
	v48 =	vld.idx.msk [tilespmem:v55+s16+$0x0], $0xffff  }
0xdf: {  	v55 =	vor.u32 $0xB, v43;
	v45 =	vadd.f32 v59, v45  }
0xe0: {  	v56 =	vor.u32 $0xC, v43;
	v54 =	vld.idx.msk [tilespmem:v63+s17+$0x0], $0xffff  }
0xe1: {  	v63 =	vmul.f32 v49, v47;
	v47 =	vld.idx.msk [tilespmem:v57+s16+$0x0], $0xffff;
	v49 =	vor.u32 $0xC, v42;
	v45 =	vadd.f32 v61, v45  }
0xe2: {  	v57 =	vor.u32 $0xD, v43;
	v51 =	vld.idx.msk [tilespmem:v60+s17+$0x0], $0xffff  }
0xe3: {  	v53 =	vld.idx.msk [tilespmem:v62+s17+$0x0], $0xffff;
	v60 =	vmul.f32 v52, v48;
	v61 =	vor.u32 $0xD, v42;
	v45 =	vadd.f32 v63, v45  }
0xe4: {  	v48 =	vld.idx.msk [tilespmem:v55+s16+$0x0], $0xffff;
	v55 =	vor.u32 $0xE, v43  }
0xe5: {  	v62 =	vmul.f32 v54, v50;
	v50 =	vld.idx.msk [tilespmem:v56+s16+$0x0], $0xffff;
	v63 =	vor.u32 $0xE, v42;
	v45 =	vadd.f32 v60, v45  }
0xe6: {  	v56 =	vor.u32 $0xF, v43;
	v49 =	vld.idx.msk [tilespmem:v49+s17+$0x0], $0xffff  }
0xe7: {  	v59 =	vld.idx.msk [tilespmem:v57+s16+$0x0], $0xffff;
	v58 =	vmul.f32 v51, v47;
	v60 =	vor.u32 $0xF, v42;
	v45 =	vadd.f32 v62, v45  }
0xe8: {  	v52 =	vld.idx.msk [tilespmem:v61+s17+$0x0], $0xffff  }
0xe9: {  	v61 =	vmul.f32 v53, v48;
	v62 =	vld.idx.msk [tilespmem:v55+s16+$0x0], $0xffff;
	v45 =	vadd.f32 v58, v45  }
0xea: {  	v63 =	vld.idx.msk [tilespmem:v63+s17+$0x0], $0xffff  }
0xeb: {  	v55 =	vld.idx.msk [tilespmem:v56+s16+$0x0], $0xffff;
	v54 =	vmul.f32 v49, v50;
	v45 =	vadd.f32 v61, v45  }
0xec: {  	v56 =	vld.idx.msk [tilespmem:v60+s17+$0x0], $0xffff  }
0xed: {  	v57 =	vmul.f32 v52, v59;
	v45 =	vadd.f32 v54, v45;
	_ =	sdelay $0x1  }
0xee: {  	v58 =	vmul.f32 v63, v62;
	v45 =	vadd.f32 v57, v45;
	_ =	sdelay $0x1  }
0xef: {  	v59 =	vmul.f32 v56, v55;
	v45 =	vadd.f32 v58, v45;
	_ =	sdelay $0x1  }
0xf0: {  	v45 =	vadd.f32 v59, v45;
	_ =	sdelay $0x1  }
0xf1: {  	v45 =	vmul.f32 $1.442695020e+00, v45;
	_ =	sdelay $0x1  }
0xf2: {  	(erf) = vpow2.f32 v45;
	_ =	sdelay $0x4  }
0xf3: {  	v44 =	vshll.u32 v44, $0x3  }
0xf4: {  	s1 =	sld [smem:$0x7FB];
	_ =	sdelay $0x2  }
0xf5: {  	s1 =	sshll.u32 s1, $0xC;
	v45 =	vpop (erf)  }
0xf6: {  	s3 =	sand.u32 $0x3FFFF000, s1;
	[tilespmem:v44+s31+$0x0] =	vst.idx.msk $0xffff, v45  }
0xf7: {  	v60 =	vld [tilespmem:s3+$0x2920];
	_ =	sdelay $0x1  }
0xf8: {  	s20 =	sld [smem:$0x7FB]  }
0xf9: {  	v61 =	vbroadcast v45, $0x0;
	_ =	sdelay $0x1  }
0xfa: {  	s1 =	sshll.u32 s20, $0xB;
	s2 =	sor.u32 $0x1, s0;
	v46 =	vmul.f32 v61, v60  }
0xfb: {  	s4 =	sand.u32 $0x3FFFF800, s1;
	s21 =	sshll.u32 s2, $0x8  }
0xfc: {  	s5 =	sand.u32 $0x3FFFF100, s21;
	[tilespmem:s4+$0x78A0] =	vst v46  }
0xfd: {  	v46 =	vld [tilespmem:s5+$0x2920];
	_ =	sdelay $0x2  }
0xfe: {  	v62 =	vbroadcast v45, $0x1;
	_ =	sdelay $0x1  }
0xff: {  	s23 =	sor.u32 $0x2, s0;
	s22 =	sshll.u32 s2, $0x7;
	v46 =	vmul.f32 v62, v46  }
0x100: {  	s24 =	sshll.u32 s23, $0x8;
	s6 =	sand.u32 $0x3FFFF880, s22  }
0x101: {  	s7 =	sand.u32 $0x3FFFF200, s24;
	[tilespmem:s6+$0x78A0] =	vst v46  }
0x102: {  	v46 =	vld [tilespmem:s7+$0x2920];
	_ =	sdelay $0x2  }
0x103: {  	v63 =	vbroadcast v45, $0x2;
	_ =	sdelay $0x1  }
0x104: {  	s26 =	sor.u32 $0x3, s0;
	s25 =	sshll.u32 s23, $0x7;
	v46 =	vmul.f32 v46, v63  }
0x105: {  	s28 =	sshll.u32 s26, $0x8;
	s8 =	sand.u32 $0x3FFFF900, s25  }
0x106: {  	s9 =	sand.u32 $0x3FFFF300, s28;
	[tilespmem:s8+$0x78A0] =	vst v46  }
0x107: {  	v46 =	vld [tilespmem:s9+$0x2920];
	_ =	sdelay $0x2  }
0x108: {  	v48 =	vbroadcast v45, $0x3;
	_ =	sdelay $0x1  }
0x109: {  	s30 =	sor.u32 $0x4, s0;
	s29 =	sshll.u32 s26, $0x7;
	v46 =	vmul.f32 v46, v48  }
0x10a: {  	s12 =	sshll.u32 s30, $0x8;
	s10 =	sand.u32 $0x3FFFF980, s29  }
0x10b: {  	s11 =	sand.u32 $0x3FFFF400, s12;
	[tilespmem:s10+$0x78A0] =	vst v46  }
0x10c: {  	v46 =	vld [tilespmem:s11+$0x2920];
	_ =	sdelay $0x2  }
0x10d: {  	v49 =	vbroadcast v45, $0x4;
	_ =	sdelay $0x1  }
0x10e: {  	s14 =	sor.u32 $0x5, s0;
	s13 =	sshll.u32 s30, $0x7;
	v46 =	vmul.f32 v46, v49  }
0x10f: {  	s15 =	sshll.u32 s14, $0x8;
	s12 =	sand.u32 $0x3FFFFA00, s13  }
0x110: {  	s13 =	sand.u32 $0x3FFFF500, s15;
	[tilespmem:s12+$0x78A0] =	vst v46  }
0x111: {  	v46 =	vld [tilespmem:s13+$0x2920];
	_ =	sdelay $0x2  }
0x112: {  	v50 =	vbroadcast v45, $0x5;
	_ =	sdelay $0x1  }
0x113: {  	s19 =	sor.u32 $0x6, s0;
	s18 =	sshll.u32 s14, $0x7;
	v46 =	vmul.f32 v46, v50  }
0x114: {  	s20 =	sshll.u32 s19, $0x8;
	s14 =	sand.u32 $0x3FFFFA80, s18  }
0x115: {  	s15 =	sand.u32 $0x3FFFF600, s20;
	[tilespmem:s14+$0x78A0] =	vst v46  }
0x116: {  	v46 =	vld [tilespmem:s15+$0x2920];
	_ =	sdelay $0x2  }
0x117: {  	v51 =	vbroadcast v45, $0x6;
	_ =	sdelay $0x1  }
0x118: {  	s21 =	sshll.u32 s19, $0x7;
	s22 =	sor.u32 $0x7, s0;
	v46 =	vmul.f32 v46, v51  }
0x119: {  	s18 =	sand.u32 $0x3FFFFB00, s21;
	s23 =	sshll.u32 s22, $0x8  }
0x11a: {  	s19 =	sand.u32 $0x3FFFF700, s23;
	[tilespmem:s18+$0x78A0] =	vst v46  }
0x11b: {  	v46 =	vld [tilespmem:s19+$0x2920];
	_ =	sdelay $0x2  }
0x11c: {  	v52 =	vbroadcast v45, $0x7;
	_ =	sdelay $0x1  }
0x11d: {  	s25 =	sor.u32 $0x8, s0;
	s24 =	sshll.u32 s22, $0x7;
	v46 =	vmul.f32 v46, v52  }
0x11e: {  	s26 =	sshll.u32 s25, $0x8;
	s22 =	sand.u32 $0x3FFFFB80, s24  }
0x11f: {  	s1 =	sand.u32 $0x3FFFF800, s26;
	[tilespmem:s22+$0x78A0] =	vst v46  }
0x120: {  	v46 =	vld [tilespmem:s1+$0x2920];
	_ =	sdelay $0x2  }
0x121: {  	v53 =	vbroadcast v45, $0x8;
	_ =	sdelay $0x1  }
0x122: {  	s29 =	sor.u32 $0x9, s0;
	s28 =	sshll.u32 s25, $0x7;
	v46 =	vmul.f32 v46, v53  }
0x123: {  	s30 =	sshll.u32 s29, $0x8;
	s31 =	sand.u32 $0x3FFFFC00, s28  }
0x124: {  	s23 =	sand.u32 $0x3FFFF900, s30;
	[tilespmem:s31+$0x78A0] =	vst v46  }
0x125: {  	v46 =	vld [tilespmem:s23+$0x2920];
	_ =	sdelay $0x2  }
0x126: {  	v54 =	vbroadcast v45, $0x9;
	_ =	sdelay $0x1  }
0x127: {  	s20 =	sshll.u32 s29, $0x7;
	s21 =	sor.u32 $0xA, s0;
	v46 =	vmul.f32 v46, v54  }
0x128: {  	s24 =	sand.u32 $0x3FFFFC80, s20;
	s26 =	sshll.u32 s21, $0x8  }
0x129: {  	s25 =	sand.u32 $0x3FFFFA00, s26;
	[tilespmem:s24+$0x78A0] =	vst v46  }
0x12a: {  	v46 =	vld [tilespmem:s25+$0x2920];
	_ =	sdelay $0x2  }
0x12b: {  	v55 =	vbroadcast v45, $0xA;
	_ =	sdelay $0x1  }
0x12c: {  	s29 =	sor.u32 $0xB, s0;
	s28 =	sshll.u32 s21, $0x7;
	v46 =	vmul.f32 v46, v55  }
0x12d: {  	s30 =	sshll.u32 s29, $0x8;
	s26 =	sand.u32 $0x3FFFFD00, s28  }
0x12e: {  	s28 =	sand.u32 $0x3FFFFB00, s30;
	[tilespmem:s26+$0x78A0] =	vst v46  }
0x12f: {  	v46 =	vld [tilespmem:s28+$0x2920];
	_ =	sdelay $0x2  }
0x130: {  	v56 =	vbroadcast v45, $0xB;
	_ =	sdelay $0x1  }
0x131: {  	s20 =	sshll.u32 s29, $0x7;
	s21 =	sor.u32 $0xC, s0;
	v46 =	vmul.f32 v46, v56  }
0x132: {  	s29 =	sand.u32 $0x3FFFFD80, s20;
	s30 =	sshll.u32 s21, $0x8  }
0x133: {  	s30 =	sand.u32 $0x3FFFFC00, s30;
	[tilespmem:s29+$0x78A0] =	vst v46  }
0x134: {  	v46 =	vld [tilespmem:s30+$0x2920];
	_ =	sdelay $0x2  }
0x135: {  	v57 =	vbroadcast v45, $0xC;
	_ =	sdelay $0x1  }
0x136: {  	s2 =	sor.u32 $0xD, s0;
	s20 =	sshll.u32 s21, $0x7;
	v46 =	vmul.f32 v46, v57  }
0x137: {  	s21 =	sshll.u32 s2, $0x8;
	s20 =	sand.u32 $0x3FFFFE00, s20  }
0x138: {  	s21 =	sand.u32 $0x3FFFFD00, s21;
	[tilespmem:s20+$0x78A0] =	vst v46  }
0x139: {  	v46 =	vld [tilespmem:s21+$0x2920];
	_ =	sdelay $0x2  }
0x13a: {  	v58 =	vbroadcast v45, $0xD;
	_ =	sdelay $0x1  }
0x13b: {  	s0 =	sor.u32 $0xE, s0;
	s2 =	sshll.u32 s2, $0x7;
	v46 =	vmul.f32 v46, v58  }
0x13c: {  	s2 =	sand.u32 $0x3FFFFE80, s2;
	[smem:$0x7ED] =	sst s20;
	s20 =	sshll.u32 s0, $0x8  }
0x13d: {  	[smem:$0x7F5] =	sst s1;
	s1 =	sand.u32 $0x3FFFFE00, s20;
	[tilespmem:s2+$0x78A0] =	vst v46  }
0x13e: {  	v46 =	vld [tilespmem:s1+$0x2920];
	_ =	sdelay $0x1  }
0x13f: {  	s20 =	sld [smem:$0x7FB]  }
0x140: {  	v59 =	vbroadcast v45, $0xE;
	_ =	sdelay $0x1  }
0x141: {  	s0 =	sshll.u32 s0, $0x7;
	s20 =	sshllo.u32 s20, $0x4;
	v46 =	vmul.f32 v46, v59  }
0x142: {  	[smem:$0x7EF] =	sst s2;
	s0 =	sand.u32 $0x3FFFFF00, s0;
	s2 =	sshll.u32 s20, $0x8  }
0x143: {  	[smem:$0x7F0] =	sst s0;
	[tilespmem:s0+$0x78A0] =	vst v46;
	s0 =	sand.u32 $0x3FFFFF00, s2  }
0x144: {  	v46 =	vld [tilespmem:s0+$0x2920];
	_ =	sdelay $0x2  }
0x145: {  	v45 =	vbroadcast v45, $0xF;
	v60 =	vor.u32 $0x10, v43  }
0x146: {  	v61 =	vor.u32 $0x10, v42  }
0x147: {  	v62 =	vor.u32 $0x11, v43;
	[smem:$0x7E1] =	sst s1;
	s1 =	sshll.u32 s20, $0x7;
	v45 =	vmul.f32 v46, v45  }
0x148: {  	v63 =	vor.u32 $0x11, v42;
	s1 =	sand.u32 $0x3FFFFF80, s1  }
0x149: {  	v56 =	vor.u32 $0x12, v43;
	[tilespmem:s1+$0x78A0] =	vst v45  }
0x14a: {  	v57 =	vor.u32 $0x12, v42;
	v47 =	vld.idx.msk [tilespmem:v60+s16+$0x0], $0xffff  }
0x14b: {  	v59 =	vor.u32 $0x13, v42;
	v48 =	vld.idx.msk [tilespmem:v61+s17+$0x0], $0xffff  }
0x14c: {  	v58 =	vor.u32 $0x13, v43;
	v46 =	vld.idx.msk [tilespmem:v62+s16+$0x0], $0xffff  }
0x14d: {  	v49 =	vld.idx.msk [tilespmem:v63+s17+$0x0], $0xffff;
	v60 =	vor.u32 $0x14, v43  }
0x14e: {  	v45 =	vld.idx.msk [tilespmem:v56+s16+$0x0], $0xffff;
	v61 =	vor.u32 $0x14, v42  }
0x14f: {  	v50 =	vld.idx.msk [tilespmem:v57+s17+$0x0], $0xffff;
	v62 =	vor.u32 $0x15, v42  }
0x150: {  	v55 =	vor.u32 $0x15, v43;
	v52 =	vld.idx.msk [tilespmem:v59+s17+$0x0], $0xffff;
	v47 =	vmul.f32 v48, v47  }
0x151: {  	v63 =	vor.u32 $0x16, v43;
	v48 =	vld.idx.msk [tilespmem:v58+s16+$0x0], $0xffff  }
0x152: {  	v46 =	vmul.f32 v49, v46;
	v49 =	vld.idx.msk [tilespmem:v60+s16+$0x0], $0xffff;
	v60 =	vor.u32 $0x16, v42;
	v47 =	vadd.f32 $0.0e+00, v47  }
0x153: {  	v54 =	vld.idx.msk [tilespmem:v61+s17+$0x0], $0xffff;
	v61 =	vor.u32 $0x17, v43  }
0x154: {  	v45 =	vmul.f32 v50, v45;
	v50 =	vor.u32 $0x17, v42;
	v51 =	vld.idx.msk [tilespmem:v62+s17+$0x0], $0xffff;
	v46 =	vadd.f32 v46, v47  }
0x155: {  	v47 =	vld.idx.msk [tilespmem:v55+s16+$0x0], $0xffff;
	v55 =	vor.u32 $0x18, v43  }
0x156: {  	v62 =	vmul.f32 v52, v48;
	v48 =	vld.idx.msk [tilespmem:v63+s16+$0x0], $0xffff;
	v63 =	vor.u32 $0x18, v42;
	v45 =	vadd.f32 v45, v46  }
0x157: {  	v56 =	vor.u32 $0x19, v43;
	v53 =	vld.idx.msk [tilespmem:v60+s17+$0x0], $0xffff  }
0x158: {  	v60 =	vmul.f32 v54, v49;
	v49 =	vld.idx.msk [tilespmem:v61+s16+$0x0], $0xffff;
	v61 =	vor.u32 $0x19, v42;
	v45 =	vadd.f32 v62, v45  }
0x159: {  	v57 =	vor.u32 $0x1A, v43;
	v50 =	vld.idx.msk [tilespmem:v50+s17+$0x0], $0xffff  }
0x15a: {  	v62 =	vmul.f32 v51, v47;
	v47 =	vld.idx.msk [tilespmem:v55+s16+$0x0], $0xffff;
	v51 =	vor.u32 $0x1A, v42;
	v45 =	vadd.f32 v60, v45  }
0x15b: {  	v55 =	vor.u32 $0x1B, v43;
	v52 =	vld.idx.msk [tilespmem:v63+s17+$0x0], $0xffff  }
0x15c: {  	v63 =	vmul.f32 v53, v48;
	v48 =	vld.idx.msk [tilespmem:v56+s16+$0x0], $0xffff;
	v60 =	vor.u32 $0x1B, v42;
	v45 =	vadd.f32 v62, v45  }
0x15d: {  	v54 =	vld.idx.msk [tilespmem:v61+s17+$0x0], $0xffff;
	v61 =	vor.u32 $0x1C, v43  }
0x15e: {  	v62 =	vmul.f32 v50, v49;
	v49 =	vld.idx.msk [tilespmem:v57+s16+$0x0], $0xffff;
	v45 =	vadd.f32 v63, v45;
	v63 =	vor.u32 $0x1C, v42  }
0x15f: {  	v57 =	vor.u32 $0x1D, v43;
	v51 =	vld.idx.msk [tilespmem:v51+s17+$0x0], $0xffff  }
0x160: {  	v59 =	vmul.f32 v52, v47;
	v47 =	vld.idx.msk [tilespmem:v55+s16+$0x0], $0xffff;
	v52 =	vor.u32 $0x1D, v42;
	v45 =	vadd.f32 v62, v45  }
0x161: {  	v53 =	vld.idx.msk [tilespmem:v60+s17+$0x0], $0xffff;
	v55 =	vor.u32 $0x1E, v43  }
0x162: {  	v60 =	vmul.f32 v54, v48;
	v48 =	vld.idx.msk [tilespmem:v61+s16+$0x0], $0xffff;
	v61 =	vor.u32 $0x1E, v42;
	v45 =	vadd.f32 v59, v45  }
0x163: {  	v62 =	vor.u32 $0x1F, v43;
	v50 =	vld.idx.msk [tilespmem:v63+s17+$0x0], $0xffff  }
0x164: {  	v63 =	vmul.f32 v51, v49;
	v49 =	vld.idx.msk [tilespmem:v57+s16+$0x0], $0xffff;
	v57 =	vor.u32 $0x1F, v42;
	v45 =	vadd.f32 v60, v45  }
0x165: {  	v52 =	vld.idx.msk [tilespmem:v52+s17+$0x0], $0xffff  }
0x166: {  	v58 =	vmul.f32 v53, v47;
	v59 =	vld.idx.msk [tilespmem:v55+s16+$0x0], $0xffff;
	v45 =	vadd.f32 v63, v45  }
0x167: {  	v60 =	vld.idx.msk [tilespmem:v61+s17+$0x0], $0xffff  }
0x168: {  	v62 =	vld.idx.msk [tilespmem:v62+s16+$0x0], $0xffff;
	v45 =	vadd.f32 v58, v45;
	v61 =	vmul.f32 v50, v48  }
0x169: {  	v63 =	vld.idx.msk [tilespmem:v57+s17+$0x0], $0xffff  }
0x16a: {  	v49 =	vmul.f32 v52, v49;
	v45 =	vadd.f32 v61, v45;
	_ =	sdelay $0x1  }
0x16b: {  	v51 =	vmul.f32 v60, v59;
	v45 =	vadd.f32 v49, v45;
	_ =	sdelay $0x1  }
0x16c: {  	v52 =	vmul.f32 v63, v62;
	v45 =	vadd.f32 v51, v45;
	_ =	sdelay $0x1  }
0x16d: {  	v45 =	vadd.f32 v52, v45;
	_ =	sdelay $0x1  }
0x16e: {  	v45 =	vmul.f32 $1.442695020e+00, v45;
	_ =	sdelay $0x1  }
0x16f: {  	(erf) = vpow2.f32 v45;
	_ =	sdelay $0x4  }
0x170: {  	v53 =	vor.u32 $0x1, v44;
	_ =	sdelay $0x3  }
0x171: {  	s2 =	simm.s32 $0xA0A0;
	v54 =	vpop (erf)  }
0x172: {  	[tilespmem:v53+s2+$0x0] =	vst.idx.msk $0xffff, v54  }
0x173: {  	v45 =	vld [tilespmem:s3+$0x2930];
	_ =	sdelay $0x2  }
0x174: {  	[smem:$0x7F2] =	sst s4;
	v55 =	vbroadcast v54, $0x0  }
0x175: {  	[smem:$0x7F3] =	sst s5  }
0x176: {  	[smem:$0x7EE] =	sst s21;
	v45 =	vmul.f32 v55, v45  }
0x177: {  	[smem:$0x7F1] =	sst s1  }
0x178: {  	[smem:$0x7E2] =	sst s0;
	[tilespmem:s4+$0x78B0] =	vst v45  }
0x179: {  	v45 =	vld [tilespmem:s5+$0x2930];
	_ =	sdelay $0x2  }
0x17a: {  	v56 =	vbroadcast v54, $0x1;
	_ =	sdelay $0x1  }
0x17b: {  	v45 =	vmul.f32 v56, v45;
	_ =	sdelay $0x1  }
0x17c: {  	[tilespmem:s6+$0x78B0] =	vst v45  }
0x17d: {  	v45 =	vld [tilespmem:s7+$0x2930];
	_ =	sdelay $0x2  }
0x17e: {  	v57 =	vbroadcast v54, $0x2;
	_ =	sdelay $0x1  }
0x17f: {  	v45 =	vmul.f32 v45, v57;
	_ =	sdelay $0x1  }
0x180: {  	[tilespmem:s8+$0x78B0] =	vst v45  }
0x181: {  	v45 =	vld [tilespmem:s9+$0x2930];
	_ =	sdelay $0x2  }
0x182: {  	v58 =	vbroadcast v54, $0x3;
	_ =	sdelay $0x1  }
0x183: {  	v45 =	vmul.f32 v45, v58;
	_ =	sdelay $0x1  }
0x184: {  	[tilespmem:s10+$0x78B0] =	vst v45  }
0x185: {  	v45 =	vld [tilespmem:s11+$0x2930];
	_ =	sdelay $0x2  }
0x186: {  	v59 =	vbroadcast v54, $0x4;
	_ =	sdelay $0x1  }
0x187: {  	v45 =	vmul.f32 v45, v59;
	_ =	sdelay $0x1  }
0x188: {  	[tilespmem:s12+$0x78B0] =	vst v45  }
0x189: {  	v45 =	vld [tilespmem:s13+$0x2930];
	_ =	sdelay $0x2  }
0x18a: {  	v60 =	vbroadcast v54, $0x5;
	_ =	sdelay $0x1  }
0x18b: {  	v45 =	vmul.f32 v45, v60;
	_ =	sdelay $0x1  }
0x18c: {  	[tilespmem:s14+$0x78B0] =	vst v45  }
0x18d: {  	v45 =	vld [tilespmem:s15+$0x2930];
	_ =	sdelay $0x2  }
0x18e: {  	v61 =	vbroadcast v54, $0x6;
	_ =	sdelay $0x1  }
0x18f: {  	v45 =	vmul.f32 v45, v61;
	_ =	sdelay $0x1  }
0x190: {  	[tilespmem:s18+$0x78B0] =	vst v45  }
0x191: {  	v45 =	vld [tilespmem:s19+$0x2930];
	_ =	sdelay $0x2  }
0x192: {  	v62 =	vbroadcast v54, $0x7;
	_ =	sdelay $0x1  }
0x193: {  	s0 =	sld [smem:$0x7F5];
	v45 =	vmul.f32 v45, v62;
	_ =	sdelay $0x1  }
0x194: {  	[tilespmem:s22+$0x78B0] =	vst v45  }
0x195: {  	v45 =	vld [tilespmem:s0+$0x2930];
	_ =	sdelay $0x2  }
0x196: {  	v63 =	vbroadcast v54, $0x8;
	_ =	sdelay $0x1  }
0x197: {  	v45 =	vmul.f32 v45, v63;
	_ =	sdelay $0x1  }
0x198: {  	[tilespmem:s31+$0x78B0] =	vst v45  }
0x199: {  	v45 =	vld [tilespmem:s23+$0x2930];
	_ =	sdelay $0x2  }
0x19a: {  	v48 =	vbroadcast v54, $0x9;
	_ =	sdelay $0x1  }
0x19b: {  	v45 =	vmul.f32 v45, v48;
	_ =	sdelay $0x1  }
0x19c: {  	[tilespmem:s24+$0x78B0] =	vst v45  }
0x19d: {  	v45 =	vld [tilespmem:s25+$0x2930];
	_ =	sdelay $0x2  }
0x19e: {  	v49 =	vbroadcast v54, $0xA;
	_ =	sdelay $0x1  }
0x19f: {  	v45 =	vmul.f32 v45, v49;
	_ =	sdelay $0x1  }
0x1a0: {  	[tilespmem:s26+$0x78B0] =	vst v45  }
0x1a1: {  	v45 =	vld [tilespmem:s28+$0x2930];
	_ =	sdelay $0x2  }
0x1a2: {  	v50 =	vbroadcast v54, $0xB;
	_ =	sdelay $0x1  }
0x1a3: {  	v45 =	vmul.f32 v45, v50;
	_ =	sdelay $0x1  }
0x1a4: {  	[tilespmem:s29+$0x78B0] =	vst v45  }
0x1a5: {  	v45 =	vld [tilespmem:s30+$0x2930];
	_ =	sdelay $0x2  }
0x1a6: {  	v51 =	vbroadcast v54, $0xC  }
0x1a7: {  	s2 =	sld [smem:$0x7ED]  }
0x1a8: {  	v45 =	vmul.f32 v45, v51;
	_ =	sdelay $0x1  }
0x1a9: {  	[tilespmem:s2+$0x78B0] =	vst v45  }
0x1aa: {  	v45 =	vld [tilespmem:s21+$0x2930];
	_ =	sdelay $0x2  }
0x1ab: {  	v52 =	vbroadcast v54, $0xD  }
0x1ac: {  	s21 =	sld [smem:$0x7EF]  }
0x1ad: {  	v45 =	vmul.f32 v45, v52;
	_ =	sdelay $0x1  }
0x1ae: {  	[tilespmem:s21+$0x78B0] =	vst v45;
	s21 =	sld [smem:$0x7E1];
	_ =	sdelay $0x2  }
0x1af: {  	v45 =	vld [tilespmem:s21+$0x2930];
	_ =	sdelay $0x2  }
0x1b0: {  	v53 =	vbroadcast v54, $0xE  }
0x1b1: {  	s21 =	sld [smem:$0x7F0]  }
0x1b2: {  	v45 =	vmul.f32 v45, v53;
	_ =	sdelay $0x1  }
0x1b3: {  	[tilespmem:s21+$0x78B0] =	vst v45;
	s21 =	sld [smem:$0x7E2];
	_ =	sdelay $0x2  }
0x1b4: {  	v45 =	vld [tilespmem:s21+$0x2930];
	_ =	sdelay $0x2  }
0x1b5: {  	v46 =	vbroadcast v54, $0xF;
	v54 =	vor.u32 $0x20, v43  }
0x1b6: {  	v55 =	vor.u32 $0x20, v42  }
0x1b7: {  	v56 =	vor.u32 $0x21, v43;
	v45 =	vmul.f32 v45, v46  }
0x1b8: {  	v57 =	vor.u32 $0x21, v42  }
0x1b9: {  	v58 =	vor.u32 $0x22, v43;
	[tilespmem:s1+$0x78B0] =	vst v45  }
0x1ba: {  	v59 =	vor.u32 $0x22, v42;
	v47 =	vld.idx.msk [tilespmem:v54+s16+$0x0], $0xffff  }
0x1bb: {  	v61 =	vor.u32 $0x23, v43;
	v48 =	vld.idx.msk [tilespmem:v55+s17+$0x0], $0xffff  }
0x1bc: {  	v62 =	vor.u32 $0x23, v42;
	v46 =	vld.idx.msk [tilespmem:v56+s16+$0x0], $0xffff  }
0x1bd: {  	v63 =	vor.u32 $0x24, v43;
	v49 =	vld.idx.msk [tilespmem:v57+s17+$0x0], $0xffff  }
0x1be: {  	v60 =	vor.u32 $0x24, v42;
	v45 =	vld.idx.msk [tilespmem:v58+s16+$0x0], $0xffff  }
0x1bf: {  	v50 =	vld.idx.msk [tilespmem:v59+s17+$0x0], $0xffff;
	v55 =	vor.u32 $0x25, v43  }
0x1c0: {  	v47 =	vmul.f32 v48, v47;
	v48 =	vld.idx.msk [tilespmem:v61+s16+$0x0], $0xffff;
	v61 =	vor.u32 $0x25, v42  }
0x1c1: {  	v52 =	vld.idx.msk [tilespmem:v62+s17+$0x0], $0xffff;
	v62 =	vor.u32 $0x26, v43  }
0x1c2: {  	v46 =	vmul.f32 v49, v46;
	v49 =	vld.idx.msk [tilespmem:v63+s16+$0x0], $0xffff;
	v63 =	vor.u32 $0x26, v42;
	v47 =	vadd.f32 $0.0e+00, v47  }
0x1c3: {  	v54 =	vld.idx.msk [tilespmem:v60+s17+$0x0], $0xffff;
	v60 =	vor.u32 $0x27, v43  }
0x1c4: {  	v45 =	vmul.f32 v50, v45;
	v50 =	vor.u32 $0x27, v42;
	v46 =	vadd.f32 v46, v47;
	v47 =	vld.idx.msk [tilespmem:v55+s16+$0x0], $0xffff  }
0x1c5: {  	v55 =	vor.u32 $0x28, v43;
	v51 =	vld.idx.msk [tilespmem:v61+s17+$0x0], $0xffff  }
0x1c6: {  	v61 =	vmul.f32 v52, v48;
	v48 =	vld.idx.msk [tilespmem:v62+s16+$0x0], $0xffff;
	v62 =	vor.u32 $0x28, v42;
	v45 =	vadd.f32 v45, v46  }
0x1c7: {  	v56 =	vor.u32 $0x29, v43;
	v53 =	vld.idx.msk [tilespmem:v63+s17+$0x0], $0xffff  }
0x1c8: {  	v63 =	vmul.f32 v54, v49;
	v49 =	vld.idx.msk [tilespmem:v60+s16+$0x0], $0xffff;
	v60 =	vor.u32 $0x29, v42;
	v45 =	vadd.f32 v61, v45  }
0x1c9: {  	v57 =	vor.u32 $0x2A, v43;
	v50 =	vld.idx.msk [tilespmem:v50+s17+$0x0], $0xffff  }
0x1ca: {  	v45 =	vadd.f32 v63, v45;
	v61 =	vmul.f32 v51, v47;
	v47 =	vld.idx.msk [tilespmem:v55+s16+$0x0], $0xffff;
	v51 =	vor.u32 $0x2A, v42  }
0x1cb: {  	v52 =	vld.idx.msk [tilespmem:v62+s17+$0x0], $0xffff;
	v55 =	vor.u32 $0x2B, v43  }
0x1cc: {  	v62 =	vmul.f32 v53, v48;
	v48 =	vld.idx.msk [tilespmem:v56+s16+$0x0], $0xffff;
	v63 =	vor.u32 $0x2B, v42;
	v45 =	vadd.f32 v61, v45  }
0x1cd: {  	v54 =	vld.idx.msk [tilespmem:v60+s17+$0x0], $0xffff;
	v56 =	vor.u32 $0x2C, v43  }
0x1ce: {  	v60 =	vmul.f32 v50, v49;
	v49 =	vld.idx.msk [tilespmem:v57+s16+$0x0], $0xffff;
	v61 =	vor.u32 $0x2C, v42;
	v45 =	vadd.f32 v62, v45  }
0x1cf: {  	v57 =	vor.u32 $0x2D, v43;
	v51 =	vld.idx.msk [tilespmem:v51+s17+$0x0], $0xffff  }
0x1d0: {  	v62 =	vmul.f32 v52, v47;
	v47 =	vld.idx.msk [tilespmem:v55+s16+$0x0], $0xffff;
	v52 =	vor.u32 $0x2D, v42;
	v45 =	vadd.f32 v60, v45  }
0x1d1: {  	v53 =	vld.idx.msk [tilespmem:v63+s17+$0x0], $0xffff;
	v55 =	vor.u32 $0x2E, v43  }
0x1d2: {  	v63 =	vmul.f32 v54, v48;
	v48 =	vld.idx.msk [tilespmem:v56+s16+$0x0], $0xffff;
	v60 =	vor.u32 $0x2E, v42;
	v45 =	vadd.f32 v62, v45  }
0x1d3: {  	v50 =	vld.idx.msk [tilespmem:v61+s17+$0x0], $0xffff;
	v61 =	vor.u32 $0x2F, v43  }
0x1d4: {  	v45 =	vadd.f32 v63, v45;
	v62 =	vmul.f32 v51, v49;
	v49 =	vld.idx.msk [tilespmem:v57+s16+$0x0], $0xffff;
	v63 =	vor.u32 $0x2F, v42  }
0x1d5: {  	v52 =	vld.idx.msk [tilespmem:v52+s17+$0x0], $0xffff  }
0x1d6: {  	v57 =	vmul.f32 v53, v47;
	v58 =	vld.idx.msk [tilespmem:v55+s16+$0x0], $0xffff;
	v45 =	vadd.f32 v62, v45  }
0x1d7: {  	v59 =	vld.idx.msk [tilespmem:v60+s17+$0x0], $0xffff  }
0x1d8: {  	v60 =	vmul.f32 v50, v48;
	v61 =	vld.idx.msk [tilespmem:v61+s16+$0x0], $0xffff;
	v45 =	vadd.f32 v57, v45  }
0x1d9: {  	v62 =	vld.idx.msk [tilespmem:v63+s17+$0x0], $0xffff  }
0x1da: {  	v63 =	vmul.f32 v52, v49;
	v45 =	vadd.f32 v60, v45;
	_ =	sdelay $0x1  }
0x1db: {  	v49 =	vmul.f32 v59, v58;
	v45 =	vadd.f32 v63, v45;
	_ =	sdelay $0x1  }
0x1dc: {  	v45 =	vadd.f32 v49, v45;
	v51 =	vmul.f32 v62, v61;
	_ =	sdelay $0x1  }
0x1dd: {  	v45 =	vadd.f32 v51, v45;
	_ =	sdelay $0x1  }
0x1de: {  	v45 =	vmul.f32 $1.442695020e+00, v45;
	_ =	sdelay $0x1  }
0x1df: {  	(erf) = vpow2.f32 v45;
	_ =	sdelay $0x4  }
0x1e0: {  	v52 =	vor.u32 $0x2, v44;
	_ =	sdelay $0x3  }
0x1e1: {  	s20 =	simm.s32 $0xA0A0;
	v53 =	vpop (erf)  }
0x1e2: {  	[tilespmem:v52+s20+$0x0] =	vst.idx.msk $0xffff, v53  }
0x1e3: {  	v45 =	vld [tilespmem:s3+$0x2940];
	_ =	sdelay $0x2  }
0x1e4: {  	v54 =	vbroadcast v53, $0x0;
	_ =	sdelay $0x1  }
0x1e5: {  	v45 =	vmul.f32 v54, v45;
	_ =	sdelay $0x1  }
0x1e6: {  	[tilespmem:s4+$0x78C0] =	vst v45  }
0x1e7: {  	v45 =	vld [tilespmem:s5+$0x2940];
	_ =	sdelay $0x2  }
0x1e8: {  	v55 =	vbroadcast v53, $0x1;
	_ =	sdelay $0x1  }
0x1e9: {  	v45 =	vmul.f32 v55, v45;
	_ =	sdelay $0x1  }
0x1ea: {  	[tilespmem:s6+$0x78C0] =	vst v45  }
0x1eb: {  	v45 =	vld [tilespmem:s7+$0x2940];
	_ =	sdelay $0x2  }
0x1ec: {  	v56 =	vbroadcast v53, $0x2;
	_ =	sdelay $0x1  }
0x1ed: {  	v45 =	vmul.f32 v45, v56;
	_ =	sdelay $0x1  }
0x1ee: {  	[tilespmem:s8+$0x78C0] =	vst v45  }
0x1ef: {  	v45 =	vld [tilespmem:s9+$0x2940];
	_ =	sdelay $0x2  }
0x1f0: {  	v57 =	vbroadcast v53, $0x3;
	_ =	sdelay $0x1  }
0x1f1: {  	v45 =	vmul.f32 v45, v57;
	_ =	sdelay $0x1  }
0x1f2: {  	[tilespmem:s10+$0x78C0] =	vst v45  }
0x1f3: {  	v45 =	vld [tilespmem:s11+$0x2940];
	_ =	sdelay $0x2  }
0x1f4: {  	v58 =	vbroadcast v53, $0x4;
	_ =	sdelay $0x1  }
0x1f5: {  	v45 =	vmul.f32 v45, v58;
	_ =	sdelay $0x1  }
0x1f6: {  	[tilespmem:s12+$0x78C0] =	vst v45  }
0x1f7: {  	v45 =	vld [tilespmem:s13+$0x2940];
	_ =	sdelay $0x2  }
0x1f8: {  	v59 =	vbroadcast v53, $0x5;
	_ =	sdelay $0x1  }
0x1f9: {  	v45 =	vmul.f32 v45, v59;
	_ =	sdelay $0x1  }
0x1fa: {  	[tilespmem:s14+$0x78C0] =	vst v45  }
0x1fb: {  	v45 =	vld [tilespmem:s15+$0x2940];
	_ =	sdelay $0x2  }
0x1fc: {  	v60 =	vbroadcast v53, $0x6;
	_ =	sdelay $0x1  }
0x1fd: {  	v45 =	vmul.f32 v45, v60;
	_ =	sdelay $0x1  }
0x1fe: {  	[tilespmem:s18+$0x78C0] =	vst v45  }
0x1ff: {  	v45 =	vld [tilespmem:s19+$0x2940];
	_ =	sdelay $0x2  }
0x200: {  	v61 =	vbroadcast v53, $0x7;
	_ =	sdelay $0x1  }
0x201: {  	v45 =	vmul.f32 v45, v61;
	_ =	sdelay $0x1  }
0x202: {  	[tilespmem:s22+$0x78C0] =	vst v45  }
0x203: {  	v45 =	vld [tilespmem:s0+$0x2940];
	_ =	sdelay $0x2  }
0x204: {  	v62 =	vbroadcast v53, $0x8;
	_ =	sdelay $0x1  }
0x205: {  	v45 =	vmul.f32 v45, v62;
	_ =	sdelay $0x1  }
0x206: {  	[tilespmem:s31+$0x78C0] =	vst v45  }
0x207: {  	v45 =	vld [tilespmem:s23+$0x2940];
	_ =	sdelay $0x2  }
0x208: {  	v63 =	vbroadcast v53, $0x9;
	_ =	sdelay $0x1  }
0x209: {  	v45 =	vmul.f32 v45, v63;
	_ =	sdelay $0x1  }
0x20a: {  	[tilespmem:s24+$0x78C0] =	vst v45  }
0x20b: {  	v45 =	vld [tilespmem:s25+$0x2940];
	_ =	sdelay $0x2  }
0x20c: {  	v48 =	vbroadcast v53, $0xA;
	_ =	sdelay $0x1  }
0x20d: {  	v45 =	vmul.f32 v45, v48;
	_ =	sdelay $0x1  }
0x20e: {  	[tilespmem:s26+$0x78C0] =	vst v45  }
0x20f: {  	v45 =	vld [tilespmem:s28+$0x2940];
	_ =	sdelay $0x2  }
0x210: {  	v49 =	vbroadcast v53, $0xB;
	_ =	sdelay $0x1  }
0x211: {  	v45 =	vmul.f32 v45, v49;
	_ =	sdelay $0x1  }
0x212: {  	[tilespmem:s29+$0x78C0] =	vst v45  }
0x213: {  	v45 =	vld [tilespmem:s30+$0x2940];
	_ =	sdelay $0x2  }
0x214: {  	v50 =	vbroadcast v53, $0xC  }
0x215: {  	[smem:$0x7F6] =	sst s3  }
0x216: {  	s20 =	smov.u32 s3;
	s3 =	sld [smem:$0x7EE];
	v45 =	vmul.f32 v45, v50;
	_ =	sdelay $0x1  }
0x217: {  	[tilespmem:s2+$0x78C0] =	vst v45  }
0x218: {  	[smem:$0x7EC] =	sst s23;
	v45 =	vld [tilespmem:s3+$0x2940]  }
0x219: {  	[smem:$0x7EB] =	sst s24;
	s21 =	smov.u32 s22  }
0x21a: {  	s22 =	smov.u32 s23;
	s23 =	smov.u32 s24;
	s24 =	smov.u32 s25  }
0x21b: {  	v51 =	vbroadcast v53, $0xD;
	s25 =	smov.u32 s26;
	s26 =	smov.u32 s28;
	s28 =	smov.u32 s29  }
0x21c: {  	s29 =	smov.u32 s30;
	s30 =	smov.u32 s2;
	s2 =	sld [smem:$0x7EF]  }
0x21d: {  	s4 =	sld [smem:$0x7E1];
	v45 =	vmul.f32 v45, v51;
	_ =	sdelay $0x1  }
0x21e: {  	[tilespmem:s2+$0x78C0] =	vst v45  }
0x21f: {  	v45 =	vld [tilespmem:s4+$0x2940];
	_ =	sdelay $0x2  }
0x220: {  	v52 =	vbroadcast v53, $0xE  }
0x221: {  	s1 =	sld [smem:$0x7F0]  }
0x222: {  	s5 =	sld [smem:$0x7E2];
	v45 =	vmul.f32 v45, v52;
	_ =	sdelay $0x1  }
0x223: {  	[tilespmem:s1+$0x78C0] =	vst v45  }
0x224: {  	v45 =	vld [tilespmem:s5+$0x2940];
	_ =	sdelay $0x2  }
0x225: {  	[smem:$0x7E8] =	sst s18;
	v46 =	vbroadcast v53, $0xF;
	v53 =	vor.u32 $0x30, v43  }
0x226: {  	v54 =	vor.u32 $0x30, v42;
	s18 =	sld [smem:$0x7F1]  }
0x227: {  	v55 =	vor.u32 $0x31, v43;
	v45 =	vmul.f32 v45, v46  }
0x228: {  	v56 =	vor.u32 $0x31, v42  }
0x229: {  	v57 =	vor.u32 $0x32, v43;
	[tilespmem:s18+$0x78C0] =	vst v45  }
0x22a: {  	v58 =	vor.u32 $0x32, v42;
	v47 =	vld.idx.msk [tilespmem:v53+s16+$0x0], $0xffff  }
0x22b: {  	v60 =	vor.u32 $0x33, v42;
	v48 =	vld.idx.msk [tilespmem:v54+s17+$0x0], $0xffff  }
0x22c: {  	v59 =	vor.u32 $0x33, v43;
	v46 =	vld.idx.msk [tilespmem:v55+s16+$0x0], $0xffff  }
0x22d: {  	v61 =	vor.u32 $0x34, v43;
	v49 =	vld.idx.msk [tilespmem:v56+s17+$0x0], $0xffff  }
0x22e: {  	v62 =	vor.u32 $0x34, v42;
	v45 =	vld.idx.msk [tilespmem:v57+s16+$0x0], $0xffff  }
0x22f: {  	v63 =	vor.u32 $0x35, v42;
	v50 =	vld.idx.msk [tilespmem:v58+s17+$0x0], $0xffff  }
0x230: {  	v55 =	vor.u32 $0x35, v43;
	v52 =	vld.idx.msk [tilespmem:v60+s17+$0x0], $0xffff;
	v47 =	vmul.f32 v48, v47  }
0x231: {  	v60 =	vor.u32 $0x36, v43;
	v48 =	vld.idx.msk [tilespmem:v59+s16+$0x0], $0xffff  }
0x232: {  	v46 =	vmul.f32 v49, v46;
	v49 =	vld.idx.msk [tilespmem:v61+s16+$0x0], $0xffff;
	v61 =	vor.u32 $0x36, v42;
	v47 =	vadd.f32 $0.0e+00, v47  }
0x233: {  	v54 =	vld.idx.msk [tilespmem:v62+s17+$0x0], $0xffff;
	v62 =	vor.u32 $0x37, v43  }
0x234: {  	v51 =	vld.idx.msk [tilespmem:v63+s17+$0x0], $0xffff;
	v45 =	vmul.f32 v50, v45;
	v50 =	vor.u32 $0x37, v42;
	v46 =	vadd.f32 v46, v47  }
0x235: {  	v47 =	vld.idx.msk [tilespmem:v55+s16+$0x0], $0xffff;
	v55 =	vor.u32 $0x38, v43  }
0x236: {  	v63 =	vmul.f32 v52, v48;
	v48 =	vld.idx.msk [tilespmem:v60+s16+$0x0], $0xffff;
	v60 =	vor.u32 $0x38, v42;
	v45 =	vadd.f32 v45, v46  }
0x237: {  	v56 =	vor.u32 $0x39, v43;
	v53 =	vld.idx.msk [tilespmem:v61+s17+$0x0], $0xffff  }
0x238: {  	v61 =	vmul.f32 v54, v49;
	v49 =	vld.idx.msk [tilespmem:v62+s16+$0x0], $0xffff;
	v62 =	vor.u32 $0x39, v42;
	v45 =	vadd.f32 v63, v45  }
0x239: {  	v50 =	vld.idx.msk [tilespmem:v50+s17+$0x0], $0xffff;
	v63 =	vor.u32 $0x3A, v43  }
0x23a: {  	v59 =	vmul.f32 v51, v47;
	v47 =	vld.idx.msk [tilespmem:v55+s16+$0x0], $0xffff;
	v51 =	vor.u32 $0x3A, v42;
	v45 =	vadd.f32 v61, v45  }
0x23b: {  	v55 =	vor.u32 $0x3B, v43;
	v52 =	vld.idx.msk [tilespmem:v60+s17+$0x0], $0xffff  }
0x23c: {  	v60 =	vmul.f32 v53, v48;
	v48 =	vld.idx.msk [tilespmem:v56+s16+$0x0], $0xffff;
	v61 =	vor.u32 $0x3B, v42;
	v45 =	vadd.f32 v59, v45  }
0x23d: {  	v54 =	vld.idx.msk [tilespmem:v62+s17+$0x0], $0xffff;
	v56 =	vor.u32 $0x3C, v43  }
0x23e: {  	v62 =	vmul.f32 v50, v49;
	v49 =	vld.idx.msk [tilespmem:v63+s16+$0x0], $0xffff;
	v63 =	vor.u32 $0x3C, v42;
	v45 =	vadd.f32 v60, v45  }
0x23f: {  	v57 =	vor.u32 $0x3D, v43;
	v51 =	vld.idx.msk [tilespmem:v51+s17+$0x0], $0xffff  }
0x240: {  	v60 =	vor.u32 $0x3D, v42;
	v59 =	vmul.f32 v52, v47;
	v47 =	vld.idx.msk [tilespmem:v55+s16+$0x0], $0xffff;
	v45 =	vadd.f32 v62, v45  }
0x241: {  	v53 =	vld.idx.msk [tilespmem:v61+s17+$0x0], $0xffff;
	v55 =	vor.u32 $0x3E, v43  }
0x242: {  	v61 =	vmul.f32 v54, v48;
	v48 =	vld.idx.msk [tilespmem:v56+s16+$0x0], $0xffff;
	v62 =	vor.u32 $0x3E, v42;
	v45 =	vadd.f32 v59, v45  }
0x243: {  	v56 =	vor.u32 $0x3F, v43;
	v50 =	vld.idx.msk [tilespmem:v63+s17+$0x0], $0xffff  }
0x244: {  	v58 =	vld.idx.msk [tilespmem:v57+s16+$0x0], $0xffff;
	v59 =	vor.u32 $0x3F, v42;
	v63 =	vmul.f32 v51, v49;
	v45 =	vadd.f32 v61, v45  }
0x245: {  	v52 =	vld.idx.msk [tilespmem:v60+s17+$0x0], $0xffff  }
0x246: {  	v60 =	vmul.f32 v53, v47;
	v61 =	vld.idx.msk [tilespmem:v55+s16+$0x0], $0xffff;
	v45 =	vadd.f32 v63, v45  }
0x247: {  	v62 =	vld.idx.msk [tilespmem:v62+s17+$0x0], $0xffff  }
0x248: {  	v54 =	vld.idx.msk [tilespmem:v56+s16+$0x0], $0xffff;
	v63 =	vmul.f32 v50, v48;
	v45 =	vadd.f32 v60, v45  }
0x249: {  	v55 =	vld.idx.msk [tilespmem:v59+s17+$0x0], $0xffff  }
0x24a: {  	v56 =	vmul.f32 v52, v58;
	v45 =	vadd.f32 v63, v45;
	_ =	sdelay $0x1  }
0x24b: {  	v57 =	vmul.f32 v62, v61;
	v45 =	vadd.f32 v56, v45;
	_ =	sdelay $0x1  }
0x24c: {  	v58 =	vmul.f32 v55, v54;
	v45 =	vadd.f32 v57, v45;
	_ =	sdelay $0x1  }
0x24d: {  	v45 =	vadd.f32 v58, v45;
	_ =	sdelay $0x1  }
0x24e: {  	v45 =	vmul.f32 $1.442695020e+00, v45;
	_ =	sdelay $0x1  }
0x24f: {  	(erf) = vpow2.f32 v45;
	_ =	sdelay $0x4  }
0x250: {  	v59 =	vor.u32 $0x3, v44;
	_ =	sdelay $0x3  }
0x251: {  	[smem:$0x7E9] =	sst s19;
	s19 =	simm.s32 $0xA0A0;
	v60 =	vpop (erf)  }
0x252: {  	[tilespmem:v59+s19+$0x0] =	vst.idx.msk $0xffff, v60  }
0x253: {  	v45 =	vld [tilespmem:s20+$0x2950];
	_ =	sdelay $0x1  }
0x254: {  	[smem:$0x7F4] =	sst s6  }
0x255: {  	[smem:$0x7E4] =	sst s11;
	v61 =	vbroadcast v60, $0x0  }
0x256: {  	s6 =	smov.u32 s0;
	s0 =	sld [smem:$0x7F2]  }
0x257: {  	s11 =	sld [smem:$0x7F3];
	v45 =	vmul.f32 v61, v45;
	_ =	sdelay $0x1  }
0x258: {  	[tilespmem:s0+$0x78D0] =	vst v45  }
0x259: {  	v45 =	vld [tilespmem:s11+$0x2950];
	_ =	sdelay $0x2  }
0x25a: {  	[smem:$0x7E3] =	sst s10;
	v62 =	vbroadcast v60, $0x1  }
0x25b: {  	s10 =	sld [smem:$0x7F4]  }
0x25c: {  	v45 =	vmul.f32 v62, v45;
	_ =	sdelay $0x1  }
0x25d: {  	[tilespmem:s10+$0x78D0] =	vst v45  }
0x25e: {  	v45 =	vld [tilespmem:s7+$0x2950];
	_ =	sdelay $0x2  }
0x25f: {  	v63 =	vbroadcast v60, $0x2;
	_ =	sdelay $0x1  }
0x260: {  	v45 =	vmul.f32 v45, v63;
	_ =	sdelay $0x1  }
0x261: {  	[tilespmem:s8+$0x78D0] =	vst v45  }
0x262: {  	v45 =	vld [tilespmem:s9+$0x2950];
	_ =	sdelay $0x1  }
0x263: {  	[smem:$0x7FA] =	sst s12  }
0x264: {  	[smem:$0x7E5] =	sst s13;
	v48 =	vbroadcast v60, $0x3  }
0x265: {  	s12 =	sld [smem:$0x7E3]  }
0x266: {  	s13 =	sld [smem:$0x7E4];
	v45 =	vmul.f32 v45, v48;
	_ =	sdelay $0x1  }
0x267: {  	[tilespmem:s12+$0x78D0] =	vst v45  }
0x268: {  	v45 =	vld [tilespmem:s13+$0x2950];
	_ =	sdelay $0x1  }
0x269: {  	[smem:$0x7E6] =	sst s14  }
0x26a: {  	[smem:$0x7E7] =	sst s15;
	v49 =	vbroadcast v60, $0x4  }
0x26b: {  	s14 =	sld [smem:$0x7FA]  }
0x26c: {  	s15 =	sld [smem:$0x7E5];
	v45 =	vmul.f32 v45, v49;
	_ =	sdelay $0x1  }
0x26d: {  	[tilespmem:s14+$0x78D0] =	vst v45  }
0x26e: {  	v45 =	vld [tilespmem:s15+$0x2950];
	_ =	sdelay $0x2  }
0x26f: {  	v50 =	vbroadcast v60, $0x5  }
0x270: {  	s18 =	sld [smem:$0x7E6]  }
0x271: {  	s19 =	sld [smem:$0x7E7];
	v45 =	vmul.f32 v45, v50;
	_ =	sdelay $0x1  }
0x272: {  	[tilespmem:s18+$0x78D0] =	vst v45  }
0x273: {  	v45 =	vld [tilespmem:s19+$0x2950];
	_ =	sdelay $0x2  }
0x274: {  	[smem:$0x7EA] =	sst s31;
	v51 =	vbroadcast v60, $0x6  }
0x275: {  	s31 =	sld [smem:$0x7E8]  }
0x276: {  	s20 =	sld [smem:$0x7E9];
	v45 =	vmul.f32 v45, v51;
	_ =	sdelay $0x1  }
0x277: {  	[tilespmem:s31+$0x78D0] =	vst v45  }
0x278: {  	v45 =	vld [tilespmem:s20+$0x2950];
	_ =	sdelay $0x2  }
0x279: {  	v52 =	vbroadcast v60, $0x7;
	_ =	sdelay $0x1  }
0x27a: {  	v45 =	vmul.f32 v45, v52;
	_ =	sdelay $0x1  }
0x27b: {  	[tilespmem:s21+$0x78D0] =	vst v45  }
0x27c: {  	v45 =	vld [tilespmem:s6+$0x2950];
	_ =	sdelay $0x2  }
0x27d: {  	v53 =	vbroadcast v60, $0x8  }
0x27e: {  	s20 =	smov.u32 s6;
	s6 =	sld [smem:$0x7EA]  }
0x27f: {  	v45 =	vmul.f32 v45, v53;
	_ =	sdelay $0x1  }
0x280: {  	[tilespmem:s6+$0x78D0] =	vst v45  }
0x281: {  	v45 =	vld [tilespmem:s22+$0x2950];
	_ =	sdelay $0x2  }
0x282: {  	v54 =	vbroadcast v60, $0x9;
	_ =	sdelay $0x1  }
0x283: {  	v45 =	vmul.f32 v45, v54;
	_ =	sdelay $0x1  }
0x284: {  	[tilespmem:s23+$0x78D0] =	vst v45  }
0x285: {  	v45 =	vld [tilespmem:s24+$0x2950];
	_ =	sdelay $0x2  }
0x286: {  	v55 =	vbroadcast v60, $0xA;
	_ =	sdelay $0x1  }
0x287: {  	v45 =	vmul.f32 v45, v55;
	_ =	sdelay $0x1  }
0x288: {  	[tilespmem:s25+$0x78D0] =	vst v45  }
0x289: {  	v45 =	vld [tilespmem:s26+$0x2950];
	_ =	sdelay $0x2  }
0x28a: {  	v56 =	vbroadcast v60, $0xB;
	_ =	sdelay $0x1  }
0x28b: {  	v45 =	vmul.f32 v45, v56;
	_ =	sdelay $0x1  }
0x28c: {  	[tilespmem:s28+$0x78D0] =	vst v45  }
0x28d: {  	v45 =	vld [tilespmem:s29+$0x2950];
	_ =	sdelay $0x2  }
0x28e: {  	v57 =	vbroadcast v60, $0xC;
	_ =	sdelay $0x1  }
0x28f: {  	v45 =	vmul.f32 v45, v57;
	_ =	sdelay $0x1  }
0x290: {  	[tilespmem:s30+$0x78D0] =	vst v45  }
0x291: {  	v45 =	vld [tilespmem:s3+$0x2950];
	_ =	sdelay $0x2  }
0x292: {  	v58 =	vbroadcast v60, $0xD;
	_ =	sdelay $0x1  }
0x293: {  	v45 =	vmul.f32 v45, v58;
	_ =	sdelay $0x1  }
0x294: {  	[tilespmem:s2+$0x78D0] =	vst v45  }
0x295: {  	v45 =	vld [tilespmem:s4+$0x2950];
	_ =	sdelay $0x2  }
0x296: {  	v59 =	vbroadcast v60, $0xE;
	_ =	sdelay $0x1  }
0x297: {  	v45 =	vmul.f32 v45, v59;
	_ =	sdelay $0x1  }
0x298: {  	[tilespmem:s1+$0x78D0] =	vst v45  }
0x299: {  	v45 =	vld [tilespmem:s5+$0x2950];
	_ =	sdelay $0x2  }
0x29a: {  	v46 =	vbroadcast v60, $0xF;
	v60 =	vor.u32 $0x40, v43  }
0x29b: {  	v61 =	vor.u32 $0x40, v42;
	s22 =	smov.u32 s3;
	s3 =	smov.u32 s2;
	s2 =	sld [smem:$0x7F1]  }
0x29c: {  	v62 =	vor.u32 $0x41, v43;
	v45 =	vmul.f32 v45, v46  }
0x29d: {  	v63 =	vor.u32 $0x41, v42  }
0x29e: {  	v56 =	vor.u32 $0x42, v43;
	[tilespmem:s2+$0x78D0] =	vst v45  }
0x29f: {  	v57 =	vor.u32 $0x42, v42;
	v47 =	vld.idx.msk [tilespmem:v60+s16+$0x0], $0xffff  }
0x2a0: {  	v59 =	vor.u32 $0x43, v42;
	v48 =	vld.idx.msk [tilespmem:v61+s17+$0x0], $0xffff  }
0x2a1: {  	v58 =	vor.u32 $0x43, v43;
	v46 =	vld.idx.msk [tilespmem:v62+s16+$0x0], $0xffff  }
0x2a2: {  	v49 =	vld.idx.msk [tilespmem:v63+s17+$0x0], $0xffff;
	v60 =	vor.u32 $0x44, v43  }
0x2a3: {  	v45 =	vld.idx.msk [tilespmem:v56+s16+$0x0], $0xffff;
	v61 =	vor.u32 $0x44, v42  }
0x2a4: {  	v50 =	vld.idx.msk [tilespmem:v57+s17+$0x0], $0xffff;
	v62 =	vor.u32 $0x45, v42  }
0x2a5: {  	v55 =	vor.u32 $0x45, v43;
	v52 =	vld.idx.msk [tilespmem:v59+s17+$0x0], $0xffff;
	v47 =	vmul.f32 v48, v47  }
0x2a6: {  	v63 =	vor.u32 $0x46, v43;
	v48 =	vld.idx.msk [tilespmem:v58+s16+$0x0], $0xffff  }
0x2a7: {  	v46 =	vmul.f32 v49, v46;
	v49 =	vld.idx.msk [tilespmem:v60+s16+$0x0], $0xffff;
	v60 =	vor.u32 $0x46, v42;
	v47 =	vadd.f32 $0.0e+00, v47  }
0x2a8: {  	v54 =	vld.idx.msk [tilespmem:v61+s17+$0x0], $0xffff;
	v61 =	vor.u32 $0x47, v43  }
0x2a9: {  	v45 =	vmul.f32 v50, v45;
	v50 =	vor.u32 $0x47, v42;
	v51 =	vld.idx.msk [tilespmem:v62+s17+$0x0], $0xffff;
	v46 =	vadd.f32 v46, v47  }
0x2aa: {  	v47 =	vld.idx.msk [tilespmem:v55+s16+$0x0], $0xffff;
	v55 =	vor.u32 $0x48, v43  }
0x2ab: {  	v62 =	vmul.f32 v52, v48;
	v48 =	vld.idx.msk [tilespmem:v63+s16+$0x0], $0xffff;
	v63 =	vor.u32 $0x48, v42;
	v45 =	vadd.f32 v45, v46  }
0x2ac: {  	v56 =	vor.u32 $0x49, v43;
	v53 =	vld.idx.msk [tilespmem:v60+s17+$0x0], $0xffff  }
0x2ad: {  	v60 =	vmul.f32 v54, v49;
	v49 =	vld.idx.msk [tilespmem:v61+s16+$0x0], $0xffff;
	v61 =	vor.u32 $0x49, v42;
	v45 =	vadd.f32 v62, v45  }
0x2ae: {  	v57 =	vor.u32 $0x4A, v43;
	v50 =	vld.idx.msk [tilespmem:v50+s17+$0x0], $0xffff  }
0x2af: {  	v62 =	vmul.f32 v51, v47;
	v47 =	vld.idx.msk [tilespmem:v55+s16+$0x0], $0xffff;
	v51 =	vor.u32 $0x4A, v42;
	v45 =	vadd.f32 v60, v45  }
0x2b0: {  	v55 =	vor.u32 $0x4B, v43;
	v52 =	vld.idx.msk [tilespmem:v63+s17+$0x0], $0xffff  }
0x2b1: {  	v63 =	vmul.f32 v53, v48;
	v48 =	vld.idx.msk [tilespmem:v56+s16+$0x0], $0xffff;
	v60 =	vor.u32 $0x4B, v42;
	v45 =	vadd.f32 v62, v45  }
0x2b2: {  	v54 =	vld.idx.msk [tilespmem:v61+s17+$0x0], $0xffff;
	v61 =	vor.u32 $0x4C, v43  }
0x2b3: {  	v62 =	vmul.f32 v50, v49;
	v49 =	vld.idx.msk [tilespmem:v57+s16+$0x0], $0xffff;
	v45 =	vadd.f32 v63, v45;
	v63 =	vor.u32 $0x4C, v42  }
0x2b4: {  	v57 =	vor.u32 $0x4D, v43;
	v51 =	vld.idx.msk [tilespmem:v51+s17+$0x0], $0xffff  }
0x2b5: {  	v59 =	vmul.f32 v52, v47;
	v47 =	vld.idx.msk [tilespmem:v55+s16+$0x0], $0xffff;
	v52 =	vor.u32 $0x4D, v42;
	v45 =	vadd.f32 v62, v45  }
0x2b6: {  	v53 =	vld.idx.msk [tilespmem:v60+s17+$0x0], $0xffff;
	v55 =	vor.u32 $0x4E, v43  }
0x2b7: {  	v60 =	vmul.f32 v54, v48;
	v48 =	vld.idx.msk [tilespmem:v61+s16+$0x0], $0xffff;
	v61 =	vor.u32 $0x4E, v42;
	v45 =	vadd.f32 v59, v45  }
0x2b8: {  	v62 =	vor.u32 $0x4F, v43;
	v50 =	vld.idx.msk [tilespmem:v63+s17+$0x0], $0xffff  }
0x2b9: {  	v63 =	vmul.f32 v51, v49;
	v49 =	vld.idx.msk [tilespmem:v57+s16+$0x0], $0xffff;
	v57 =	vor.u32 $0x4F, v42;
	v45 =	vadd.f32 v60, v45  }
0x2ba: {  	v52 =	vld.idx.msk [tilespmem:v52+s17+$0x0], $0xffff  }
0x2bb: {  	v58 =	vmul.f32 v53, v47;
	v59 =	vld.idx.msk [tilespmem:v55+s16+$0x0], $0xffff;
	v45 =	vadd.f32 v63, v45  }
0x2bc: {  	v60 =	vld.idx.msk [tilespmem:v61+s17+$0x0], $0xffff  }
0x2bd: {  	v62 =	vld.idx.msk [tilespmem:v62+s16+$0x0], $0xffff;
	v45 =	vadd.f32 v58, v45;
	v61 =	vmul.f32 v50, v48  }
0x2be: {  	v63 =	vld.idx.msk [tilespmem:v57+s17+$0x0], $0xffff  }
0x2bf: {  	v49 =	vmul.f32 v52, v49;
	v45 =	vadd.f32 v61, v45;
	_ =	sdelay $0x1  }
0x2c0: {  	v51 =	vmul.f32 v60, v59;
	v45 =	vadd.f32 v49, v45;
	_ =	sdelay $0x1  }
0x2c1: {  	v52 =	vmul.f32 v63, v62;
	v45 =	vadd.f32 v51, v45;
	_ =	sdelay $0x1  }
0x2c2: {  	v45 =	vadd.f32 v52, v45;
	_ =	sdelay $0x1  }
0x2c3: {  	v45 =	vmul.f32 $1.442695020e+00, v45;
	_ =	sdelay $0x1  }
0x2c4: {  	(erf) = vpow2.f32 v45;
	_ =	sdelay $0x4  }
0x2c5: {  	v53 =	vor.u32 $0x4, v44;
	_ =	sdelay $0x2  }
0x2c6: {  	s6 =	sld [smem:$0x7F6]  }
0x2c7: {  	s30 =	simm.s32 $0xA0A0;
	v54 =	vpop (erf)  }
0x2c8: {  	[tilespmem:v53+s30+$0x0] =	vst.idx.msk $0xffff, v54  }
0x2c9: {  	v45 =	vld [tilespmem:s6+$0x2960];
	_ =	sdelay $0x2  }
0x2ca: {  	v55 =	vbroadcast v54, $0x0;
	_ =	sdelay $0x1  }
0x2cb: {  	v45 =	vmul.f32 v55, v45;
	_ =	sdelay $0x1  }
0x2cc: {  	[tilespmem:s0+$0x78E0] =	vst v45  }
0x2cd: {  	v45 =	vld [tilespmem:s11+$0x2960];
	_ =	sdelay $0x2  }
0x2ce: {  	v56 =	vbroadcast v54, $0x1;
	_ =	sdelay $0x1  }
0x2cf: {  	v45 =	vmul.f32 v56, v45;
	_ =	sdelay $0x1  }
0x2d0: {  	[tilespmem:s10+$0x78E0] =	vst v45  }
0x2d1: {  	v45 =	vld [tilespmem:s7+$0x2960];
	_ =	sdelay $0x2  }
0x2d2: {  	v57 =	vbroadcast v54, $0x2;
	_ =	sdelay $0x1  }
0x2d3: {  	v45 =	vmul.f32 v45, v57;
	_ =	sdelay $0x1  }
0x2d4: {  	[tilespmem:s8+$0x78E0] =	vst v45  }
0x2d5: {  	v45 =	vld [tilespmem:s9+$0x2960];
	_ =	sdelay $0x2  }
0x2d6: {  	v58 =	vbroadcast v54, $0x3;
	_ =	sdelay $0x1  }
0x2d7: {  	v45 =	vmul.f32 v45, v58;
	_ =	sdelay $0x1  }
0x2d8: {  	[tilespmem:s12+$0x78E0] =	vst v45  }
0x2d9: {  	v45 =	vld [tilespmem:s13+$0x2960];
	_ =	sdelay $0x2  }
0x2da: {  	v59 =	vbroadcast v54, $0x4;
	_ =	sdelay $0x1  }
0x2db: {  	v45 =	vmul.f32 v45, v59;
	_ =	sdelay $0x1  }
0x2dc: {  	[tilespmem:s14+$0x78E0] =	vst v45  }
0x2dd: {  	v45 =	vld [tilespmem:s15+$0x2960];
	_ =	sdelay $0x2  }
0x2de: {  	v60 =	vbroadcast v54, $0x5;
	_ =	sdelay $0x1  }
0x2df: {  	v45 =	vmul.f32 v45, v60;
	_ =	sdelay $0x1  }
0x2e0: {  	[tilespmem:s18+$0x78E0] =	vst v45  }
0x2e1: {  	v45 =	vld [tilespmem:s19+$0x2960];
	_ =	sdelay $0x2  }
0x2e2: {  	v61 =	vbroadcast v54, $0x6  }
0x2e3: {  	s23 =	smov.u32 s1;
	s1 =	smov.u32 s11;
	s11 =	smov.u32 s13  }
0x2e4: {  	s13 =	smov.u32 s15;
	s15 =	smov.u32 s19;
	s19 =	sld [smem:$0x7E9];
	v45 =	vmul.f32 v45, v61  }
0x2e5: {  	_ = 	snop  }
0x2e6: {  	[tilespmem:s31+$0x78E0] =	vst v45  }
0x2e7: {  	v45 =	vld [tilespmem:s19+$0x2960];
	_ =	sdelay $0x2  }
0x2e8: {  	v62 =	vbroadcast v54, $0x7;
	_ =	sdelay $0x1  }
0x2e9: {  	v45 =	vmul.f32 v45, v62;
	_ =	sdelay $0x1  }
0x2ea: {  	[tilespmem:s21+$0x78E0] =	vst v45  }
0x2eb: {  	v45 =	vld [tilespmem:s20+$0x2960];
	_ =	sdelay $0x2  }
0x2ec: {  	v63 =	vbroadcast v54, $0x8;
	s6 =	smov.u32 s10;
	s10 =	smov.u32 s12;
	s12 =	smov.u32 s14  }
0x2ed: {  	s14 =	smov.u32 s18;
	s18 =	smov.u32 s31;
	s31 =	sld [smem:$0x7EA]  }
0x2ee: {  	s30 =	sld [smem:$0x7EC];
	v45 =	vmul.f32 v45, v63;
	_ =	sdelay $0x1  }
0x2ef: {  	[tilespmem:s31+$0x78E0] =	vst v45  }
0x2f0: {  	v45 =	vld [tilespmem:s30+$0x2960];
	_ =	sdelay $0x2  }
0x2f1: {  	[smem:$0x7F7] =	sst s7;
	v48 =	vbroadcast v54, $0x9  }
0x2f2: {  	s7 =	sld [smem:$0x7EB]  }
0x2f3: {  	v45 =	vmul.f32 v45, v48;
	_ =	sdelay $0x1  }
0x2f4: {  	[tilespmem:s7+$0x78E0] =	vst v45  }
0x2f5: {  	v45 =	vld [tilespmem:s24+$0x2960];
	_ =	sdelay $0x2  }
0x2f6: {  	v49 =	vbroadcast v54, $0xA;
	_ =	sdelay $0x1  }
0x2f7: {  	v45 =	vmul.f32 v45, v49;
	_ =	sdelay $0x1  }
0x2f8: {  	[tilespmem:s25+$0x78E0] =	vst v45  }
0x2f9: {  	v45 =	vld [tilespmem:s26+$0x2960];
	_ =	sdelay $0x2  }
0x2fa: {  	v50 =	vbroadcast v54, $0xB;
	_ =	sdelay $0x1  }
0x2fb: {  	v45 =	vmul.f32 v45, v50;
	_ =	sdelay $0x1  }
0x2fc: {  	[tilespmem:s28+$0x78E0] =	vst v45  }
0x2fd: {  	v45 =	vld [tilespmem:s29+$0x2960];
	_ =	sdelay $0x2  }
0x2fe: {  	v51 =	vbroadcast v54, $0xC  }
0x2ff: {  	s30 =	sld [smem:$0x7ED]  }
0x300: {  	v45 =	vmul.f32 v45, v51;
	_ =	sdelay $0x1  }
0x301: {  	[tilespmem:s30+$0x78E0] =	vst v45  }
0x302: {  	v45 =	vld [tilespmem:s22+$0x2960];
	_ =	sdelay $0x2  }
0x303: {  	v52 =	vbroadcast v54, $0xD;
	_ =	sdelay $0x1  }
0x304: {  	v45 =	vmul.f32 v45, v52;
	_ =	sdelay $0x1  }
0x305: {  	[tilespmem:s3+$0x78E0] =	vst v45  }
0x306: {  	v45 =	vld [tilespmem:s4+$0x2960];
	_ =	sdelay $0x2  }
0x307: {  	v53 =	vbroadcast v54, $0xE;
	_ =	sdelay $0x1  }
0x308: {  	v45 =	vmul.f32 v45, v53;
	_ =	sdelay $0x1  }
0x309: {  	[tilespmem:s23+$0x78E0] =	vst v45  }
0x30a: {  	v45 =	vld [tilespmem:s5+$0x2960];
	_ =	sdelay $0x2  }
0x30b: {  	v46 =	vbroadcast v54, $0xF;
	v54 =	vor.u32 $0x50, v43  }
0x30c: {  	v55 =	vor.u32 $0x50, v42  }
0x30d: {  	v56 =	vor.u32 $0x51, v43;
	v45 =	vmul.f32 v45, v46  }
0x30e: {  	v57 =	vor.u32 $0x51, v42  }
0x30f: {  	v58 =	vor.u32 $0x52, v43;
	[tilespmem:s2+$0x78E0] =	vst v45  }
0x310: {  	v59 =	vor.u32 $0x52, v42;
	v47 =	vld.idx.msk [tilespmem:v54+s16+$0x0], $0xffff  }
0x311: {  	v61 =	vor.u32 $0x53, v43;
	v48 =	vld.idx.msk [tilespmem:v55+s17+$0x0], $0xffff  }
0x312: {  	v62 =	vor.u32 $0x53, v42;
	v46 =	vld.idx.msk [tilespmem:v56+s16+$0x0], $0xffff  }
0x313: {  	v63 =	vor.u32 $0x54, v43;
	v49 =	vld.idx.msk [tilespmem:v57+s17+$0x0], $0xffff  }
0x314: {  	v60 =	vor.u32 $0x54, v42;
	v45 =	vld.idx.msk [tilespmem:v58+s16+$0x0], $0xffff  }
0x315: {  	v50 =	vld.idx.msk [tilespmem:v59+s17+$0x0], $0xffff;
	v55 =	vor.u32 $0x55, v43  }
0x316: {  	v47 =	vmul.f32 v48, v47;
	v48 =	vld.idx.msk [tilespmem:v61+s16+$0x0], $0xffff;
	v61 =	vor.u32 $0x55, v42  }
0x317: {  	v52 =	vld.idx.msk [tilespmem:v62+s17+$0x0], $0xffff;
	v62 =	vor.u32 $0x56, v43  }
0x318: {  	v46 =	vmul.f32 v49, v46;
	v49 =	vld.idx.msk [tilespmem:v63+s16+$0x0], $0xffff;
	v63 =	vor.u32 $0x56, v42;
	v47 =	vadd.f32 $0.0e+00, v47  }
0x319: {  	v54 =	vld.idx.msk [tilespmem:v60+s17+$0x0], $0xffff;
	v60 =	vor.u32 $0x57, v43  }
0x31a: {  	v45 =	vmul.f32 v50, v45;
	v50 =	vor.u32 $0x57, v42;
	v46 =	vadd.f32 v46, v47;
	v47 =	vld.idx.msk [tilespmem:v55+s16+$0x0], $0xffff  }
0x31b: {  	v55 =	vor.u32 $0x58, v43;
	v51 =	vld.idx.msk [tilespmem:v61+s17+$0x0], $0xffff  }
0x31c: {  	v61 =	vmul.f32 v52, v48;
	v48 =	vld.idx.msk [tilespmem:v62+s16+$0x0], $0xffff;
	v62 =	vor.u32 $0x58, v42;
	v45 =	vadd.f32 v45, v46  }
0x31d: {  	v56 =	vor.u32 $0x59, v43;
	v53 =	vld.idx.msk [tilespmem:v63+s17+$0x0], $0xffff  }
0x31e: {  	v63 =	vmul.f32 v54, v49;
	v49 =	vld.idx.msk [tilespmem:v60+s16+$0x0], $0xffff;
	v60 =	vor.u32 $0x59, v42;
	v45 =	vadd.f32 v61, v45  }
0x31f: {  	v57 =	vor.u32 $0x5A, v43;
	v50 =	vld.idx.msk [tilespmem:v50+s17+$0x0], $0xffff  }
0x320: {  	v45 =	vadd.f32 v63, v45;
	v61 =	vmul.f32 v51, v47;
	v47 =	vld.idx.msk [tilespmem:v55+s16+$0x0], $0xffff;
	v51 =	vor.u32 $0x5A, v42  }
0x321: {  	v52 =	vld.idx.msk [tilespmem:v62+s17+$0x0], $0xffff;
	v55 =	vor.u32 $0x5B, v43  }
0x322: {  	v62 =	vmul.f32 v53, v48;
	v48 =	vld.idx.msk [tilespmem:v56+s16+$0x0], $0xffff;
	v63 =	vor.u32 $0x5B, v42;
	v45 =	vadd.f32 v61, v45  }
0x323: {  	v54 =	vld.idx.msk [tilespmem:v60+s17+$0x0], $0xffff;
	v56 =	vor.u32 $0x5C, v43  }
0x324: {  	v60 =	vmul.f32 v50, v49;
	v49 =	vld.idx.msk [tilespmem:v57+s16+$0x0], $0xffff;
	v61 =	vor.u32 $0x5C, v42;
	v45 =	vadd.f32 v62, v45  }
0x325: {  	v57 =	vor.u32 $0x5D, v43;
	v51 =	vld.idx.msk [tilespmem:v51+s17+$0x0], $0xffff  }
0x326: {  	v62 =	vmul.f32 v52, v47;
	v47 =	vld.idx.msk [tilespmem:v55+s16+$0x0], $0xffff;
	v52 =	vor.u32 $0x5D, v42;
	v45 =	vadd.f32 v60, v45  }
0x327: {  	v53 =	vld.idx.msk [tilespmem:v63+s17+$0x0], $0xffff;
	v55 =	vor.u32 $0x5E, v43  }
0x328: {  	v63 =	vmul.f32 v54, v48;
	v48 =	vld.idx.msk [tilespmem:v56+s16+$0x0], $0xffff;
	v60 =	vor.u32 $0x5E, v42;
	v45 =	vadd.f32 v62, v45  }
0x329: {  	v50 =	vld.idx.msk [tilespmem:v61+s17+$0x0], $0xffff;
	v61 =	vor.u32 $0x5F, v43  }
0x32a: {  	v45 =	vadd.f32 v63, v45;
	v62 =	vmul.f32 v51, v49;
	v49 =	vld.idx.msk [tilespmem:v57+s16+$0x0], $0xffff;
	v63 =	vor.u32 $0x5F, v42  }
0x32b: {  	v52 =	vld.idx.msk [tilespmem:v52+s17+$0x0], $0xffff  }
0x32c: {  	v57 =	vmul.f32 v53, v47;
	v58 =	vld.idx.msk [tilespmem:v55+s16+$0x0], $0xffff;
	v45 =	vadd.f32 v62, v45  }
0x32d: {  	v59 =	vld.idx.msk [tilespmem:v60+s17+$0x0], $0xffff  }
0x32e: {  	v60 =	vmul.f32 v50, v48;
	v61 =	vld.idx.msk [tilespmem:v61+s16+$0x0], $0xffff;
	v45 =	vadd.f32 v57, v45  }
0x32f: {  	v62 =	vld.idx.msk [tilespmem:v63+s17+$0x0], $0xffff  }
0x330: {  	v63 =	vmul.f32 v52, v49;
	v45 =	vadd.f32 v60, v45;
	_ =	sdelay $0x1  }
0x331: {  	v49 =	vmul.f32 v59, v58;
	v45 =	vadd.f32 v63, v45;
	_ =	sdelay $0x1  }
0x332: {  	v45 =	vadd.f32 v49, v45;
	v51 =	vmul.f32 v62, v61;
	_ =	sdelay $0x1  }
0x333: {  	v45 =	vadd.f32 v51, v45;
	_ =	sdelay $0x1  }
0x334: {  	v45 =	vmul.f32 $1.442695020e+00, v45;
	_ =	sdelay $0x1  }
0x335: {  	(erf) = vpow2.f32 v45;
	_ =	sdelay $0x4  }
0x336: {  	v52 =	vor.u32 $0x5, v44;
	_ =	sdelay $0x2  }
0x337: {  	s2 =	sld [smem:$0x7F6]  }
0x338: {  	s30 =	simm.s32 $0xA0A0;
	v53 =	vpop (erf)  }
0x339: {  	[tilespmem:v52+s30+$0x0] =	vst.idx.msk $0xffff, v53  }
0x33a: {  	v45 =	vld [tilespmem:s2+$0x2970];
	_ =	sdelay $0x2  }
0x33b: {  	v54 =	vbroadcast v53, $0x0;
	_ =	sdelay $0x1  }
0x33c: {  	v45 =	vmul.f32 v54, v45;
	_ =	sdelay $0x1  }
0x33d: {  	[tilespmem:s0+$0x78F0] =	vst v45  }
0x33e: {  	v45 =	vld [tilespmem:s1+$0x2970];
	_ =	sdelay $0x2  }
0x33f: {  	v55 =	vbroadcast v53, $0x1;
	_ =	sdelay $0x1  }
0x340: {  	s0 =	sld [smem:$0x7F7];
	v45 =	vmul.f32 v55, v45;
	_ =	sdelay $0x1  }
0x341: {  	[tilespmem:s6+$0x78F0] =	vst v45  }
0x342: {  	v45 =	vld [tilespmem:s0+$0x2970];
	_ =	sdelay $0x2  }
0x343: {  	v56 =	vbroadcast v53, $0x2;
	_ =	sdelay $0x1  }
0x344: {  	v45 =	vmul.f32 v45, v56;
	_ =	sdelay $0x1  }
0x345: {  	[tilespmem:s8+$0x78F0] =	vst v45  }
0x346: {  	v45 =	vld [tilespmem:s9+$0x2970];
	_ =	sdelay $0x2  }
0x347: {  	v57 =	vbroadcast v53, $0x3;
	_ =	sdelay $0x1  }
0x348: {  	v45 =	vmul.f32 v45, v57;
	_ =	sdelay $0x1  }
0x349: {  	[tilespmem:s10+$0x78F0] =	vst v45  }
0x34a: {  	v45 =	vld [tilespmem:s11+$0x2970];
	_ =	sdelay $0x2  }
0x34b: {  	v58 =	vbroadcast v53, $0x4;
	_ =	sdelay $0x1  }
0x34c: {  	v45 =	vmul.f32 v45, v58;
	_ =	sdelay $0x1  }
0x34d: {  	[tilespmem:s12+$0x78F0] =	vst v45  }
0x34e: {  	v45 =	vld [tilespmem:s13+$0x2970];
	_ =	sdelay $0x2  }
0x34f: {  	v59 =	vbroadcast v53, $0x5;
	_ =	sdelay $0x1  }
0x350: {  	v45 =	vmul.f32 v45, v59;
	_ =	sdelay $0x1  }
0x351: {  	[tilespmem:s14+$0x78F0] =	vst v45  }
0x352: {  	v45 =	vld [tilespmem:s15+$0x2970];
	_ =	sdelay $0x2  }
0x353: {  	v60 =	vbroadcast v53, $0x6;
	_ =	sdelay $0x1  }
0x354: {  	v45 =	vmul.f32 v45, v60;
	_ =	sdelay $0x1  }
0x355: {  	[tilespmem:s18+$0x78F0] =	vst v45  }
0x356: {  	v45 =	vld [tilespmem:s19+$0x2970];
	_ =	sdelay $0x2  }
0x357: {  	v61 =	vbroadcast v53, $0x7;
	_ =	sdelay $0x1  }
0x358: {  	v45 =	vmul.f32 v45, v61;
	_ =	sdelay $0x1  }
0x359: {  	[tilespmem:s21+$0x78F0] =	vst v45  }
0x35a: {  	v45 =	vld [tilespmem:s20+$0x2970];
	_ =	sdelay $0x2  }
0x35b: {  	v62 =	vbroadcast v53, $0x8;
	_ =	sdelay $0x1  }
0x35c: {  	s22 =	sld [smem:$0x7EC];
	v45 =	vmul.f32 v45, v62;
	_ =	sdelay $0x1  }
0x35d: {  	[tilespmem:s31+$0x78F0] =	vst v45  }
0x35e: {  	v45 =	vld [tilespmem:s22+$0x2970];
	_ =	sdelay $0x2  }
0x35f: {  	v63 =	vbroadcast v53, $0x9;
	_ =	sdelay $0x1  }
0x360: {  	v45 =	vmul.f32 v45, v63;
	_ =	sdelay $0x1  }
0x361: {  	[tilespmem:s7+$0x78F0] =	vst v45  }
0x362: {  	v45 =	vld [tilespmem:s24+$0x2970];
	_ =	sdelay $0x2  }
0x363: {  	v48 =	vbroadcast v53, $0xA;
	_ =	sdelay $0x1  }
0x364: {  	v45 =	vmul.f32 v45, v48;
	_ =	sdelay $0x1  }
0x365: {  	[tilespmem:s25+$0x78F0] =	vst v45  }
0x366: {  	v45 =	vld [tilespmem:s26+$0x2970];
	_ =	sdelay $0x2  }
0x367: {  	v49 =	vbroadcast v53, $0xB;
	_ =	sdelay $0x1  }
0x368: {  	v45 =	vmul.f32 v45, v49;
	_ =	sdelay $0x1  }
0x369: {  	[tilespmem:s28+$0x78F0] =	vst v45  }
0x36a: {  	v45 =	vld [tilespmem:s29+$0x2970];
	_ =	sdelay $0x2  }
0x36b: {  	v50 =	vbroadcast v53, $0xC  }
0x36c: {  	s30 =	sld [smem:$0x7ED]  }
0x36d: {  	s3 =	sld [smem:$0x7EE];
	v45 =	vmul.f32 v45, v50;
	_ =	sdelay $0x1  }
0x36e: {  	[tilespmem:s30+$0x78F0] =	vst v45  }
0x36f: {  	v45 =	vld [tilespmem:s3+$0x2970];
	_ =	sdelay $0x2  }
0x370: {  	v51 =	vbroadcast v53, $0xD  }
0x371: {  	s23 =	smov.u32 s7;
	s7 =	sld [smem:$0x7EF]  }
0x372: {  	v45 =	vmul.f32 v45, v51;
	_ =	sdelay $0x1  }
0x373: {  	[tilespmem:s7+$0x78F0] =	vst v45  }
0x374: {  	v45 =	vld [tilespmem:s4+$0x2970];
	_ =	sdelay $0x2  }
0x375: {  	[smem:$0x7F8] =	sst s8;
	v52 =	vbroadcast v53, $0xE  }
0x376: {  	s8 =	sld [smem:$0x7F0]  }
0x377: {  	v45 =	vmul.f32 v45, v52;
	_ =	sdelay $0x1  }
0x378: {  	[tilespmem:s8+$0x78F0] =	vst v45  }
0x379: {  	v45 =	vld [tilespmem:s5+$0x2970];
	_ =	sdelay $0x2  }
0x37a: {  	v46 =	vbroadcast v53, $0xF;
	v53 =	vor.u32 $0x60, v43  }
0x37b: {  	v54 =	vor.u32 $0x60, v42;
	s1 =	sld [smem:$0x7F1]  }
0x37c: {  	v55 =	vor.u32 $0x61, v43;
	v45 =	vmul.f32 v45, v46  }
0x37d: {  	v56 =	vor.u32 $0x61, v42  }
0x37e: {  	v57 =	vor.u32 $0x62, v43;
	[tilespmem:s1+$0x78F0] =	vst v45  }
0x37f: {  	v58 =	vor.u32 $0x62, v42;
	v47 =	vld.idx.msk [tilespmem:v53+s16+$0x0], $0xffff  }
0x380: {  	v60 =	vor.u32 $0x63, v42;
	v48 =	vld.idx.msk [tilespmem:v54+s17+$0x0], $0xffff  }
0x381: {  	v59 =	vor.u32 $0x63, v43;
	v46 =	vld.idx.msk [tilespmem:v55+s16+$0x0], $0xffff  }
0x382: {  	v61 =	vor.u32 $0x64, v43;
	v49 =	vld.idx.msk [tilespmem:v56+s17+$0x0], $0xffff  }
0x383: {  	v62 =	vor.u32 $0x64, v42;
	v45 =	vld.idx.msk [tilespmem:v57+s16+$0x0], $0xffff  }
0x384: {  	v63 =	vor.u32 $0x65, v42;
	v50 =	vld.idx.msk [tilespmem:v58+s17+$0x0], $0xffff  }
0x385: {  	v55 =	vor.u32 $0x65, v43;
	v52 =	vld.idx.msk [tilespmem:v60+s17+$0x0], $0xffff;
	v47 =	vmul.f32 v48, v47  }
0x386: {  	v60 =	vor.u32 $0x66, v43;
	v48 =	vld.idx.msk [tilespmem:v59+s16+$0x0], $0xffff  }
0x387: {  	v46 =	vmul.f32 v49, v46;
	v49 =	vld.idx.msk [tilespmem:v61+s16+$0x0], $0xffff;
	v61 =	vor.u32 $0x66, v42;
	v47 =	vadd.f32 $0.0e+00, v47  }
0x388: {  	v54 =	vld.idx.msk [tilespmem:v62+s17+$0x0], $0xffff;
	v62 =	vor.u32 $0x67, v43  }
0x389: {  	v51 =	vld.idx.msk [tilespmem:v63+s17+$0x0], $0xffff;
	v45 =	vmul.f32 v50, v45;
	v50 =	vor.u32 $0x67, v42;
	v46 =	vadd.f32 v46, v47  }
0x38a: {  	v47 =	vld.idx.msk [tilespmem:v55+s16+$0x0], $0xffff;
	v55 =	vor.u32 $0x68, v43  }
0x38b: {  	v63 =	vmul.f32 v52, v48;
	v48 =	vld.idx.msk [tilespmem:v60+s16+$0x0], $0xffff;
	v60 =	vor.u32 $0x68, v42;
	v45 =	vadd.f32 v45, v46  }
0x38c: {  	v56 =	vor.u32 $0x69, v43;
	v53 =	vld.idx.msk [tilespmem:v61+s17+$0x0], $0xffff  }
0x38d: {  	v61 =	vmul.f32 v54, v49;
	v49 =	vld.idx.msk [tilespmem:v62+s16+$0x0], $0xffff;
	v62 =	vor.u32 $0x69, v42;
	v45 =	vadd.f32 v63, v45  }
0x38e: {  	v50 =	vld.idx.msk [tilespmem:v50+s17+$0x0], $0xffff;
	v63 =	vor.u32 $0x6A, v43  }
0x38f: {  	v59 =	vmul.f32 v51, v47;
	v47 =	vld.idx.msk [tilespmem:v55+s16+$0x0], $0xffff;
	v51 =	vor.u32 $0x6A, v42;
	v45 =	vadd.f32 v61, v45  }
0x390: {  	v55 =	vor.u32 $0x6B, v43;
	v52 =	vld.idx.msk [tilespmem:v60+s17+$0x0], $0xffff  }
0x391: {  	v60 =	vmul.f32 v53, v48;
	v48 =	vld.idx.msk [tilespmem:v56+s16+$0x0], $0xffff;
	v61 =	vor.u32 $0x6B, v42;
	v45 =	vadd.f32 v59, v45  }
0x392: {  	v54 =	vld.idx.msk [tilespmem:v62+s17+$0x0], $0xffff;
	v56 =	vor.u32 $0x6C, v43  }
0x393: {  	v62 =	vmul.f32 v50, v49;
	v49 =	vld.idx.msk [tilespmem:v63+s16+$0x0], $0xffff;
	v63 =	vor.u32 $0x6C, v42;
	v45 =	vadd.f32 v60, v45  }
0x394: {  	v57 =	vor.u32 $0x6D, v43;
	v51 =	vld.idx.msk [tilespmem:v51+s17+$0x0], $0xffff  }
0x395: {  	v60 =	vor.u32 $0x6D, v42;
	v59 =	vmul.f32 v52, v47;
	v47 =	vld.idx.msk [tilespmem:v55+s16+$0x0], $0xffff;
	v45 =	vadd.f32 v62, v45  }
0x396: {  	v53 =	vld.idx.msk [tilespmem:v61+s17+$0x0], $0xffff;
	v55 =	vor.u32 $0x6E, v43  }
0x397: {  	v61 =	vmul.f32 v54, v48;
	v48 =	vld.idx.msk [tilespmem:v56+s16+$0x0], $0xffff;
	v62 =	vor.u32 $0x6E, v42;
	v45 =	vadd.f32 v59, v45  }
0x398: {  	v56 =	vor.u32 $0x6F, v43;
	v50 =	vld.idx.msk [tilespmem:v63+s17+$0x0], $0xffff  }
0x399: {  	v58 =	vld.idx.msk [tilespmem:v57+s16+$0x0], $0xffff;
	v59 =	vor.u32 $0x6F, v42;
	v63 =	vmul.f32 v51, v49;
	v45 =	vadd.f32 v61, v45  }
0x39a: {  	v52 =	vld.idx.msk [tilespmem:v60+s17+$0x0], $0xffff  }
0x39b: {  	v60 =	vmul.f32 v53, v47;
	v61 =	vld.idx.msk [tilespmem:v55+s16+$0x0], $0xffff;
	v45 =	vadd.f32 v63, v45  }
0x39c: {  	v62 =	vld.idx.msk [tilespmem:v62+s17+$0x0], $0xffff  }
0x39d: {  	v54 =	vld.idx.msk [tilespmem:v56+s16+$0x0], $0xffff;
	v63 =	vmul.f32 v50, v48;
	v45 =	vadd.f32 v60, v45  }
0x39e: {  	v55 =	vld.idx.msk [tilespmem:v59+s17+$0x0], $0xffff  }
0x39f: {  	v56 =	vmul.f32 v52, v58;
	v45 =	vadd.f32 v63, v45;
	_ =	sdelay $0x1  }
0x3a0: {  	v57 =	vmul.f32 v62, v61;
	v45 =	vadd.f32 v56, v45;
	_ =	sdelay $0x1  }
0x3a1: {  	v58 =	vmul.f32 v55, v54;
	v45 =	vadd.f32 v57, v45;
	_ =	sdelay $0x1  }
0x3a2: {  	v45 =	vadd.f32 v58, v45;
	_ =	sdelay $0x1  }
0x3a3: {  	v45 =	vmul.f32 $1.442695020e+00, v45;
	_ =	sdelay $0x1  }
0x3a4: {  	(erf) = vpow2.f32 v45;
	_ =	sdelay $0x4  }
0x3a5: {  	v59 =	vor.u32 $0x6, v44;
	_ =	sdelay $0x3  }
0x3a6: {  	s20 =	smov.u32 s31;
	s31 =	simm.s32 $0xA0A0;
	v60 =	vpop (erf)  }
0x3a7: {  	[tilespmem:v59+s31+$0x0] =	vst.idx.msk $0xffff, v60  }
0x3a8: {  	v45 =	vld [tilespmem:s2+$0x2980];
	_ =	sdelay $0x2  }
0x3a9: {  	v61 =	vbroadcast v60, $0x0  }
0x3aa: {  	s2 =	sld [smem:$0x7F2]  }
0x3ab: {  	s6 =	sld [smem:$0x7F3];
	v45 =	vmul.f32 v61, v45;
	_ =	sdelay $0x1  }
0x3ac: {  	[tilespmem:s2+$0x7900] =	vst v45  }
0x3ad: {  	v45 =	vld [tilespmem:s6+$0x2980];
	_ =	sdelay $0x2  }
0x3ae: {  	[smem:$0x7F9] =	sst s9;
	v62 =	vbroadcast v60, $0x1  }
0x3af: {  	s9 =	sld [smem:$0x7F4]  }
0x3b0: {  	v45 =	vmul.f32 v62, v45;
	_ =	sdelay $0x1  }
0x3b1: {  	[tilespmem:s9+$0x7900] =	vst v45  }
0x3b2: {  	v45 =	vld [tilespmem:s0+$0x2980];
	_ =	sdelay $0x2  }
0x3b3: {  	v63 =	vbroadcast v60, $0x2  }
0x3b4: {  	s0 =	sld [smem:$0x7F8]  }
0x3b5: {  	v45 =	vmul.f32 v45, v63;
	_ =	sdelay $0x1  }
0x3b6: {  	[tilespmem:s0+$0x7900] =	vst v45;
	s0 =	sld [smem:$0x7F9];
	_ =	sdelay $0x2  }
0x3b7: {  	v45 =	vld [tilespmem:s0+$0x2980];
	_ =	sdelay $0x2  }
0x3b8: {  	v48 =	vbroadcast v60, $0x3;
	_ =	sdelay $0x1  }
0x3b9: {  	v45 =	vmul.f32 v45, v48;
	_ =	sdelay $0x1  }
0x3ba: {  	[tilespmem:s10+$0x7900] =	vst v45  }
0x3bb: {  	v45 =	vld [tilespmem:s11+$0x2980];
	_ =	sdelay $0x2  }
0x3bc: {  	v49 =	vbroadcast v60, $0x4;
	_ =	sdelay $0x1  }
0x3bd: {  	v45 =	vmul.f32 v45, v49;
	_ =	sdelay $0x1  }
0x3be: {  	[tilespmem:s12+$0x7900] =	vst v45  }
0x3bf: {  	v45 =	vld [tilespmem:s13+$0x2980];
	_ =	sdelay $0x2  }
0x3c0: {  	v50 =	vbroadcast v60, $0x5;
	_ =	sdelay $0x1  }
0x3c1: {  	v45 =	vmul.f32 v45, v50;
	_ =	sdelay $0x1  }
0x3c2: {  	[tilespmem:s14+$0x7900] =	vst v45  }
0x3c3: {  	v45 =	vld [tilespmem:s15+$0x2980];
	_ =	sdelay $0x2  }
0x3c4: {  	v51 =	vbroadcast v60, $0x6;
	_ =	sdelay $0x1  }
0x3c5: {  	v45 =	vmul.f32 v45, v51;
	_ =	sdelay $0x1  }
0x3c6: {  	[tilespmem:s18+$0x7900] =	vst v45  }
0x3c7: {  	v45 =	vld [tilespmem:s19+$0x2980];
	_ =	sdelay $0x2  }
0x3c8: {  	v52 =	vbroadcast v60, $0x7;
	_ =	sdelay $0x1  }
0x3c9: {  	s0 =	sld [smem:$0x7F5];
	v45 =	vmul.f32 v45, v52;
	_ =	sdelay $0x1  }
0x3ca: {  	[tilespmem:s21+$0x7900] =	vst v45  }
0x3cb: {  	v45 =	vld [tilespmem:s0+$0x2980];
	_ =	sdelay $0x2  }
0x3cc: {  	v53 =	vbroadcast v60, $0x8;
	_ =	sdelay $0x1  }
0x3cd: {  	v45 =	vmul.f32 v45, v53;
	_ =	sdelay $0x1  }
0x3ce: {  	[tilespmem:s20+$0x7900] =	vst v45  }
0x3cf: {  	v45 =	vld [tilespmem:s22+$0x2980];
	_ =	sdelay $0x2  }
0x3d0: {  	v54 =	vbroadcast v60, $0x9;
	_ =	sdelay $0x1  }
0x3d1: {  	v45 =	vmul.f32 v45, v54;
	_ =	sdelay $0x1  }
0x3d2: {  	[tilespmem:s23+$0x7900] =	vst v45  }
0x3d3: {  	v45 =	vld [tilespmem:s24+$0x2980];
	_ =	sdelay $0x2  }
0x3d4: {  	v55 =	vbroadcast v60, $0xA;
	_ =	sdelay $0x1  }
0x3d5: {  	v45 =	vmul.f32 v45, v55;
	_ =	sdelay $0x1  }
0x3d6: {  	[tilespmem:s25+$0x7900] =	vst v45  }
0x3d7: {  	v45 =	vld [tilespmem:s26+$0x2980];
	_ =	sdelay $0x2  }
0x3d8: {  	v56 =	vbroadcast v60, $0xB;
	_ =	sdelay $0x1  }
0x3d9: {  	v45 =	vmul.f32 v45, v56;
	_ =	sdelay $0x1  }
0x3da: {  	[tilespmem:s28+$0x7900] =	vst v45  }
0x3db: {  	v45 =	vld [tilespmem:s29+$0x2980];
	_ =	sdelay $0x2  }
0x3dc: {  	v57 =	vbroadcast v60, $0xC;
	_ =	sdelay $0x1  }
0x3dd: {  	v45 =	vmul.f32 v45, v57;
	_ =	sdelay $0x1  }
0x3de: {  	[tilespmem:s30+$0x7900] =	vst v45  }
0x3df: {  	v45 =	vld [tilespmem:s3+$0x2980];
	_ =	sdelay $0x2  }
0x3e0: {  	v58 =	vbroadcast v60, $0xD;
	_ =	sdelay $0x1  }
0x3e1: {  	v45 =	vmul.f32 v45, v58;
	_ =	sdelay $0x1  }
0x3e2: {  	[tilespmem:s7+$0x7900] =	vst v45  }
0x3e3: {  	v45 =	vld [tilespmem:s4+$0x2980];
	_ =	sdelay $0x2  }
0x3e4: {  	v59 =	vbroadcast v60, $0xE;
	_ =	sdelay $0x1  }
0x3e5: {  	v45 =	vmul.f32 v45, v59;
	_ =	sdelay $0x1  }
0x3e6: {  	[tilespmem:s8+$0x7900] =	vst v45  }
0x3e7: {  	v45 =	vld [tilespmem:s5+$0x2980];
	_ =	sdelay $0x2  }
0x3e8: {  	v46 =	vbroadcast v60, $0xF;
	v60 =	vor.u32 $0x70, v43  }
0x3e9: {  	v61 =	vor.u32 $0x70, v42  }
0x3ea: {  	v62 =	vor.u32 $0x71, v43;
	v45 =	vmul.f32 v45, v46  }
0x3eb: {  	v63 =	vor.u32 $0x71, v42  }
0x3ec: {  	v56 =	vor.u32 $0x72, v43;
	[tilespmem:s1+$0x7900] =	vst v45  }
0x3ed: {  	v57 =	vor.u32 $0x72, v42;
	v47 =	vld.idx.msk [tilespmem:v60+s16+$0x0], $0xffff  }
0x3ee: {  	v59 =	vor.u32 $0x73, v42;
	v48 =	vld.idx.msk [tilespmem:v61+s17+$0x0], $0xffff  }
0x3ef: {  	v58 =	vor.u32 $0x73, v43;
	v46 =	vld.idx.msk [tilespmem:v62+s16+$0x0], $0xffff  }
0x3f0: {  	v49 =	vld.idx.msk [tilespmem:v63+s17+$0x0], $0xffff;
	v60 =	vor.u32 $0x74, v43  }
0x3f1: {  	v45 =	vld.idx.msk [tilespmem:v56+s16+$0x0], $0xffff;
	v61 =	vor.u32 $0x74, v42  }
0x3f2: {  	v50 =	vld.idx.msk [tilespmem:v57+s17+$0x0], $0xffff;
	v62 =	vor.u32 $0x75, v42  }
0x3f3: {  	v55 =	vor.u32 $0x75, v43;
	v52 =	vld.idx.msk [tilespmem:v59+s17+$0x0], $0xffff;
	v47 =	vmul.f32 v48, v47  }
0x3f4: {  	v63 =	vor.u32 $0x76, v43;
	v48 =	vld.idx.msk [tilespmem:v58+s16+$0x0], $0xffff  }
0x3f5: {  	v46 =	vmul.f32 v49, v46;
	v49 =	vld.idx.msk [tilespmem:v60+s16+$0x0], $0xffff;
	v60 =	vor.u32 $0x76, v42;
	v47 =	vadd.f32 $0.0e+00, v47  }
0x3f6: {  	v54 =	vld.idx.msk [tilespmem:v61+s17+$0x0], $0xffff;
	v61 =	vor.u32 $0x77, v43  }
0x3f7: {  	v45 =	vmul.f32 v50, v45;
	v50 =	vor.u32 $0x77, v42;
	v51 =	vld.idx.msk [tilespmem:v62+s17+$0x0], $0xffff;
	v46 =	vadd.f32 v46, v47  }
0x3f8: {  	v47 =	vld.idx.msk [tilespmem:v55+s16+$0x0], $0xffff;
	v55 =	vor.u32 $0x78, v43  }
0x3f9: {  	v62 =	vmul.f32 v52, v48;
	v48 =	vld.idx.msk [tilespmem:v63+s16+$0x0], $0xffff;
	v63 =	vor.u32 $0x78, v42;
	v45 =	vadd.f32 v45, v46  }
0x3fa: {  	v56 =	vor.u32 $0x79, v43;
	v53 =	vld.idx.msk [tilespmem:v60+s17+$0x0], $0xffff  }
0x3fb: {  	v60 =	vmul.f32 v54, v49;
	v49 =	vld.idx.msk [tilespmem:v61+s16+$0x0], $0xffff;
	v61 =	vor.u32 $0x79, v42;
	v45 =	vadd.f32 v62, v45  }
0x3fc: {  	v57 =	vor.u32 $0x7A, v43;
	v50 =	vld.idx.msk [tilespmem:v50+s17+$0x0], $0xffff  }
0x3fd: {  	v62 =	vmul.f32 v51, v47;
	v47 =	vld.idx.msk [tilespmem:v55+s16+$0x0], $0xffff;
	v51 =	vor.u32 $0x7A, v42;
	v45 =	vadd.f32 v60, v45  }
0x3fe: {  	v55 =	vor.u32 $0x7B, v43;
	v52 =	vld.idx.msk [tilespmem:v63+s17+$0x0], $0xffff  }
0x3ff: {  	v63 =	vmul.f32 v53, v48;
	v48 =	vld.idx.msk [tilespmem:v56+s16+$0x0], $0xffff;
	v60 =	vor.u32 $0x7B, v42;
	v45 =	vadd.f32 v62, v45  }
0x400: {  	v54 =	vld.idx.msk [tilespmem:v61+s17+$0x0], $0xffff;
	v61 =	vor.u32 $0x7C, v43  }
0x401: {  	v62 =	vmul.f32 v50, v49;
	v49 =	vld.idx.msk [tilespmem:v57+s16+$0x0], $0xffff;
	v50 =	vor.u32 $0x7C, v42;
	v45 =	vadd.f32 v63, v45  }
0x402: {  	v57 =	vor.u32 $0x7D, v43;
	v51 =	vld.idx.msk [tilespmem:v51+s17+$0x0], $0xffff  }
0x403: {  	v58 =	vor.u32 $0x7D, v42;
	v63 =	vmul.f32 v52, v47;
	v47 =	vld.idx.msk [tilespmem:v55+s16+$0x0], $0xffff;
	v45 =	vadd.f32 v62, v45  }
0x404: {  	v59 =	vor.u32 $0x7E, v43;
	v53 =	vld.idx.msk [tilespmem:v60+s17+$0x0], $0xffff  }
0x405: {  	v60 =	vmul.f32 v54, v48;
	v61 =	vld.idx.msk [tilespmem:v61+s16+$0x0], $0xffff;
	v62 =	vor.u32 $0x7E, v42;
	v45 =	vadd.f32 v63, v45  }
0x406: {  	v43 =	vor.u32 $0x7F, v43;
	v50 =	vld.idx.msk [tilespmem:v50+s17+$0x0], $0xffff  }
0x407: {  	v42 =	vor.u32 $0x7F, v42;
	v56 =	vld.idx.msk [tilespmem:v57+s16+$0x0], $0xffff;
	v63 =	vmul.f32 v51, v49;
	v45 =	vadd.f32 v60, v45  }
0x408: {  	v57 =	vld.idx.msk [tilespmem:v58+s17+$0x0], $0xffff  }
0x409: {  	v59 =	vld.idx.msk [tilespmem:v59+s16+$0x0], $0xffff;
	v58 =	vmul.f32 v53, v47;
	v45 =	vadd.f32 v63, v45  }
0x40a: {  	v60 =	vld.idx.msk [tilespmem:v62+s17+$0x0], $0xffff  }
0x40b: {  	v43 =	vld.idx.msk [tilespmem:v43+s16+$0x0], $0xffff;
	v61 =	vmul.f32 v50, v61;
	v45 =	vadd.f32 v58, v45  }
0x40c: {  	v42 =	vld.idx.msk [tilespmem:v42+s17+$0x0], $0xffff  }
0x40d: {  	v62 =	vmul.f32 v57, v56;
	v45 =	vadd.f32 v61, v45;
	_ =	sdelay $0x1  }
0x40e: {  	v63 =	vmul.f32 v60, v59;
	v45 =	vadd.f32 v62, v45;
	_ =	sdelay $0x1  }
0x40f: {  	v42 =	vmul.f32 v42, v43;
	v45 =	vadd.f32 v63, v45;
	_ =	sdelay $0x1  }
0x410: {  	v42 =	vadd.f32 v42, v45;
	_ =	sdelay $0x1  }
0x411: {  	v42 =	vmul.f32 $1.442695020e+00, v42;
	_ =	sdelay $0x1  }
0x412: {  	(erf) = vpow2.f32 v42;
	_ =	sdelay $0x4  }
0x413: {  	v47 =	vor.u32 $0x7, v44;
	_ =	sdelay $0x3  }
0x414: {  	s12 =	smov.u32 s3;
	s3 =	smov.u32 s1;
	s1 =	simm.s32 $0xA0A0;
	v48 =	vpop (erf)  }
0x415: {  	[tilespmem:v47+s1+$0x0] =	vst.idx.msk $0xffff, v48;
	s1 =	sld [smem:$0x7F6];
	_ =	sdelay $0x2  }
0x416: {  	v42 =	vld [tilespmem:s1+$0x2990];
	_ =	sdelay $0x2  }
0x417: {  	v49 =	vbroadcast v48, $0x0;
	_ =	sdelay $0x1  }
0x418: {  	v42 =	vmul.f32 v49, v42;
	_ =	sdelay $0x1  }
0x419: {  	[tilespmem:s2+$0x7910] =	vst v42  }
0x41a: {  	v42 =	vld [tilespmem:s6+$0x2990];
	_ =	sdelay $0x2  }
0x41b: {  	v50 =	vbroadcast v48, $0x1;
	_ =	sdelay $0x1  }
0x41c: {  	s2 =	sld [smem:$0x7F7];
	v42 =	vmul.f32 v50, v42;
	_ =	sdelay $0x1  }
0x41d: {  	[tilespmem:s9+$0x7910] =	vst v42  }
0x41e: {  	v42 =	vld [tilespmem:s2+$0x2990];
	_ =	sdelay $0x2  }
0x41f: {  	v51 =	vbroadcast v48, $0x2  }
0x420: {  	s6 =	sld [smem:$0x7F8]  }
0x421: {  	s9 =	sld [smem:$0x7F9];
	v42 =	vmul.f32 v42, v51;
	_ =	sdelay $0x1  }
0x422: {  	[tilespmem:s6+$0x7910] =	vst v42  }
0x423: {  	v42 =	vld [tilespmem:s9+$0x2990];
	_ =	sdelay $0x2  }
0x424: {  	v52 =	vbroadcast v48, $0x3;
	_ =	sdelay $0x1  }
0x425: {  	v42 =	vmul.f32 v42, v52;
	_ =	sdelay $0x1  }
0x426: {  	[tilespmem:s10+$0x7910] =	vst v42  }
0x427: {  	v42 =	vld [tilespmem:s11+$0x2990];
	_ =	sdelay $0x2  }
0x428: {  	v53 =	vbroadcast v48, $0x4  }
0x429: {  	s11 =	sld [smem:$0x7FA]  }
0x42a: {  	v42 =	vmul.f32 v42, v53;
	_ =	sdelay $0x1  }
0x42b: {  	[tilespmem:s11+$0x7910] =	vst v42  }
0x42c: {  	v42 =	vld [tilespmem:s13+$0x2990];
	_ =	sdelay $0x2  }
0x42d: {  	v54 =	vbroadcast v48, $0x5;
	_ =	sdelay $0x1  }
0x42e: {  	v42 =	vmul.f32 v42, v54;
	_ =	sdelay $0x1  }
0x42f: {  	[tilespmem:s14+$0x7910] =	vst v42  }
0x430: {  	v42 =	vld [tilespmem:s15+$0x2990];
	_ =	sdelay $0x2  }
0x431: {  	v55 =	vbroadcast v48, $0x6;
	_ =	sdelay $0x1  }
0x432: {  	v42 =	vmul.f32 v42, v55;
	_ =	sdelay $0x1  }
0x433: {  	[tilespmem:s18+$0x7910] =	vst v42  }
0x434: {  	v42 =	vld [tilespmem:s19+$0x2990];
	_ =	sdelay $0x2  }
0x435: {  	v56 =	vbroadcast v48, $0x7;
	_ =	sdelay $0x1  }
0x436: {  	v42 =	vmul.f32 v42, v56;
	_ =	sdelay $0x1  }
0x437: {  	[tilespmem:s21+$0x7910] =	vst v42  }
0x438: {  	v42 =	vld [tilespmem:s0+$0x2990];
	_ =	sdelay $0x2  }
0x439: {  	v57 =	vbroadcast v48, $0x8;
	_ =	sdelay $0x1  }
0x43a: {  	v42 =	vmul.f32 v42, v57;
	_ =	sdelay $0x1  }
0x43b: {  	[tilespmem:s20+$0x7910] =	vst v42  }
0x43c: {  	v42 =	vld [tilespmem:s22+$0x2990];
	_ =	sdelay $0x2  }
0x43d: {  	v58 =	vbroadcast v48, $0x9;
	_ =	sdelay $0x1  }
0x43e: {  	v42 =	vmul.f32 v42, v58;
	_ =	sdelay $0x1  }
0x43f: {  	[tilespmem:s23+$0x7910] =	vst v42  }
0x440: {  	v42 =	vld [tilespmem:s24+$0x2990];
	_ =	sdelay $0x2  }
0x441: {  	v59 =	vbroadcast v48, $0xA;
	_ =	sdelay $0x1  }
0x442: {  	v42 =	vmul.f32 v42, v59;
	_ =	sdelay $0x1  }
0x443: {  	[tilespmem:s25+$0x7910] =	vst v42  }
0x444: {  	v42 =	vld [tilespmem:s26+$0x2990];
	_ =	sdelay $0x2  }
0x445: {  	v60 =	vbroadcast v48, $0xB;
	_ =	sdelay $0x1  }
0x446: {  	v42 =	vmul.f32 v42, v60;
	_ =	sdelay $0x1  }
0x447: {  	[tilespmem:s28+$0x7910] =	vst v42  }
0x448: {  	v42 =	vld [tilespmem:s29+$0x2990];
	_ =	sdelay $0x2  }
0x449: {  	v61 =	vbroadcast v48, $0xC;
	_ =	sdelay $0x1  }
0x44a: {  	v42 =	vmul.f32 v42, v61;
	_ =	sdelay $0x1  }
0x44b: {  	[tilespmem:s30+$0x7910] =	vst v42  }
0x44c: {  	v42 =	vld [tilespmem:s12+$0x2990];
	_ =	sdelay $0x2  }
0x44d: {  	v62 =	vbroadcast v48, $0xD;
	_ =	sdelay $0x1  }
0x44e: {  	v42 =	vmul.f32 v42, v62;
	_ =	sdelay $0x1  }
0x44f: {  	[tilespmem:s7+$0x7910] =	vst v42  }
0x450: {  	v42 =	vld [tilespmem:s4+$0x2990];
	_ =	sdelay $0x2  }
0x451: {  	v63 =	vbroadcast v48, $0xE;
	_ =	sdelay $0x1  }
0x452: {  	v42 =	vmul.f32 v42, v63;
	_ =	sdelay $0x1  }
0x453: {  	s29 =	sld [smem:$0x7FB];
	[tilespmem:s8+$0x7910] =	vst v42  }
0x454: {  	v42 =	vld [tilespmem:s5+$0x2990];
	_ =	sdelay $0x1  }
0x455: {  	p1 =	sne.s32 s29, $0x4  }
.Ltmp1:
0x456: {  	v43 =	vbroadcast v48, $0xF;
	(pc) =	sbr.rel @p1 .LBB2_5-.Ltmp1, $3  }
0x457: {  	s30 =	sld [smem:$0x7FB]  }
0x458: {  	v42 =	vmul.f32 v42, v43;
	_ =	sdelay $0x1  }
0x459: {  	s31 =	simm.s32 $0xA0A0;
	s0 =	sadd.s32 $0x1, s30;
	[tilespmem:s3+$0x7910] =	vst v42  }
0x45a: {  	s0 =	rddreg [dreg:$0x2];
	s1 =	simm.s32 $0x78A0;
	s7 =	simm.s32 $0x50  }
0x45b: {  	[spmem:s0] =	stream.indirect.scatter.add.f32 [tilespmem:s1], [sflag:$0x1], $0x80, s7, s7, $0xb8;
	[tilespmem:$0x1EF28] =	vst v63  }
0x45c: {  	s29 =	rddreg [dreg:$0x3];
	s8 =	simm.s32 $0x1  }
0x45d: {  	[spmem:s29] =	stream.indirect.scatter.add.f32 [tilespmem:s31], [sflag:$0x1], $0x8, s7, s7, $0xb8;
	[tilespmem:$0x1EF28] =	vst v63  }
0x45e: {  	_ =	swait.ge [sflag:s8], $0x2800  }
0x45f: {  	[sflag:s8] =	ssyncset.done $0x0  }
0x460: {  	[sflag:s8] =	ssyncadd.s32 $0xFFFFD800  }
0x461: {  	_ =	swait.ge [sflag:s8], $0x280  }
0x462: {  	s30 =	sld [smem:$0x7FC];
	_ =	sdelay $0x2  }
0x463: {  	s0 =	sadd.s32 $0x1, s30  }
0x464: {  	p1 =	sne.s32 s0, $0x7D  }
.Ltmp2:
0x465: {  	_ = 	snop;
	(pc) =	sbr.rel @p1 .LBB2_4-.Ltmp2, $3  }
0x466: {  	_ =	sdelay $0x1  }
0x467: {  	[sflag:s8] =	ssyncset.done $0x0  }
0x468: {  	[sflag:s8] =	ssyncadd.s32 $0xFFFFFD80  }
0x469: {  	s0 =	stileid.u32;
	[bflag:$0x0] =	sbarrier.arrive $0xFFFF  }
0x46a: {  	s6 =	simm.s32 $0x2;
	s0 =	sshll.u32 s0, $0x6;
	s18 =	rddreg [dreg:$0x9]  }
0x46b: {  	s2 =	rddreg [dreg:$0x11];
	s0 =	sor.u32 $0x1C02, s0;
	s1 =	sshrl.u32 s18, $0x3  }
0x46c: {  	[hbm:s2], [sflag:s0] =	dma.local [spmem:s1], $0x2700  }
0x46d: {  	_ =	swait.ge [sflag:s6], $0x2700  }
0x46e: {  	[sflag:s6] =	ssyncset.done $0x0;
	s19 =	rddreg [dreg:$0xa]  }
0x46f: {  	s30 =	rddreg [dreg:$0x12];
	[sflag:s6] =	ssyncadd.s32 $0xFFFFD900;
	s29 =	sshrl.u32 s19, $0x3  }
0x470: {  	[hbm:s30], [sflag:s0] =	dma.local [spmem:s29], $0x270  }
0x471: {  	_ =	swait.ge [sflag:s6], $0x270  }
0x472: {  	[sflag:s6] =	ssyncset.done $0x0;
	s4 =	rddreg [dreg:$0x1f]  }
0x473: {  	s2 =	rddreg [dreg:$0x1c];
	[sflag:s6] =	ssyncadd.s32 $0xFFFFFD90;
	s1 =	sshrl.u32 @!p0 s4, $0x3  }
0x474: {  	[hbm:s2], [sflag:s0] =	dma.local @!p0 [spmem:s1], $0x100  }
0x475: {  	s1 =	simm.s32 @!p0 $0x2  }
0x476: {  	_ =	swait.ge @!p0 [sflag:s1], $0x100  }
0x477: {  	s5 =	sld [smem:$0x7FD];
	_ =	sdelay $0x1  }
0x478: {  	[sflag:s1] =	ssyncset.done @!p0 $0x0  }
0x479: {  	s3 =	rddreg [dreg:$0x1d];
	[sflag:s1] =	ssyncadd.s32 @!p0 $0xFFFFFF00;
	s2 =	sshrl.u32 @!p0 s5, $0x3  }
0x47a: {  	[hbm:s3], [sflag:s0] =	dma.local @!p0 [spmem:s2], $0x10  }
0x47b: {  	_ =	swait.ge @!p0 [sflag:s1], $0x10  }
0x47c: {  	s14 =	rddreg [dreg:$0x5]  }
0x47d: {  	s31 =	rddreg [dreg:$0x1e];
	s14 =	sadd.s32 $0x1, s14  }
0x47e: {  	p1 =	sne.s32 s14, s31  }
.Ltmp3:
0x47f: {  	_ = 	snop;
	(pc) =	sbr.rel @p1 .LBB2_1-.Ltmp3, $3  }
0x480: {  	_ =	sdelay $0x1  }
0x481: {  	[sflag:s1] =	ssyncset.done @!p0 $0x0  }
0x482: {  	[sflag:s1] =	ssyncadd.s32 @!p0 $0xFFFFFFF0  }
0x483: {  	_ =	sfence.sel $0x180000  }
0x484: {  	[bflag:$0x0] =	sbarrier.arrive $0xFFFF  }
0x485: {  	_ =	strace $0x90000047  }
0x486: {  	[bflag:$0x2] =	sbarrier.arrive $0xFFFF  }
0x487: {  	s0 =	rddreg [dreg:$0x4]  }
0x488: {  	s0 =	sadd.s32 @!p0 $0x100000, s0  }
0x489: {  	[sflag:s0] =	ssyncadd.tile.s32 @!p0 $0x1;
	_ =	shalt  }
.Lfunc_end2:
_tile_overlayer_lowered:
.L_overlay_start_2:
0x48a: {  	(tag) =	ssettag $0x2  }
0x48b: {  	s0 =	rddreg [dreg:$0x0];
	s2 =	stileid.u32  }
0x48c: {  	s1 =	rddreg [dreg:$0x1];
	p0 =	sne.s32 s2, $0x0  }
0x48d: {  	s3 =	rddreg [dreg:$0x2];
	[bflag:$0x3] =	sbarrier.arrive $0xFFFF;
	s2 =	simm.s32 @!p0 $0x1C02  }
0x48e: {  	[timem:s3], [sflag:s2] =	dma.local @!p0 [hbm:s0], s1  }
0x48f: {  	s0 =	simm.s32 @!p0 $0x2  }
0x490: {  	_ =	swait.ge @!p0 [sflag:s0], s1  }
0x491: {  	s1 =	ssub.s32 @!p0 $0x0, s1;
	[sflag:s0] =	ssyncset.done @!p0 $0x0  }
0x492: {  	[sflag:s0] =	ssyncadd.s32 @!p0 s1  }
0x493: {  	[bflag:$0x3] =	sbarrier.arrive $0xFFFF  }
0x494: {  	_ =	shalt  }

</sc_bundles>
